<compile_context>
chip_gen: v7x
topology: tpu7x:2x2x1
jax: 0.10.2.dev20260603
libtpu: 0.0.44.dev20260713+nightly
codegen_flags: <defaults>
</compile_context>

<pallas_src>
import functools

import jax
import jax.numpy as jnp
from jax import lax
from jax.experimental import pallas as pl
from jax.experimental.pallas import tpu as pltpu
from jax.experimental.pallas import tpu_sc as plsc

_B, _H, _W, _C = 2, 384, 384, 96
_P = _B * _H * _W
_CP = 128
_NC, _NS = 2, 16
_NW = _NC * _NS
_PPW = _P // _NW
_CH = 64
_NCHUNK = _PPW // _CH
_CG = _C // 16
_GROWS = _PPW * 2 // 128


def _sc_body(feat_hbm, gxy_hbm, out_hbm,
             gxy_v,
             i00_v, i01_v, i10_v, i11_v,
             w00_v, w01_v, w10_v, w11_v,
             r00_v, r01_v, r10_v, r11_v,
             out_v, gsem0, gsem1, osem0, osem1):
    wid = lax.axis_index("s") * _NC + lax.axis_index("c")
    pix0 = wid * _PPW
    bbase = (pix0 // (_H * _W)) * (_H * _W)
    gsems = (gsem0, gsem1)
    osems = (osem0, osem1)

    grow0 = pl.multiple_of(pix0 // 64, 8)
    pltpu.sync_copy(gxy_hbm.at[pl.ds(grow0, _GROWS)], gxy_v)

    iota16 = jax.lax.iota(jnp.int32, 16)
    zeros16 = jnp.zeros((16,), jnp.int32)

    def fire(jc, pr):
        for i in range(_CH // 16):
            s = pl.ds(i * 16, 16)
            rows = zeros16 + jc
            colx = iota16 * 2 + (i * 32)
            gx16 = plsc.load_gather(gxy_v, [rows, colx])
            gy16 = plsc.load_gather(gxy_v, [rows, colx + 1])
            gr = (gy16 + 1.0) * (_H * 0.5) - 0.5
            gc = (gx16 + 1.0) * (_W * 0.5) - 0.5
            ty = gr.astype(jnp.int32)
            y0 = jnp.where(gr < ty.astype(jnp.float32), ty - 1, ty)
            y0f = y0.astype(jnp.float32)
            tx = gc.astype(jnp.int32)
            x0 = jnp.where(gc < tx.astype(jnp.float32), tx - 1, tx)
            x0f = x0.astype(jnp.float32)
            wy1 = gr - y0f
            wy0 = (y0f + 1.0) - gr
            wx1 = gc - x0f
            wx0 = (x0f + 1.0) - gc
            y1 = y0 + 1
            x1 = x0 + 1
            z = jnp.zeros_like(wy0)
            wy0 = jnp.where((y0 >= 0) & (y0 < _H), wy0, z)
            wy1 = jnp.where((y1 >= 0) & (y1 < _H), wy1, z)
            wx0 = jnp.where((x0 >= 0) & (x0 < _W), wx0, z)
            wx1 = jnp.where((x1 >= 0) & (x1 < _W), wx1, z)
            y0c = jnp.clip(y0, 0, _H - 1)
            y1c = jnp.clip(y1, 0, _H - 1)
            x0c = jnp.clip(x0, 0, _W - 1)
            x1c = jnp.clip(x1, 0, _W - 1)
            r0 = bbase + y0c * _W
            r1 = bbase + y1c * _W
            i00_v[pr, s] = r0 + x0c
            i01_v[pr, s] = r0 + x1c
            i10_v[pr, s] = r1 + x0c
            i11_v[pr, s] = r1 + x1c
            w00_v[pr, s] = wy0 * wx0
            w01_v[pr, s] = wy0 * wx1
            w10_v[pr, s] = wy1 * wx0
            w11_v[pr, s] = wy1 * wx1
        sem = gsems[pr]
        pltpu.async_copy(feat_hbm.at[i00_v.at[pr]], r00_v.at[pr], sem)
        pltpu.async_copy(feat_hbm.at[i01_v.at[pr]], r01_v.at[pr], sem)
        pltpu.async_copy(feat_hbm.at[i10_v.at[pr]], r10_v.at[pr], sem)
        pltpu.async_copy(feat_hbm.at[i11_v.at[pr]], r11_v.at[pr], sem)

    def drain_gather(pr):
        sem = gsems[pr]
        pltpu.make_async_copy(feat_hbm.at[i00_v.at[pr]], r00_v.at[pr], sem).wait()
        pltpu.make_async_copy(feat_hbm.at[i01_v.at[pr]], r01_v.at[pr], sem).wait()
        pltpu.make_async_copy(feat_hbm.at[i10_v.at[pr]], r10_v.at[pr], sem).wait()
        pltpu.make_async_copy(feat_hbm.at[i11_v.at[pr]], r11_v.at[pr], sem).wait()

    def combine(pr):
        @plsc.parallel_loop(0, _CH, unroll=2)
        def pix_body(p):
            pidx = jnp.full((16,), p, jnp.int32)
            pz = jnp.zeros((16,), jnp.int32)
            w00 = plsc.load_gather(w00_v, [pz + pr, pidx])
            w01 = plsc.load_gather(w01_v, [pz + pr, pidx])
            w10 = plsc.load_gather(w10_v, [pz + pr, pidx])
            w11 = plsc.load_gather(w11_v, [pz + pr, pidx])
            for cg in range(_CG):
                cs = pl.ds(cg * 16, 16)
                out_v[pr, p, cs] = (
                    w00 * r00_v[pr, p, cs] + w01 * r01_v[pr, p, cs]
                    + w10 * r10_v[pr, p, cs] + w11 * r11_v[pr, p, cs])

    def fire_out(jc, pr):
        base = pix0 + jc * _CH
        pltpu.async_copy(out_v.at[pr], out_hbm.at[pl.ds(base, _CH)],
                         osems[pr])

    def drain_out(jc, pr):
        base = pix0 + jc * _CH
        pltpu.make_async_copy(out_v.at[pr], out_hbm.at[pl.ds(base, _CH)],
                              osems[pr]).wait()

    fire(0, 0)

    def pair_body(j2, carry):
        ja = 2 * j2
        jb = ja + 1
        fire(jb, 1)
        drain_gather(0)

        @pl.when(j2 > 0)
        def _():
            drain_out(ja - 2, 0)

        combine(0)
        fire_out(ja, 0)

        @pl.when(jb + 1 < _NCHUNK)
        def _():
            fire(jb + 1, 0)

        drain_gather(1)

        @pl.when(j2 > 0)
        def _():
            drain_out(jb - 2, 1)

        combine(1)
        fire_out(jb, 1)
        return carry

    lax.fori_loop(0, _NCHUNK // 2, pair_body, 0)
    drain_out(_NCHUNK - 2, 0)
    drain_out(_NCHUNK - 1, 1)


_grid_sample_call = functools.partial(
    pl.kernel,
    out_type=jax.ShapeDtypeStruct((_P, _CP), jnp.float32),
    mesh=plsc.VectorSubcoreMesh(core_axis_name="c", subcore_axis_name="s",
                                num_cores=_NC, num_subcores=_NS),
    compiler_params=pltpu.CompilerParams(needs_layout_passes=False,
                                         use_tc_tiling_on_sc=True),
    scratch_types=[
        pltpu.VMEM((_GROWS, 128), jnp.float32),
        pltpu.VMEM((2, _CH), jnp.int32),
        pltpu.VMEM((2, _CH), jnp.int32),
        pltpu.VMEM((2, _CH), jnp.int32),
        pltpu.VMEM((2, _CH), jnp.int32),
        pltpu.VMEM((2, _CH), jnp.float32),
        pltpu.VMEM((2, _CH), jnp.float32),
        pltpu.VMEM((2, _CH), jnp.float32),
        pltpu.VMEM((2, _CH), jnp.float32),
        pltpu.VMEM((2, _CH, _CP), jnp.float32),
        pltpu.VMEM((2, _CH, _CP), jnp.float32),
        pltpu.VMEM((2, _CH, _CP), jnp.float32),
        pltpu.VMEM((2, _CH, _CP), jnp.float32),
        pltpu.VMEM((2, _CH, _CP), jnp.float32),
        pltpu.SemaphoreType.DMA,
        pltpu.SemaphoreType.DMA,
        pltpu.SemaphoreType.DMA,
        pltpu.SemaphoreType.DMA,
    ],
)(_sc_body)


def kernel(features, grid):
    B, H, W, C = features.shape
    feat = jnp.pad(features.reshape(B * H * W, C), ((0, 0), (0, _CP - C)))
    gxy = grid.reshape(B * H * W * 2 // 128, 128)
    out = _grid_sample_call(feat, gxy)
    return out[:, :C].reshape(B, H, W, C)

# --- scband reference (transcript-rebuilt; emitter-appended) ---
"""Pipeline reference for scband-grid-sample-88459146428541 (READ-ONLY COPY).

The authoritative reference and input builder live on the scoring server;
editing this copy changes nothing except your own understanding.
"""

import jax, jax.numpy as jnp
import numpy as np


def setup_inputs(seed: int = 0) -> dict:
    key = jax.random.key(seed)
    k1, k2 = jax.random.split(key)
    features = jax.random.normal(k1, (2, 384, 384, 96), dtype=jnp.float32)
    grid = jax.random.uniform(k2, (2, 384, 384, 2), dtype=jnp.float32, minval=-1.0, maxval=1.0)
    return {"features": features, "grid": grid}


def reference(features, grid):
    mode = 'bilinear'
    align_corners = False
    B, H, W, C = features.shape
    Ph, Pw = grid.shape[1], grid.shape[2]
    gdt = grid.dtype
    # pad features by 1 on each spatial side (zero border)
    safe_features = jnp.pad(features, ((0, 0), (1, 1), (1, 1), (0, 0))).astype(gdt)
    # reverse last axis: (x, y) -> (y, x)
    g = grid[..., ::-1]
    size = jnp.asarray([H, W], dtype=gdt)
    if align_corners:
        g = (g + 1.0) * (size - 1.0) * 0.5
    else:
        g = (g + 1.0) * size * 0.5 - 0.5
    batch_idx = jnp.arange(B, dtype=jnp.int32).reshape(B, 1, 1)
    coord_batches = jnp.broadcast_to(batch_idx, (B, Ph, Pw))
    coord_bounds = jnp.asarray([H + 1, W + 1], dtype=jnp.int32)

    def _lookup(coords):
        c = jnp.clip(coords.astype(jnp.int32) + 1, 0, coord_bounds)
        return safe_features[coord_batches, c[..., 0], c[..., 1]]

    if mode == 'bilinear':
        grid_nw = jnp.floor(g)
        grid_ne = grid_nw + jnp.asarray([1.0, 0.0], dtype=gdt)
        grid_sw = grid_nw + jnp.asarray([0.0, 1.0], dtype=gdt)
        grid_se = grid_nw + jnp.asarray([1.0, 1.0], dtype=gdt)
        nw = jnp.prod(grid_se - g, axis=-1, keepdims=True)
        ne = jnp.prod((grid_sw - g) * jnp.asarray([1.0, -1.0], dtype=gdt), axis=-1, keepdims=True)
        sw = jnp.prod((grid_ne - g) * jnp.asarray([-1.0, 1.0], dtype=gdt), axis=-1, keepdims=True)
        se = jnp.prod(g - grid_nw, axis=-1, keepdims=True)
        result = (_lookup(grid_nw) * nw + _lookup(grid_ne) * ne
                  + _lookup(grid_sw) * sw + _lookup(grid_se) * se)
    else:
        result = _lookup(jnp.round(g))
    return result.astype(features.dtype)

if __name__ == "__main__":
    import jax
    _d = setup_inputs()
    print(jax.jit(kernel)(*tuple(_d.values())))

</pallas_src>

<mosaic_0001>
#map = affine_map<(d0, d1) -> (0, 0)>
module attributes {stable_mosaic.version = 14 : i64} {
  func.func @_sc_body(%arg0: i32, %arg1: i32, %arg2: memref<294912x128xf32, #tpu.memory_space<hbm>>, %arg3: memref<4608x128xf32, #tpu.memory_space<hbm>>, %arg4: memref<294912x128xf32, #tpu.memory_space<hbm>>, %arg5: memref<144x128xf32, #tpu.memory_space<vmem>>, %arg6: memref<2x64xi32, #tpu.memory_space<vmem>>, %arg7: memref<2x64xi32, #tpu.memory_space<vmem>>, %arg8: memref<2x64xi32, #tpu.memory_space<vmem>>, %arg9: memref<2x64xi32, #tpu.memory_space<vmem>>, %arg10: memref<2x64xf32, #tpu.memory_space<vmem>>, %arg11: memref<2x64xf32, #tpu.memory_space<vmem>>, %arg12: memref<2x64xf32, #tpu.memory_space<vmem>>, %arg13: memref<2x64xf32, #tpu.memory_space<vmem>>, %arg14: memref<2x64x128xf32, #tpu.memory_space<vmem>>, %arg15: memref<2x64x128xf32, #tpu.memory_space<vmem>>, %arg16: memref<2x64x128xf32, #tpu.memory_space<vmem>>, %arg17: memref<2x64x128xf32, #tpu.memory_space<vmem>>, %arg18: memref<2x64x128xf32, #tpu.memory_space<vmem>>, %arg19: memref<!tpu.dma_semaphore, #tpu.memory_space<semaphore_mem>>, %arg20: memref<!tpu.dma_semaphore, #tpu.memory_space<semaphore_mem>>, %arg21: memref<!tpu.dma_semaphore, #tpu.memory_space<semaphore_mem>>, %arg22: memref<!tpu.dma_semaphore, #tpu.memory_space<semaphore_mem>>) attributes {dimension_semantics = [#tpu.dimension_semantics<core_parallel>, #tpu.dimension_semantics<subcore_parallel>], iteration_bounds = array<i64: 2, 16>, scalar_prefetch = 0 : i64, scratch_operands = 18 : i64, tpu.core_type = #tpu.core_type<sc_vector_subcore>, window_params = [{transform_indices = #map}, {transform_indices = #map}, {transform_indices = #map}]} {
    %mul3A = arith.constant 2 : i32
    %mul3A_0 = arith.muli %arg1, %mul3A : i32
    %add3A = arith.addi %mul3A_0, %arg0 : i32
    %mul3A_1 = arith.constant 9216 : i32
    %mul3A_2 = arith.muli %add3A, %mul3A_1 : i32
    %jit3A = arith.constant 147456 : i32
    %div3A = arith.divsi %mul3A_2, %jit3A : i32
    %sign3A = arith.constant 0 : i32
    %sign3A_3 = arith.cmpi sgt, %mul3A_2, %sign3A : i32
    %sign3A_4 = arith.extui %sign3A_3 : i1 to i32
    %sign3A_5 = arith.constant 0 : i32
    %sign3A_6 = arith.cmpi slt, %mul3A_2, %sign3A_5 : i32
    %sign3A_7 = arith.extui %sign3A_6 : i1 to i32
    %sign3A_8 = arith.subi %sign3A_4, %sign3A_7 : i32
    %sign3A_9 = arith.constant 0 : i32
    %sign3A_10 = arith.cmpi sgt, %jit3A, %sign3A_9 : i32
    %sign3A_11 = arith.extui %sign3A_10 : i1 to i32
    %sign3A_12 = arith.constant 0 : i32
    %sign3A_13 = arith.cmpi slt, %jit3A, %sign3A_12 : i32
    %sign3A_14 = arith.extui %sign3A_13 : i1 to i32
    %sign3A_15 = arith.subi %sign3A_11, %sign3A_14 : i32
    %ne3A = arith.cmpi ne, %sign3A_8, %sign3A_15 : i32
    %rem3A = arith.remsi %mul3A_2, %jit3A : i32
    %ne3A_16 = arith.constant 0 : i32
    %ne3A_17 = arith.cmpi ne, %rem3A, %ne3A_16 : i32
    %and3A = arith.andi %ne3A, %ne3A_17 : i1
    %sub3A = arith.constant 1 : i32
    %sub3A_18 = arith.subi %div3A, %sub3A : i32
    %select_n3A = arith.select %and3A, %sub3A_18, %div3A : i32
    %mul3A_19 = arith.constant 147456 : i32
    %mul3A_20 = arith.muli %select_n3A, %mul3A_19 : i32
    %jit3A_21 = arith.constant 64 : i32
    %div3A_22 = arith.divsi %mul3A_2, %jit3A_21 : i32
    %sign3A_23 = arith.constant 0 : i32
    %sign3A_24 = arith.cmpi sgt, %mul3A_2, %sign3A_23 : i32
    %sign3A_25 = arith.extui %sign3A_24 : i1 to i32
    %sign3A_26 = arith.constant 0 : i32
    %sign3A_27 = arith.cmpi slt, %mul3A_2, %sign3A_26 : i32
    %sign3A_28 = arith.extui %sign3A_27 : i1 to i32
    %sign3A_29 = arith.subi %sign3A_25, %sign3A_28 : i32
    %sign3A_30 = arith.constant 0 : i32
    %sign3A_31 = arith.cmpi sgt, %jit3A_21, %sign3A_30 : i32
    %sign3A_32 = arith.extui %sign3A_31 : i1 to i32
    %sign3A_33 = arith.constant 0 : i32
    %sign3A_34 = arith.cmpi slt, %jit3A_21, %sign3A_33 : i32
    %sign3A_35 = arith.extui %sign3A_34 : i1 to i32
    %sign3A_36 = arith.subi %sign3A_32, %sign3A_35 : i32
    %ne3A_37 = arith.cmpi ne, %sign3A_29, %sign3A_36 : i32
    %rem3A_38 = arith.remsi %mul3A_2, %jit3A_21 : i32
    %ne3A_39 = arith.constant 0 : i32
    %ne3A_40 = arith.cmpi ne, %rem3A_38, %ne3A_39 : i32
    %and3A_41 = arith.andi %ne3A_37, %ne3A_40 : i1
    %sub3A_42 = arith.constant 1 : i32
    %sub3A_43 = arith.subi %div3A_22, %sub3A_42 : i32
    %select_n3A_44 = arith.select %and3A_41, %sub3A_43, %div3A_22 : i32
    %multiple_of3A = tpu.assume_multiple %select_n3A_44, 8 : i32
    "tpu.region"() ({
      %run_scoped3A = tpu.sem_alloc : memref<!tpu.dma_semaphore, #tpu.memory_space<semaphore_mem>>
      %dma_start3A_808 = arith.constant 0 : i32
      %dma_start3A_809 = tpu.memref_slice %arg3[%multiple_of3A, %dma_start3A_808] : memref<4608x128xf32, #tpu.memory_space<hbm>> -> memref<144x128xf32, #tpu.memory_space<hbm>>
      %dma_start3A_810 = arith.constant 0 : i32
      %dma_start3A_811 = tpu.memref_slice %arg3[%multiple_of3A, %dma_start3A_810] : memref<4608x128xf32, #tpu.memory_space<hbm>> -> memref<144x128xf32, #tpu.memory_space<hbm>>
      tpu.enqueue_dma source(%dma_start3A_811 : memref<144x128xf32, #tpu.memory_space<hbm>>) target(%arg5 : memref<144x128xf32, #tpu.memory_space<vmem>>) target_semaphore(%run_scoped3A : memref<!tpu.dma_semaphore, #tpu.memory_space<semaphore_mem>>)
      %dma_wait3A_812 = arith.constant 0 : i32
      %dma_wait3A_813 = tpu.memref_slice %arg3[%multiple_of3A, %dma_wait3A_812] : memref<4608x128xf32, #tpu.memory_space<hbm>> -> memref<144x128xf32, #tpu.memory_space<hbm>>
      %dma_wait3A_814 = arith.constant 0 : i32
      %dma_wait3A_815 = tpu.memref_slice %arg3[%multiple_of3A, %dma_wait3A_814] : memref<4608x128xf32, #tpu.memory_space<hbm>> -> memref<144x128xf32, #tpu.memory_space<hbm>>
      tpu.wait_dma2 semaphore(%run_scoped3A : memref<!tpu.dma_semaphore, #tpu.memory_space<semaphore_mem>>) src(%dma_wait3A_815 : memref<144x128xf32, #tpu.memory_space<hbm>>) dst(%arg5 : memref<144x128xf32, #tpu.memory_space<vmem>>)
      tpu.yield
    }) : () -> ()
    %iota3A = tpu.iota {dimensions = array<i32: 0>} : vector<16xi32>
    %broadcast_in_dim3A = arith.constant 0 : i32
    %broadcast_in_dim3A_45 = vector.broadcast %broadcast_in_dim3A : i32 to vector<16xi32>
    %add3A_46 = arith.constant 0 : i32
    %add3A_47 = vector.broadcast %add3A_46 : i32 to vector<16xi32>
    %add3A_48 = arith.addi %broadcast_in_dim3A_45, %add3A_47 : vector<16xi32>
    %mul3A_49 = arith.constant 2 : i32
    %mul3A_50 = vector.broadcast %mul3A_49 : i32 to vector<16xi32>
    %mul3A_51 = arith.muli %iota3A, %mul3A_50 : vector<16xi32>
    %add3A_52 = arith.constant 0 : i32
    %add3A_53 = vector.broadcast %add3A_52 : i32 to vector<16xi32>
    %add3A_54 = arith.addi %mul3A_51, %add3A_53 : vector<16xi32>
    %gather3A = tpu.vector_load_idx %arg5[%add3A_48, %add3A_54] : memref<144x128xf32, #tpu.memory_space<vmem>>[vector<16xi32>, vector<16xi32>], vector<16xf32>,
    %add3A_55 = arith.constant 1 : i32
    %add3A_56 = vector.broadcast %add3A_55 : i32 to vector<16xi32>
    %add3A_57 = arith.addi %add3A_54, %add3A_56 : vector<16xi32>
    %gather3A_58 = tpu.vector_load_idx %arg5[%add3A_48, %add3A_57] : memref<144x128xf32, #tpu.memory_space<vmem>>[vector<16xi32>, vector<16xi32>], vector<16xf32>,
    %add3A_59 = arith.constant 1.000000e+00 : f32
    %add3A_60 = vector.broadcast %add3A_59 : f32 to vector<16xf32>
    %add3A_61 = arith.addf %gather3A_58, %add3A_60 : vector<16xf32>
    %mul3A_62 = arith.constant 1.920000e+02 : f32
    %mul3A_63 = vector.broadcast %mul3A_62 : f32 to vector<16xf32>
    %mul3A_64 = arith.mulf %add3A_61, %mul3A_63 : vector<16xf32>
    %sub3A_65 = arith.constant 5.000000e-01 : f32
    %sub3A_66 = vector.broadcast %sub3A_65 : f32 to vector<16xf32>
    %sub3A_67 = arith.subf %mul3A_64, %sub3A_66 : vector<16xf32>
    %add3A_68 = arith.constant 1.000000e+00 : f32
    %add3A_69 = vector.broadcast %add3A_68 : f32 to vector<16xf32>
    %add3A_70 = arith.addf %gather3A, %add3A_69 : vector<16xf32>
    %mul3A_71 = arith.constant 1.920000e+02 : f32
    %mul3A_72 = vector.broadcast %mul3A_71 : f32 to vector<16xf32>
    %mul3A_73 = arith.mulf %add3A_70, %mul3A_72 : vector<16xf32>
    %sub3A_74 = arith.constant 5.000000e-01 : f32
    %sub3A_75 = vector.broadcast %sub3A_74 : f32 to vector<16xf32>
    %sub3A_76 = arith.subf %mul3A_73, %sub3A_75 : vector<16xf32>
    %convert_element_type3A = arith.fptosi %sub3A_67 : vector<16xf32> to vector<16xi32>
    %convert_element_type3A_77 = arith.sitofp %convert_element_type3A : vector<16xi32> to vector<16xf32>
    %lt3A = arith.cmpf olt, %sub3A_67, %convert_element_type3A_77 : vector<16xf32>
    %sub3A_78 = arith.constant 1 : i32
    %sub3A_79 = vector.broadcast %sub3A_78 : i32 to vector<16xi32>
    %sub3A_80 = arith.subi %convert_element_type3A, %sub3A_79 : vector<16xi32>
    %select_n3A_81 = arith.select %lt3A, %sub3A_80, %convert_element_type3A : vector<16xi1>, vector<16xi32>
    %convert_element_type3A_82 = arith.sitofp %select_n3A_81 : vector<16xi32> to vector<16xf32>
    %convert_element_type3A_83 = arith.fptosi %sub3A_76 : vector<16xf32> to vector<16xi32>
    %convert_element_type3A_84 = arith.sitofp %convert_element_type3A_83 : vector<16xi32> to vector<16xf32>
    %lt3A_85 = arith.cmpf olt, %sub3A_76, %convert_element_type3A_84 : vector<16xf32>
    %sub3A_86 = arith.constant 1 : i32
    %sub3A_87 = vector.broadcast %sub3A_86 : i32 to vector<16xi32>
    %sub3A_88 = arith.subi %convert_element_type3A_83, %sub3A_87 : vector<16xi32>
    %select_n3A_89 = arith.select %lt3A_85, %sub3A_88, %convert_element_type3A_83 : vector<16xi1>, vector<16xi32>
    %convert_element_type3A_90 = arith.sitofp %select_n3A_89 : vector<16xi32> to vector<16xf32>
    %sub3A_91 = arith.subf %sub3A_67, %convert_element_type3A_82 : vector<16xf32>
    %add3A_92 = arith.constant 1.000000e+00 : f32
    %add3A_93 = vector.broadcast %add3A_92 : f32 to vector<16xf32>
    %add3A_94 = arith.addf %convert_element_type3A_82, %add3A_93 : vector<16xf32>
    %sub3A_95 = arith.subf %add3A_94, %sub3A_67 : vector<16xf32>
    %sub3A_96 = arith.subf %sub3A_76, %convert_element_type3A_90 : vector<16xf32>
    %add3A_97 = arith.constant 1.000000e+00 : f32
    %add3A_98 = vector.broadcast %add3A_97 : f32 to vector<16xf32>
    %add3A_99 = arith.addf %convert_element_type3A_90, %add3A_98 : vector<16xf32>
    %sub3A_100 = arith.subf %add3A_99, %sub3A_76 : vector<16xf32>
    %add3A_101 = arith.constant 1 : i32
    %add3A_102 = vector.broadcast %add3A_101 : i32 to vector<16xi32>
    %add3A_103 = arith.addi %select_n3A_81, %add3A_102 : vector<16xi32>
    %add3A_104 = arith.constant 1 : i32
    %add3A_105 = vector.broadcast %add3A_104 : i32 to vector<16xi32>
    %add3A_106 = arith.addi %select_n3A_89, %add3A_105 : vector<16xi32>
    %broadcast_in_dim3A_107 = arith.constant 0.000000e+00 : f32
    %broadcast_in_dim3A_108 = vector.broadcast %broadcast_in_dim3A_107 : f32 to vector<16xf32>
    %ge3A = arith.constant 0 : i32
    %ge3A_109 = vector.broadcast %ge3A : i32 to vector<16xi32>
    %ge3A_110 = arith.cmpi sge, %select_n3A_81, %ge3A_109 : vector<16xi32>
    %lt3A_111 = arith.constant 384 : i32
    %lt3A_112 = vector.broadcast %lt3A_111 : i32 to vector<16xi32>
    %lt3A_113 = arith.cmpi slt, %select_n3A_81, %lt3A_112 : vector<16xi32>
    %and3A_114 = arith.andi %ge3A_110, %lt3A_113 : vector<16xi1>
    %select_n3A_115 = arith.select %and3A_114, %sub3A_95, %broadcast_in_dim3A_108 : vector<16xi1>, vector<16xf32>
    %ge3A_116 = arith.constant 0 : i32
    %ge3A_117 = vector.broadcast %ge3A_116 : i32 to vector<16xi32>
    %ge3A_118 = arith.cmpi sge, %add3A_103, %ge3A_117 : vector<16xi32>
    %lt3A_119 = arith.constant 384 : i32
    %lt3A_120 = vector.broadcast %lt3A_119 : i32 to vector<16xi32>
    %lt3A_121 = arith.cmpi slt, %add3A_103, %lt3A_120 : vector<16xi32>
    %and3A_122 = arith.andi %ge3A_118, %lt3A_121 : vector<16xi1>
    %select_n3A_123 = arith.select %and3A_122, %sub3A_91, %broadcast_in_dim3A_108 : vector<16xi1>, vector<16xf32>
    %ge3A_124 = arith.constant 0 : i32
    %ge3A_125 = vector.broadcast %ge3A_124 : i32 to vector<16xi32>
    %ge3A_126 = arith.cmpi sge, %select_n3A_89, %ge3A_125 : vector<16xi32>
    %lt3A_127 = arith.constant 384 : i32
    %lt3A_128 = vector.broadcast %lt3A_127 : i32 to vector<16xi32>
    %lt3A_129 = arith.cmpi slt, %select_n3A_89, %lt3A_128 : vector<16xi32>
    %and3A_130 = arith.andi %ge3A_126, %lt3A_129 : vector<16xi1>
    %select_n3A_131 = arith.select %and3A_130, %sub3A_100, %broadcast_in_dim3A_108 : vector<16xi1>, vector<16xf32>
    %ge3A_132 = arith.constant 0 : i32
    %ge3A_133 = vector.broadcast %ge3A_132 : i32 to vector<16xi32>
    %ge3A_134 = arith.cmpi sge, %add3A_106, %ge3A_133 : vector<16xi32>
    %lt3A_135 = arith.constant 384 : i32
    %lt3A_136 = vector.broadcast %lt3A_135 : i32 to vector<16xi32>
    %lt3A_137 = arith.cmpi slt, %add3A_106, %lt3A_136 : vector<16xi32>
    %and3A_138 = arith.andi %ge3A_134, %lt3A_137 : vector<16xi1>
    %select_n3A_139 = arith.select %and3A_138, %sub3A_96, %broadcast_in_dim3A_108 : vector<16xi1>, vector<16xf32>
    %jit3A_140 = arith.constant 0 : i32
    %jit3A_141 = arith.constant 383 : i32
    %max3A = vector.broadcast %jit3A_140 : i32 to vector<16xi32>
    %max3A_142 = arith.maxsi %max3A, %select_n3A_81 : vector<16xi32>
    %min3A = vector.broadcast %jit3A_141 : i32 to vector<16xi32>
    %min3A_143 = arith.minsi %min3A, %max3A_142 : vector<16xi32>
    %jit3A_144 = arith.constant 0 : i32
    %jit3A_145 = arith.constant 383 : i32
    %max3A_146 = vector.broadcast %jit3A_144 : i32 to vector<16xi32>
    %max3A_147 = arith.maxsi %max3A_146, %add3A_103 : vector<16xi32>
    %min3A_148 = vector.broadcast %jit3A_145 : i32 to vector<16xi32>
    %min3A_149 = arith.minsi %min3A_148, %max3A_147 : vector<16xi32>
    %jit3A_150 = arith.constant 0 : i32
    %jit3A_151 = arith.constant 383 : i32
    %max3A_152 = vector.broadcast %jit3A_150 : i32 to vector<16xi32>
    %max3A_153 = arith.maxsi %max3A_152, %select_n3A_89 : vector<16xi32>
    %min3A_154 = vector.broadcast %jit3A_151 : i32 to vector<16xi32>
    %min3A_155 = arith.minsi %min3A_154, %max3A_153 : vector<16xi32>
    %jit3A_156 = arith.constant 0 : i32
    %jit3A_157 = arith.constant 383 : i32
    %max3A_158 = vector.broadcast %jit3A_156 : i32 to vector<16xi32>
    %max3A_159 = arith.maxsi %max3A_158, %add3A_106 : vector<16xi32>
    %min3A_160 = vector.broadcast %jit3A_157 : i32 to vector<16xi32>
    %min3A_161 = arith.minsi %min3A_160, %max3A_159 : vector<16xi32>
    %mul3A_162 = arith.constant 384 : i32
    %mul3A_163 = vector.broadcast %mul3A_162 : i32 to vector<16xi32>
    %mul3A_164 = arith.muli %min3A_143, %mul3A_163 : vector<16xi32>
    %add3A_165 = vector.broadcast %mul3A_20 : i32 to vector<16xi32>
    %add3A_166 = arith.addi %add3A_165, %mul3A_164 : vector<16xi32>
    %mul3A_167 = arith.constant 384 : i32
    %mul3A_168 = vector.broadcast %mul3A_167 : i32 to vector<16xi32>
    %mul3A_169 = arith.muli %min3A_149, %mul3A_168 : vector<16xi32>
    %add3A_170 = vector.broadcast %mul3A_20 : i32 to vector<16xi32>
    %add3A_171 = arith.addi %add3A_170, %mul3A_169 : vector<16xi32>
    %add3A_172 = arith.addi %add3A_166, %min3A_155 : vector<16xi32>
    %swap3A = arith.constant 0 : i32
    %swap3A_173 = arith.index_cast %swap3A : i32 to index
    %swap3A_174 = arith.constant 0 : index
    %swap3A_175 = tpu.vector_load %arg6[%swap3A_173, %swap3A_174] {strides = array<i32>} : memref<2x64xi32, #tpu.memory_space<vmem>>, vector<16xi32>,
    tpu.vector_store %arg6[%swap3A_173, %swap3A_174], %add3A_172 {strides = array<i32>} : memref<2x64xi32, #tpu.memory_space<vmem>>, vector<16xi32>,
    %add3A_176 = arith.addi %add3A_166, %min3A_161 : vector<16xi32>
    %swap3A_177 = arith.constant 0 : i32
    %swap3A_178 = arith.index_cast %swap3A_177 : i32 to index
    %swap3A_179 = arith.constant 0 : index
    %swap3A_180 = tpu.vector_load %arg7[%swap3A_178, %swap3A_179] {strides = array<i32>} : memref<2x64xi32, #tpu.memory_space<vmem>>, vector<16xi32>,
    tpu.vector_store %arg7[%swap3A_178, %swap3A_179], %add3A_176 {strides = array<i32>} : memref<2x64xi32, #tpu.memory_space<vmem>>, vector<16xi32>,
    %add3A_181 = arith.addi %add3A_171, %min3A_155 : vector<16xi32>
    %swap3A_182 = arith.constant 0 : i32
    %swap3A_183 = arith.index_cast %swap3A_182 : i32 to index
    %swap3A_184 = arith.constant 0 : index
    %swap3A_185 = tpu.vector_load %arg8[%swap3A_183, %swap3A_184] {strides = array<i32>} : memref<2x64xi32, #tpu.memory_space<vmem>>, vector<16xi32>,
    tpu.vector_store %arg8[%swap3A_183, %swap3A_184], %add3A_181 {strides = array<i32>} : memref<2x64xi32, #tpu.memory_space<vmem>>, vector<16xi32>,
    %add3A_186 = arith.addi %add3A_171, %min3A_161 : vector<16xi32>
    %swap3A_187 = arith.constant 0 : i32
    %swap3A_188 = arith.index_cast %swap3A_187 : i32 to index
    %swap3A_189 = arith.constant 0 : index
    %swap3A_190 = tpu.vector_load %arg9[%swap3A_188, %swap3A_189] {strides = array<i32>} : memref<2x64xi32, #tpu.memory_space<vmem>>, vector<16xi32>,
    tpu.vector_store %arg9[%swap3A_188, %swap3A_189], %add3A_186 {strides = array<i32>} : memref<2x64xi32, #tpu.memory_space<vmem>>, vector<16xi32>,
    %mul3A_191 = arith.mulf %select_n3A_115, %select_n3A_131 : vector<16xf32>
    %swap3A_192 = arith.constant 0 : i32
    %swap3A_193 = arith.index_cast %swap3A_192 : i32 to index
    %swap3A_194 = arith.constant 0 : index
    %swap3A_195 = tpu.vector_load %arg10[%swap3A_193, %swap3A_194] {strides = array<i32>} : memref<2x64xf32, #tpu.memory_space<vmem>>, vector<16xf32>,
    tpu.vector_store %arg10[%swap3A_193, %swap3A_194], %mul3A_191 {strides = array<i32>} : memref<2x64xf32, #tpu.memory_space<vmem>>, vector<16xf32>,
    %mul3A_196 = arith.mulf %select_n3A_115, %select_n3A_139 : vector<16xf32>
    %swap3A_197 = arith.constant 0 : i32
    %swap3A_198 = arith.index_cast %swap3A_197 : i32 to index
    %swap3A_199 = arith.constant 0 : index
    %swap3A_200 = tpu.vector_load %arg11[%swap3A_198, %swap3A_199] {strides = array<i32>} : memref<2x64xf32, #tpu.memory_space<vmem>>, vector<16xf32>,
    tpu.vector_store %arg11[%swap3A_198, %swap3A_199], %mul3A_196 {strides = array<i32>} : memref<2x64xf32, #tpu.memory_space<vmem>>, vector<16xf32>,
    %mul3A_201 = arith.mulf %select_n3A_123, %select_n3A_131 : vector<16xf32>
    %swap3A_202 = arith.constant 0 : i32
    %swap3A_203 = arith.index_cast %swap3A_202 : i32 to index
    %swap3A_204 = arith.constant 0 : index
    %swap3A_205 = tpu.vector_load %arg12[%swap3A_203, %swap3A_204] {strides = array<i32>} : memref<2x64xf32, #tpu.memory_space<vmem>>, vector<16xf32>,
    tpu.vector_store %arg12[%swap3A_203, %swap3A_204], %mul3A_201 {strides = array<i32>} : memref<2x64xf32, #tpu.memory_space<vmem>>, vector<16xf32>,
    %mul3A_206 = arith.mulf %select_n3A_123, %select_n3A_139 : vector<16xf32>
    %swap3A_207 = arith.constant 0 : i32
    %swap3A_208 = arith.index_cast %swap3A_207 : i32 to index
    %swap3A_209 = arith.constant 0 : index
    %swap3A_210 = tpu.vector_load %arg13[%swap3A_208, %swap3A_209] {strides = array<i32>} : memref<2x64xf32, #tpu.memory_space<vmem>>, vector<16xf32>,
    tpu.vector_store %arg13[%swap3A_208, %swap3A_209], %mul3A_206 {strides = array<i32>} : memref<2x64xf32, #tpu.memory_space<vmem>>, vector<16xf32>,
    %add3A_211 = arith.constant 0 : i32
    %add3A_212 = vector.broadcast %add3A_211 : i32 to vector<16xi32>
    %add3A_213 = arith.addi %broadcast_in_dim3A_45, %add3A_212 : vector<16xi32>
    %mul3A_214 = arith.constant 2 : i32
    %mul3A_215 = vector.broadcast %mul3A_214 : i32 to vector<16xi32>
    %mul3A_216 = arith.muli %iota3A, %mul3A_215 : vector<16xi32>
    %add3A_217 = arith.constant 32 : i32
    %add3A_218 = vector.broadcast %add3A_217 : i32 to vector<16xi32>
    %add3A_219 = arith.addi %mul3A_216, %add3A_218 : vector<16xi32>
    %gather3A_220 = tpu.vector_load_idx %arg5[%add3A_213, %add3A_219] : memref<144x128xf32, #tpu.memory_space<vmem>>[vector<16xi32>, vector<16xi32>], vector<16xf32>,
    %add3A_221 = arith.constant 1 : i32
    %add3A_222 = vector.broadcast %add3A_221 : i32 to vector<16xi32>
    %add3A_223 = arith.addi %add3A_219, %add3A_222 : vector<16xi32>
    %gather3A_224 = tpu.vector_load_idx %arg5[%add3A_213, %add3A_223] : memref<144x128xf32, #tpu.memory_space<vmem>>[vector<16xi32>, vector<16xi32>], vector<16xf32>,
    %add3A_225 = arith.constant 1.000000e+00 : f32
    %add3A_226 = vector.broadcast %add3A_225 : f32 to vector<16xf32>
    %add3A_227 = arith.addf %gather3A_224, %add3A_226 : vector<16xf32>
    %mul3A_228 = arith.constant 1.920000e+02 : f32
    %mul3A_229 = vector.broadcast %mul3A_228 : f32 to vector<16xf32>
    %mul3A_230 = arith.mulf %add3A_227, %mul3A_229 : vector<16xf32>
    %sub3A_231 = arith.constant 5.000000e-01 : f32
    %sub3A_232 = vector.broadcast %sub3A_231 : f32 to vector<16xf32>
    %sub3A_233 = arith.subf %mul3A_230, %sub3A_232 : vector<16xf32>
    %add3A_234 = arith.constant 1.000000e+00 : f32
    %add3A_235 = vector.broadcast %add3A_234 : f32 to vector<16xf32>
    %add3A_236 = arith.addf %gather3A_220, %add3A_235 : vector<16xf32>
    %mul3A_237 = arith.constant 1.920000e+02 : f32
    %mul3A_238 = vector.broadcast %mul3A_237 : f32 to vector<16xf32>
    %mul3A_239 = arith.mulf %add3A_236, %mul3A_238 : vector<16xf32>
    %sub3A_240 = arith.constant 5.000000e-01 : f32
    %sub3A_241 = vector.broadcast %sub3A_240 : f32 to vector<16xf32>
    %sub3A_242 = arith.subf %mul3A_239, %sub3A_241 : vector<16xf32>
    %convert_element_type3A_243 = arith.fptosi %sub3A_233 : vector<16xf32> to vector<16xi32>
    %convert_element_type3A_244 = arith.sitofp %convert_element_type3A_243 : vector<16xi32> to vector<16xf32>
    %lt3A_245 = arith.cmpf olt, %sub3A_233, %convert_element_type3A_244 : vector<16xf32>
    %sub3A_246 = arith.constant 1 : i32
    %sub3A_247 = vector.broadcast %sub3A_246 : i32 to vector<16xi32>
    %sub3A_248 = arith.subi %convert_element_type3A_243, %sub3A_247 : vector<16xi32>
    %select_n3A_249 = arith.select %lt3A_245, %sub3A_248, %convert_element_type3A_243 : vector<16xi1>, vector<16xi32>
    %convert_element_type3A_250 = arith.sitofp %select_n3A_249 : vector<16xi32> to vector<16xf32>
    %convert_element_type3A_251 = arith.fptosi %sub3A_242 : vector<16xf32> to vector<16xi32>
    %convert_element_type3A_252 = arith.sitofp %convert_element_type3A_251 : vector<16xi32> to vector<16xf32>
    %lt3A_253 = arith.cmpf olt, %sub3A_242, %convert_element_type3A_252 : vector<16xf32>
    %sub3A_254 = arith.constant 1 : i32
    %sub3A_255 = vector.broadcast %sub3A_254 : i32 to vector<16xi32>
    %sub3A_256 = arith.subi %convert_element_type3A_251, %sub3A_255 : vector<16xi32>
    %select_n3A_257 = arith.select %lt3A_253, %sub3A_256, %convert_element_type3A_251 : vector<16xi1>, vector<16xi32>
    %convert_element_type3A_258 = arith.sitofp %select_n3A_257 : vector<16xi32> to vector<16xf32>
    %sub3A_259 = arith.subf %sub3A_233, %convert_element_type3A_250 : vector<16xf32>
    %add3A_260 = arith.constant 1.000000e+00 : f32
    %add3A_261 = vector.broadcast %add3A_260 : f32 to vector<16xf32>
    %add3A_262 = arith.addf %convert_element_type3A_250, %add3A_261 : vector<16xf32>
    %sub3A_263 = arith.subf %add3A_262, %sub3A_233 : vector<16xf32>
    %sub3A_264 = arith.subf %sub3A_242, %convert_element_type3A_258 : vector<16xf32>
    %add3A_265 = arith.constant 1.000000e+00 : f32
    %add3A_266 = vector.broadcast %add3A_265 : f32 to vector<16xf32>
    %add3A_267 = arith.addf %convert_element_type3A_258, %add3A_266 : vector<16xf32>
    %sub3A_268 = arith.subf %add3A_267, %sub3A_242 : vector<16xf32>
    %add3A_269 = arith.constant 1 : i32
    %add3A_270 = vector.broadcast %add3A_269 : i32 to vector<16xi32>
    %add3A_271 = arith.addi %select_n3A_249, %add3A_270 : vector<16xi32>
    %add3A_272 = arith.constant 1 : i32
    %add3A_273 = vector.broadcast %add3A_272 : i32 to vector<16xi32>
    %add3A_274 = arith.addi %select_n3A_257, %add3A_273 : vector<16xi32>
    %broadcast_in_dim3A_275 = arith.constant 0.000000e+00 : f32
    %broadcast_in_dim3A_276 = vector.broadcast %broadcast_in_dim3A_275 : f32 to vector<16xf32>
    %ge3A_277 = arith.constant 0 : i32
    %ge3A_278 = vector.broadcast %ge3A_277 : i32 to vector<16xi32>
    %ge3A_279 = arith.cmpi sge, %select_n3A_249, %ge3A_278 : vector<16xi32>
    %lt3A_280 = arith.constant 384 : i32
    %lt3A_281 = vector.broadcast %lt3A_280 : i32 to vector<16xi32>
    %lt3A_282 = arith.cmpi slt, %select_n3A_249, %lt3A_281 : vector<16xi32>
    %and3A_283 = arith.andi %ge3A_279, %lt3A_282 : vector<16xi1>
    %select_n3A_284 = arith.select %and3A_283, %sub3A_263, %broadcast_in_dim3A_276 : vector<16xi1>, vector<16xf32>
    %ge3A_285 = arith.constant 0 : i32
    %ge3A_286 = vector.broadcast %ge3A_285 : i32 to vector<16xi32>
    %ge3A_287 = arith.cmpi sge, %add3A_271, %ge3A_286 : vector<16xi32>
    %lt3A_288 = arith.constant 384 : i32
    %lt3A_289 = vector.broadcast %lt3A_288 : i32 to vector<16xi32>
    %lt3A_290 = arith.cmpi slt, %add3A_271, %lt3A_289 : vector<16xi32>
    %and3A_291 = arith.andi %ge3A_287, %lt3A_290 : vector<16xi1>
    %select_n3A_292 = arith.select %and3A_291, %sub3A_259, %broadcast_in_dim3A_276 : vector<16xi1>, vector<16xf32>
    %ge3A_293 = arith.constant 0 : i32
    %ge3A_294 = vector.broadcast %ge3A_293 : i32 to vector<16xi32>
    %ge3A_295 = arith.cmpi sge, %select_n3A_257, %ge3A_294 : vector<16xi32>
    %lt3A_296 = arith.constant 384 : i32
    %lt3A_297 = vector.broadcast %lt3A_296 : i32 to vector<16xi32>
    %lt3A_298 = arith.cmpi slt, %select_n3A_257, %lt3A_297 : vector<16xi32>
    %and3A_299 = arith.andi %ge3A_295, %lt3A_298 : vector<16xi1>
    %select_n3A_300 = arith.select %and3A_299, %sub3A_268, %broadcast_in_dim3A_276 : vector<16xi1>, vector<16xf32>
    %ge3A_301 = arith.constant 0 : i32
    %ge3A_302 = vector.broadcast %ge3A_301 : i32 to vector<16xi32>
    %ge3A_303 = arith.cmpi sge, %add3A_274, %ge3A_302 : vector<16xi32>
    %lt3A_304 = arith.constant 384 : i32
    %lt3A_305 = vector.broadcast %lt3A_304 : i32 to vector<16xi32>
    %lt3A_306 = arith.cmpi slt, %add3A_274, %lt3A_305 : vector<16xi32>
    %and3A_307 = arith.andi %ge3A_303, %lt3A_306 : vector<16xi1>
    %select_n3A_308 = arith.select %and3A_307, %sub3A_264, %broadcast_in_dim3A_276 : vector<16xi1>, vector<16xf32>
    %jit3A_309 = arith.constant 0 : i32
    %jit3A_310 = arith.constant 383 : i32
    %max3A_311 = vector.broadcast %jit3A_309 : i32 to vector<16xi32>
    %max3A_312 = arith.maxsi %max3A_311, %select_n3A_249 : vector<16xi32>
    %min3A_313 = vector.broadcast %jit3A_310 : i32 to vector<16xi32>
    %min3A_314 = arith.minsi %min3A_313, %max3A_312 : vector<16xi32>
    %jit3A_315 = arith.constant 0 : i32
    %jit3A_316 = arith.constant 383 : i32
    %max3A_317 = vector.broadcast %jit3A_315 : i32 to vector<16xi32>
    %max3A_318 = arith.maxsi %max3A_317, %add3A_271 : vector<16xi32>
    %min3A_319 = vector.broadcast %jit3A_316 : i32 to vector<16xi32>
    %min3A_320 = arith.minsi %min3A_319, %max3A_318 : vector<16xi32>
    %jit3A_321 = arith.constant 0 : i32
    %jit3A_322 = arith.constant 383 : i32
    %max3A_323 = vector.broadcast %jit3A_321 : i32 to vector<16xi32>
    %max3A_324 = arith.maxsi %max3A_323, %select_n3A_257 : vector<16xi32>
    %min3A_325 = vector.broadcast %jit3A_322 : i32 to vector<16xi32>
    %min3A_326 = arith.minsi %min3A_325, %max3A_324 : vector<16xi32>
    %jit3A_327 = arith.constant 0 : i32
    %jit3A_328 = arith.constant 383 : i32
    %max3A_329 = vector.broadcast %jit3A_327 : i32 to vector<16xi32>
    %max3A_330 = arith.maxsi %max3A_329, %add3A_274 : vector<16xi32>
    %min3A_331 = vector.broadcast %jit3A_328 : i32 to vector<16xi32>
    %min3A_332 = arith.minsi %min3A_331, %max3A_330 : vector<16xi32>
    %mul3A_333 = arith.constant 384 : i32
    %mul3A_334 = vector.broadcast %mul3A_333 : i32 to vector<16xi32>
    %mul3A_335 = arith.muli %min3A_314, %mul3A_334 : vector<16xi32>
    %add3A_336 = vector.broadcast %mul3A_20 : i32 to vector<16xi32>
    %add3A_337 = arith.addi %add3A_336, %mul3A_335 : vector<16xi32>
    %mul3A_338 = arith.constant 384 : i32
    %mul3A_339 = vector.broadcast %mul3A_338 : i32 to vector<16xi32>
    %mul3A_340 = arith.muli %min3A_320, %mul3A_339 : vector<16xi32>
    %add3A_341 = vector.broadcast %mul3A_20 : i32 to vector<16xi32>
    %add3A_342 = arith.addi %add3A_341, %mul3A_340 : vector<16xi32>
    %add3A_343 = arith.addi %add3A_337, %min3A_326 : vector<16xi32>
    %swap3A_344 = arith.constant 0 : i32
    %swap3A_345 = arith.index_cast %swap3A_344 : i32 to index
    %swap3A_346 = arith.constant 16 : index
    %swap3A_347 = tpu.vector_load %arg6[%swap3A_345, %swap3A_346] {strides = array<i32>} : memref<2x64xi32, #tpu.memory_space<vmem>>, vector<16xi32>,
    tpu.vector_store %arg6[%swap3A_345, %swap3A_346], %add3A_343 {strides = array<i32>} : memref<2x64xi32, #tpu.memory_space<vmem>>, vector<16xi32>,
    %add3A_348 = arith.addi %add3A_337, %min3A_332 : vector<16xi32>
    %swap3A_349 = arith.constant 0 : i32
    %swap3A_350 = arith.index_cast %swap3A_349 : i32 to index
    %swap3A_351 = arith.constant 16 : index
    %swap3A_352 = tpu.vector_load %arg7[%swap3A_350, %swap3A_351] {strides = array<i32>} : memref<2x64xi32, #tpu.memory_space<vmem>>, vector<16xi32>,
    tpu.vector_store %arg7[%swap3A_350, %swap3A_351], %add3A_348 {strides = array<i32>} : memref<2x64xi32, #tpu.memory_space<vmem>>, vector<16xi32>,
    %add3A_353 = arith.addi %add3A_342, %min3A_326 : vector<16xi32>
    %swap3A_354 = arith.constant 0 : i32
    %swap3A_355 = arith.index_cast %swap3A_354 : i32 to index
    %swap3A_356 = arith.constant 16 : index
    %swap3A_357 = tpu.vector_load %arg8[%swap3A_355, %swap3A_356] {strides = array<i32>} : memref<2x64xi32, #tpu.memory_space<vmem>>, vector<16xi32>,
    tpu.vector_store %arg8[%swap3A_355, %swap3A_356], %add3A_353 {strides = array<i32>} : memref<2x64xi32, #tpu.memory_space<vmem>>, vector<16xi32>,
    %add3A_358 = arith.addi %add3A_342, %min3A_332 : vector<16xi32>
    %swap3A_359 = arith.constant 0 : i32
    %swap3A_360 = arith.index_cast %swap3A_359 : i32 to index
    %swap3A_361 = arith.constant 16 : index
    %swap3A_362 = tpu.vector_load %arg9[%swap3A_360, %swap3A_361] {strides = array<i32>} : memref<2x64xi32, #tpu.memory_space<vmem>>, vector<16xi32>,
    tpu.vector_store %arg9[%swap3A_360, %swap3A_361], %add3A_358 {strides = array<i32>} : memref<2x64xi32, #tpu.memory_space<vmem>>, vector<16xi32>,
    %mul3A_363 = arith.mulf %select_n3A_284, %select_n3A_300 : vector<16xf32>
    %swap3A_364 = arith.constant 0 : i32
    %swap3A_365 = arith.index_cast %swap3A_364 : i32 to index
    %swap3A_366 = arith.constant 16 : index
    %swap3A_367 = tpu.vector_load %arg10[%swap3A_365, %swap3A_366] {strides = array<i32>} : memref<2x64xf32, #tpu.memory_space<vmem>>, vector<16xf32>,
    tpu.vector_store %arg10[%swap3A_365, %swap3A_366], %mul3A_363 {strides = array<i32>} : memref<2x64xf32, #tpu.memory_space<vmem>>, vector<16xf32>,
    %mul3A_368 = arith.mulf %select_n3A_284, %select_n3A_308 : vector<16xf32>
    %swap3A_369 = arith.constant 0 : i32
    %swap3A_370 = arith.index_cast %swap3A_369 : i32 to index
    %swap3A_371 = arith.constant 16 : index
    %swap3A_372 = tpu.vector_load %arg11[%swap3A_370, %swap3A_371] {strides = array<i32>} : memref<2x64xf32, #tpu.memory_space<vmem>>, vector<16xf32>,
    tpu.vector_store %arg11[%swap3A_370, %swap3A_371], %mul3A_368 {strides = array<i32>} : memref<2x64xf32, #tpu.memory_space<vmem>>, vector<16xf32>,
    %mul3A_373 = arith.mulf %select_n3A_292, %select_n3A_300 : vector<16xf32>
    %swap3A_374 = arith.constant 0 : i32
    %swap3A_375 = arith.index_cast %swap3A_374 : i32 to index
    %swap3A_376 = arith.constant 16 : index
    %swap3A_377 = tpu.vector_load %arg12[%swap3A_375, %swap3A_376] {strides = array<i32>} : memref<2x64xf32, #tpu.memory_space<vmem>>, vector<16xf32>,
    tpu.vector_store %arg12[%swap3A_375, %swap3A_376], %mul3A_373 {strides = array<i32>} : memref<2x64xf32, #tpu.memory_space<vmem>>, vector<16xf32>,
    %mul3A_378 = arith.mulf %select_n3A_292, %select_n3A_308 : vector<16xf32>
    %swap3A_379 = arith.constant 0 : i32
    %swap3A_380 = arith.index_cast %swap3A_379 : i32 to index
    %swap3A_381 = arith.constant 16 : index
    %swap3A_382 = tpu.vector_load %arg13[%swap3A_380, %swap3A_381] {strides = array<i32>} : memref<2x64xf32, #tpu.memory_space<vmem>>, vector<16xf32>,
    tpu.vector_store %arg13[%swap3A_380, %swap3A_381], %mul3A_378 {strides = array<i32>} : memref<2x64xf32, #tpu.memory_space<vmem>>, vector<16xf32>,
    %add3A_383 = arith.constant 0 : i32
    %add3A_384 = vector.broadcast %add3A_383 : i32 to vector<16xi32>
    %add3A_385 = arith.addi %broadcast_in_dim3A_45, %add3A_384 : vector<16xi32>
    %mul3A_386 = arith.constant 2 : i32
    %mul3A_387 = vector.broadcast %mul3A_386 : i32 to vector<16xi32>
    %mul3A_388 = arith.muli %iota3A, %mul3A_387 : vector<16xi32>
    %add3A_389 = arith.constant 64 : i32
    %add3A_390 = vector.broadcast %add3A_389 : i32 to vector<16xi32>
    %add3A_391 = arith.addi %mul3A_388, %add3A_390 : vector<16xi32>
    %gather3A_392 = tpu.vector_load_idx %arg5[%add3A_385, %add3A_391] : memref<144x128xf32, #tpu.memory_space<vmem>>[vector<16xi32>, vector<16xi32>], vector<16xf32>,
    %add3A_393 = arith.constant 1 : i32
    %add3A_394 = vector.broadcast %add3A_393 : i32 to vector<16xi32>
    %add3A_395 = arith.addi %add3A_391, %add3A_394 : vector<16xi32>
    %gather3A_396 = tpu.vector_load_idx %arg5[%add3A_385, %add3A_395] : memref<144x128xf32, #tpu.memory_space<vmem>>[vector<16xi32>, vector<16xi32>], vector<16xf32>,
    %add3A_397 = arith.constant 1.000000e+00 : f32
    %add3A_398 = vector.broadcast %add3A_397 : f32 to vector<16xf32>
    %add3A_399 = arith.addf %gather3A_396, %add3A_398 : vector<16xf32>
    %mul3A_400 = arith.constant 1.920000e+02 : f32
    %mul3A_401 = vector.broadcast %mul3A_400 : f32 to vector<16xf32>
    %mul3A_402 = arith.mulf %add3A_399, %mul3A_401 : vector<16xf32>
    %sub3A_403 = arith.constant 5.000000e-01 : f32
    %sub3A_404 = vector.broadcast %sub3A_403 : f32 to vector<16xf32>
    %sub3A_405 = arith.subf %mul3A_402, %sub3A_404 : vector<16xf32>
    %add3A_406 = arith.constant 1.000000e+00 : f32
    %add3A_407 = vector.broadcast %add3A_406 : f32 to vector<16xf32>
    %add3A_408 = arith.addf %gather3A_392, %add3A_407 : vector<16xf32>
    %mul3A_409 = arith.constant 1.920000e+02 : f32
    %mul3A_410 = vector.broadcast %mul3A_409 : f32 to vector<16xf32>
    %mul3A_411 = arith.mulf %add3A_408, %mul3A_410 : vector<16xf32>
    %sub3A_412 = arith.constant 5.000000e-01 : f32
    %sub3A_413 = vector.broadcast %sub3A_412 : f32 to vector<16xf32>
    %sub3A_414 = arith.subf %mul3A_411, %sub3A_413 : vector<16xf32>
    %convert_element_type3A_415 = arith.fptosi %sub3A_405 : vector<16xf32> to vector<16xi32>
    %convert_element_type3A_416 = arith.sitofp %convert_element_type3A_415 : vector<16xi32> to vector<16xf32>
    %lt3A_417 = arith.cmpf olt, %sub3A_405, %convert_element_type3A_416 : vector<16xf32>
    %sub3A_418 = arith.constant 1 : i32
    %sub3A_419 = vector.broadcast %sub3A_418 : i32 to vector<16xi32>
    %sub3A_420 = arith.subi %convert_element_type3A_415, %sub3A_419 : vector<16xi32>
    %select_n3A_421 = arith.select %lt3A_417, %sub3A_420, %convert_element_type3A_415 : vector<16xi1>, vector<16xi32>
    %convert_element_type3A_422 = arith.sitofp %select_n3A_421 : vector<16xi32> to vector<16xf32>
    %convert_element_type3A_423 = arith.fptosi %sub3A_414 : vector<16xf32> to vector<16xi32>
    %convert_element_type3A_424 = arith.sitofp %convert_element_type3A_423 : vector<16xi32> to vector<16xf32>
    %lt3A_425 = arith.cmpf olt, %sub3A_414, %convert_element_type3A_424 : vector<16xf32>
    %sub3A_426 = arith.constant 1 : i32
    %sub3A_427 = vector.broadcast %sub3A_426 : i32 to vector<16xi32>
    %sub3A_428 = arith.subi %convert_element_type3A_423, %sub3A_427 : vector<16xi32>
    %select_n3A_429 = arith.select %lt3A_425, %sub3A_428, %convert_element_type3A_423 : vector<16xi1>, vector<16xi32>
    %convert_element_type3A_430 = arith.sitofp %select_n3A_429 : vector<16xi32> to vector<16xf32>
    %sub3A_431 = arith.subf %sub3A_405, %convert_element_type3A_422 : vector<16xf32>
    %add3A_432 = arith.constant 1.000000e+00 : f32
    %add3A_433 = vector.broadcast %add3A_432 : f32 to vector<16xf32>
    %add3A_434 = arith.addf %convert_element_type3A_422, %add3A_433 : vector<16xf32>
    %sub3A_435 = arith.subf %add3A_434, %sub3A_405 : vector<16xf32>
    %sub3A_436 = arith.subf %sub3A_414, %convert_element_type3A_430 : vector<16xf32>
    %add3A_437 = arith.constant 1.000000e+00 : f32
    %add3A_438 = vector.broadcast %add3A_437 : f32 to vector<16xf32>
    %add3A_439 = arith.addf %convert_element_type3A_430, %add3A_438 : vector<16xf32>
    %sub3A_440 = arith.subf %add3A_439, %sub3A_414 : vector<16xf32>
    %add3A_441 = arith.constant 1 : i32
    %add3A_442 = vector.broadcast %add3A_441 : i32 to vector<16xi32>
    %add3A_443 = arith.addi %select_n3A_421, %add3A_442 : vector<16xi32>
    %add3A_444 = arith.constant 1 : i32
    %add3A_445 = vector.broadcast %add3A_444 : i32 to vector<16xi32>
    %add3A_446 = arith.addi %select_n3A_429, %add3A_445 : vector<16xi32>
    %broadcast_in_dim3A_447 = arith.constant 0.000000e+00 : f32
    %broadcast_in_dim3A_448 = vector.broadcast %broadcast_in_dim3A_447 : f32 to vector<16xf32>
    %ge3A_449 = arith.constant 0 : i32
    %ge3A_450 = vector.broadcast %ge3A_449 : i32 to vector<16xi32>
    %ge3A_451 = arith.cmpi sge, %select_n3A_421, %ge3A_450 : vector<16xi32>
    %lt3A_452 = arith.constant 384 : i32
    %lt3A_453 = vector.broadcast %lt3A_452 : i32 to vector<16xi32>
    %lt3A_454 = arith.cmpi slt, %select_n3A_421, %lt3A_453 : vector<16xi32>
    %and3A_455 = arith.andi %ge3A_451, %lt3A_454 : vector<16xi1>
    %select_n3A_456 = arith.select %and3A_455, %sub3A_435, %broadcast_in_dim3A_448 : vector<16xi1>, vector<16xf32>
    %ge3A_457 = arith.constant 0 : i32
    %ge3A_458 = vector.broadcast %ge3A_457 : i32 to vector<16xi32>
    %ge3A_459 = arith.cmpi sge, %add3A_443, %ge3A_458 : vector<16xi32>
    %lt3A_460 = arith.constant 384 : i32
    %lt3A_461 = vector.broadcast %lt3A_460 : i32 to vector<16xi32>
    %lt3A_462 = arith.cmpi slt, %add3A_443, %lt3A_461 : vector<16xi32>
    %and3A_463 = arith.andi %ge3A_459, %lt3A_462 : vector<16xi1>
    %select_n3A_464 = arith.select %and3A_463, %sub3A_431, %broadcast_in_dim3A_448 : vector<16xi1>, vector<16xf32>
    %ge3A_465 = arith.constant 0 : i32
    %ge3A_466 = vector.broadcast %ge3A_465 : i32 to vector<16xi32>
    %ge3A_467 = arith.cmpi sge, %select_n3A_429, %ge3A_466 : vector<16xi32>
    %lt3A_468 = arith.constant 384 : i32
    %lt3A_469 = vector.broadcast %lt3A_468 : i32 to vector<16xi32>
    %lt3A_470 = arith.cmpi slt, %select_n3A_429, %lt3A_469 : vector<16xi32>
    %and3A_471 = arith.andi %ge3A_467, %lt3A_470 : vector<16xi1>
    %select_n3A_472 = arith.select %and3A_471, %sub3A_440, %broadcast_in_dim3A_448 : vector<16xi1>, vector<16xf32>
    %ge3A_473 = arith.constant 0 : i32
    %ge3A_474 = vector.broadcast %ge3A_473 : i32 to vector<16xi32>
    %ge3A_475 = arith.cmpi sge, %add3A_446, %ge3A_474 : vector<16xi32>
    %lt3A_476 = arith.constant 384 : i32
    %lt3A_477 = vector.broadcast %lt3A_476 : i32 to vector<16xi32>
    %lt3A_478 = arith.cmpi slt, %add3A_446, %lt3A_477 : vector<16xi32>
    %and3A_479 = arith.andi %ge3A_475, %lt3A_478 : vector<16xi1>
    %select_n3A_480 = arith.select %and3A_479, %sub3A_436, %broadcast_in_dim3A_448 : vector<16xi1>, vector<16xf32>
    %jit3A_481 = arith.constant 0 : i32
    %jit3A_482 = arith.constant 383 : i32
    %max3A_483 = vector.broadcast %jit3A_481 : i32 to vector<16xi32>
    %max3A_484 = arith.maxsi %max3A_483, %select_n3A_421 : vector<16xi32>
    %min3A_485 = vector.broadcast %jit3A_482 : i32 to vector<16xi32>
    %min3A_486 = arith.minsi %min3A_485, %max3A_484 : vector<16xi32>
    %jit3A_487 = arith.constant 0 : i32
    %jit3A_488 = arith.constant 383 : i32
    %max3A_489 = vector.broadcast %jit3A_487 : i32 to vector<16xi32>
    %max3A_490 = arith.maxsi %max3A_489, %add3A_443 : vector<16xi32>
    %min3A_491 = vector.broadcast %jit3A_488 : i32 to vector<16xi32>
    %min3A_492 = arith.minsi %min3A_491, %max3A_490 : vector<16xi32>
    %jit3A_493 = arith.constant 0 : i32
    %jit3A_494 = arith.constant 383 : i32
    %max3A_495 = vector.broadcast %jit3A_493 : i32 to vector<16xi32>
    %max3A_496 = arith.maxsi %max3A_495, %select_n3A_429 : vector<16xi32>
    %min3A_497 = vector.broadcast %jit3A_494 : i32 to vector<16xi32>
    %min3A_498 = arith.minsi %min3A_497, %max3A_496 : vector<16xi32>
    %jit3A_499 = arith.constant 0 : i32
    %jit3A_500 = arith.constant 383 : i32
    %max3A_501 = vector.broadcast %jit3A_499 : i32 to vector<16xi32>
    %max3A_502 = arith.maxsi %max3A_501, %add3A_446 : vector<16xi32>
    %min3A_503 = vector.broadcast %jit3A_500 : i32 to vector<16xi32>
    %min3A_504 = arith.minsi %min3A_503, %max3A_502 : vector<16xi32>
    %mul3A_505 = arith.constant 384 : i32
    %mul3A_506 = vector.broadcast %mul3A_505 : i32 to vector<16xi32>
    %mul3A_507 = arith.muli %min3A_486, %mul3A_506 : vector<16xi32>
    %add3A_508 = vector.broadcast %mul3A_20 : i32 to vector<16xi32>
    %add3A_509 = arith.addi %add3A_508, %mul3A_507 : vector<16xi32>
    %mul3A_510 = arith.constant 384 : i32
    %mul3A_511 = vector.broadcast %mul3A_510 : i32 to vector<16xi32>
    %mul3A_512 = arith.muli %min3A_492, %mul3A_511 : vector<16xi32>
    %add3A_513 = vector.broadcast %mul3A_20 : i32 to vector<16xi32>
    %add3A_514 = arith.addi %add3A_513, %mul3A_512 : vector<16xi32>
    %add3A_515 = arith.addi %add3A_509, %min3A_498 : vector<16xi32>
    %swap3A_516 = arith.constant 0 : i32
    %swap3A_517 = arith.index_cast %swap3A_516 : i32 to index
    %swap3A_518 = arith.constant 32 : index
    %swap3A_519 = tpu.vector_load %arg6[%swap3A_517, %swap3A_518] {strides = array<i32>} : memref<2x64xi32, #tpu.memory_space<vmem>>, vector<16xi32>,
    tpu.vector_store %arg6[%swap3A_517, %swap3A_518], %add3A_515 {strides = array<i32>} : memref<2x64xi32, #tpu.memory_space<vmem>>, vector<16xi32>,
    %add3A_520 = arith.addi %add3A_509, %min3A_504 : vector<16xi32>
    %swap3A_521 = arith.constant 0 : i32
    %swap3A_522 = arith.index_cast %swap3A_521 : i32 to index
    %swap3A_523 = arith.constant 32 : index
    %swap3A_524 = tpu.vector_load %arg7[%swap3A_522, %swap3A_523] {strides = array<i32>} : memref<2x64xi32, #tpu.memory_space<vmem>>, vector<16xi32>,
    tpu.vector_store %arg7[%swap3A_522, %swap3A_523], %add3A_520 {strides = array<i32>} : memref<2x64xi32, #tpu.memory_space<vmem>>, vector<16xi32>,
    %add3A_525 = arith.addi %add3A_514, %min3A_498 : vector<16xi32>
    %swap3A_526 = arith.constant 0 : i32
    %swap3A_527 = arith.index_cast %swap3A_526 : i32 to index
    %swap3A_528 = arith.constant 32 : index
    %swap3A_529 = tpu.vector_load %arg8[%swap3A_527, %swap3A_528] {strides = array<i32>} : memref<2x64xi32, #tpu.memory_space<vmem>>, vector<16xi32>,
    tpu.vector_store %arg8[%swap3A_527, %swap3A_528], %add3A_525 {strides = array<i32>} : memref<2x64xi32, #tpu.memory_space<vmem>>, vector<16xi32>,
    %add3A_530 = arith.addi %add3A_514, %min3A_504 : vector<16xi32>
    %swap3A_531 = arith.constant 0 : i32
    %swap3A_532 = arith.index_cast %swap3A_531 : i32 to index
    %swap3A_533 = arith.constant 32 : index
    %swap3A_534 = tpu.vector_load %arg9[%swap3A_532, %swap3A_533] {strides = array<i32>} : memref<2x64xi32, #tpu.memory_space<vmem>>, vector<16xi32>,
    tpu.vector_store %arg9[%swap3A_532, %swap3A_533], %add3A_530 {strides = array<i32>} : memref<2x64xi32, #tpu.memory_space<vmem>>, vector<16xi32>,
    %mul3A_535 = arith.mulf %select_n3A_456, %select_n3A_472 : vector<16xf32>
    %swap3A_536 = arith.constant 0 : i32
    %swap3A_537 = arith.index_cast %swap3A_536 : i32 to index
    %swap3A_538 = arith.constant 32 : index
    %swap3A_539 = tpu.vector_load %arg10[%swap3A_537, %swap3A_538] {strides = array<i32>} : memref<2x64xf32, #tpu.memory_space<vmem>>, vector<16xf32>,
    tpu.vector_store %arg10[%swap3A_537, %swap3A_538], %mul3A_535 {strides = array<i32>} : memref<2x64xf32, #tpu.memory_space<vmem>>, vector<16xf32>,
    %mul3A_540 = arith.mulf %select_n3A_456, %select_n3A_480 : vector<16xf32>
    %swap3A_541 = arith.constant 0 : i32
    %swap3A_542 = arith.index_cast %swap3A_541 : i32 to index
    %swap3A_543 = arith.constant 32 : index
    %swap3A_544 = tpu.vector_load %arg11[%swap3A_542, %swap3A_543] {strides = array<i32>} : memref<2x64xf32, #tpu.memory_space<vmem>>, vector<16xf32>,
    tpu.vector_store %arg11[%swap3A_542, %swap3A_543], %mul3A_540 {strides = array<i32>} : memref<2x64xf32, #tpu.memory_space<vmem>>, vector<16xf32>,
    %mul3A_545 = arith.mulf %select_n3A_464, %select_n3A_472 : vector<16xf32>
    %swap3A_546 = arith.constant 0 : i32
    %swap3A_547 = arith.index_cast %swap3A_546 : i32 to index
    %swap3A_548 = arith.constant 32 : index
    %swap3A_549 = tpu.vector_load %arg12[%swap3A_547, %swap3A_548] {strides = array<i32>} : memref<2x64xf32, #tpu.memory_space<vmem>>, vector<16xf32>,
    tpu.vector_store %arg12[%swap3A_547, %swap3A_548], %mul3A_545 {strides = array<i32>} : memref<2x64xf32, #tpu.memory_space<vmem>>, vector<16xf32>,
    %mul3A_550 = arith.mulf %select_n3A_464, %select_n3A_480 : vector<16xf32>
    %swap3A_551 = arith.constant 0 : i32
    %swap3A_552 = arith.index_cast %swap3A_551 : i32 to index
    %swap3A_553 = arith.constant 32 : index
    %swap3A_554 = tpu.vector_load %arg13[%swap3A_552, %swap3A_553] {strides = array<i32>} : memref<2x64xf32, #tpu.memory_space<vmem>>, vector<16xf32>,
    tpu.vector_store %arg13[%swap3A_552, %swap3A_553], %mul3A_550 {strides = array<i32>} : memref<2x64xf32, #tpu.memory_space<vmem>>, vector<16xf32>,
    %add3A_555 = arith.constant 0 : i32
    %add3A_556 = vector.broadcast %add3A_555 : i32 to vector<16xi32>
    %add3A_557 = arith.addi %broadcast_in_dim3A_45, %add3A_556 : vector<16xi32>
    %mul3A_558 = arith.constant 2 : i32
    %mul3A_559 = vector.broadcast %mul3A_558 : i32 to vector<16xi32>
    %mul3A_560 = arith.muli %iota3A, %mul3A_559 : vector<16xi32>
    %add3A_561 = arith.constant 96 : i32
    %add3A_562 = vector.broadcast %add3A_561 : i32 to vector<16xi32>
    %add3A_563 = arith.addi %mul3A_560, %add3A_562 : vector<16xi32>
    %gather3A_564 = tpu.vector_load_idx %arg5[%add3A_557, %add3A_563] : memref<144x128xf32, #tpu.memory_space<vmem>>[vector<16xi32>, vector<16xi32>], vector<16xf32>,
    %add3A_565 = arith.constant 1 : i32
    %add3A_566 = vector.broadcast %add3A_565 : i32 to vector<16xi32>
    %add3A_567 = arith.addi %add3A_563, %add3A_566 : vector<16xi32>
    %gather3A_568 = tpu.vector_load_idx %arg5[%add3A_557, %add3A_567] : memref<144x128xf32, #tpu.memory_space<vmem>>[vector<16xi32>, vector<16xi32>], vector<16xf32>,
    %add3A_569 = arith.constant 1.000000e+00 : f32
    %add3A_570 = vector.broadcast %add3A_569 : f32 to vector<16xf32>
    %add3A_571 = arith.addf %gather3A_568, %add3A_570 : vector<16xf32>
    %mul3A_572 = arith.constant 1.920000e+02 : f32
    %mul3A_573 = vector.broadcast %mul3A_572 : f32 to vector<16xf32>
    %mul3A_574 = arith.mulf %add3A_571, %mul3A_573 : vector<16xf32>
    %sub3A_575 = arith.constant 5.000000e-01 : f32
    %sub3A_576 = vector.broadcast %sub3A_575 : f32 to vector<16xf32>
    %sub3A_577 = arith.subf %mul3A_574, %sub3A_576 : vector<16xf32>
    %add3A_578 = arith.constant 1.000000e+00 : f32
    %add3A_579 = vector.broadcast %add3A_578 : f32 to vector<16xf32>
    %add3A_580 = arith.addf %gather3A_564, %add3A_579 : vector<16xf32>
    %mul3A_581 = arith.constant 1.920000e+02 : f32
    %mul3A_582 = vector.broadcast %mul3A_581 : f32 to vector<16xf32>
    %mul3A_583 = arith.mulf %add3A_580, %mul3A_582 : vector<16xf32>
    %sub3A_584 = arith.constant 5.000000e-01 : f32
    %sub3A_585 = vector.broadcast %sub3A_584 : f32 to vector<16xf32>
    %sub3A_586 = arith.subf %mul3A_583, %sub3A_585 : vector<16xf32>
    %convert_element_type3A_587 = arith.fptosi %sub3A_577 : vector<16xf32> to vector<16xi32>
    %convert_element_type3A_588 = arith.sitofp %convert_element_type3A_587 : vector<16xi32> to vector<16xf32>
    %lt3A_589 = arith.cmpf olt, %sub3A_577, %convert_element_type3A_588 : vector<16xf32>
    %sub3A_590 = arith.constant 1 : i32
    %sub3A_591 = vector.broadcast %sub3A_590 : i32 to vector<16xi32>
    %sub3A_592 = arith.subi %convert_element_type3A_587, %sub3A_591 : vector<16xi32>
    %select_n3A_593 = arith.select %lt3A_589, %sub3A_592, %convert_element_type3A_587 : vector<16xi1>, vector<16xi32>
    %convert_element_type3A_594 = arith.sitofp %select_n3A_593 : vector<16xi32> to vector<16xf32>
    %convert_element_type3A_595 = arith.fptosi %sub3A_586 : vector<16xf32> to vector<16xi32>
    %convert_element_type3A_596 = arith.sitofp %convert_element_type3A_595 : vector<16xi32> to vector<16xf32>
    %lt3A_597 = arith.cmpf olt, %sub3A_586, %convert_element_type3A_596 : vector<16xf32>
    %sub3A_598 = arith.constant 1 : i32
    %sub3A_599 = vector.broadcast %sub3A_598 : i32 to vector<16xi32>
    %sub3A_600 = arith.subi %convert_element_type3A_595, %sub3A_599 : vector<16xi32>
    %select_n3A_601 = arith.select %lt3A_597, %sub3A_600, %convert_element_type3A_595 : vector<16xi1>, vector<16xi32>
    %convert_element_type3A_602 = arith.sitofp %select_n3A_601 : vector<16xi32> to vector<16xf32>
    %sub3A_603 = arith.subf %sub3A_577, %convert_element_type3A_594 : vector<16xf32>
    %add3A_604 = arith.constant 1.000000e+00 : f32
    %add3A_605 = vector.broadcast %add3A_604 : f32 to vector<16xf32>
    %add3A_606 = arith.addf %convert_element_type3A_594, %add3A_605 : vector<16xf32>
    %sub3A_607 = arith.subf %add3A_606, %sub3A_577 : vector<16xf32>
    %sub3A_608 = arith.subf %sub3A_586, %convert_element_type3A_602 : vector<16xf32>
    %add3A_609 = arith.constant 1.000000e+00 : f32
    %add3A_610 = vector.broadcast %add3A_609 : f32 to vector<16xf32>
    %add3A_611 = arith.addf %convert_element_type3A_602, %add3A_610 : vector<16xf32>
    %sub3A_612 = arith.subf %add3A_611, %sub3A_586 : vector<16xf32>
    %add3A_613 = arith.constant 1 : i32
    %add3A_614 = vector.broadcast %add3A_613 : i32 to vector<16xi32>
    %add3A_615 = arith.addi %select_n3A_593, %add3A_614 : vector<16xi32>
    %add3A_616 = arith.constant 1 : i32
    %add3A_617 = vector.broadcast %add3A_616 : i32 to vector<16xi32>
    %add3A_618 = arith.addi %select_n3A_601, %add3A_617 : vector<16xi32>
    %broadcast_in_dim3A_619 = arith.constant 0.000000e+00 : f32
    %broadcast_in_dim3A_620 = vector.broadcast %broadcast_in_dim3A_619 : f32 to vector<16xf32>
    %ge3A_621 = arith.constant 0 : i32
    %ge3A_622 = vector.broadcast %ge3A_621 : i32 to vector<16xi32>
    %ge3A_623 = arith.cmpi sge, %select_n3A_593, %ge3A_622 : vector<16xi32>
    %lt3A_624 = arith.constant 384 : i32
    %lt3A_625 = vector.broadcast %lt3A_624 : i32 to vector<16xi32>
    %lt3A_626 = arith.cmpi slt, %select_n3A_593, %lt3A_625 : vector<16xi32>
    %and3A_627 = arith.andi %ge3A_623, %lt3A_626 : vector<16xi1>
    %select_n3A_628 = arith.select %and3A_627, %sub3A_607, %broadcast_in_dim3A_620 : vector<16xi1>, vector<16xf32>
    %ge3A_629 = arith.constant 0 : i32
    %ge3A_630 = vector.broadcast %ge3A_629 : i32 to vector<16xi32>
    %ge3A_631 = arith.cmpi sge, %add3A_615, %ge3A_630 : vector<16xi32>
    %lt3A_632 = arith.constant 384 : i32
    %lt3A_633 = vector.broadcast %lt3A_632 : i32 to vector<16xi32>
    %lt3A_634 = arith.cmpi slt, %add3A_615, %lt3A_633 : vector<16xi32>
    %and3A_635 = arith.andi %ge3A_631, %lt3A_634 : vector<16xi1>
    %select_n3A_636 = arith.select %and3A_635, %sub3A_603, %broadcast_in_dim3A_620 : vector<16xi1>, vector<16xf32>
    %ge3A_637 = arith.constant 0 : i32
    %ge3A_638 = vector.broadcast %ge3A_637 : i32 to vector<16xi32>
    %ge3A_639 = arith.cmpi sge, %select_n3A_601, %ge3A_638 : vector<16xi32>
    %lt3A_640 = arith.constant 384 : i32
    %lt3A_641 = vector.broadcast %lt3A_640 : i32 to vector<16xi32>
    %lt3A_642 = arith.cmpi slt, %select_n3A_601, %lt3A_641 : vector<16xi32>
    %and3A_643 = arith.andi %ge3A_639, %lt3A_642 : vector<16xi1>
    %select_n3A_644 = arith.select %and3A_643, %sub3A_612, %broadcast_in_dim3A_620 : vector<16xi1>, vector<16xf32>
    %ge3A_645 = arith.constant 0 : i32
    %ge3A_646 = vector.broadcast %ge3A_645 : i32 to vector<16xi32>
    %ge3A_647 = arith.cmpi sge, %add3A_618, %ge3A_646 : vector<16xi32>
    %lt3A_648 = arith.constant 384 : i32
    %lt3A_649 = vector.broadcast %lt3A_648 : i32 to vector<16xi32>
    %lt3A_650 = arith.cmpi slt, %add3A_618, %lt3A_649 : vector<16xi32>
    %and3A_651 = arith.andi %ge3A_647, %lt3A_650 : vector<16xi1>
    %select_n3A_652 = arith.select %and3A_651, %sub3A_608, %broadcast_in_dim3A_620 : vector<16xi1>, vector<16xf32>
    %jit3A_653 = arith.constant 0 : i32
    %jit3A_654 = arith.constant 383 : i32
    %max3A_655 = vector.broadcast %jit3A_653 : i32 to vector<16xi32>
    %max3A_656 = arith.maxsi %max3A_655, %select_n3A_593 : vector<16xi32>
    %min3A_657 = vector.broadcast %jit3A_654 : i32 to vector<16xi32>
    %min3A_658 = arith.minsi %min3A_657, %max3A_656 : vector<16xi32>
    %jit3A_659 = arith.constant 0 : i32
    %jit3A_660 = arith.constant 383 : i32
    %max3A_661 = vector.broadcast %jit3A_659 : i32 to vector<16xi32>
    %max3A_662 = arith.maxsi %max3A_661, %add3A_615 : vector<16xi32>
    %min3A_663 = vector.broadcast %jit3A_660 : i32 to vector<16xi32>
    %min3A_664 = arith.minsi %min3A_663, %max3A_662 : vector<16xi32>
    %jit3A_665 = arith.constant 0 : i32
    %jit3A_666 = arith.constant 383 : i32
    %max3A_667 = vector.broadcast %jit3A_665 : i32 to vector<16xi32>
    %max3A_668 = arith.maxsi %max3A_667, %select_n3A_601 : vector<16xi32>
    %min3A_669 = vector.broadcast %jit3A_666 : i32 to vector<16xi32>
    %min3A_670 = arith.minsi %min3A_669, %max3A_668 : vector<16xi32>
    %jit3A_671 = arith.constant 0 : i32
    %jit3A_672 = arith.constant 383 : i32
    %max3A_673 = vector.broadcast %jit3A_671 : i32 to vector<16xi32>
    %max3A_674 = arith.maxsi %max3A_673, %add3A_618 : vector<16xi32>
    %min3A_675 = vector.broadcast %jit3A_672 : i32 to vector<16xi32>
    %min3A_676 = arith.minsi %min3A_675, %max3A_674 : vector<16xi32>
    %mul3A_677 = arith.constant 384 : i32
    %mul3A_678 = vector.broadcast %mul3A_677 : i32 to vector<16xi32>
    %mul3A_679 = arith.muli %min3A_658, %mul3A_678 : vector<16xi32>
    %add3A_680 = vector.broadcast %mul3A_20 : i32 to vector<16xi32>
    %add3A_681 = arith.addi %add3A_680, %mul3A_679 : vector<16xi32>
    %mul3A_682 = arith.constant 384 : i32
    %mul3A_683 = vector.broadcast %mul3A_682 : i32 to vector<16xi32>
    %mul3A_684 = arith.muli %min3A_664, %mul3A_683 : vector<16xi32>
    %add3A_685 = vector.broadcast %mul3A_20 : i32 to vector<16xi32>
    %add3A_686 = arith.addi %add3A_685, %mul3A_684 : vector<16xi32>
    %add3A_687 = arith.addi %add3A_681, %min3A_670 : vector<16xi32>
    %swap3A_688 = arith.constant 0 : i32
    %swap3A_689 = arith.index_cast %swap3A_688 : i32 to index
    %swap3A_690 = arith.constant 48 : index
    %swap3A_691 = tpu.vector_load %arg6[%swap3A_689, %swap3A_690] {strides = array<i32>} : memref<2x64xi32, #tpu.memory_space<vmem>>, vector<16xi32>,
    tpu.vector_store %arg6[%swap3A_689, %swap3A_690], %add3A_687 {strides = array<i32>} : memref<2x64xi32, #tpu.memory_space<vmem>>, vector<16xi32>,
    %add3A_692 = arith.addi %add3A_681, %min3A_676 : vector<16xi32>
    %swap3A_693 = arith.constant 0 : i32
    %swap3A_694 = arith.index_cast %swap3A_693 : i32 to index
    %swap3A_695 = arith.constant 48 : index
    %swap3A_696 = tpu.vector_load %arg7[%swap3A_694, %swap3A_695] {strides = array<i32>} : memref<2x64xi32, #tpu.memory_space<vmem>>, vector<16xi32>,
    tpu.vector_store %arg7[%swap3A_694, %swap3A_695], %add3A_692 {strides = array<i32>} : memref<2x64xi32, #tpu.memory_space<vmem>>, vector<16xi32>,
    %add3A_697 = arith.addi %add3A_686, %min3A_670 : vector<16xi32>
    %swap3A_698 = arith.constant 0 : i32
    %swap3A_699 = arith.index_cast %swap3A_698 : i32 to index
    %swap3A_700 = arith.constant 48 : index
    %swap3A_701 = tpu.vector_load %arg8[%swap3A_699, %swap3A_700] {strides = array<i32>} : memref<2x64xi32, #tpu.memory_space<vmem>>, vector<16xi32>,
    tpu.vector_store %arg8[%swap3A_699, %swap3A_700], %add3A_697 {strides = array<i32>} : memref<2x64xi32, #tpu.memory_space<vmem>>, vector<16xi32>,
    %add3A_702 = arith.addi %add3A_686, %min3A_676 : vector<16xi32>
    %swap3A_703 = arith.constant 0 : i32
    %swap3A_704 = arith.index_cast %swap3A_703 : i32 to index
    %swap3A_705 = arith.constant 48 : index
    %swap3A_706 = tpu.vector_load %arg9[%swap3A_704, %swap3A_705] {strides = array<i32>} : memref<2x64xi32, #tpu.memory_space<vmem>>, vector<16xi32>,
    tpu.vector_store %arg9[%swap3A_704, %swap3A_705], %add3A_702 {strides = array<i32>} : memref<2x64xi32, #tpu.memory_space<vmem>>, vector<16xi32>,
    %mul3A_707 = arith.mulf %select_n3A_628, %select_n3A_644 : vector<16xf32>
    %swap3A_708 = arith.constant 0 : i32
    %swap3A_709 = arith.index_cast %swap3A_708 : i32 to index
    %swap3A_710 = arith.constant 48 : index
    %swap3A_711 = tpu.vector_load %arg10[%swap3A_709, %swap3A_710] {strides = array<i32>} : memref<2x64xf32, #tpu.memory_space<vmem>>, vector<16xf32>,
    tpu.vector_store %arg10[%swap3A_709, %swap3A_710], %mul3A_707 {strides = array<i32>} : memref<2x64xf32, #tpu.memory_space<vmem>>, vector<16xf32>,
    %mul3A_712 = arith.mulf %select_n3A_628, %select_n3A_652 : vector<16xf32>
    %swap3A_713 = arith.constant 0 : i32
    %swap3A_714 = arith.index_cast %swap3A_713 : i32 to index
    %swap3A_715 = arith.constant 48 : index
    %swap3A_716 = tpu.vector_load %arg11[%swap3A_714, %swap3A_715] {strides = array<i32>} : memref<2x64xf32, #tpu.memory_space<vmem>>, vector<16xf32>,
    tpu.vector_store %arg11[%swap3A_714, %swap3A_715], %mul3A_712 {strides = array<i32>} : memref<2x64xf32, #tpu.memory_space<vmem>>, vector<16xf32>,
    %mul3A_717 = arith.mulf %select_n3A_636, %select_n3A_644 : vector<16xf32>
    %swap3A_718 = arith.constant 0 : i32
    %swap3A_719 = arith.index_cast %swap3A_718 : i32 to index
    %swap3A_720 = arith.constant 48 : index
    %swap3A_721 = tpu.vector_load %arg12[%swap3A_719, %swap3A_720] {strides = array<i32>} : memref<2x64xf32, #tpu.memory_space<vmem>>, vector<16xf32>,
    tpu.vector_store %arg12[%swap3A_719, %swap3A_720], %mul3A_717 {strides = array<i32>} : memref<2x64xf32, #tpu.memory_space<vmem>>, vector<16xf32>,
    %mul3A_722 = arith.mulf %select_n3A_636, %select_n3A_652 : vector<16xf32>
    %swap3A_723 = arith.constant 0 : i32
    %swap3A_724 = arith.index_cast %swap3A_723 : i32 to index
    %swap3A_725 = arith.constant 48 : index
    %swap3A_726 = tpu.vector_load %arg13[%swap3A_724, %swap3A_725] {strides = array<i32>} : memref<2x64xf32, #tpu.memory_space<vmem>>, vector<16xf32>,
    tpu.vector_store %arg13[%swap3A_724, %swap3A_725], %mul3A_722 {strides = array<i32>} : memref<2x64xf32, #tpu.memory_space<vmem>>, vector<16xf32>,
    %dma_start3A = arith.constant 0 : i32
    %dma_start3A_727 = arith.constant 0 : i32
    %dma_start3A_728 = arith.constant 0 : i32
    %dma_start3A_729 = arith.constant 0 : i32
    %dma_start3A_730 = tpu.memref_slice %arg14[%dma_start3A_727, %dma_start3A_728, %dma_start3A_729] : memref<2x64x128xf32, #tpu.memory_space<vmem>> -> memref<1x64x128xf32, #tpu.memory_space<vmem>>
    %dma_start3A_731 = tpu.memref_squeeze %dma_start3A_730 : memref<1x64x128xf32, #tpu.memory_space<vmem>> -> memref<64x128xf32, #tpu.memory_space<vmem>>
    %dma_start3A_732 = arith.constant 0 : i32
    %dma_start3A_733 = tpu.memref_slice %arg6[%dma_start3A, %dma_start3A_732] : memref<2x64xi32, #tpu.memory_space<vmem>> -> memref<1x64xi32, #tpu.memory_space<vmem>>
    %dma_start3A_734 = tpu.memref_squeeze %dma_start3A_733 : memref<1x64xi32, #tpu.memory_space<vmem>> -> memref<64xi32, #tpu.memory_space<vmem>>
    %dma_start3A_735 = arith.constant 0 : i32
    %dma_start3A_736 = arith.constant 0 : i32
    %dma_start3A_737 = tpu.memref_slice %arg2[%dma_start3A_735, %dma_start3A_736] : memref<294912x128xf32, #tpu.memory_space<hbm>> -> memref<294912x128xf32, #tpu.memory_space<hbm>>
    tpu.enqueue_indirect_dma source(%dma_start3A_737 : memref<294912x128xf32, #tpu.memory_space<hbm>>) target(%dma_start3A_731 : memref<64x128xf32, #tpu.memory_space<vmem>>) offsets(%dma_start3A_734 : memref<64xi32, #tpu.memory_space<vmem>>) semaphore(%arg19 : memref<!tpu.dma_semaphore, #tpu.memory_space<semaphore_mem>>)
    %dma_start3A_738 = arith.constant 0 : i32
    %dma_start3A_739 = arith.constant 0 : i32
    %dma_start3A_740 = arith.constant 0 : i32
    %dma_start3A_741 = arith.constant 0 : i32
    %dma_start3A_742 = tpu.memref_slice %arg15[%dma_start3A_739, %dma_start3A_740, %dma_start3A_741] : memref<2x64x128xf32, #tpu.memory_space<vmem>> -> memref<1x64x128xf32, #tpu.memory_space<vmem>>
    %dma_start3A_743 = tpu.memref_squeeze %dma_start3A_742 : memref<1x64x128xf32, #tpu.memory_space<vmem>> -> memref<64x128xf32, #tpu.memory_space<vmem>>
    %dma_start3A_744 = arith.constant 0 : i32
    %dma_start3A_745 = tpu.memref_slice %arg7[%dma_start3A_738, %dma_start3A_744] : memref<2x64xi32, #tpu.memory_space<vmem>> -> memref<1x64xi32, #tpu.memory_space<vmem>>
    %dma_start3A_746 = tpu.memref_squeeze %dma_start3A_745 : memref<1x64xi32, #tpu.memory_space<vmem>> -> memref<64xi32, #tpu.memory_space<vmem>>
    %dma_start3A_747 = arith.constant 0 : i32
    %dma_start3A_748 = arith.constant 0 : i32
    %dma_start3A_749 = tpu.memref_slice %arg2[%dma_start3A_747, %dma_start3A_748] : memref<294912x128xf32, #tpu.memory_space<hbm>> -> memref<294912x128xf32, #tpu.memory_space<hbm>>
    tpu.enqueue_indirect_dma source(%dma_start3A_749 : memref<294912x128xf32, #tpu.memory_space<hbm>>) target(%dma_start3A_743 : memref<64x128xf32, #tpu.memory_space<vmem>>) offsets(%dma_start3A_746 : memref<64xi32, #tpu.memory_space<vmem>>) semaphore(%arg19 : memref<!tpu.dma_semaphore, #tpu.memory_space<semaphore_mem>>)
    %dma_start3A_750 = arith.constant 0 : i32
    %dma_start3A_751 = arith.constant 0 : i32
    %dma_start3A_752 = arith.constant 0 : i32
    %dma_start3A_753 = arith.constant 0 : i32
    %dma_start3A_754 = tpu.memref_slice %arg16[%dma_start3A_751, %dma_start3A_752, %dma_start3A_753] : memref<2x64x128xf32, #tpu.memory_space<vmem>> -> memref<1x64x128xf32, #tpu.memory_space<vmem>>
    %dma_start3A_755 = tpu.memref_squeeze %dma_start3A_754 : memref<1x64x128xf32, #tpu.memory_space<vmem>> -> memref<64x128xf32, #tpu.memory_space<vmem>>
    %dma_start3A_756 = arith.constant 0 : i32
    %dma_start3A_757 = tpu.memref_slice %arg8[%dma_start3A_750, %dma_start3A_756] : memref<2x64xi32, #tpu.memory_space<vmem>> -> memref<1x64xi32, #tpu.memory_space<vmem>>
    %dma_start3A_758 = tpu.memref_squeeze %dma_start3A_757 : memref<1x64xi32, #tpu.memory_space<vmem>> -> memref<64xi32, #tpu.memory_space<vmem>>
    %dma_start3A_759 = arith.constant 0 : i32
    %dma_start3A_760 = arith.constant 0 : i32
    %dma_start3A_761 = tpu.memref_slice %arg2[%dma_start3A_759, %dma_start3A_760] : memref<294912x128xf32, #tpu.memory_space<hbm>> -> memref<294912x128xf32, #tpu.memory_space<hbm>>
    tpu.enqueue_indirect_dma source(%dma_start3A_761 : memref<294912x128xf32, #tpu.memory_space<hbm>>) target(%dma_start3A_755 : memref<64x128xf32, #tpu.memory_space<vmem>>) offsets(%dma_start3A_758 : memref<64xi32, #tpu.memory_space<vmem>>) semaphore(%arg19 : memref<!tpu.dma_semaphore, #tpu.memory_space<semaphore_mem>>)
    %dma_start3A_762 = arith.constant 0 : i32
    %dma_start3A_763 = arith.constant 0 : i32
    %dma_start3A_764 = arith.constant 0 : i32
    %dma_start3A_765 = arith.constant 0 : i32
    %dma_start3A_766 = tpu.memref_slice %arg17[%dma_start3A_763, %dma_start3A_764, %dma_start3A_765] : memref<2x64x128xf32, #tpu.memory_space<vmem>> -> memref<1x64x128xf32, #tpu.memory_space<vmem>>
    %dma_start3A_767 = tpu.memref_squeeze %dma_start3A_766 : memref<1x64x128xf32, #tpu.memory_space<vmem>> -> memref<64x128xf32, #tpu.memory_space<vmem>>
    %dma_start3A_768 = arith.constant 0 : i32
    %dma_start3A_769 = tpu.memref_slice %arg9[%dma_start3A_762, %dma_start3A_768] : memref<2x64xi32, #tpu.memory_space<vmem>> -> memref<1x64xi32, #tpu.memory_space<vmem>>
    %dma_start3A_770 = tpu.memref_squeeze %dma_start3A_769 : memref<1x64xi32, #tpu.memory_space<vmem>> -> memref<64xi32, #tpu.memory_space<vmem>>
    %dma_start3A_771 = arith.constant 0 : i32
    %dma_start3A_772 = arith.constant 0 : i32
    %dma_start3A_773 = tpu.memref_slice %arg2[%dma_start3A_771, %dma_start3A_772] : memref<294912x128xf32, #tpu.memory_space<hbm>> -> memref<294912x128xf32, #tpu.memory_space<hbm>>
    tpu.enqueue_indirect_dma source(%dma_start3A_773 : memref<294912x128xf32, #tpu.memory_space<hbm>>) target(%dma_start3A_767 : memref<64x128xf32, #tpu.memory_space<vmem>>) offsets(%dma_start3A_770 : memref<64xi32, #tpu.memory_space<vmem>>) semaphore(%arg19 : memref<!tpu.dma_semaphore, #tpu.memory_space<semaphore_mem>>)
    %scan3A = arith.constant 0 : i32
    %scan3A_774 = arith.constant 0 : i32
    %scan3A_775 = arith.constant 72 : i32
    %scan3A_776 = arith.addi %scan3A_774, %scan3A_775 : i32
    %scan3A_777 = arith.constant 1 : i32
    scf.for %scan3A_808 = %scan3A_774 to %scan3A_776 step %scan3A_777  : i32 {
      %mul3A_809 = arith.constant 2 : i32
      %mul3A_810 = arith.muli %mul3A_809, %scan3A_808 : i32
      %add3A_811 = arith.constant 1 : i32
      %add3A_812 = arith.addi %mul3A_810, %add3A_811 : i32
      %add3A_813 = vector.broadcast %add3A_812 : i32 to vector<16xi32>
      %add3A_814 = arith.addi %broadcast_in_dim3A_45, %add3A_813 : vector<16xi32>
      %mul3A_815 = arith.constant 2 : i32
      %mul3A_816 = vector.broadcast %mul3A_815 : i32 to vector<16xi32>
      %mul3A_817 = arith.muli %iota3A, %mul3A_816 : vector<16xi32>
      %add3A_818 = arith.constant 0 : i32
      %add3A_819 = vector.broadcast %add3A_818 : i32 to vector<16xi32>
      %add3A_820 = arith.addi %mul3A_817, %add3A_819 : vector<16xi32>
      %gather3A_821 = tpu.vector_load_idx %arg5[%add3A_814, %add3A_820] : memref<144x128xf32, #tpu.memory_space<vmem>>[vector<16xi32>, vector<16xi32>], vector<16xf32>,
      %add3A_822 = arith.constant 1 : i32
      %add3A_823 = vector.broadcast %add3A_822 : i32 to vector<16xi32>
      %add3A_824 = arith.addi %add3A_820, %add3A_823 : vector<16xi32>
      %gather3A_825 = tpu.vector_load_idx %arg5[%add3A_814, %add3A_824] : memref<144x128xf32, #tpu.memory_space<vmem>>[vector<16xi32>, vector<16xi32>], vector<16xf32>,
      %add3A_826 = arith.constant 1.000000e+00 : f32
      %add3A_827 = vector.broadcast %add3A_826 : f32 to vector<16xf32>
      %add3A_828 = arith.addf %gather3A_825, %add3A_827 : vector<16xf32>
      %mul3A_829 = arith.constant 1.920000e+02 : f32
      %mul3A_830 = vector.broadcast %mul3A_829 : f32 to vector<16xf32>
      %mul3A_831 = arith.mulf %add3A_828, %mul3A_830 : vector<16xf32>
      %sub3A_832 = arith.constant 5.000000e-01 : f32
      %sub3A_833 = vector.broadcast %sub3A_832 : f32 to vector<16xf32>
      %sub3A_834 = arith.subf %mul3A_831, %sub3A_833 : vector<16xf32>
      %add3A_835 = arith.constant 1.000000e+00 : f32
      %add3A_836 = vector.broadcast %add3A_835 : f32 to vector<16xf32>
      %add3A_837 = arith.addf %gather3A_821, %add3A_836 : vector<16xf32>
      %mul3A_838 = arith.constant 1.920000e+02 : f32
      %mul3A_839 = vector.broadcast %mul3A_838 : f32 to vector<16xf32>
      %mul3A_840 = arith.mulf %add3A_837, %mul3A_839 : vector<16xf32>
      %sub3A_841 = arith.constant 5.000000e-01 : f32
      %sub3A_842 = vector.broadcast %sub3A_841 : f32 to vector<16xf32>
      %sub3A_843 = arith.subf %mul3A_840, %sub3A_842 : vector<16xf32>
      %convert_element_type3A_844 = arith.fptosi %sub3A_834 : vector<16xf32> to vector<16xi32>
      %convert_element_type3A_845 = arith.sitofp %convert_element_type3A_844 : vector<16xi32> to vector<16xf32>
      %lt3A_846 = arith.cmpf olt, %sub3A_834, %convert_element_type3A_845 : vector<16xf32>
      %sub3A_847 = arith.constant 1 : i32
      %sub3A_848 = vector.broadcast %sub3A_847 : i32 to vector<16xi32>
      %sub3A_849 = arith.subi %convert_element_type3A_844, %sub3A_848 : vector<16xi32>
      %select_n3A_850 = arith.select %lt3A_846, %sub3A_849, %convert_element_type3A_844 : vector<16xi1>, vector<16xi32>
      %convert_element_type3A_851 = arith.sitofp %select_n3A_850 : vector<16xi32> to vector<16xf32>
      %convert_element_type3A_852 = arith.fptosi %sub3A_843 : vector<16xf32> to vector<16xi32>
      %convert_element_type3A_853 = arith.sitofp %convert_element_type3A_852 : vector<16xi32> to vector<16xf32>
      %lt3A_854 = arith.cmpf olt, %sub3A_843, %convert_element_type3A_853 : vector<16xf32>
      %sub3A_855 = arith.constant 1 : i32
      %sub3A_856 = vector.broadcast %sub3A_855 : i32 to vector<16xi32>
      %sub3A_857 = arith.subi %convert_element_type3A_852, %sub3A_856 : vector<16xi32>
      %select_n3A_858 = arith.select %lt3A_854, %sub3A_857, %convert_element_type3A_852 : vector<16xi1>, vector<16xi32>
      %convert_element_type3A_859 = arith.sitofp %select_n3A_858 : vector<16xi32> to vector<16xf32>
      %sub3A_860 = arith.subf %sub3A_834, %convert_element_type3A_851 : vector<16xf32>
      %add3A_861 = arith.constant 1.000000e+00 : f32
      %add3A_862 = vector.broadcast %add3A_861 : f32 to vector<16xf32>
      %add3A_863 = arith.addf %convert_element_type3A_851, %add3A_862 : vector<16xf32>
      %sub3A_864 = arith.subf %add3A_863, %sub3A_834 : vector<16xf32>
      %sub3A_865 = arith.subf %sub3A_843, %convert_element_type3A_859 : vector<16xf32>
      %add3A_866 = arith.constant 1.000000e+00 : f32
      %add3A_867 = vector.broadcast %add3A_866 : f32 to vector<16xf32>
      %add3A_868 = arith.addf %convert_element_type3A_859, %add3A_867 : vector<16xf32>
      %sub3A_869 = arith.subf %add3A_868, %sub3A_843 : vector<16xf32>
      %add3A_870 = arith.constant 1 : i32
      %add3A_871 = vector.broadcast %add3A_870 : i32 to vector<16xi32>
      %add3A_872 = arith.addi %select_n3A_850, %add3A_871 : vector<16xi32>
      %add3A_873 = arith.constant 1 : i32
      %add3A_874 = vector.broadcast %add3A_873 : i32 to vector<16xi32>
      %add3A_875 = arith.addi %select_n3A_858, %add3A_874 : vector<16xi32>
      %broadcast_in_dim3A_876 = arith.constant 0.000000e+00 : f32
      %broadcast_in_dim3A_877 = vector.broadcast %broadcast_in_dim3A_876 : f32 to vector<16xf32>
      %ge3A_878 = arith.constant 0 : i32
      %ge3A_879 = vector.broadcast %ge3A_878 : i32 to vector<16xi32>
      %ge3A_880 = arith.cmpi sge, %select_n3A_850, %ge3A_879 : vector<16xi32>
      %lt3A_881 = arith.constant 384 : i32
      %lt3A_882 = vector.broadcast %lt3A_881 : i32 to vector<16xi32>
      %lt3A_883 = arith.cmpi slt, %select_n3A_850, %lt3A_882 : vector<16xi32>
      %and3A_884 = arith.andi %ge3A_880, %lt3A_883 : vector<16xi1>
      %select_n3A_885 = arith.select %and3A_884, %sub3A_864, %broadcast_in_dim3A_877 : vector<16xi1>, vector<16xf32>
      %ge3A_886 = arith.constant 0 : i32
      %ge3A_887 = vector.broadcast %ge3A_886 : i32 to vector<16xi32>
      %ge3A_888 = arith.cmpi sge, %add3A_872, %ge3A_887 : vector<16xi32>
      %lt3A_889 = arith.constant 384 : i32
      %lt3A_890 = vector.broadcast %lt3A_889 : i32 to vector<16xi32>
      %lt3A_891 = arith.cmpi slt, %add3A_872, %lt3A_890 : vector<16xi32>
      %and3A_892 = arith.andi %ge3A_888, %lt3A_891 : vector<16xi1>
      %select_n3A_893 = arith.select %and3A_892, %sub3A_860, %broadcast_in_dim3A_877 : vector<16xi1>, vector<16xf32>
      %ge3A_894 = arith.constant 0 : i32
      %ge3A_895 = vector.broadcast %ge3A_894 : i32 to vector<16xi32>
      %ge3A_896 = arith.cmpi sge, %select_n3A_858, %ge3A_895 : vector<16xi32>
      %lt3A_897 = arith.constant 384 : i32
      %lt3A_898 = vector.broadcast %lt3A_897 : i32 to vector<16xi32>
      %lt3A_899 = arith.cmpi slt, %select_n3A_858, %lt3A_898 : vector<16xi32>
      %and3A_900 = arith.andi %ge3A_896, %lt3A_899 : vector<16xi1>
      %select_n3A_901 = arith.select %and3A_900, %sub3A_869, %broadcast_in_dim3A_877 : vector<16xi1>, vector<16xf32>
      %ge3A_902 = arith.constant 0 : i32
      %ge3A_903 = vector.broadcast %ge3A_902 : i32 to vector<16xi32>
      %ge3A_904 = arith.cmpi sge, %add3A_875, %ge3A_903 : vector<16xi32>
      %lt3A_905 = arith.constant 384 : i32
      %lt3A_906 = vector.broadcast %lt3A_905 : i32 to vector<16xi32>
      %lt3A_907 = arith.cmpi slt, %add3A_875, %lt3A_906 : vector<16xi32>
      %and3A_908 = arith.andi %ge3A_904, %lt3A_907 : vector<16xi1>
      %select_n3A_909 = arith.select %and3A_908, %sub3A_865, %broadcast_in_dim3A_877 : vector<16xi1>, vector<16xf32>
      %jit3A_910 = arith.constant 0 : i32
      %jit3A_911 = arith.constant 383 : i32
      %max3A_912 = vector.broadcast %jit3A_910 : i32 to vector<16xi32>
      %max3A_913 = arith.maxsi %max3A_912, %select_n3A_850 : vector<16xi32>
      %min3A_914 = vector.broadcast %jit3A_911 : i32 to vector<16xi32>
      %min3A_915 = arith.minsi %min3A_914, %max3A_913 : vector<16xi32>
      %jit3A_916 = arith.constant 0 : i32
      %jit3A_917 = arith.constant 383 : i32
      %max3A_918 = vector.broadcast %jit3A_916 : i32 to vector<16xi32>
      %max3A_919 = arith.maxsi %max3A_918, %add3A_872 : vector<16xi32>
      %min3A_920 = vector.broadcast %jit3A_917 : i32 to vector<16xi32>
      %min3A_921 = arith.minsi %min3A_920, %max3A_919 : vector<16xi32>
      %jit3A_922 = arith.constant 0 : i32
      %jit3A_923 = arith.constant 383 : i32
      %max3A_924 = vector.broadcast %jit3A_922 : i32 to vector<16xi32>
      %max3A_925 = arith.maxsi %max3A_924, %select_n3A_858 : vector<16xi32>
      %min3A_926 = vector.broadcast %jit3A_923 : i32 to vector<16xi32>
      %min3A_927 = arith.minsi %min3A_926, %max3A_925 : vector<16xi32>
      %jit3A_928 = arith.constant 0 : i32
      %jit3A_929 = arith.constant 383 : i32
      %max3A_930 = vector.broadcast %jit3A_928 : i32 to vector<16xi32>
      %max3A_931 = arith.maxsi %max3A_930, %add3A_875 : vector<16xi32>
      %min3A_932 = vector.broadcast %jit3A_929 : i32 to vector<16xi32>
      %min3A_933 = arith.minsi %min3A_932, %max3A_931 : vector<16xi32>
      %mul3A_934 = arith.constant 384 : i32
      %mul3A_935 = vector.broadcast %mul3A_934 : i32 to vector<16xi32>
      %mul3A_936 = arith.muli %min3A_915, %mul3A_935 : vector<16xi32>
      %add3A_937 = vector.broadcast %mul3A_20 : i32 to vector<16xi32>
      %add3A_938 = arith.addi %add3A_937, %mul3A_936 : vector<16xi32>
      %mul3A_939 = arith.constant 384 : i32
      %mul3A_940 = vector.broadcast %mul3A_939 : i32 to vector<16xi32>
      %mul3A_941 = arith.muli %min3A_921, %mul3A_940 : vector<16xi32>
      %add3A_942 = vector.broadcast %mul3A_20 : i32 to vector<16xi32>
      %add3A_943 = arith.addi %add3A_942, %mul3A_941 : vector<16xi32>
      %add3A_944 = arith.addi %add3A_938, %min3A_927 : vector<16xi32>
      %swap3A_945 = arith.constant 1 : i32
      %swap3A_946 = arith.index_cast %swap3A_945 : i32 to index
      %swap3A_947 = arith.constant 0 : index
      %swap3A_948 = tpu.vector_load %arg6[%swap3A_946, %swap3A_947] {strides = array<i32>} : memref<2x64xi32, #tpu.memory_space<vmem>>, vector<16xi32>,
      tpu.vector_store %arg6[%swap3A_946, %swap3A_947], %add3A_944 {strides = array<i32>} : memref<2x64xi32, #tpu.memory_space<vmem>>, vector<16xi32>,
      %add3A_949 = arith.addi %add3A_938, %min3A_933 : vector<16xi32>
      %swap3A_950 = arith.constant 1 : i32
      %swap3A_951 = arith.index_cast %swap3A_950 : i32 to index
      %swap3A_952 = arith.constant 0 : index
      %swap3A_953 = tpu.vector_load %arg7[%swap3A_951, %swap3A_952] {strides = array<i32>} : memref<2x64xi32, #tpu.memory_space<vmem>>, vector<16xi32>,
      tpu.vector_store %arg7[%swap3A_951, %swap3A_952], %add3A_949 {strides = array<i32>} : memref<2x64xi32, #tpu.memory_space<vmem>>, vector<16xi32>,
      %add3A_954 = arith.addi %add3A_943, %min3A_927 : vector<16xi32>
      %swap3A_955 = arith.constant 1 : i32
      %swap3A_956 = arith.index_cast %swap3A_955 : i32 to index
      %swap3A_957 = arith.constant 0 : index
      %swap3A_958 = tpu.vector_load %arg8[%swap3A_956, %swap3A_957] {strides = array<i32>} : memref<2x64xi32, #tpu.memory_space<vmem>>, vector<16xi32>,
      tpu.vector_store %arg8[%swap3A_956, %swap3A_957], %add3A_954 {strides = array<i32>} : memref<2x64xi32, #tpu.memory_space<vmem>>, vector<16xi32>,
      %add3A_959 = arith.addi %add3A_943, %min3A_933 : vector<16xi32>
      %swap3A_960 = arith.constant 1 : i32
      %swap3A_961 = arith.index_cast %swap3A_960 : i32 to index
      %swap3A_962 = arith.constant 0 : index
      %swap3A_963 = tpu.vector_load %arg9[%swap3A_961, %swap3A_962] {strides = array<i32>} : memref<2x64xi32, #tpu.memory_space<vmem>>, vector<16xi32>,
      tpu.vector_store %arg9[%swap3A_961, %swap3A_962], %add3A_959 {strides = array<i32>} : memref<2x64xi32, #tpu.memory_space<vmem>>, vector<16xi32>,
      %mul3A_964 = arith.mulf %select_n3A_885, %select_n3A_901 : vector<16xf32>
      %swap3A_965 = arith.constant 1 : i32
      %swap3A_966 = arith.index_cast %swap3A_965 : i32 to index
      %swap3A_967 = arith.constant 0 : index
      %swap3A_968 = tpu.vector_load %arg10[%swap3A_966, %swap3A_967] {strides = array<i32>} : memref<2x64xf32, #tpu.memory_space<vmem>>, vector<16xf32>,
      tpu.vector_store %arg10[%swap3A_966, %swap3A_967], %mul3A_964 {strides = array<i32>} : memref<2x64xf32, #tpu.memory_space<vmem>>, vector<16xf32>,
      %mul3A_969 = arith.mulf %select_n3A_885, %select_n3A_909 : vector<16xf32>
      %swap3A_970 = arith.constant 1 : i32
      %swap3A_971 = arith.index_cast %swap3A_970 : i32 to index
      %swap3A_972 = arith.constant 0 : index
      %swap3A_973 = tpu.vector_load %arg11[%swap3A_971, %swap3A_972] {strides = array<i32>} : memref<2x64xf32, #tpu.memory_space<vmem>>, vector<16xf32>,
      tpu.vector_store %arg11[%swap3A_971, %swap3A_972], %mul3A_969 {strides = array<i32>} : memref<2x64xf32, #tpu.memory_space<vmem>>, vector<16xf32>,
      %mul3A_974 = arith.mulf %select_n3A_893, %select_n3A_901 : vector<16xf32>
      %swap3A_975 = arith.constant 1 : i32
      %swap3A_976 = arith.index_cast %swap3A_975 : i32 to index
      %swap3A_977 = arith.constant 0 : index
      %swap3A_978 = tpu.vector_load %arg12[%swap3A_976, %swap3A_977] {strides = array<i32>} : memref<2x64xf32, #tpu.memory_space<vmem>>, vector<16xf32>,
      tpu.vector_store %arg12[%swap3A_976, %swap3A_977], %mul3A_974 {strides = array<i32>} : memref<2x64xf32, #tpu.memory_space<vmem>>, vector<16xf32>,
      %mul3A_979 = arith.mulf %select_n3A_893, %select_n3A_909 : vector<16xf32>
      %swap3A_980 = arith.constant 1 : i32
      %swap3A_981 = arith.index_cast %swap3A_980 : i32 to index
      %swap3A_982 = arith.constant 0 : index
      %swap3A_983 = tpu.vector_load %arg13[%swap3A_981, %swap3A_982] {strides = array<i32>} : memref<2x64xf32, #tpu.memory_space<vmem>>, vector<16xf32>,
      tpu.vector_store %arg13[%swap3A_981, %swap3A_982], %mul3A_979 {strides = array<i32>} : memref<2x64xf32, #tpu.memory_space<vmem>>, vector<16xf32>,
      %add3A_984 = vector.broadcast %add3A_812 : i32 to vector<16xi32>
      %add3A_985 = arith.addi %broadcast_in_dim3A_45, %add3A_984 : vector<16xi32>
      %mul3A_986 = arith.constant 2 : i32
      %mul3A_987 = vector.broadcast %mul3A_986 : i32 to vector<16xi32>
      %mul3A_988 = arith.muli %iota3A, %mul3A_987 : vector<16xi32>
      %add3A_989 = arith.constant 32 : i32
      %add3A_990 = vector.broadcast %add3A_989 : i32 to vector<16xi32>
      %add3A_991 = arith.addi %mul3A_988, %add3A_990 : vector<16xi32>
      %gather3A_992 = tpu.vector_load_idx %arg5[%add3A_985, %add3A_991] : memref<144x128xf32, #tpu.memory_space<vmem>>[vector<16xi32>, vector<16xi32>], vector<16xf32>,
      %add3A_993 = arith.constant 1 : i32
      %add3A_994 = vector.broadcast %add3A_993 : i32 to vector<16xi32>
      %add3A_995 = arith.addi %add3A_991, %add3A_994 : vector<16xi32>
      %gather3A_996 = tpu.vector_load_idx %arg5[%add3A_985, %add3A_995] : memref<144x128xf32, #tpu.memory_space<vmem>>[vector<16xi32>, vector<16xi32>], vector<16xf32>,
      %add3A_997 = arith.constant 1.000000e+00 : f32
      %add3A_998 = vector.broadcast %add3A_997 : f32 to vector<16xf32>
      %add3A_999 = arith.addf %gather3A_996, %add3A_998 : vector<16xf32>
      %mul3A_1000 = arith.constant 1.920000e+02 : f32
      %mul3A_1001 = vector.broadcast %mul3A_1000 : f32 to vector<16xf32>
      %mul3A_1002 = arith.mulf %add3A_999, %mul3A_1001 : vector<16xf32>
      %sub3A_1003 = arith.constant 5.000000e-01 : f32
      %sub3A_1004 = vector.broadcast %sub3A_1003 : f32 to vector<16xf32>
      %sub3A_1005 = arith.subf %mul3A_1002, %sub3A_1004 : vector<16xf32>
      %add3A_1006 = arith.constant 1.000000e+00 : f32
      %add3A_1007 = vector.broadcast %add3A_1006 : f32 to vector<16xf32>
      %add3A_1008 = arith.addf %gather3A_992, %add3A_1007 : vector<16xf32>
      %mul3A_1009 = arith.constant 1.920000e+02 : f32
      %mul3A_1010 = vector.broadcast %mul3A_1009 : f32 to vector<16xf32>
      %mul3A_1011 = arith.mulf %add3A_1008, %mul3A_1010 : vector<16xf32>
      %sub3A_1012 = arith.constant 5.000000e-01 : f32
      %sub3A_1013 = vector.broadcast %sub3A_1012 : f32 to vector<16xf32>
      %sub3A_1014 = arith.subf %mul3A_1011, %sub3A_1013 : vector<16xf32>
      %convert_element_type3A_1015 = arith.fptosi %sub3A_1005 : vector<16xf32> to vector<16xi32>
      %convert_element_type3A_1016 = arith.sitofp %convert_element_type3A_1015 : vector<16xi32> to vector<16xf32>
      %lt3A_1017 = arith.cmpf olt, %sub3A_1005, %convert_element_type3A_1016 : vector<16xf32>
      %sub3A_1018 = arith.constant 1 : i32
      %sub3A_1019 = vector.broadcast %sub3A_1018 : i32 to vector<16xi32>
      %sub3A_1020 = arith.subi %convert_element_type3A_1015, %sub3A_1019 : vector<16xi32>
      %select_n3A_1021 = arith.select %lt3A_1017, %sub3A_1020, %convert_element_type3A_1015 : vector<16xi1>, vector<16xi32>
      %convert_element_type3A_1022 = arith.sitofp %select_n3A_1021 : vector<16xi32> to vector<16xf32>
      %convert_element_type3A_1023 = arith.fptosi %sub3A_1014 : vector<16xf32> to vector<16xi32>
      %convert_element_type3A_1024 = arith.sitofp %convert_element_type3A_1023 : vector<16xi32> to vector<16xf32>
      %lt3A_1025 = arith.cmpf olt, %sub3A_1014, %convert_element_type3A_1024 : vector<16xf32>
      %sub3A_1026 = arith.constant 1 : i32
      %sub3A_1027 = vector.broadcast %sub3A_1026 : i32 to vector<16xi32>
      %sub3A_1028 = arith.subi %convert_element_type3A_1023, %sub3A_1027 : vector<16xi32>
      %select_n3A_1029 = arith.select %lt3A_1025, %sub3A_1028, %convert_element_type3A_1023 : vector<16xi1>, vector<16xi32>
      %convert_element_type3A_1030 = arith.sitofp %select_n3A_1029 : vector<16xi32> to vector<16xf32>
      %sub3A_1031 = arith.subf %sub3A_1005, %convert_element_type3A_1022 : vector<16xf32>
      %add3A_1032 = arith.constant 1.000000e+00 : f32
      %add3A_1033 = vector.broadcast %add3A_1032 : f32 to vector<16xf32>
      %add3A_1034 = arith.addf %convert_element_type3A_1022, %add3A_1033 : vector<16xf32>
      %sub3A_1035 = arith.subf %add3A_1034, %sub3A_1005 : vector<16xf32>
      %sub3A_1036 = arith.subf %sub3A_1014, %convert_element_type3A_1030 : vector<16xf32>
      %add3A_1037 = arith.constant 1.000000e+00 : f32
      %add3A_1038 = vector.broadcast %add3A_1037 : f32 to vector<16xf32>
      %add3A_1039 = arith.addf %convert_element_type3A_1030, %add3A_1038 : vector<16xf32>
      %sub3A_1040 = arith.subf %add3A_1039, %sub3A_1014 : vector<16xf32>
      %add3A_1041 = arith.constant 1 : i32
      %add3A_1042 = vector.broadcast %add3A_1041 : i32 to vector<16xi32>
      %add3A_1043 = arith.addi %select_n3A_1021, %add3A_1042 : vector<16xi32>
      %add3A_1044 = arith.constant 1 : i32
      %add3A_1045 = vector.broadcast %add3A_1044 : i32 to vector<16xi32>
      %add3A_1046 = arith.addi %select_n3A_1029, %add3A_1045 : vector<16xi32>
      %broadcast_in_dim3A_1047 = arith.constant 0.000000e+00 : f32
      %broadcast_in_dim3A_1048 = vector.broadcast %broadcast_in_dim3A_1047 : f32 to vector<16xf32>
      %ge3A_1049 = arith.constant 0 : i32
      %ge3A_1050 = vector.broadcast %ge3A_1049 : i32 to vector<16xi32>
      %ge3A_1051 = arith.cmpi sge, %select_n3A_1021, %ge3A_1050 : vector<16xi32>
      %lt3A_1052 = arith.constant 384 : i32
      %lt3A_1053 = vector.broadcast %lt3A_1052 : i32 to vector<16xi32>
      %lt3A_1054 = arith.cmpi slt, %select_n3A_1021, %lt3A_1053 : vector<16xi32>
      %and3A_1055 = arith.andi %ge3A_1051, %lt3A_1054 : vector<16xi1>
      %select_n3A_1056 = arith.select %and3A_1055, %sub3A_1035, %broadcast_in_dim3A_1048 : vector<16xi1>, vector<16xf32>
      %ge3A_1057 = arith.constant 0 : i32
      %ge3A_1058 = vector.broadcast %ge3A_1057 : i32 to vector<16xi32>
      %ge3A_1059 = arith.cmpi sge, %add3A_1043, %ge3A_1058 : vector<16xi32>
      %lt3A_1060 = arith.constant 384 : i32
      %lt3A_1061 = vector.broadcast %lt3A_1060 : i32 to vector<16xi32>
      %lt3A_1062 = arith.cmpi slt, %add3A_1043, %lt3A_1061 : vector<16xi32>
      %and3A_1063 = arith.andi %ge3A_1059, %lt3A_1062 : vector<16xi1>
      %select_n3A_1064 = arith.select %and3A_1063, %sub3A_1031, %broadcast_in_dim3A_1048 : vector<16xi1>, vector<16xf32>
      %ge3A_1065 = arith.constant 0 : i32
      %ge3A_1066 = vector.broadcast %ge3A_1065 : i32 to vector<16xi32>
      %ge3A_1067 = arith.cmpi sge, %select_n3A_1029, %ge3A_1066 : vector<16xi32>
      %lt3A_1068 = arith.constant 384 : i32
      %lt3A_1069 = vector.broadcast %lt3A_1068 : i32 to vector<16xi32>
      %lt3A_1070 = arith.cmpi slt, %select_n3A_1029, %lt3A_1069 : vector<16xi32>
      %and3A_1071 = arith.andi %ge3A_1067, %lt3A_1070 : vector<16xi1>
      %select_n3A_1072 = arith.select %and3A_1071, %sub3A_1040, %broadcast_in_dim3A_1048 : vector<16xi1>, vector<16xf32>
      %ge3A_1073 = arith.constant 0 : i32
      %ge3A_1074 = vector.broadcast %ge3A_1073 : i32 to vector<16xi32>
      %ge3A_1075 = arith.cmpi sge, %add3A_1046, %ge3A_1074 : vector<16xi32>
      %lt3A_1076 = arith.constant 384 : i32
      %lt3A_1077 = vector.broadcast %lt3A_1076 : i32 to vector<16xi32>
      %lt3A_1078 = arith.cmpi slt, %add3A_1046, %lt3A_1077 : vector<16xi32>
      %and3A_1079 = arith.andi %ge3A_1075, %lt3A_1078 : vector<16xi1>
      %select_n3A_1080 = arith.select %and3A_1079, %sub3A_1036, %broadcast_in_dim3A_1048 : vector<16xi1>, vector<16xf32>
      %jit3A_1081 = arith.constant 0 : i32
      %jit3A_1082 = arith.constant 383 : i32
      %max3A_1083 = vector.broadcast %jit3A_1081 : i32 to vector<16xi32>
      %max3A_1084 = arith.maxsi %max3A_1083, %select_n3A_1021 : vector<16xi32>
      %min3A_1085 = vector.broadcast %jit3A_1082 : i32 to vector<16xi32>
      %min3A_1086 = arith.minsi %min3A_1085, %max3A_1084 : vector<16xi32>
      %jit3A_1087 = arith.constant 0 : i32
      %jit3A_1088 = arith.constant 383 : i32
      %max3A_1089 = vector.broadcast %jit3A_1087 : i32 to vector<16xi32>
      %max3A_1090 = arith.maxsi %max3A_1089, %add3A_1043 : vector<16xi32>
      %min3A_1091 = vector.broadcast %jit3A_1088 : i32 to vector<16xi32>
      %min3A_1092 = arith.minsi %min3A_1091, %max3A_1090 : vector<16xi32>
      %jit3A_1093 = arith.constant 0 : i32
      %jit3A_1094 = arith.constant 383 : i32
      %max3A_1095 = vector.broadcast %jit3A_1093 : i32 to vector<16xi32>
      %max3A_1096 = arith.maxsi %max3A_1095, %select_n3A_1029 : vector<16xi32>
      %min3A_1097 = vector.broadcast %jit3A_1094 : i32 to vector<16xi32>
      %min3A_1098 = arith.minsi %min3A_1097, %max3A_1096 : vector<16xi32>
      %jit3A_1099 = arith.constant 0 : i32
      %jit3A_1100 = arith.constant 383 : i32
      %max3A_1101 = vector.broadcast %jit3A_1099 : i32 to vector<16xi32>
      %max3A_1102 = arith.maxsi %max3A_1101, %add3A_1046 : vector<16xi32>
      %min3A_1103 = vector.broadcast %jit3A_1100 : i32 to vector<16xi32>
      %min3A_1104 = arith.minsi %min3A_1103, %max3A_1102 : vector<16xi32>
      %mul3A_1105 = arith.constant 384 : i32
      %mul3A_1106 = vector.broadcast %mul3A_1105 : i32 to vector<16xi32>
      %mul3A_1107 = arith.muli %min3A_1086, %mul3A_1106 : vector<16xi32>
      %add3A_1108 = vector.broadcast %mul3A_20 : i32 to vector<16xi32>
      %add3A_1109 = arith.addi %add3A_1108, %mul3A_1107 : vector<16xi32>
      %mul3A_1110 = arith.constant 384 : i32
      %mul3A_1111 = vector.broadcast %mul3A_1110 : i32 to vector<16xi32>
      %mul3A_1112 = arith.muli %min3A_1092, %mul3A_1111 : vector<16xi32>
      %add3A_1113 = vector.broadcast %mul3A_20 : i32 to vector<16xi32>
      %add3A_1114 = arith.addi %add3A_1113, %mul3A_1112 : vector<16xi32>
      %add3A_1115 = arith.addi %add3A_1109, %min3A_1098 : vector<16xi32>
      %swap3A_1116 = arith.constant 1 : i32
      %swap3A_1117 = arith.index_cast %swap3A_1116 : i32 to index
      %swap3A_1118 = arith.constant 16 : index
      %swap3A_1119 = tpu.vector_load %arg6[%swap3A_1117, %swap3A_1118] {strides = array<i32>} : memref<2x64xi32, #tpu.memory_space<vmem>>, vector<16xi32>,
      tpu.vector_store %arg6[%swap3A_1117, %swap3A_1118], %add3A_1115 {strides = array<i32>} : memref<2x64xi32, #tpu.memory_space<vmem>>, vector<16xi32>,
      %add3A_1120 = arith.addi %add3A_1109, %min3A_1104 : vector<16xi32>
      %swap3A_1121 = arith.constant 1 : i32
      %swap3A_1122 = arith.index_cast %swap3A_1121 : i32 to index
      %swap3A_1123 = arith.constant 16 : index
      %swap3A_1124 = tpu.vector_load %arg7[%swap3A_1122, %swap3A_1123] {strides = array<i32>} : memref<2x64xi32, #tpu.memory_space<vmem>>, vector<16xi32>,
      tpu.vector_store %arg7[%swap3A_1122, %swap3A_1123], %add3A_1120 {strides = array<i32>} : memref<2x64xi32, #tpu.memory_space<vmem>>, vector<16xi32>,
      %add3A_1125 = arith.addi %add3A_1114, %min3A_1098 : vector<16xi32>
      %swap3A_1126 = arith.constant 1 : i32
      %swap3A_1127 = arith.index_cast %swap3A_1126 : i32 to index
      %swap3A_1128 = arith.constant 16 : index
      %swap3A_1129 = tpu.vector_load %arg8[%swap3A_1127, %swap3A_1128] {strides = array<i32>} : memref<2x64xi32, #tpu.memory_space<vmem>>, vector<16xi32>,
      tpu.vector_store %arg8[%swap3A_1127, %swap3A_1128], %add3A_1125 {strides = array<i32>} : memref<2x64xi32, #tpu.memory_space<vmem>>, vector<16xi32>,
      %add3A_1130 = arith.addi %add3A_1114, %min3A_1104 : vector<16xi32>
      %swap3A_1131 = arith.constant 1 : i32
      %swap3A_1132 = arith.index_cast %swap3A_1131 : i32 to index
      %swap3A_1133 = arith.constant 16 : index
      %swap3A_1134 = tpu.vector_load %arg9[%swap3A_1132, %swap3A_1133] {strides = array<i32>} : memref<2x64xi32, #tpu.memory_space<vmem>>, vector<16xi32>,
      tpu.vector_store %arg9[%swap3A_1132, %swap3A_1133], %add3A_1130 {strides = array<i32>} : memref<2x64xi32, #tpu.memory_space<vmem>>, vector<16xi32>,
      %mul3A_1135 = arith.mulf %select_n3A_1056, %select_n3A_1072 : vector<16xf32>
      %swap3A_1136 = arith.constant 1 : i32
      %swap3A_1137 = arith.index_cast %swap3A_1136 : i32 to index
      %swap3A_1138 = arith.constant 16 : index
      %swap3A_1139 = tpu.vector_load %arg10[%swap3A_1137, %swap3A_1138] {strides = array<i32>} : memref<2x64xf32, #tpu.memory_space<vmem>>, vector<16xf32>,
      tpu.vector_store %arg10[%swap3A_1137, %swap3A_1138], %mul3A_1135 {strides = array<i32>} : memref<2x64xf32, #tpu.memory_space<vmem>>, vector<16xf32>,
      %mul3A_1140 = arith.mulf %select_n3A_1056, %select_n3A_1080 : vector<16xf32>
      %swap3A_1141 = arith.constant 1 : i32
      %swap3A_1142 = arith.index_cast %swap3A_1141 : i32 to index
      %swap3A_1143 = arith.constant 16 : index
      %swap3A_1144 = tpu.vector_load %arg11[%swap3A_1142, %swap3A_1143] {strides = array<i32>} : memref<2x64xf32, #tpu.memory_space<vmem>>, vector<16xf32>,
      tpu.vector_store %arg11[%swap3A_1142, %swap3A_1143], %mul3A_1140 {strides = array<i32>} : memref<2x64xf32, #tpu.memory_space<vmem>>, vector<16xf32>,
      %mul3A_1145 = arith.mulf %select_n3A_1064, %select_n3A_1072 : vector<16xf32>
      %swap3A_1146 = arith.constant 1 : i32
      %swap3A_1147 = arith.index_cast %swap3A_1146 : i32 to index
      %swap3A_1148 = arith.constant 16 : index
      %swap3A_1149 = tpu.vector_load %arg12[%swap3A_1147, %swap3A_1148] {strides = array<i32>} : memref<2x64xf32, #tpu.memory_space<vmem>>, vector<16xf32>,
      tpu.vector_store %arg12[%swap3A_1147, %swap3A_1148], %mul3A_1145 {strides = array<i32>} : memref<2x64xf32, #tpu.memory_space<vmem>>, vector<16xf32>,
      %mul3A_1150 = arith.mulf %select_n3A_1064, %select_n3A_1080 : vector<16xf32>
      %swap3A_1151 = arith.constant 1 : i32
      %swap3A_1152 = arith.index_cast %swap3A_1151 : i32 to index
      %swap3A_1153 = arith.constant 16 : index
      %swap3A_1154 = tpu.vector_load %arg13[%swap3A_1152, %swap3A_1153] {strides = array<i32>} : memref<2x64xf32, #tpu.memory_space<vmem>>, vector<16xf32>,
      tpu.vector_store %arg13[%swap3A_1152, %swap3A_1153], %mul3A_1150 {strides = array<i32>} : memref<2x64xf32, #tpu.memory_space<vmem>>, vector<16xf32>,
      %add3A_1155 = vector.broadcast %add3A_812 : i32 to vector<16xi32>
      %add3A_1156 = arith.addi %broadcast_in_dim3A_45, %add3A_1155 : vector<16xi32>
      %mul3A_1157 = arith.constant 2 : i32
      %mul3A_1158 = vector.broadcast %mul3A_1157 : i32 to vector<16xi32>
      %mul3A_1159 = arith.muli %iota3A, %mul3A_1158 : vector<16xi32>
      %add3A_1160 = arith.constant 64 : i32
      %add3A_1161 = vector.broadcast %add3A_1160 : i32 to vector<16xi32>
      %add3A_1162 = arith.addi %mul3A_1159, %add3A_1161 : vector<16xi32>
      %gather3A_1163 = tpu.vector_load_idx %arg5[%add3A_1156, %add3A_1162] : memref<144x128xf32, #tpu.memory_space<vmem>>[vector<16xi32>, vector<16xi32>], vector<16xf32>,
      %add3A_1164 = arith.constant 1 : i32
      %add3A_1165 = vector.broadcast %add3A_1164 : i32 to vector<16xi32>
      %add3A_1166 = arith.addi %add3A_1162, %add3A_1165 : vector<16xi32>
      %gather3A_1167 = tpu.vector_load_idx %arg5[%add3A_1156, %add3A_1166] : memref<144x128xf32, #tpu.memory_space<vmem>>[vector<16xi32>, vector<16xi32>], vector<16xf32>,
      %add3A_1168 = arith.constant 1.000000e+00 : f32
      %add3A_1169 = vector.broadcast %add3A_1168 : f32 to vector<16xf32>
      %add3A_1170 = arith.addf %gather3A_1167, %add3A_1169 : vector<16xf32>
      %mul3A_1171 = arith.constant 1.920000e+02 : f32
      %mul3A_1172 = vector.broadcast %mul3A_1171 : f32 to vector<16xf32>
      %mul3A_1173 = arith.mulf %add3A_1170, %mul3A_1172 : vector<16xf32>
      %sub3A_1174 = arith.constant 5.000000e-01 : f32
      %sub3A_1175 = vector.broadcast %sub3A_1174 : f32 to vector<16xf32>
      %sub3A_1176 = arith.subf %mul3A_1173, %sub3A_1175 : vector<16xf32>
      %add3A_1177 = arith.constant 1.000000e+00 : f32
      %add3A_1178 = vector.broadcast %add3A_1177 : f32 to vector<16xf32>
      %add3A_1179 = arith.addf %gather3A_1163, %add3A_1178 : vector<16xf32>
      %mul3A_1180 = arith.constant 1.920000e+02 : f32
      %mul3A_1181 = vector.broadcast %mul3A_1180 : f32 to vector<16xf32>
      %mul3A_1182 = arith.mulf %add3A_1179, %mul3A_1181 : vector<16xf32>
      %sub3A_1183 = arith.constant 5.000000e-01 : f32
      %sub3A_1184 = vector.broadcast %sub3A_1183 : f32 to vector<16xf32>
      %sub3A_1185 = arith.subf %mul3A_1182, %sub3A_1184 : vector<16xf32>
      %convert_element_type3A_1186 = arith.fptosi %sub3A_1176 : vector<16xf32> to vector<16xi32>
      %convert_element_type3A_1187 = arith.sitofp %convert_element_type3A_1186 : vector<16xi32> to vector<16xf32>
      %lt3A_1188 = arith.cmpf olt, %sub3A_1176, %convert_element_type3A_1187 : vector<16xf32>
      %sub3A_1189 = arith.constant 1 : i32
      %sub3A_1190 = vector.broadcast %sub3A_1189 : i32 to vector<16xi32>
      %sub3A_1191 = arith.subi %convert_element_type3A_1186, %sub3A_1190 : vector<16xi32>
      %select_n3A_1192 = arith.select %lt3A_1188, %sub3A_1191, %convert_element_type3A_1186 : vector<16xi1>, vector<16xi32>
      %convert_element_type3A_1193 = arith.sitofp %select_n3A_1192 : vector<16xi32> to vector<16xf32>
      %convert_element_type3A_1194 = arith.fptosi %sub3A_1185 : vector<16xf32> to vector<16xi32>
      %convert_element_type3A_1195 = arith.sitofp %convert_element_type3A_1194 : vector<16xi32> to vector<16xf32>
      %lt3A_1196 = arith.cmpf olt, %sub3A_1185, %convert_element_type3A_1195 : vector<16xf32>
      %sub3A_1197 = arith.constant 1 : i32
      %sub3A_1198 = vector.broadcast %sub3A_1197 : i32 to vector<16xi32>
      %sub3A_1199 = arith.subi %convert_element_type3A_1194, %sub3A_1198 : vector<16xi32>
      %select_n3A_1200 = arith.select %lt3A_1196, %sub3A_1199, %convert_element_type3A_1194 : vector<16xi1>, vector<16xi32>
      %convert_element_type3A_1201 = arith.sitofp %select_n3A_1200 : vector<16xi32> to vector<16xf32>
      %sub3A_1202 = arith.subf %sub3A_1176, %convert_element_type3A_1193 : vector<16xf32>
      %add3A_1203 = arith.constant 1.000000e+00 : f32
      %add3A_1204 = vector.broadcast %add3A_1203 : f32 to vector<16xf32>
      %add3A_1205 = arith.addf %convert_element_type3A_1193, %add3A_1204 : vector<16xf32>
      %sub3A_1206 = arith.subf %add3A_1205, %sub3A_1176 : vector<16xf32>
      %sub3A_1207 = arith.subf %sub3A_1185, %convert_element_type3A_1201 : vector<16xf32>
      %add3A_1208 = arith.constant 1.000000e+00 : f32
      %add3A_1209 = vector.broadcast %add3A_1208 : f32 to vector<16xf32>
      %add3A_1210 = arith.addf %convert_element_type3A_1201, %add3A_1209 : vector<16xf32>
      %sub3A_1211 = arith.subf %add3A_1210, %sub3A_1185 : vector<16xf32>
      %add3A_1212 = arith.constant 1 : i32
      %add3A_1213 = vector.broadcast %add3A_1212 : i32 to vector<16xi32>
      %add3A_1214 = arith.addi %select_n3A_1192, %add3A_1213 : vector<16xi32>
      %add3A_1215 = arith.constant 1 : i32
      %add3A_1216 = vector.broadcast %add3A_1215 : i32 to vector<16xi32>
      %add3A_1217 = arith.addi %select_n3A_1200, %add3A_1216 : vector<16xi32>
      %broadcast_in_dim3A_1218 = arith.constant 0.000000e+00 : f32
      %broadcast_in_dim3A_1219 = vector.broadcast %broadcast_in_dim3A_1218 : f32 to vector<16xf32>
      %ge3A_1220 = arith.constant 0 : i32
      %ge3A_1221 = vector.broadcast %ge3A_1220 : i32 to vector<16xi32>
      %ge3A_1222 = arith.cmpi sge, %select_n3A_1192, %ge3A_1221 : vector<16xi32>
      %lt3A_1223 = arith.constant 384 : i32
      %lt3A_1224 = vector.broadcast %lt3A_1223 : i32 to vector<16xi32>
      %lt3A_1225 = arith.cmpi slt, %select_n3A_1192, %lt3A_1224 : vector<16xi32>
      %and3A_1226 = arith.andi %ge3A_1222, %lt3A_1225 : vector<16xi1>
      %select_n3A_1227 = arith.select %and3A_1226, %sub3A_1206, %broadcast_in_dim3A_1219 : vector<16xi1>, vector<16xf32>
      %ge3A_1228 = arith.constant 0 : i32
      %ge3A_1229 = vector.broadcast %ge3A_1228 : i32 to vector<16xi32>
      %ge3A_1230 = arith.cmpi sge, %add3A_1214, %ge3A_1229 : vector<16xi32>
      %lt3A_1231 = arith.constant 384 : i32
      %lt3A_1232 = vector.broadcast %lt3A_1231 : i32 to vector<16xi32>
      %lt3A_1233 = arith.cmpi slt, %add3A_1214, %lt3A_1232 : vector<16xi32>
      %and3A_1234 = arith.andi %ge3A_1230, %lt3A_1233 : vector<16xi1>
      %select_n3A_1235 = arith.select %and3A_1234, %sub3A_1202, %broadcast_in_dim3A_1219 : vector<16xi1>, vector<16xf32>
      %ge3A_1236 = arith.constant 0 : i32
      %ge3A_1237 = vector.broadcast %ge3A_1236 : i32 to vector<16xi32>
      %ge3A_1238 = arith.cmpi sge, %select_n3A_1200, %ge3A_1237 : vector<16xi32>
      %lt3A_1239 = arith.constant 384 : i32
      %lt3A_1240 = vector.broadcast %lt3A_1239 : i32 to vector<16xi32>
      %lt3A_1241 = arith.cmpi slt, %select_n3A_1200, %lt3A_1240 : vector<16xi32>
      %and3A_1242 = arith.andi %ge3A_1238, %lt3A_1241 : vector<16xi1>
      %select_n3A_1243 = arith.select %and3A_1242, %sub3A_1211, %broadcast_in_dim3A_1219 : vector<16xi1>, vector<16xf32>
      %ge3A_1244 = arith.constant 0 : i32
      %ge3A_1245 = vector.broadcast %ge3A_1244 : i32 to vector<16xi32>
      %ge3A_1246 = arith.cmpi sge, %add3A_1217, %ge3A_1245 : vector<16xi32>
      %lt3A_1247 = arith.constant 384 : i32
      %lt3A_1248 = vector.broadcast %lt3A_1247 : i32 to vector<16xi32>
      %lt3A_1249 = arith.cmpi slt, %add3A_1217, %lt3A_1248 : vector<16xi32>
      %and3A_1250 = arith.andi %ge3A_1246, %lt3A_1249 : vector<16xi1>
      %select_n3A_1251 = arith.select %and3A_1250, %sub3A_1207, %broadcast_in_dim3A_1219 : vector<16xi1>, vector<16xf32>
      %jit3A_1252 = arith.constant 0 : i32
      %jit3A_1253 = arith.constant 383 : i32
      %max3A_1254 = vector.broadcast %jit3A_1252 : i32 to vector<16xi32>
      %max3A_1255 = arith.maxsi %max3A_1254, %select_n3A_1192 : vector<16xi32>
      %min3A_1256 = vector.broadcast %jit3A_1253 : i32 to vector<16xi32>
      %min3A_1257 = arith.minsi %min3A_1256, %max3A_1255 : vector<16xi32>
      %jit3A_1258 = arith.constant 0 : i32
      %jit3A_1259 = arith.constant 383 : i32
      %max3A_1260 = vector.broadcast %jit3A_1258 : i32 to vector<16xi32>
      %max3A_1261 = arith.maxsi %max3A_1260, %add3A_1214 : vector<16xi32>
      %min3A_1262 = vector.broadcast %jit3A_1259 : i32 to vector<16xi32>
      %min3A_1263 = arith.minsi %min3A_1262, %max3A_1261 : vector<16xi32>
      %jit3A_1264 = arith.constant 0 : i32
      %jit3A_1265 = arith.constant 383 : i32
      %max3A_1266 = vector.broadcast %jit3A_1264 : i32 to vector<16xi32>
      %max3A_1267 = arith.maxsi %max3A_1266, %select_n3A_1200 : vector<16xi32>
      %min3A_1268 = vector.broadcast %jit3A_1265 : i32 to vector<16xi32>
      %min3A_1269 = arith.minsi %min3A_1268, %max3A_1267 : vector<16xi32>
      %jit3A_1270 = arith.constant 0 : i32
      %jit3A_1271 = arith.constant 383 : i32
      %max3A_1272 = vector.broadcast %jit3A_1270 : i32 to vector<16xi32>
      %max3A_1273 = arith.maxsi %max3A_1272, %add3A_1217 : vector<16xi32>
      %min3A_1274 = vector.broadcast %jit3A_1271 : i32 to vector<16xi32>
      %min3A_1275 = arith.minsi %min3A_1274, %max3A_1273 : vector<16xi32>
      %mul3A_1276 = arith.constant 384 : i32
      %mul3A_1277 = vector.broadcast %mul3A_1276 : i32 to vector<16xi32>
      %mul3A_1278 = arith.muli %min3A_1257, %mul3A_1277 : vector<16xi32>
      %add3A_1279 = vector.broadcast %mul3A_20 : i32 to vector<16xi32>
      %add3A_1280 = arith.addi %add3A_1279, %mul3A_1278 : vector<16xi32>
      %mul3A_1281 = arith.constant 384 : i32
      %mul3A_1282 = vector.broadcast %mul3A_1281 : i32 to vector<16xi32>
      %mul3A_1283 = arith.muli %min3A_1263, %mul3A_1282 : vector<16xi32>
      %add3A_1284 = vector.broadcast %mul3A_20 : i32 to vector<16xi32>
      %add3A_1285 = arith.addi %add3A_1284, %mul3A_1283 : vector<16xi32>
      %add3A_1286 = arith.addi %add3A_1280, %min3A_1269 : vector<16xi32>
      %swap3A_1287 = arith.constant 1 : i32
      %swap3A_1288 = arith.index_cast %swap3A_1287 : i32 to index
      %swap3A_1289 = arith.constant 32 : index
      %swap3A_1290 = tpu.vector_load %arg6[%swap3A_1288, %swap3A_1289] {strides = array<i32>} : memref<2x64xi32, #tpu.memory_space<vmem>>, vector<16xi32>,
      tpu.vector_store %arg6[%swap3A_1288, %swap3A_1289], %add3A_1286 {strides = array<i32>} : memref<2x64xi32, #tpu.memory_space<vmem>>, vector<16xi32>,
      %add3A_1291 = arith.addi %add3A_1280, %min3A_1275 : vector<16xi32>
      %swap3A_1292 = arith.constant 1 : i32
      %swap3A_1293 = arith.index_cast %swap3A_1292 : i32 to index
      %swap3A_1294 = arith.constant 32 : index
      %swap3A_1295 = tpu.vector_load %arg7[%swap3A_1293, %swap3A_1294] {strides = array<i32>} : memref<2x64xi32, #tpu.memory_space<vmem>>, vector<16xi32>,
      tpu.vector_store %arg7[%swap3A_1293, %swap3A_1294], %add3A_1291 {strides = array<i32>} : memref<2x64xi32, #tpu.memory_space<vmem>>, vector<16xi32>,
      %add3A_1296 = arith.addi %add3A_1285, %min3A_1269 : vector<16xi32>
      %swap3A_1297 = arith.constant 1 : i32
      %swap3A_1298 = arith.index_cast %swap3A_1297 : i32 to index
      %swap3A_1299 = arith.constant 32 : index
      %swap3A_1300 = tpu.vector_load %arg8[%swap3A_1298, %swap3A_1299] {strides = array<i32>} : memref<2x64xi32, #tpu.memory_space<vmem>>, vector<16xi32>,
      tpu.vector_store %arg8[%swap3A_1298, %swap3A_1299], %add3A_1296 {strides = array<i32>} : memref<2x64xi32, #tpu.memory_space<vmem>>, vector<16xi32>,
      %add3A_1301 = arith.addi %add3A_1285, %min3A_1275 : vector<16xi32>
      %swap3A_1302 = arith.constant 1 : i32
      %swap3A_1303 = arith.index_cast %swap3A_1302 : i32 to index
      %swap3A_1304 = arith.constant 32 : index
      %swap3A_1305 = tpu.vector_load %arg9[%swap3A_1303, %swap3A_1304] {strides = array<i32>} : memref<2x64xi32, #tpu.memory_space<vmem>>, vector<16xi32>,
      tpu.vector_store %arg9[%swap3A_1303, %swap3A_1304], %add3A_1301 {strides = array<i32>} : memref<2x64xi32, #tpu.memory_space<vmem>>, vector<16xi32>,
      %mul3A_1306 = arith.mulf %select_n3A_1227, %select_n3A_1243 : vector<16xf32>
      %swap3A_1307 = arith.constant 1 : i32
      %swap3A_1308 = arith.index_cast %swap3A_1307 : i32 to index
      %swap3A_1309 = arith.constant 32 : index
      %swap3A_1310 = tpu.vector_load %arg10[%swap3A_1308, %swap3A_1309] {strides = array<i32>} : memref<2x64xf32, #tpu.memory_space<vmem>>, vector<16xf32>,
      tpu.vector_store %arg10[%swap3A_1308, %swap3A_1309], %mul3A_1306 {strides = array<i32>} : memref<2x64xf32, #tpu.memory_space<vmem>>, vector<16xf32>,
      %mul3A_1311 = arith.mulf %select_n3A_1227, %select_n3A_1251 : vector<16xf32>
      %swap3A_1312 = arith.constant 1 : i32
      %swap3A_1313 = arith.index_cast %swap3A_1312 : i32 to index
      %swap3A_1314 = arith.constant 32 : index
      %swap3A_1315 = tpu.vector_load %arg11[%swap3A_1313, %swap3A_1314] {strides = array<i32>} : memref<2x64xf32, #tpu.memory_space<vmem>>, vector<16xf32>,
      tpu.vector_store %arg11[%swap3A_1313, %swap3A_1314], %mul3A_1311 {strides = array<i32>} : memref<2x64xf32, #tpu.memory_space<vmem>>, vector<16xf32>,
      %mul3A_1316 = arith.mulf %select_n3A_1235, %select_n3A_1243 : vector<16xf32>
      %swap3A_1317 = arith.constant 1 : i32
      %swap3A_1318 = arith.index_cast %swap3A_1317 : i32 to index
      %swap3A_1319 = arith.constant 32 : index
      %swap3A_1320 = tpu.vector_load %arg12[%swap3A_1318, %swap3A_1319] {strides = array<i32>} : memref<2x64xf32, #tpu.memory_space<vmem>>, vector<16xf32>,
      tpu.vector_store %arg12[%swap3A_1318, %swap3A_1319], %mul3A_1316 {strides = array<i32>} : memref<2x64xf32, #tpu.memory_space<vmem>>, vector<16xf32>,
      %mul3A_1321 = arith.mulf %select_n3A_1235, %select_n3A_1251 : vector<16xf32>
      %swap3A_1322 = arith.constant 1 : i32
      %swap3A_1323 = arith.index_cast %swap3A_1322 : i32 to index
      %swap3A_1324 = arith.constant 32 : index
      %swap3A_1325 = tpu.vector_load %arg13[%swap3A_1323, %swap3A_1324] {strides = array<i32>} : memref<2x64xf32, #tpu.memory_space<vmem>>, vector<16xf32>,
      tpu.vector_store %arg13[%swap3A_1323, %swap3A_1324], %mul3A_1321 {strides = array<i32>} : memref<2x64xf32, #tpu.memory_space<vmem>>, vector<16xf32>,
      %add3A_1326 = vector.broadcast %add3A_812 : i32 to vector<16xi32>
      %add3A_1327 = arith.addi %broadcast_in_dim3A_45, %add3A_1326 : vector<16xi32>
      %mul3A_1328 = arith.constant 2 : i32
      %mul3A_1329 = vector.broadcast %mul3A_1328 : i32 to vector<16xi32>
      %mul3A_1330 = arith.muli %iota3A, %mul3A_1329 : vector<16xi32>
      %add3A_1331 = arith.constant 96 : i32
      %add3A_1332 = vector.broadcast %add3A_1331 : i32 to vector<16xi32>
      %add3A_1333 = arith.addi %mul3A_1330, %add3A_1332 : vector<16xi32>
      %gather3A_1334 = tpu.vector_load_idx %arg5[%add3A_1327, %add3A_1333] : memref<144x128xf32, #tpu.memory_space<vmem>>[vector<16xi32>, vector<16xi32>], vector<16xf32>,
      %add3A_1335 = arith.constant 1 : i32
      %add3A_1336 = vector.broadcast %add3A_1335 : i32 to vector<16xi32>
      %add3A_1337 = arith.addi %add3A_1333, %add3A_1336 : vector<16xi32>
      %gather3A_1338 = tpu.vector_load_idx %arg5[%add3A_1327, %add3A_1337] : memref<144x128xf32, #tpu.memory_space<vmem>>[vector<16xi32>, vector<16xi32>], vector<16xf32>,
      %add3A_1339 = arith.constant 1.000000e+00 : f32
      %add3A_1340 = vector.broadcast %add3A_1339 : f32 to vector<16xf32>
      %add3A_1341 = arith.addf %gather3A_1338, %add3A_1340 : vector<16xf32>
      %mul3A_1342 = arith.constant 1.920000e+02 : f32
      %mul3A_1343 = vector.broadcast %mul3A_1342 : f32 to vector<16xf32>
      %mul3A_1344 = arith.mulf %add3A_1341, %mul3A_1343 : vector<16xf32>
      %sub3A_1345 = arith.constant 5.000000e-01 : f32
      %sub3A_1346 = vector.broadcast %sub3A_1345 : f32 to vector<16xf32>
      %sub3A_1347 = arith.subf %mul3A_1344, %sub3A_1346 : vector<16xf32>
      %add3A_1348 = arith.constant 1.000000e+00 : f32
      %add3A_1349 = vector.broadcast %add3A_1348 : f32 to vector<16xf32>
      %add3A_1350 = arith.addf %gather3A_1334, %add3A_1349 : vector<16xf32>
      %mul3A_1351 = arith.constant 1.920000e+02 : f32
      %mul3A_1352 = vector.broadcast %mul3A_1351 : f32 to vector<16xf32>
      %mul3A_1353 = arith.mulf %add3A_1350, %mul3A_1352 : vector<16xf32>
      %sub3A_1354 = arith.constant 5.000000e-01 : f32
      %sub3A_1355 = vector.broadcast %sub3A_1354 : f32 to vector<16xf32>
      %sub3A_1356 = arith.subf %mul3A_1353, %sub3A_1355 : vector<16xf32>
      %convert_element_type3A_1357 = arith.fptosi %sub3A_1347 : vector<16xf32> to vector<16xi32>
      %convert_element_type3A_1358 = arith.sitofp %convert_element_type3A_1357 : vector<16xi32> to vector<16xf32>
      %lt3A_1359 = arith.cmpf olt, %sub3A_1347, %convert_element_type3A_1358 : vector<16xf32>
      %sub3A_1360 = arith.constant 1 : i32
      %sub3A_1361 = vector.broadcast %sub3A_1360 : i32 to vector<16xi32>
      %sub3A_1362 = arith.subi %convert_element_type3A_1357, %sub3A_1361 : vector<16xi32>
      %select_n3A_1363 = arith.select %lt3A_1359, %sub3A_1362, %convert_element_type3A_1357 : vector<16xi1>, vector<16xi32>
      %convert_element_type3A_1364 = arith.sitofp %select_n3A_1363 : vector<16xi32> to vector<16xf32>
      %convert_element_type3A_1365 = arith.fptosi %sub3A_1356 : vector<16xf32> to vector<16xi32>
      %convert_element_type3A_1366 = arith.sitofp %convert_element_type3A_1365 : vector<16xi32> to vector<16xf32>
      %lt3A_1367 = arith.cmpf olt, %sub3A_1356, %convert_element_type3A_1366 : vector<16xf32>
      %sub3A_1368 = arith.constant 1 : i32
      %sub3A_1369 = vector.broadcast %sub3A_1368 : i32 to vector<16xi32>
      %sub3A_1370 = arith.subi %convert_element_type3A_1365, %sub3A_1369 : vector<16xi32>
      %select_n3A_1371 = arith.select %lt3A_1367, %sub3A_1370, %convert_element_type3A_1365 : vector<16xi1>, vector<16xi32>
      %convert_element_type3A_1372 = arith.sitofp %select_n3A_1371 : vector<16xi32> to vector<16xf32>
      %sub3A_1373 = arith.subf %sub3A_1347, %convert_element_type3A_1364 : vector<16xf32>
      %add3A_1374 = arith.constant 1.000000e+00 : f32
      %add3A_1375 = vector.broadcast %add3A_1374 : f32 to vector<16xf32>
      %add3A_1376 = arith.addf %convert_element_type3A_1364, %add3A_1375 : vector<16xf32>
      %sub3A_1377 = arith.subf %add3A_1376, %sub3A_1347 : vector<16xf32>
      %sub3A_1378 = arith.subf %sub3A_1356, %convert_element_type3A_1372 : vector<16xf32>
      %add3A_1379 = arith.constant 1.000000e+00 : f32
      %add3A_1380 = vector.broadcast %add3A_1379 : f32 to vector<16xf32>
      %add3A_1381 = arith.addf %convert_element_type3A_1372, %add3A_1380 : vector<16xf32>
      %sub3A_1382 = arith.subf %add3A_1381, %sub3A_1356 : vector<16xf32>
      %add3A_1383 = arith.constant 1 : i32
      %add3A_1384 = vector.broadcast %add3A_1383 : i32 to vector<16xi32>
      %add3A_1385 = arith.addi %select_n3A_1363, %add3A_1384 : vector<16xi32>
      %add3A_1386 = arith.constant 1 : i32
      %add3A_1387 = vector.broadcast %add3A_1386 : i32 to vector<16xi32>
      %add3A_1388 = arith.addi %select_n3A_1371, %add3A_1387 : vector<16xi32>
      %broadcast_in_dim3A_1389 = arith.constant 0.000000e+00 : f32
      %broadcast_in_dim3A_1390 = vector.broadcast %broadcast_in_dim3A_1389 : f32 to vector<16xf32>
      %ge3A_1391 = arith.constant 0 : i32
      %ge3A_1392 = vector.broadcast %ge3A_1391 : i32 to vector<16xi32>
      %ge3A_1393 = arith.cmpi sge, %select_n3A_1363, %ge3A_1392 : vector<16xi32>
      %lt3A_1394 = arith.constant 384 : i32
      %lt3A_1395 = vector.broadcast %lt3A_1394 : i32 to vector<16xi32>
      %lt3A_1396 = arith.cmpi slt, %select_n3A_1363, %lt3A_1395 : vector<16xi32>
      %and3A_1397 = arith.andi %ge3A_1393, %lt3A_1396 : vector<16xi1>
      %select_n3A_1398 = arith.select %and3A_1397, %sub3A_1377, %broadcast_in_dim3A_1390 : vector<16xi1>, vector<16xf32>
      %ge3A_1399 = arith.constant 0 : i32
      %ge3A_1400 = vector.broadcast %ge3A_1399 : i32 to vector<16xi32>
      %ge3A_1401 = arith.cmpi sge, %add3A_1385, %ge3A_1400 : vector<16xi32>
      %lt3A_1402 = arith.constant 384 : i32
      %lt3A_1403 = vector.broadcast %lt3A_1402 : i32 to vector<16xi32>
      %lt3A_1404 = arith.cmpi slt, %add3A_1385, %lt3A_1403 : vector<16xi32>
      %and3A_1405 = arith.andi %ge3A_1401, %lt3A_1404 : vector<16xi1>
      %select_n3A_1406 = arith.select %and3A_1405, %sub3A_1373, %broadcast_in_dim3A_1390 : vector<16xi1>, vector<16xf32>
      %ge3A_1407 = arith.constant 0 : i32
      %ge3A_1408 = vector.broadcast %ge3A_1407 : i32 to vector<16xi32>
      %ge3A_1409 = arith.cmpi sge, %select_n3A_1371, %ge3A_1408 : vector<16xi32>
      %lt3A_1410 = arith.constant 384 : i32
      %lt3A_1411 = vector.broadcast %lt3A_1410 : i32 to vector<16xi32>
      %lt3A_1412 = arith.cmpi slt, %select_n3A_1371, %lt3A_1411 : vector<16xi32>
      %and3A_1413 = arith.andi %ge3A_1409, %lt3A_1412 : vector<16xi1>
      %select_n3A_1414 = arith.select %and3A_1413, %sub3A_1382, %broadcast_in_dim3A_1390 : vector<16xi1>, vector<16xf32>
      %ge3A_1415 = arith.constant 0 : i32
      %ge3A_1416 = vector.broadcast %ge3A_1415 : i32 to vector<16xi32>
      %ge3A_1417 = arith.cmpi sge, %add3A_1388, %ge3A_1416 : vector<16xi32>
      %lt3A_1418 = arith.constant 384 : i32
      %lt3A_1419 = vector.broadcast %lt3A_1418 : i32 to vector<16xi32>
      %lt3A_1420 = arith.cmpi slt, %add3A_1388, %lt3A_1419 : vector<16xi32>
      %and3A_1421 = arith.andi %ge3A_1417, %lt3A_1420 : vector<16xi1>
      %select_n3A_1422 = arith.select %and3A_1421, %sub3A_1378, %broadcast_in_dim3A_1390 : vector<16xi1>, vector<16xf32>
      %jit3A_1423 = arith.constant 0 : i32
      %jit3A_1424 = arith.constant 383 : i32
      %max3A_1425 = vector.broadcast %jit3A_1423 : i32 to vector<16xi32>
      %max3A_1426 = arith.maxsi %max3A_1425, %select_n3A_1363 : vector<16xi32>
      %min3A_1427 = vector.broadcast %jit3A_1424 : i32 to vector<16xi32>
      %min3A_1428 = arith.minsi %min3A_1427, %max3A_1426 : vector<16xi32>
      %jit3A_1429 = arith.constant 0 : i32
      %jit3A_1430 = arith.constant 383 : i32
      %max3A_1431 = vector.broadcast %jit3A_1429 : i32 to vector<16xi32>
      %max3A_1432 = arith.maxsi %max3A_1431, %add3A_1385 : vector<16xi32>
      %min3A_1433 = vector.broadcast %jit3A_1430 : i32 to vector<16xi32>
      %min3A_1434 = arith.minsi %min3A_1433, %max3A_1432 : vector<16xi32>
      %jit3A_1435 = arith.constant 0 : i32
      %jit3A_1436 = arith.constant 383 : i32
      %max3A_1437 = vector.broadcast %jit3A_1435 : i32 to vector<16xi32>
      %max3A_1438 = arith.maxsi %max3A_1437, %select_n3A_1371 : vector<16xi32>
      %min3A_1439 = vector.broadcast %jit3A_1436 : i32 to vector<16xi32>
      %min3A_1440 = arith.minsi %min3A_1439, %max3A_1438 : vector<16xi32>
      %jit3A_1441 = arith.constant 0 : i32
      %jit3A_1442 = arith.constant 383 : i32
      %max3A_1443 = vector.broadcast %jit3A_1441 : i32 to vector<16xi32>
      %max3A_1444 = arith.maxsi %max3A_1443, %add3A_1388 : vector<16xi32>
      %min3A_1445 = vector.broadcast %jit3A_1442 : i32 to vector<16xi32>
      %min3A_1446 = arith.minsi %min3A_1445, %max3A_1444 : vector<16xi32>
      %mul3A_1447 = arith.constant 384 : i32
      %mul3A_1448 = vector.broadcast %mul3A_1447 : i32 to vector<16xi32>
      %mul3A_1449 = arith.muli %min3A_1428, %mul3A_1448 : vector<16xi32>
      %add3A_1450 = vector.broadcast %mul3A_20 : i32 to vector<16xi32>
      %add3A_1451 = arith.addi %add3A_1450, %mul3A_1449 : vector<16xi32>
      %mul3A_1452 = arith.constant 384 : i32
      %mul3A_1453 = vector.broadcast %mul3A_1452 : i32 to vector<16xi32>
      %mul3A_1454 = arith.muli %min3A_1434, %mul3A_1453 : vector<16xi32>
      %add3A_1455 = vector.broadcast %mul3A_20 : i32 to vector<16xi32>
      %add3A_1456 = arith.addi %add3A_1455, %mul3A_1454 : vector<16xi32>
      %add3A_1457 = arith.addi %add3A_1451, %min3A_1440 : vector<16xi32>
      %swap3A_1458 = arith.constant 1 : i32
      %swap3A_1459 = arith.index_cast %swap3A_1458 : i32 to index
      %swap3A_1460 = arith.constant 48 : index
      %swap3A_1461 = tpu.vector_load %arg6[%swap3A_1459, %swap3A_1460] {strides = array<i32>} : memref<2x64xi32, #tpu.memory_space<vmem>>, vector<16xi32>,
      tpu.vector_store %arg6[%swap3A_1459, %swap3A_1460], %add3A_1457 {strides = array<i32>} : memref<2x64xi32, #tpu.memory_space<vmem>>, vector<16xi32>,
      %add3A_1462 = arith.addi %add3A_1451, %min3A_1446 : vector<16xi32>
      %swap3A_1463 = arith.constant 1 : i32
      %swap3A_1464 = arith.index_cast %swap3A_1463 : i32 to index
      %swap3A_1465 = arith.constant 48 : index
      %swap3A_1466 = tpu.vector_load %arg7[%swap3A_1464, %swap3A_1465] {strides = array<i32>} : memref<2x64xi32, #tpu.memory_space<vmem>>, vector<16xi32>,
      tpu.vector_store %arg7[%swap3A_1464, %swap3A_1465], %add3A_1462 {strides = array<i32>} : memref<2x64xi32, #tpu.memory_space<vmem>>, vector<16xi32>,
      %add3A_1467 = arith.addi %add3A_1456, %min3A_1440 : vector<16xi32>
      %swap3A_1468 = arith.constant 1 : i32
      %swap3A_1469 = arith.index_cast %swap3A_1468 : i32 to index
      %swap3A_1470 = arith.constant 48 : index
      %swap3A_1471 = tpu.vector_load %arg8[%swap3A_1469, %swap3A_1470] {strides = array<i32>} : memref<2x64xi32, #tpu.memory_space<vmem>>, vector<16xi32>,
      tpu.vector_store %arg8[%swap3A_1469, %swap3A_1470], %add3A_1467 {strides = array<i32>} : memref<2x64xi32, #tpu.memory_space<vmem>>, vector<16xi32>,
      %add3A_1472 = arith.addi %add3A_1456, %min3A_1446 : vector<16xi32>
      %swap3A_1473 = arith.constant 1 : i32
      %swap3A_1474 = arith.index_cast %swap3A_1473 : i32 to index
      %swap3A_1475 = arith.constant 48 : index
      %swap3A_1476 = tpu.vector_load %arg9[%swap3A_1474, %swap3A_1475] {strides = array<i32>} : memref<2x64xi32, #tpu.memory_space<vmem>>, vector<16xi32>,
      tpu.vector_store %arg9[%swap3A_1474, %swap3A_1475], %add3A_1472 {strides = array<i32>} : memref<2x64xi32, #tpu.memory_space<vmem>>, vector<16xi32>,
      %mul3A_1477 = arith.mulf %select_n3A_1398, %select_n3A_1414 : vector<16xf32>
      %swap3A_1478 = arith.constant 1 : i32
      %swap3A_1479 = arith.index_cast %swap3A_1478 : i32 to index
      %swap3A_1480 = arith.constant 48 : index
      %swap3A_1481 = tpu.vector_load %arg10[%swap3A_1479, %swap3A_1480] {strides = array<i32>} : memref<2x64xf32, #tpu.memory_space<vmem>>, vector<16xf32>,
      tpu.vector_store %arg10[%swap3A_1479, %swap3A_1480], %mul3A_1477 {strides = array<i32>} : memref<2x64xf32, #tpu.memory_space<vmem>>, vector<16xf32>,
      %mul3A_1482 = arith.mulf %select_n3A_1398, %select_n3A_1422 : vector<16xf32>
      %swap3A_1483 = arith.constant 1 : i32
      %swap3A_1484 = arith.index_cast %swap3A_1483 : i32 to index
      %swap3A_1485 = arith.constant 48 : index
      %swap3A_1486 = tpu.vector_load %arg11[%swap3A_1484, %swap3A_1485] {strides = array<i32>} : memref<2x64xf32, #tpu.memory_space<vmem>>, vector<16xf32>,
      tpu.vector_store %arg11[%swap3A_1484, %swap3A_1485], %mul3A_1482 {strides = array<i32>} : memref<2x64xf32, #tpu.memory_space<vmem>>, vector<16xf32>,
      %mul3A_1487 = arith.mulf %select_n3A_1406, %select_n3A_1414 : vector<16xf32>
      %swap3A_1488 = arith.constant 1 : i32
      %swap3A_1489 = arith.index_cast %swap3A_1488 : i32 to index
      %swap3A_1490 = arith.constant 48 : index
      %swap3A_1491 = tpu.vector_load %arg12[%swap3A_1489, %swap3A_1490] {strides = array<i32>} : memref<2x64xf32, #tpu.memory_space<vmem>>, vector<16xf32>,
      tpu.vector_store %arg12[%swap3A_1489, %swap3A_1490], %mul3A_1487 {strides = array<i32>} : memref<2x64xf32, #tpu.memory_space<vmem>>, vector<16xf32>,
      %mul3A_1492 = arith.mulf %select_n3A_1406, %select_n3A_1422 : vector<16xf32>
      %swap3A_1493 = arith.constant 1 : i32
      %swap3A_1494 = arith.index_cast %swap3A_1493 : i32 to index
      %swap3A_1495 = arith.constant 48 : index
      %swap3A_1496 = tpu.vector_load %arg13[%swap3A_1494, %swap3A_1495] {strides = array<i32>} : memref<2x64xf32, #tpu.memory_space<vmem>>, vector<16xf32>,
      tpu.vector_store %arg13[%swap3A_1494, %swap3A_1495], %mul3A_1492 {strides = array<i32>} : memref<2x64xf32, #tpu.memory_space<vmem>>, vector<16xf32>,
      %dma_start3A_1497 = arith.constant 1 : i32
      %dma_start3A_1498 = arith.constant 1 : i32
      %dma_start3A_1499 = arith.constant 0 : i32
      %dma_start3A_1500 = arith.constant 0 : i32
      %dma_start3A_1501 = tpu.memref_slice %arg14[%dma_start3A_1498, %dma_start3A_1499, %dma_start3A_1500] : memref<2x64x128xf32, #tpu.memory_space<vmem>> -> memref<1x64x128xf32, #tpu.memory_space<vmem>>
      %dma_start3A_1502 = tpu.memref_squeeze %dma_start3A_1501 : memref<1x64x128xf32, #tpu.memory_space<vmem>> -> memref<64x128xf32, #tpu.memory_space<vmem>>
      %dma_start3A_1503 = arith.constant 0 : i32
      %dma_start3A_1504 = tpu.memref_slice %arg6[%dma_start3A_1497, %dma_start3A_1503] : memref<2x64xi32, #tpu.memory_space<vmem>> -> memref<1x64xi32, #tpu.memory_space<vmem>>
      %dma_start3A_1505 = tpu.memref_squeeze %dma_start3A_1504 : memref<1x64xi32, #tpu.memory_space<vmem>> -> memref<64xi32, #tpu.memory_space<vmem>>
      %dma_start3A_1506 = arith.constant 0 : i32
      %dma_start3A_1507 = arith.constant 0 : i32
      %dma_start3A_1508 = tpu.memref_slice %arg2[%dma_start3A_1506, %dma_start3A_1507] : memref<294912x128xf32, #tpu.memory_space<hbm>> -> memref<294912x128xf32, #tpu.memory_space<hbm>>
      tpu.enqueue_indirect_dma source(%dma_start3A_1508 : memref<294912x128xf32, #tpu.memory_space<hbm>>) target(%dma_start3A_1502 : memref<64x128xf32, #tpu.memory_space<vmem>>) offsets(%dma_start3A_1505 : memref<64xi32, #tpu.memory_space<vmem>>) semaphore(%arg20 : memref<!tpu.dma_semaphore, #tpu.memory_space<semaphore_mem>>)
      %dma_start3A_1509 = arith.constant 1 : i32
      %dma_start3A_1510 = arith.constant 1 : i32
      %dma_start3A_1511 = arith.constant 0 : i32
      %dma_start3A_1512 = arith.constant 0 : i32
      %dma_start3A_1513 = tpu.memref_slice %arg15[%dma_start3A_1510, %dma_start3A_1511, %dma_start3A_1512] : memref<2x64x128xf32, #tpu.memory_space<vmem>> -> memref<1x64x128xf32, #tpu.memory_space<vmem>>
      %dma_start3A_1514 = tpu.memref_squeeze %dma_start3A_1513 : memref<1x64x128xf32, #tpu.memory_space<vmem>> -> memref<64x128xf32, #tpu.memory_space<vmem>>
      %dma_start3A_1515 = arith.constant 0 : i32
      %dma_start3A_1516 = tpu.memref_slice %arg7[%dma_start3A_1509, %dma_start3A_1515] : memref<2x64xi32, #tpu.memory_space<vmem>> -> memref<1x64xi32, #tpu.memory_space<vmem>>
      %dma_start3A_1517 = tpu.memref_squeeze %dma_start3A_1516 : memref<1x64xi32, #tpu.memory_space<vmem>> -> memref<64xi32, #tpu.memory_space<vmem>>
      %dma_start3A_1518 = arith.constant 0 : i32
      %dma_start3A_1519 = arith.constant 0 : i32
      %dma_start3A_1520 = tpu.memref_slice %arg2[%dma_start3A_1518, %dma_start3A_1519] : memref<294912x128xf32, #tpu.memory_space<hbm>> -> memref<294912x128xf32, #tpu.memory_space<hbm>>
      tpu.enqueue_indirect_dma source(%dma_start3A_1520 : memref<294912x128xf32, #tpu.memory_space<hbm>>) target(%dma_start3A_1514 : memref<64x128xf32, #tpu.memory_space<vmem>>) offsets(%dma_start3A_1517 : memref<64xi32, #tpu.memory_space<vmem>>) semaphore(%arg20 : memref<!tpu.dma_semaphore, #tpu.memory_space<semaphore_mem>>)
      %dma_start3A_1521 = arith.constant 1 : i32
      %dma_start3A_1522 = arith.constant 1 : i32
      %dma_start3A_1523 = arith.constant 0 : i32
      %dma_start3A_1524 = arith.constant 0 : i32
      %dma_start3A_1525 = tpu.memref_slice %arg16[%dma_start3A_1522, %dma_start3A_1523, %dma_start3A_1524] : memref<2x64x128xf32, #tpu.memory_space<vmem>> -> memref<1x64x128xf32, #tpu.memory_space<vmem>>
      %dma_start3A_1526 = tpu.memref_squeeze %dma_start3A_1525 : memref<1x64x128xf32, #tpu.memory_space<vmem>> -> memref<64x128xf32, #tpu.memory_space<vmem>>
      %dma_start3A_1527 = arith.constant 0 : i32
      %dma_start3A_1528 = tpu.memref_slice %arg8[%dma_start3A_1521, %dma_start3A_1527] : memref<2x64xi32, #tpu.memory_space<vmem>> -> memref<1x64xi32, #tpu.memory_space<vmem>>
      %dma_start3A_1529 = tpu.memref_squeeze %dma_start3A_1528 : memref<1x64xi32, #tpu.memory_space<vmem>> -> memref<64xi32, #tpu.memory_space<vmem>>
      %dma_start3A_1530 = arith.constant 0 : i32
      %dma_start3A_1531 = arith.constant 0 : i32
      %dma_start3A_1532 = tpu.memref_slice %arg2[%dma_start3A_1530, %dma_start3A_1531] : memref<294912x128xf32, #tpu.memory_space<hbm>> -> memref<294912x128xf32, #tpu.memory_space<hbm>>
      tpu.enqueue_indirect_dma source(%dma_start3A_1532 : memref<294912x128xf32, #tpu.memory_space<hbm>>) target(%dma_start3A_1526 : memref<64x128xf32, #tpu.memory_space<vmem>>) offsets(%dma_start3A_1529 : memref<64xi32, #tpu.memory_space<vmem>>) semaphore(%arg20 : memref<!tpu.dma_semaphore, #tpu.memory_space<semaphore_mem>>)
      %dma_start3A_1533 = arith.constant 1 : i32
      %dma_start3A_1534 = arith.constant 1 : i32
      %dma_start3A_1535 = arith.constant 0 : i32
      %dma_start3A_1536 = arith.constant 0 : i32
      %dma_start3A_1537 = tpu.memref_slice %arg17[%dma_start3A_1534, %dma_start3A_1535, %dma_start3A_1536] : memref<2x64x128xf32, #tpu.memory_space<vmem>> -> memref<1x64x128xf32, #tpu.memory_space<vmem>>
      %dma_start3A_1538 = tpu.memref_squeeze %dma_start3A_1537 : memref<1x64x128xf32, #tpu.memory_space<vmem>> -> memref<64x128xf32, #tpu.memory_space<vmem>>
      %dma_start3A_1539 = arith.constant 0 : i32
      %dma_start3A_1540 = tpu.memref_slice %arg9[%dma_start3A_1533, %dma_start3A_1539] : memref<2x64xi32, #tpu.memory_space<vmem>> -> memref<1x64xi32, #tpu.memory_space<vmem>>
      %dma_start3A_1541 = tpu.memref_squeeze %dma_start3A_1540 : memref<1x64xi32, #tpu.memory_space<vmem>> -> memref<64xi32, #tpu.memory_space<vmem>>
      %dma_start3A_1542 = arith.constant 0 : i32
      %dma_start3A_1543 = arith.constant 0 : i32
      %dma_start3A_1544 = tpu.memref_slice %arg2[%dma_start3A_1542, %dma_start3A_1543] : memref<294912x128xf32, #tpu.memory_space<hbm>> -> memref<294912x128xf32, #tpu.memory_space<hbm>>
      tpu.enqueue_indirect_dma source(%dma_start3A_1544 : memref<294912x128xf32, #tpu.memory_space<hbm>>) target(%dma_start3A_1538 : memref<64x128xf32, #tpu.memory_space<vmem>>) offsets(%dma_start3A_1541 : memref<64xi32, #tpu.memory_space<vmem>>) semaphore(%arg20 : memref<!tpu.dma_semaphore, #tpu.memory_space<semaphore_mem>>)
      %dma_wait3A_1545 = arith.constant 0 : i32
      %dma_wait3A_1546 = arith.constant 0 : i32
      %dma_wait3A_1547 = arith.constant 0 : i32
      %dma_wait3A_1548 = arith.constant 0 : i32
      %dma_wait3A_1549 = tpu.memref_slice %arg14[%dma_wait3A_1546, %dma_wait3A_1547, %dma_wait3A_1548] : memref<2x64x128xf32, #tpu.memory_space<vmem>> -> memref<1x64x128xf32, #tpu.memory_space<vmem>>
      %dma_wait3A_1550 = tpu.memref_squeeze %dma_wait3A_1549 : memref<1x64x128xf32, #tpu.memory_space<vmem>> -> memref<64x128xf32, #tpu.memory_space<vmem>>
      %dma_wait3A_1551 = arith.constant 0 : i32
      %dma_wait3A_1552 = tpu.memref_slice %arg6[%dma_wait3A_1545, %dma_wait3A_1551] : memref<2x64xi32, #tpu.memory_space<vmem>> -> memref<1x64xi32, #tpu.memory_space<vmem>>
      %dma_wait3A_1553 = tpu.memref_squeeze %dma_wait3A_1552 : memref<1x64xi32, #tpu.memory_space<vmem>> -> memref<64xi32, #tpu.memory_space<vmem>>
      %dma_wait3A_1554 = arith.constant 0 : i32
      %dma_wait3A_1555 = arith.constant 0 : i32
      %dma_wait3A_1556 = tpu.memref_slice %arg2[%dma_wait3A_1554, %dma_wait3A_1555] : memref<294912x128xf32, #tpu.memory_space<hbm>> -> memref<294912x128xf32, #tpu.memory_space<hbm>>
      tpu.wait_indirect_dma semaphore(%arg19 : memref<!tpu.dma_semaphore, #tpu.memory_space<semaphore_mem>>) src(%dma_wait3A_1556 : memref<294912x128xf32, #tpu.memory_space<hbm>>) dst(%dma_wait3A_1550 : memref<64x128xf32, #tpu.memory_space<vmem>>)
      %dma_wait3A_1557 = arith.constant 0 : i32
      %dma_wait3A_1558 = arith.constant 0 : i32
      %dma_wait3A_1559 = arith.constant 0 : i32
      %dma_wait3A_1560 = arith.constant 0 : i32
      %dma_wait3A_1561 = tpu.memref_slice %arg15[%dma_wait3A_1558, %dma_wait3A_1559, %dma_wait3A_1560] : memref<2x64x128xf32, #tpu.memory_space<vmem>> -> memref<1x64x128xf32, #tpu.memory_space<vmem>>
      %dma_wait3A_1562 = tpu.memref_squeeze %dma_wait3A_1561 : memref<1x64x128xf32, #tpu.memory_space<vmem>> -> memref<64x128xf32, #tpu.memory_space<vmem>>
      %dma_wait3A_1563 = arith.constant 0 : i32
      %dma_wait3A_1564 = tpu.memref_slice %arg7[%dma_wait3A_1557, %dma_wait3A_1563] : memref<2x64xi32, #tpu.memory_space<vmem>> -> memref<1x64xi32, #tpu.memory_space<vmem>>
      %dma_wait3A_1565 = tpu.memref_squeeze %dma_wait3A_1564 : memref<1x64xi32, #tpu.memory_space<vmem>> -> memref<64xi32, #tpu.memory_space<vmem>>
      %dma_wait3A_1566 = arith.constant 0 : i32
      %dma_wait3A_1567 = arith.constant 0 : i32
      %dma_wait3A_1568 = tpu.memref_slice %arg2[%dma_wait3A_1566, %dma_wait3A_1567] : memref<294912x128xf32, #tpu.memory_space<hbm>> -> memref<294912x128xf32, #tpu.memory_space<hbm>>
      tpu.wait_indirect_dma semaphore(%arg19 : memref<!tpu.dma_semaphore, #tpu.memory_space<semaphore_mem>>) src(%dma_wait3A_1568 : memref<294912x128xf32, #tpu.memory_space<hbm>>) dst(%dma_wait3A_1562 : memref<64x128xf32, #tpu.memory_space<vmem>>)
      %dma_wait3A_1569 = arith.constant 0 : i32
      %dma_wait3A_1570 = arith.constant 0 : i32
      %dma_wait3A_1571 = arith.constant 0 : i32
      %dma_wait3A_1572 = arith.constant 0 : i32
      %dma_wait3A_1573 = tpu.memref_slice %arg16[%dma_wait3A_1570, %dma_wait3A_1571, %dma_wait3A_1572] : memref<2x64x128xf32, #tpu.memory_space<vmem>> -> memref<1x64x128xf32, #tpu.memory_space<vmem>>
      %dma_wait3A_1574 = tpu.memref_squeeze %dma_wait3A_1573 : memref<1x64x128xf32, #tpu.memory_space<vmem>> -> memref<64x128xf32, #tpu.memory_space<vmem>>
      %dma_wait3A_1575 = arith.constant 0 : i32
      %dma_wait3A_1576 = tpu.memref_slice %arg8[%dma_wait3A_1569, %dma_wait3A_1575] : memref<2x64xi32, #tpu.memory_space<vmem>> -> memref<1x64xi32, #tpu.memory_space<vmem>>
      %dma_wait3A_1577 = tpu.memref_squeeze %dma_wait3A_1576 : memref<1x64xi32, #tpu.memory_space<vmem>> -> memref<64xi32, #tpu.memory_space<vmem>>
      %dma_wait3A_1578 = arith.constant 0 : i32
      %dma_wait3A_1579 = arith.constant 0 : i32
      %dma_wait3A_1580 = tpu.memref_slice %arg2[%dma_wait3A_1578, %dma_wait3A_1579] : memref<294912x128xf32, #tpu.memory_space<hbm>> -> memref<294912x128xf32, #tpu.memory_space<hbm>>
      tpu.wait_indirect_dma semaphore(%arg19 : memref<!tpu.dma_semaphore, #tpu.memory_space<semaphore_mem>>) src(%dma_wait3A_1580 : memref<294912x128xf32, #tpu.memory_space<hbm>>) dst(%dma_wait3A_1574 : memref<64x128xf32, #tpu.memory_space<vmem>>)
      %dma_wait3A_1581 = arith.constant 0 : i32
      %dma_wait3A_1582 = arith.constant 0 : i32
      %dma_wait3A_1583 = arith.constant 0 : i32
      %dma_wait3A_1584 = arith.constant 0 : i32
      %dma_wait3A_1585 = tpu.memref_slice %arg17[%dma_wait3A_1582, %dma_wait3A_1583, %dma_wait3A_1584] : memref<2x64x128xf32, #tpu.memory_space<vmem>> -> memref<1x64x128xf32, #tpu.memory_space<vmem>>
      %dma_wait3A_1586 = tpu.memref_squeeze %dma_wait3A_1585 : memref<1x64x128xf32, #tpu.memory_space<vmem>> -> memref<64x128xf32, #tpu.memory_space<vmem>>
      %dma_wait3A_1587 = arith.constant 0 : i32
      %dma_wait3A_1588 = tpu.memref_slice %arg9[%dma_wait3A_1581, %dma_wait3A_1587] : memref<2x64xi32, #tpu.memory_space<vmem>> -> memref<1x64xi32, #tpu.memory_space<vmem>>
      %dma_wait3A_1589 = tpu.memref_squeeze %dma_wait3A_1588 : memref<1x64xi32, #tpu.memory_space<vmem>> -> memref<64xi32, #tpu.memory_space<vmem>>
      %dma_wait3A_1590 = arith.constant 0 : i32
      %dma_wait3A_1591 = arith.constant 0 : i32
      %dma_wait3A_1592 = tpu.memref_slice %arg2[%dma_wait3A_1590, %dma_wait3A_1591] : memref<294912x128xf32, #tpu.memory_space<hbm>> -> memref<294912x128xf32, #tpu.memory_space<hbm>>
      tpu.wait_indirect_dma semaphore(%arg19 : memref<!tpu.dma_semaphore, #tpu.memory_space<semaphore_mem>>) src(%dma_wait3A_1592 : memref<294912x128xf32, #tpu.memory_space<hbm>>) dst(%dma_wait3A_1586 : memref<64x128xf32, #tpu.memory_space<vmem>>)
      %gt3A = arith.constant 0 : i32
      %gt3A_1593 = arith.cmpi sgt, %scan3A_808, %gt3A : i32
      %convert_element_type3A_1594 = arith.extui %gt3A_1593 : i1 to i32
      %cond3A = arith.constant 0 : i32
      %cond3A_1595 = arith.cmpi ne, %convert_element_type3A_1594, %cond3A : i32
      scf.if %cond3A_1595 {
        %sub3A_1693 = arith.constant 2 : i32
        %sub3A_1694 = arith.subi %mul3A_810, %sub3A_1693 : i32
        %mul3A_1695 = arith.constant 64 : i32
        %mul3A_1696 = arith.muli %sub3A_1694, %mul3A_1695 : i32
        %add3A_1697 = arith.addi %mul3A_2, %mul3A_1696 : i32
        %dma_wait3A_1698 = arith.constant 0 : i32
        %dma_wait3A_1699 = arith.constant 0 : i32
        %dma_wait3A_1700 = arith.constant 0 : i32
        %dma_wait3A_1701 = tpu.memref_slice %arg18[%dma_wait3A_1698, %dma_wait3A_1699, %dma_wait3A_1700] : memref<2x64x128xf32, #tpu.memory_space<vmem>> -> memref<1x64x128xf32, #tpu.memory_space<vmem>>
        %dma_wait3A_1702 = tpu.memref_squeeze %dma_wait3A_1701 : memref<1x64x128xf32, #tpu.memory_space<vmem>> -> memref<64x128xf32, #tpu.memory_space<vmem>>
        %dma_wait3A_1703 = arith.constant 0 : i32
        %dma_wait3A_1704 = tpu.memref_slice %arg4[%add3A_1697, %dma_wait3A_1703] : memref<294912x128xf32, #tpu.memory_space<hbm>> -> memref<64x128xf32, #tpu.memory_space<hbm>>
        %dma_wait3A_1705 = arith.constant 0 : i32
        %dma_wait3A_1706 = tpu.memref_slice %arg4[%add3A_1697, %dma_wait3A_1705] : memref<294912x128xf32, #tpu.memory_space<hbm>> -> memref<64x128xf32, #tpu.memory_space<hbm>>
        %dma_wait3A_1707 = arith.constant 0 : i32
        %dma_wait3A_1708 = arith.constant 0 : i32
        %dma_wait3A_1709 = tpu.memref_slice %arg18[%dma_wait3A_1698, %dma_wait3A_1707, %dma_wait3A_1708] : memref<2x64x128xf32, #tpu.memory_space<vmem>> -> memref<1x64x128xf32, #tpu.memory_space<vmem>>
        %dma_wait3A_1710 = tpu.memref_squeeze %dma_wait3A_1709 : memref<1x64x128xf32, #tpu.memory_space<vmem>> -> memref<64x128xf32, #tpu.memory_space<vmem>>
        tpu.wait_dma2 semaphore(%arg21 : memref<!tpu.dma_semaphore, #tpu.memory_space<semaphore_mem>>) src(%dma_wait3A_1710 : memref<64x128xf32, #tpu.memory_space<vmem>>) dst(%dma_wait3A_1706 : memref<64x128xf32, #tpu.memory_space<hbm>>)
      } else {
      }
      %parallel_loop3A = arith.constant 0 : i32
      %parallel_loop3A_1596 = arith.constant 64 : i32
      %parallel_loop3A_1597 = arith.constant 1 : i32
      scf.for %parallel_loop3A_1693 = %parallel_loop3A to %parallel_loop3A_1596 step %parallel_loop3A_1597  : i32 {
        %parallel_loop3A_1694 = vector.broadcast %parallel_loop3A_1693 : i32 to vector<16xi32>
        %parallel_loop3A_1695 = arith.constant 0 : i32
        %parallel_loop3A_1696 = vector.broadcast %parallel_loop3A_1695 : i32 to vector<16xi32>
        %parallel_loop3A_1697 = arith.constant 0 : i32
        %parallel_loop3A_1698 = vector.broadcast %parallel_loop3A_1697 : i32 to vector<16xi32>
        %parallel_loop3A_1699 = arith.addi %parallel_loop3A_1696, %parallel_loop3A_1698 : vector<16xi32>
        %parallel_loop3A_1700 = tpu.vector_load_idx %arg10[%parallel_loop3A_1699, %parallel_loop3A_1694] : memref<2x64xf32, #tpu.memory_space<vmem>>[vector<16xi32>, vector<16xi32>], vector<16xf32>,
        %parallel_loop3A_1701 = arith.constant 0 : i32
        %parallel_loop3A_1702 = vector.broadcast %parallel_loop3A_1701 : i32 to vector<16xi32>
        %parallel_loop3A_1703 = arith.addi %parallel_loop3A_1696, %parallel_loop3A_1702 : vector<16xi32>
        %parallel_loop3A_1704 = tpu.vector_load_idx %arg11[%parallel_loop3A_1703, %parallel_loop3A_1694] : memref<2x64xf32, #tpu.memory_space<vmem>>[vector<16xi32>, vector<16xi32>], vector<16xf32>,
        %parallel_loop3A_1705 = arith.constant 0 : i32
        %parallel_loop3A_1706 = vector.broadcast %parallel_loop3A_1705 : i32 to vector<16xi32>
        %parallel_loop3A_1707 = arith.addi %parallel_loop3A_1696, %parallel_loop3A_1706 : vector<16xi32>
        %parallel_loop3A_1708 = tpu.vector_load_idx %arg12[%parallel_loop3A_1707, %parallel_loop3A_1694] : memref<2x64xf32, #tpu.memory_space<vmem>>[vector<16xi32>, vector<16xi32>], vector<16xf32>,
        %parallel_loop3A_1709 = arith.constant 0 : i32
        %parallel_loop3A_1710 = vector.broadcast %parallel_loop3A_1709 : i32 to vector<16xi32>
        %parallel_loop3A_1711 = arith.addi %parallel_loop3A_1696, %parallel_loop3A_1710 : vector<16xi32>
        %parallel_loop3A_1712 = tpu.vector_load_idx %arg13[%parallel_loop3A_1711, %parallel_loop3A_1694] : memref<2x64xf32, #tpu.memory_space<vmem>>[vector<16xi32>, vector<16xi32>], vector<16xf32>,
        %parallel_loop3A_1713 = arith.constant 0 : i32
        %parallel_loop3A_1714 = arith.index_cast %parallel_loop3A_1713 : i32 to index
        %parallel_loop3A_1715 = arith.index_cast %parallel_loop3A_1693 : i32 to index
        %parallel_loop3A_1716 = arith.constant 0 : index
        %parallel_loop3A_1717 = tpu.vector_load %arg14[%parallel_loop3A_1714, %parallel_loop3A_1715, %parallel_loop3A_1716] {strides = array<i32>} : memref<2x64x128xf32, #tpu.memory_space<vmem>>, vector<16xf32>,
        %parallel_loop3A_1718 = arith.mulf %parallel_loop3A_1700, %parallel_loop3A_1717 : vector<16xf32>
        %parallel_loop3A_1719 = arith.constant 0 : i32
        %parallel_loop3A_1720 = arith.index_cast %parallel_loop3A_1719 : i32 to index
        %parallel_loop3A_1721 = arith.index_cast %parallel_loop3A_1693 : i32 to index
        %parallel_loop3A_1722 = arith.constant 0 : index
        %parallel_loop3A_1723 = tpu.vector_load %arg15[%parallel_loop3A_1720, %parallel_loop3A_1721, %parallel_loop3A_1722] {strides = array<i32>} : memref<2x64x128xf32, #tpu.memory_space<vmem>>, vector<16xf32>,
        %parallel_loop3A_1724 = arith.mulf %parallel_loop3A_1704, %parallel_loop3A_1723 : vector<16xf32>
        %parallel_loop3A_1725 = arith.addf %parallel_loop3A_1718, %parallel_loop3A_1724 : vector<16xf32>
        %parallel_loop3A_1726 = arith.constant 0 : i32
        %parallel_loop3A_1727 = arith.index_cast %parallel_loop3A_1726 : i32 to index
        %parallel_loop3A_1728 = arith.index_cast %parallel_loop3A_1693 : i32 to index
        %parallel_loop3A_1729 = arith.constant 0 : index
        %parallel_loop3A_1730 = tpu.vector_load %arg16[%parallel_loop3A_1727, %parallel_loop3A_1728, %parallel_loop3A_1729] {strides = array<i32>} : memref<2x64x128xf32, #tpu.memory_space<vmem>>, vector<16xf32>,
        %parallel_loop3A_1731 = arith.mulf %parallel_loop3A_1708, %parallel_loop3A_1730 : vector<16xf32>
        %parallel_loop3A_1732 = arith.addf %parallel_loop3A_1725, %parallel_loop3A_1731 : vector<16xf32>
        %parallel_loop3A_1733 = arith.constant 0 : i32
        %parallel_loop3A_1734 = arith.index_cast %parallel_loop3A_1733 : i32 to index
        %parallel_loop3A_1735 = arith.index_cast %parallel_loop3A_1693 : i32 to index
        %parallel_loop3A_1736 = arith.constant 0 : index
        %parallel_loop3A_1737 = tpu.vector_load %arg17[%parallel_loop3A_1734, %parallel_loop3A_1735, %parallel_loop3A_1736] {strides = array<i32>} : memref<2x64x128xf32, #tpu.memory_space<vmem>>, vector<16xf32>,
        %parallel_loop3A_1738 = arith.mulf %parallel_loop3A_1712, %parallel_loop3A_1737 : vector<16xf32>
        %parallel_loop3A_1739 = arith.addf %parallel_loop3A_1732, %parallel_loop3A_1738 : vector<16xf32>
        %parallel_loop3A_1740 = arith.constant 0 : i32
        %parallel_loop3A_1741 = arith.index_cast %parallel_loop3A_1740 : i32 to index
        %parallel_loop3A_1742 = arith.index_cast %parallel_loop3A_1693 : i32 to index
        %parallel_loop3A_1743 = arith.constant 0 : index
        %parallel_loop3A_1744 = tpu.vector_load %arg18[%parallel_loop3A_1741, %parallel_loop3A_1742, %parallel_loop3A_1743] {strides = array<i32>} : memref<2x64x128xf32, #tpu.memory_space<vmem>>, vector<16xf32>,
        tpu.vector_store %arg18[%parallel_loop3A_1741, %parallel_loop3A_1742, %parallel_loop3A_1743], %parallel_loop3A_1739 {strides = array<i32>} : memref<2x64x128xf32, #tpu.memory_space<vmem>>, vector<16xf32>,
        %parallel_loop3A_1745 = arith.constant 0 : i32
        %parallel_loop3A_1746 = arith.index_cast %parallel_loop3A_1745 : i32 to index
        %parallel_loop3A_1747 = arith.index_cast %parallel_loop3A_1693 : i32 to index
        %parallel_loop3A_1748 = arith.constant 16 : index
        %parallel_loop3A_1749 = tpu.vector_load %arg14[%parallel_loop3A_1746, %parallel_loop3A_1747, %parallel_loop3A_1748] {strides = array<i32>} : memref<2x64x128xf32, #tpu.memory_space<vmem>>, vector<16xf32>,
        %parallel_loop3A_1750 = arith.mulf %parallel_loop3A_1700, %parallel_loop3A_1749 : vector<16xf32>
        %parallel_loop3A_1751 = arith.constant 0 : i32
        %parallel_loop3A_1752 = arith.index_cast %parallel_loop3A_1751 : i32 to index
        %parallel_loop3A_1753 = arith.index_cast %parallel_loop3A_1693 : i32 to index
        %parallel_loop3A_1754 = arith.constant 16 : index
        %parallel_loop3A_1755 = tpu.vector_load %arg15[%parallel_loop3A_1752, %parallel_loop3A_1753, %parallel_loop3A_1754] {strides = array<i32>} : memref<2x64x128xf32, #tpu.memory_space<vmem>>, vector<16xf32>,
        %parallel_loop3A_1756 = arith.mulf %parallel_loop3A_1704, %parallel_loop3A_1755 : vector<16xf32>
        %parallel_loop3A_1757 = arith.addf %parallel_loop3A_1750, %parallel_loop3A_1756 : vector<16xf32>
        %parallel_loop3A_1758 = arith.constant 0 : i32
        %parallel_loop3A_1759 = arith.index_cast %parallel_loop3A_1758 : i32 to index
        %parallel_loop3A_1760 = arith.index_cast %parallel_loop3A_1693 : i32 to index
        %parallel_loop3A_1761 = arith.constant 16 : index
        %parallel_loop3A_1762 = tpu.vector_load %arg16[%parallel_loop3A_1759, %parallel_loop3A_1760, %parallel_loop3A_1761] {strides = array<i32>} : memref<2x64x128xf32, #tpu.memory_space<vmem>>, vector<16xf32>,
        %parallel_loop3A_1763 = arith.mulf %parallel_loop3A_1708, %parallel_loop3A_1762 : vector<16xf32>
        %parallel_loop3A_1764 = arith.addf %parallel_loop3A_1757, %parallel_loop3A_1763 : vector<16xf32>
        %parallel_loop3A_1765 = arith.constant 0 : i32
        %parallel_loop3A_1766 = arith.index_cast %parallel_loop3A_1765 : i32 to index
        %parallel_loop3A_1767 = arith.index_cast %parallel_loop3A_1693 : i32 to index
        %parallel_loop3A_1768 = arith.constant 16 : index
        %parallel_loop3A_1769 = tpu.vector_load %arg17[%parallel_loop3A_1766, %parallel_loop3A_1767, %parallel_loop3A_1768] {strides = array<i32>} : memref<2x64x128xf32, #tpu.memory_space<vmem>>, vector<16xf32>,
        %parallel_loop3A_1770 = arith.mulf %parallel_loop3A_1712, %parallel_loop3A_1769 : vector<16xf32>
        %parallel_loop3A_1771 = arith.addf %parallel_loop3A_1764, %parallel_loop3A_1770 : vector<16xf32>
        %parallel_loop3A_1772 = arith.constant 0 : i32
        %parallel_loop3A_1773 = arith.index_cast %parallel_loop3A_1772 : i32 to index
        %parallel_loop3A_1774 = arith.index_cast %parallel_loop3A_1693 : i32 to index
        %parallel_loop3A_1775 = arith.constant 16 : index
        %parallel_loop3A_1776 = tpu.vector_load %arg18[%parallel_loop3A_1773, %parallel_loop3A_1774, %parallel_loop3A_1775] {strides = array<i32>} : memref<2x64x128xf32, #tpu.memory_space<vmem>>, vector<16xf32>,
        tpu.vector_store %arg18[%parallel_loop3A_1773, %parallel_loop3A_1774, %parallel_loop3A_1775], %parallel_loop3A_1771 {strides = array<i32>} : memref<2x64x128xf32, #tpu.memory_space<vmem>>, vector<16xf32>,
        %parallel_loop3A_1777 = arith.constant 0 : i32
        %parallel_loop3A_1778 = arith.index_cast %parallel_loop3A_1777 : i32 to index
        %parallel_loop3A_1779 = arith.index_cast %parallel_loop3A_1693 : i32 to index
        %parallel_loop3A_1780 = arith.constant 32 : index
        %parallel_loop3A_1781 = tpu.vector_load %arg14[%parallel_loop3A_1778, %parallel_loop3A_1779, %parallel_loop3A_1780] {strides = array<i32>} : memref<2x64x128xf32, #tpu.memory_space<vmem>>, vector<16xf32>,
        %parallel_loop3A_1782 = arith.mulf %parallel_loop3A_1700, %parallel_loop3A_1781 : vector<16xf32>
        %parallel_loop3A_1783 = arith.constant 0 : i32
        %parallel_loop3A_1784 = arith.index_cast %parallel_loop3A_1783 : i32 to index
        %parallel_loop3A_1785 = arith.index_cast %parallel_loop3A_1693 : i32 to index
        %parallel_loop3A_1786 = arith.constant 32 : index
        %parallel_loop3A_1787 = tpu.vector_load %arg15[%parallel_loop3A_1784, %parallel_loop3A_1785, %parallel_loop3A_1786] {strides = array<i32>} : memref<2x64x128xf32, #tpu.memory_space<vmem>>, vector<16xf32>,
        %parallel_loop3A_1788 = arith.mulf %parallel_loop3A_1704, %parallel_loop3A_1787 : vector<16xf32>
        %parallel_loop3A_1789 = arith.addf %parallel_loop3A_1782, %parallel_loop3A_1788 : vector<16xf32>
        %parallel_loop3A_1790 = arith.constant 0 : i32
        %parallel_loop3A_1791 = arith.index_cast %parallel_loop3A_1790 : i32 to index
        %parallel_loop3A_1792 = arith.index_cast %parallel_loop3A_1693 : i32 to index
        %parallel_loop3A_1793 = arith.constant 32 : index
        %parallel_loop3A_1794 = tpu.vector_load %arg16[%parallel_loop3A_1791, %parallel_loop3A_1792, %parallel_loop3A_1793] {strides = array<i32>} : memref<2x64x128xf32, #tpu.memory_space<vmem>>, vector<16xf32>,
        %parallel_loop3A_1795 = arith.mulf %parallel_loop3A_1708, %parallel_loop3A_1794 : vector<16xf32>
        %parallel_loop3A_1796 = arith.addf %parallel_loop3A_1789, %parallel_loop3A_1795 : vector<16xf32>
        %parallel_loop3A_1797 = arith.constant 0 : i32
        %parallel_loop3A_1798 = arith.index_cast %parallel_loop3A_1797 : i32 to index
        %parallel_loop3A_1799 = arith.index_cast %parallel_loop3A_1693 : i32 to index
        %parallel_loop3A_1800 = arith.constant 32 : index
        %parallel_loop3A_1801 = tpu.vector_load %arg17[%parallel_loop3A_1798, %parallel_loop3A_1799, %parallel_loop3A_1800] {strides = array<i32>} : memref<2x64x128xf32, #tpu.memory_space<vmem>>, vector<16xf32>,
        %parallel_loop3A_1802 = arith.mulf %parallel_loop3A_1712, %parallel_loop3A_1801 : vector<16xf32>
        %parallel_loop3A_1803 = arith.addf %parallel_loop3A_1796, %parallel_loop3A_1802 : vector<16xf32>
        %parallel_loop3A_1804 = arith.constant 0 : i32
        %parallel_loop3A_1805 = arith.index_cast %parallel_loop3A_1804 : i32 to index
        %parallel_loop3A_1806 = arith.index_cast %parallel_loop3A_1693 : i32 to index
        %parallel_loop3A_1807 = arith.constant 32 : index
        %parallel_loop3A_1808 = tpu.vector_load %arg18[%parallel_loop3A_1805, %parallel_loop3A_1806, %parallel_loop3A_1807] {strides = array<i32>} : memref<2x64x128xf32, #tpu.memory_space<vmem>>, vector<16xf32>,
        tpu.vector_store %arg18[%parallel_loop3A_1805, %parallel_loop3A_1806, %parallel_loop3A_1807], %parallel_loop3A_1803 {strides = array<i32>} : memref<2x64x128xf32, #tpu.memory_space<vmem>>, vector<16xf32>,
        %parallel_loop3A_1809 = arith.constant 0 : i32
        %parallel_loop3A_1810 = arith.index_cast %parallel_loop3A_1809 : i32 to index
        %parallel_loop3A_1811 = arith.index_cast %parallel_loop3A_1693 : i32 to index
        %parallel_loop3A_1812 = arith.constant 48 : index
        %parallel_loop3A_1813 = tpu.vector_load %arg14[%parallel_loop3A_1810, %parallel_loop3A_1811, %parallel_loop3A_1812] {strides = array<i32>} : memref<2x64x128xf32, #tpu.memory_space<vmem>>, vector<16xf32>,
        %parallel_loop3A_1814 = arith.mulf %parallel_loop3A_1700, %parallel_loop3A_1813 : vector<16xf32>
        %parallel_loop3A_1815 = arith.constant 0 : i32
        %parallel_loop3A_1816 = arith.index_cast %parallel_loop3A_1815 : i32 to index
        %parallel_loop3A_1817 = arith.index_cast %parallel_loop3A_1693 : i32 to index
        %parallel_loop3A_1818 = arith.constant 48 : index
        %parallel_loop3A_1819 = tpu.vector_load %arg15[%parallel_loop3A_1816, %parallel_loop3A_1817, %parallel_loop3A_1818] {strides = array<i32>} : memref<2x64x128xf32, #tpu.memory_space<vmem>>, vector<16xf32>,
        %parallel_loop3A_1820 = arith.mulf %parallel_loop3A_1704, %parallel_loop3A_1819 : vector<16xf32>
        %parallel_loop3A_1821 = arith.addf %parallel_loop3A_1814, %parallel_loop3A_1820 : vector<16xf32>
        %parallel_loop3A_1822 = arith.constant 0 : i32
        %parallel_loop3A_1823 = arith.index_cast %parallel_loop3A_1822 : i32 to index
        %parallel_loop3A_1824 = arith.index_cast %parallel_loop3A_1693 : i32 to index
        %parallel_loop3A_1825 = arith.constant 48 : index
        %parallel_loop3A_1826 = tpu.vector_load %arg16[%parallel_loop3A_1823, %parallel_loop3A_1824, %parallel_loop3A_1825] {strides = array<i32>} : memref<2x64x128xf32, #tpu.memory_space<vmem>>, vector<16xf32>,
        %parallel_loop3A_1827 = arith.mulf %parallel_loop3A_1708, %parallel_loop3A_1826 : vector<16xf32>
        %parallel_loop3A_1828 = arith.addf %parallel_loop3A_1821, %parallel_loop3A_1827 : vector<16xf32>
        %parallel_loop3A_1829 = arith.constant 0 : i32
        %parallel_loop3A_1830 = arith.index_cast %parallel_loop3A_1829 : i32 to index
        %parallel_loop3A_1831 = arith.index_cast %parallel_loop3A_1693 : i32 to index
        %parallel_loop3A_1832 = arith.constant 48 : index
        %parallel_loop3A_1833 = tpu.vector_load %arg17[%parallel_loop3A_1830, %parallel_loop3A_1831, %parallel_loop3A_1832] {strides = array<i32>} : memref<2x64x128xf32, #tpu.memory_space<vmem>>, vector<16xf32>,
        %parallel_loop3A_1834 = arith.mulf %parallel_loop3A_1712, %parallel_loop3A_1833 : vector<16xf32>
        %parallel_loop3A_1835 = arith.addf %parallel_loop3A_1828, %parallel_loop3A_1834 : vector<16xf32>
        %parallel_loop3A_1836 = arith.constant 0 : i32
        %parallel_loop3A_1837 = arith.index_cast %parallel_loop3A_1836 : i32 to index
        %parallel_loop3A_1838 = arith.index_cast %parallel_loop3A_1693 : i32 to index
        %parallel_loop3A_1839 = arith.constant 48 : index
        %parallel_loop3A_1840 = tpu.vector_load %arg18[%parallel_loop3A_1837, %parallel_loop3A_1838, %parallel_loop3A_1839] {strides = array<i32>} : memref<2x64x128xf32, #tpu.memory_space<vmem>>, vector<16xf32>,
        tpu.vector_store %arg18[%parallel_loop3A_1837, %parallel_loop3A_1838, %parallel_loop3A_1839], %parallel_loop3A_1835 {strides = array<i32>} : memref<2x64x128xf32, #tpu.memory_space<vmem>>, vector<16xf32>,
        %parallel_loop3A_1841 = arith.constant 0 : i32
        %parallel_loop3A_1842 = arith.index_cast %parallel_loop3A_1841 : i32 to index
        %parallel_loop3A_1843 = arith.index_cast %parallel_loop3A_1693 : i32 to index
        %parallel_loop3A_1844 = arith.constant 64 : index
        %parallel_loop3A_1845 = tpu.vector_load %arg14[%parallel_loop3A_1842, %parallel_loop3A_1843, %parallel_loop3A_1844] {strides = array<i32>} : memref<2x64x128xf32, #tpu.memory_space<vmem>>, vector<16xf32>,
        %parallel_loop3A_1846 = arith.mulf %parallel_loop3A_1700, %parallel_loop3A_1845 : vector<16xf32>
        %parallel_loop3A_1847 = arith.constant 0 : i32
        %parallel_loop3A_1848 = arith.index_cast %parallel_loop3A_1847 : i32 to index
        %parallel_loop3A_1849 = arith.index_cast %parallel_loop3A_1693 : i32 to index
        %parallel_loop3A_1850 = arith.constant 64 : index
        %parallel_loop3A_1851 = tpu.vector_load %arg15[%parallel_loop3A_1848, %parallel_loop3A_1849, %parallel_loop3A_1850] {strides = array<i32>} : memref<2x64x128xf32, #tpu.memory_space<vmem>>, vector<16xf32>,
        %parallel_loop3A_1852 = arith.mulf %parallel_loop3A_1704, %parallel_loop3A_1851 : vector<16xf32>
        %parallel_loop3A_1853 = arith.addf %parallel_loop3A_1846, %parallel_loop3A_1852 : vector<16xf32>
        %parallel_loop3A_1854 = arith.constant 0 : i32
        %parallel_loop3A_1855 = arith.index_cast %parallel_loop3A_1854 : i32 to index
        %parallel_loop3A_1856 = arith.index_cast %parallel_loop3A_1693 : i32 to index
        %parallel_loop3A_1857 = arith.constant 64 : index
        %parallel_loop3A_1858 = tpu.vector_load %arg16[%parallel_loop3A_1855, %parallel_loop3A_1856, %parallel_loop3A_1857] {strides = array<i32>} : memref<2x64x128xf32, #tpu.memory_space<vmem>>, vector<16xf32>,
        %parallel_loop3A_1859 = arith.mulf %parallel_loop3A_1708, %parallel_loop3A_1858 : vector<16xf32>
        %parallel_loop3A_1860 = arith.addf %parallel_loop3A_1853, %parallel_loop3A_1859 : vector<16xf32>
        %parallel_loop3A_1861 = arith.constant 0 : i32
        %parallel_loop3A_1862 = arith.index_cast %parallel_loop3A_1861 : i32 to index
        %parallel_loop3A_1863 = arith.index_cast %parallel_loop3A_1693 : i32 to index
        %parallel_loop3A_1864 = arith.constant 64 : index
        %parallel_loop3A_1865 = tpu.vector_load %arg17[%parallel_loop3A_1862, %parallel_loop3A_1863, %parallel_loop3A_1864] {strides = array<i32>} : memref<2x64x128xf32, #tpu.memory_space<vmem>>, vector<16xf32>,
        %parallel_loop3A_1866 = arith.mulf %parallel_loop3A_1712, %parallel_loop3A_1865 : vector<16xf32>
        %parallel_loop3A_1867 = arith.addf %parallel_loop3A_1860, %parallel_loop3A_1866 : vector<16xf32>
        %parallel_loop3A_1868 = arith.constant 0 : i32
        %parallel_loop3A_1869 = arith.index_cast %parallel_loop3A_1868 : i32 to index
        %parallel_loop3A_1870 = arith.index_cast %parallel_loop3A_1693 : i32 to index
        %parallel_loop3A_1871 = arith.constant 64 : index
        %parallel_loop3A_1872 = tpu.vector_load %arg18[%parallel_loop3A_1869, %parallel_loop3A_1870, %parallel_loop3A_1871] {strides = array<i32>} : memref<2x64x128xf32, #tpu.memory_space<vmem>>, vector<16xf32>,
        tpu.vector_store %arg18[%parallel_loop3A_1869, %parallel_loop3A_1870, %parallel_loop3A_1871], %parallel_loop3A_1867 {strides = array<i32>} : memref<2x64x128xf32, #tpu.memory_space<vmem>>, vector<16xf32>,
        %parallel_loop3A_1873 = arith.constant 0 : i32
        %parallel_loop3A_1874 = arith.index_cast %parallel_loop3A_1873 : i32 to index
        %parallel_loop3A_1875 = arith.index_cast %parallel_loop3A_1693 : i32 to index
        %parallel_loop3A_1876 = arith.constant 80 : index
        %parallel_loop3A_1877 = tpu.vector_load %arg14[%parallel_loop3A_1874, %parallel_loop3A_1875, %parallel_loop3A_1876] {strides = array<i32>} : memref<2x64x128xf32, #tpu.memory_space<vmem>>, vector<16xf32>,
        %parallel_loop3A_1878 = arith.mulf %parallel_loop3A_1700, %parallel_loop3A_1877 : vector<16xf32>
        %parallel_loop3A_1879 = arith.constant 0 : i32
        %parallel_loop3A_1880 = arith.index_cast %parallel_loop3A_1879 : i32 to index
        %parallel_loop3A_1881 = arith.index_cast %parallel_loop3A_1693 : i32 to index
        %parallel_loop3A_1882 = arith.constant 80 : index
        %parallel_loop3A_1883 = tpu.vector_load %arg15[%parallel_loop3A_1880, %parallel_loop3A_1881, %parallel_loop3A_1882] {strides = array<i32>} : memref<2x64x128xf32, #tpu.memory_space<vmem>>, vector<16xf32>,
        %parallel_loop3A_1884 = arith.mulf %parallel_loop3A_1704, %parallel_loop3A_1883 : vector<16xf32>
        %parallel_loop3A_1885 = arith.addf %parallel_loop3A_1878, %parallel_loop3A_1884 : vector<16xf32>
        %parallel_loop3A_1886 = arith.constant 0 : i32
        %parallel_loop3A_1887 = arith.index_cast %parallel_loop3A_1886 : i32 to index
        %parallel_loop3A_1888 = arith.index_cast %parallel_loop3A_1693 : i32 to index
        %parallel_loop3A_1889 = arith.constant 80 : index
        %parallel_loop3A_1890 = tpu.vector_load %arg16[%parallel_loop3A_1887, %parallel_loop3A_1888, %parallel_loop3A_1889] {strides = array<i32>} : memref<2x64x128xf32, #tpu.memory_space<vmem>>, vector<16xf32>,
        %parallel_loop3A_1891 = arith.mulf %parallel_loop3A_1708, %parallel_loop3A_1890 : vector<16xf32>
        %parallel_loop3A_1892 = arith.addf %parallel_loop3A_1885, %parallel_loop3A_1891 : vector<16xf32>
        %parallel_loop3A_1893 = arith.constant 0 : i32
        %parallel_loop3A_1894 = arith.index_cast %parallel_loop3A_1893 : i32 to index
        %parallel_loop3A_1895 = arith.index_cast %parallel_loop3A_1693 : i32 to index
        %parallel_loop3A_1896 = arith.constant 80 : index
        %parallel_loop3A_1897 = tpu.vector_load %arg17[%parallel_loop3A_1894, %parallel_loop3A_1895, %parallel_loop3A_1896] {strides = array<i32>} : memref<2x64x128xf32, #tpu.memory_space<vmem>>, vector<16xf32>,
        %parallel_loop3A_1898 = arith.mulf %parallel_loop3A_1712, %parallel_loop3A_1897 : vector<16xf32>
        %parallel_loop3A_1899 = arith.addf %parallel_loop3A_1892, %parallel_loop3A_1898 : vector<16xf32>
        %parallel_loop3A_1900 = arith.constant 0 : i32
        %parallel_loop3A_1901 = arith.index_cast %parallel_loop3A_1900 : i32 to index
        %parallel_loop3A_1902 = arith.index_cast %parallel_loop3A_1693 : i32 to index
        %parallel_loop3A_1903 = arith.constant 80 : index
        %parallel_loop3A_1904 = tpu.vector_load %arg18[%parallel_loop3A_1901, %parallel_loop3A_1902, %parallel_loop3A_1903] {strides = array<i32>} : memref<2x64x128xf32, #tpu.memory_space<vmem>>, vector<16xf32>,
        tpu.vector_store %arg18[%parallel_loop3A_1901, %parallel_loop3A_1902, %parallel_loop3A_1903], %parallel_loop3A_1899 {strides = array<i32>} : memref<2x64x128xf32, #tpu.memory_space<vmem>>, vector<16xf32>,
      } {sc.loop_unroll_factor = 2 : i64, sc.parallel_access}
      %mul3A_1598 = arith.constant 64 : i32
      %mul3A_1599 = arith.muli %mul3A_810, %mul3A_1598 : i32
      %add3A_1600 = arith.addi %mul3A_2, %mul3A_1599 : i32
      %dma_start3A_1601 = arith.constant 0 : i32
      %dma_start3A_1602 = arith.constant 0 : i32
      %dma_start3A_1603 = arith.constant 0 : i32
      %dma_start3A_1604 = tpu.memref_slice %arg18[%dma_start3A_1601, %dma_start3A_1602, %dma_start3A_1603] : memref<2x64x128xf32, #tpu.memory_space<vmem>> -> memref<1x64x128xf32, #tpu.memory_space<vmem>>
      %dma_start3A_1605 = tpu.memref_squeeze %dma_start3A_1604 : memref<1x64x128xf32, #tpu.memory_space<vmem>> -> memref<64x128xf32, #tpu.memory_space<vmem>>
      %dma_start3A_1606 = arith.constant 0 : i32
      %dma_start3A_1607 = tpu.memref_slice %arg4[%add3A_1600, %dma_start3A_1606] : memref<294912x128xf32, #tpu.memory_space<hbm>> -> memref<64x128xf32, #tpu.memory_space<hbm>>
      %dma_start3A_1608 = arith.constant 0 : i32
      %dma_start3A_1609 = tpu.memref_slice %arg4[%add3A_1600, %dma_start3A_1608] : memref<294912x128xf32, #tpu.memory_space<hbm>> -> memref<64x128xf32, #tpu.memory_space<hbm>>
      %dma_start3A_1610 = arith.constant 0 : i32
      %dma_start3A_1611 = arith.constant 0 : i32
      %dma_start3A_1612 = tpu.memref_slice %arg18[%dma_start3A_1601, %dma_start3A_1610, %dma_start3A_1611] : memref<2x64x128xf32, #tpu.memory_space<vmem>> -> memref<1x64x128xf32, #tpu.memory_space<vmem>>
      %dma_start3A_1613 = tpu.memref_squeeze %dma_start3A_1612 : memref<1x64x128xf32, #tpu.memory_space<vmem>> -> memref<64x128xf32, #tpu.memory_space<vmem>>
      tpu.enqueue_dma source(%dma_start3A_1613 : memref<64x128xf32, #tpu.memory_space<vmem>>) target(%dma_start3A_1609 : memref<64x128xf32, #tpu.memory_space<hbm>>) target_semaphore(%arg21 : memref<!tpu.dma_semaphore, #tpu.memory_space<semaphore_mem>>)
      %add3A_1614 = arith.constant 1 : i32
      %add3A_1615 = arith.addi %add3A_812, %add3A_1614 : i32
      %lt3A_1616 = arith.constant 144 : i32
      %lt3A_1617 = arith.cmpi slt, %add3A_1615, %lt3A_1616 : i32
      %convert_element_type3A_1618 = arith.extui %lt3A_1617 : i1 to i32
      %cond3A_1619 = arith.constant 0 : i32
      %cond3A_1620 = arith.cmpi ne, %convert_element_type3A_1618, %cond3A_1619 : i32
      scf.if %cond3A_1620 {
        %add3A_1693 = arith.constant 1 : i32
        %add3A_1694 = arith.addi %add3A_812, %add3A_1693 : i32
        %add3A_1695 = vector.broadcast %add3A_1694 : i32 to vector<16xi32>
        %add3A_1696 = arith.addi %broadcast_in_dim3A_45, %add3A_1695 : vector<16xi32>
        %mul3A_1697 = arith.constant 2 : i32
        %mul3A_1698 = vector.broadcast %mul3A_1697 : i32 to vector<16xi32>
        %mul3A_1699 = arith.muli %iota3A, %mul3A_1698 : vector<16xi32>
        %add3A_1700 = arith.constant 0 : i32
        %add3A_1701 = vector.broadcast %add3A_1700 : i32 to vector<16xi32>
        %add3A_1702 = arith.addi %mul3A_1699, %add3A_1701 : vector<16xi32>
        %gather3A_1703 = tpu.vector_load_idx %arg5[%add3A_1696, %add3A_1702] : memref<144x128xf32, #tpu.memory_space<vmem>>[vector<16xi32>, vector<16xi32>], vector<16xf32>,
        %add3A_1704 = arith.constant 1 : i32
        %add3A_1705 = vector.broadcast %add3A_1704 : i32 to vector<16xi32>
        %add3A_1706 = arith.addi %add3A_1702, %add3A_1705 : vector<16xi32>
        %gather3A_1707 = tpu.vector_load_idx %arg5[%add3A_1696, %add3A_1706] : memref<144x128xf32, #tpu.memory_space<vmem>>[vector<16xi32>, vector<16xi32>], vector<16xf32>,
        %add3A_1708 = arith.constant 1.000000e+00 : f32
        %add3A_1709 = vector.broadcast %add3A_1708 : f32 to vector<16xf32>
        %add3A_1710 = arith.addf %gather3A_1707, %add3A_1709 : vector<16xf32>
        %mul3A_1711 = arith.constant 1.920000e+02 : f32
        %mul3A_1712 = vector.broadcast %mul3A_1711 : f32 to vector<16xf32>
        %mul3A_1713 = arith.mulf %add3A_1710, %mul3A_1712 : vector<16xf32>
        %sub3A_1714 = arith.constant 5.000000e-01 : f32
        %sub3A_1715 = vector.broadcast %sub3A_1714 : f32 to vector<16xf32>
        %sub3A_1716 = arith.subf %mul3A_1713, %sub3A_1715 : vector<16xf32>
        %add3A_1717 = arith.constant 1.000000e+00 : f32
        %add3A_1718 = vector.broadcast %add3A_1717 : f32 to vector<16xf32>
        %add3A_1719 = arith.addf %gather3A_1703, %add3A_1718 : vector<16xf32>
        %mul3A_1720 = arith.constant 1.920000e+02 : f32
        %mul3A_1721 = vector.broadcast %mul3A_1720 : f32 to vector<16xf32>
        %mul3A_1722 = arith.mulf %add3A_1719, %mul3A_1721 : vector<16xf32>
        %sub3A_1723 = arith.constant 5.000000e-01 : f32
        %sub3A_1724 = vector.broadcast %sub3A_1723 : f32 to vector<16xf32>
        %sub3A_1725 = arith.subf %mul3A_1722, %sub3A_1724 : vector<16xf32>
        %convert_element_type3A_1726 = arith.fptosi %sub3A_1716 : vector<16xf32> to vector<16xi32>
        %convert_element_type3A_1727 = arith.sitofp %convert_element_type3A_1726 : vector<16xi32> to vector<16xf32>
        %lt3A_1728 = arith.cmpf olt, %sub3A_1716, %convert_element_type3A_1727 : vector<16xf32>
        %sub3A_1729 = arith.constant 1 : i32
        %sub3A_1730 = vector.broadcast %sub3A_1729 : i32 to vector<16xi32>
        %sub3A_1731 = arith.subi %convert_element_type3A_1726, %sub3A_1730 : vector<16xi32>
        %select_n3A_1732 = arith.select %lt3A_1728, %sub3A_1731, %convert_element_type3A_1726 : vector<16xi1>, vector<16xi32>
        %convert_element_type3A_1733 = arith.sitofp %select_n3A_1732 : vector<16xi32> to vector<16xf32>
        %convert_element_type3A_1734 = arith.fptosi %sub3A_1725 : vector<16xf32> to vector<16xi32>
        %convert_element_type3A_1735 = arith.sitofp %convert_element_type3A_1734 : vector<16xi32> to vector<16xf32>
        %lt3A_1736 = arith.cmpf olt, %sub3A_1725, %convert_element_type3A_1735 : vector<16xf32>
        %sub3A_1737 = arith.constant 1 : i32
        %sub3A_1738 = vector.broadcast %sub3A_1737 : i32 to vector<16xi32>
        %sub3A_1739 = arith.subi %convert_element_type3A_1734, %sub3A_1738 : vector<16xi32>
        %select_n3A_1740 = arith.select %lt3A_1736, %sub3A_1739, %convert_element_type3A_1734 : vector<16xi1>, vector<16xi32>
        %convert_element_type3A_1741 = arith.sitofp %select_n3A_1740 : vector<16xi32> to vector<16xf32>
        %sub3A_1742 = arith.subf %sub3A_1716, %convert_element_type3A_1733 : vector<16xf32>
        %add3A_1743 = arith.constant 1.000000e+00 : f32
        %add3A_1744 = vector.broadcast %add3A_1743 : f32 to vector<16xf32>
        %add3A_1745 = arith.addf %convert_element_type3A_1733, %add3A_1744 : vector<16xf32>
        %sub3A_1746 = arith.subf %add3A_1745, %sub3A_1716 : vector<16xf32>
        %sub3A_1747 = arith.subf %sub3A_1725, %convert_element_type3A_1741 : vector<16xf32>
        %add3A_1748 = arith.constant 1.000000e+00 : f32
        %add3A_1749 = vector.broadcast %add3A_1748 : f32 to vector<16xf32>
        %add3A_1750 = arith.addf %convert_element_type3A_1741, %add3A_1749 : vector<16xf32>
        %sub3A_1751 = arith.subf %add3A_1750, %sub3A_1725 : vector<16xf32>
        %add3A_1752 = arith.constant 1 : i32
        %add3A_1753 = vector.broadcast %add3A_1752 : i32 to vector<16xi32>
        %add3A_1754 = arith.addi %select_n3A_1732, %add3A_1753 : vector<16xi32>
        %add3A_1755 = arith.constant 1 : i32
        %add3A_1756 = vector.broadcast %add3A_1755 : i32 to vector<16xi32>
        %add3A_1757 = arith.addi %select_n3A_1740, %add3A_1756 : vector<16xi32>
        %broadcast_in_dim3A_1758 = arith.constant 0.000000e+00 : f32
        %broadcast_in_dim3A_1759 = vector.broadcast %broadcast_in_dim3A_1758 : f32 to vector<16xf32>
        %ge3A_1760 = arith.constant 0 : i32
        %ge3A_1761 = vector.broadcast %ge3A_1760 : i32 to vector<16xi32>
        %ge3A_1762 = arith.cmpi sge, %select_n3A_1732, %ge3A_1761 : vector<16xi32>
        %lt3A_1763 = arith.constant 384 : i32
        %lt3A_1764 = vector.broadcast %lt3A_1763 : i32 to vector<16xi32>
        %lt3A_1765 = arith.cmpi slt, %select_n3A_1732, %lt3A_1764 : vector<16xi32>
        %and3A_1766 = arith.andi %ge3A_1762, %lt3A_1765 : vector<16xi1>
        %select_n3A_1767 = arith.select %and3A_1766, %sub3A_1746, %broadcast_in_dim3A_1759 : vector<16xi1>, vector<16xf32>
        %ge3A_1768 = arith.constant 0 : i32
        %ge3A_1769 = vector.broadcast %ge3A_1768 : i32 to vector<16xi32>
        %ge3A_1770 = arith.cmpi sge, %add3A_1754, %ge3A_1769 : vector<16xi32>
        %lt3A_1771 = arith.constant 384 : i32
        %lt3A_1772 = vector.broadcast %lt3A_1771 : i32 to vector<16xi32>
        %lt3A_1773 = arith.cmpi slt, %add3A_1754, %lt3A_1772 : vector<16xi32>
        %and3A_1774 = arith.andi %ge3A_1770, %lt3A_1773 : vector<16xi1>
        %select_n3A_1775 = arith.select %and3A_1774, %sub3A_1742, %broadcast_in_dim3A_1759 : vector<16xi1>, vector<16xf32>
        %ge3A_1776 = arith.constant 0 : i32
        %ge3A_1777 = vector.broadcast %ge3A_1776 : i32 to vector<16xi32>
        %ge3A_1778 = arith.cmpi sge, %select_n3A_1740, %ge3A_1777 : vector<16xi32>
        %lt3A_1779 = arith.constant 384 : i32
        %lt3A_1780 = vector.broadcast %lt3A_1779 : i32 to vector<16xi32>
        %lt3A_1781 = arith.cmpi slt, %select_n3A_1740, %lt3A_1780 : vector<16xi32>
        %and3A_1782 = arith.andi %ge3A_1778, %lt3A_1781 : vector<16xi1>
        %select_n3A_1783 = arith.select %and3A_1782, %sub3A_1751, %broadcast_in_dim3A_1759 : vector<16xi1>, vector<16xf32>
        %ge3A_1784 = arith.constant 0 : i32
        %ge3A_1785 = vector.broadcast %ge3A_1784 : i32 to vector<16xi32>
        %ge3A_1786 = arith.cmpi sge, %add3A_1757, %ge3A_1785 : vector<16xi32>
        %lt3A_1787 = arith.constant 384 : i32
        %lt3A_1788 = vector.broadcast %lt3A_1787 : i32 to vector<16xi32>
        %lt3A_1789 = arith.cmpi slt, %add3A_1757, %lt3A_1788 : vector<16xi32>
        %and3A_1790 = arith.andi %ge3A_1786, %lt3A_1789 : vector<16xi1>
        %select_n3A_1791 = arith.select %and3A_1790, %sub3A_1747, %broadcast_in_dim3A_1759 : vector<16xi1>, vector<16xf32>
        %jit3A_1792 = arith.constant 0 : i32
        %jit3A_1793 = arith.constant 383 : i32
        %max3A_1794 = vector.broadcast %jit3A_1792 : i32 to vector<16xi32>
        %max3A_1795 = arith.maxsi %max3A_1794, %select_n3A_1732 : vector<16xi32>
        %min3A_1796 = vector.broadcast %jit3A_1793 : i32 to vector<16xi32>
        %min3A_1797 = arith.minsi %min3A_1796, %max3A_1795 : vector<16xi32>
        %jit3A_1798 = arith.constant 0 : i32
        %jit3A_1799 = arith.constant 383 : i32
        %max3A_1800 = vector.broadcast %jit3A_1798 : i32 to vector<16xi32>
        %max3A_1801 = arith.maxsi %max3A_1800, %add3A_1754 : vector<16xi32>
        %min3A_1802 = vector.broadcast %jit3A_1799 : i32 to vector<16xi32>
        %min3A_1803 = arith.minsi %min3A_1802, %max3A_1801 : vector<16xi32>
        %jit3A_1804 = arith.constant 0 : i32
        %jit3A_1805 = arith.constant 383 : i32
        %max3A_1806 = vector.broadcast %jit3A_1804 : i32 to vector<16xi32>
        %max3A_1807 = arith.maxsi %max3A_1806, %select_n3A_1740 : vector<16xi32>
        %min3A_1808 = vector.broadcast %jit3A_1805 : i32 to vector<16xi32>
        %min3A_1809 = arith.minsi %min3A_1808, %max3A_1807 : vector<16xi32>
        %jit3A_1810 = arith.constant 0 : i32
        %jit3A_1811 = arith.constant 383 : i32
        %max3A_1812 = vector.broadcast %jit3A_1810 : i32 to vector<16xi32>
        %max3A_1813 = arith.maxsi %max3A_1812, %add3A_1757 : vector<16xi32>
        %min3A_1814 = vector.broadcast %jit3A_1811 : i32 to vector<16xi32>
        %min3A_1815 = arith.minsi %min3A_1814, %max3A_1813 : vector<16xi32>
        %mul3A_1816 = arith.constant 384 : i32
        %mul3A_1817 = vector.broadcast %mul3A_1816 : i32 to vector<16xi32>
        %mul3A_1818 = arith.muli %min3A_1797, %mul3A_1817 : vector<16xi32>
        %add3A_1819 = vector.broadcast %mul3A_20 : i32 to vector<16xi32>
        %add3A_1820 = arith.addi %add3A_1819, %mul3A_1818 : vector<16xi32>
        %mul3A_1821 = arith.constant 384 : i32
        %mul3A_1822 = vector.broadcast %mul3A_1821 : i32 to vector<16xi32>
        %mul3A_1823 = arith.muli %min3A_1803, %mul3A_1822 : vector<16xi32>
        %add3A_1824 = vector.broadcast %mul3A_20 : i32 to vector<16xi32>
        %add3A_1825 = arith.addi %add3A_1824, %mul3A_1823 : vector<16xi32>
        %add3A_1826 = arith.addi %add3A_1820, %min3A_1809 : vector<16xi32>
        %swap3A_1827 = arith.constant 0 : i32
        %swap3A_1828 = arith.index_cast %swap3A_1827 : i32 to index
        %swap3A_1829 = arith.constant 0 : index
        %swap3A_1830 = tpu.vector_load %arg6[%swap3A_1828, %swap3A_1829] {strides = array<i32>} : memref<2x64xi32, #tpu.memory_space<vmem>>, vector<16xi32>,
        tpu.vector_store %arg6[%swap3A_1828, %swap3A_1829], %add3A_1826 {strides = array<i32>} : memref<2x64xi32, #tpu.memory_space<vmem>>, vector<16xi32>,
        %add3A_1831 = arith.addi %add3A_1820, %min3A_1815 : vector<16xi32>
        %swap3A_1832 = arith.constant 0 : i32
        %swap3A_1833 = arith.index_cast %swap3A_1832 : i32 to index
        %swap3A_1834 = arith.constant 0 : index
        %swap3A_1835 = tpu.vector_load %arg7[%swap3A_1833, %swap3A_1834] {strides = array<i32>} : memref<2x64xi32, #tpu.memory_space<vmem>>, vector<16xi32>,
        tpu.vector_store %arg7[%swap3A_1833, %swap3A_1834], %add3A_1831 {strides = array<i32>} : memref<2x64xi32, #tpu.memory_space<vmem>>, vector<16xi32>,
        %add3A_1836 = arith.addi %add3A_1825, %min3A_1809 : vector<16xi32>
        %swap3A_1837 = arith.constant 0 : i32
        %swap3A_1838 = arith.index_cast %swap3A_1837 : i32 to index
        %swap3A_1839 = arith.constant 0 : index
        %swap3A_1840 = tpu.vector_load %arg8[%swap3A_1838, %swap3A_1839] {strides = array<i32>} : memref<2x64xi32, #tpu.memory_space<vmem>>, vector<16xi32>,
        tpu.vector_store %arg8[%swap3A_1838, %swap3A_1839], %add3A_1836 {strides = array<i32>} : memref<2x64xi32, #tpu.memory_space<vmem>>, vector<16xi32>,
        %add3A_1841 = arith.addi %add3A_1825, %min3A_1815 : vector<16xi32>
        %swap3A_1842 = arith.constant 0 : i32
        %swap3A_1843 = arith.index_cast %swap3A_1842 : i32 to index
        %swap3A_1844 = arith.constant 0 : index
        %swap3A_1845 = tpu.vector_load %arg9[%swap3A_1843, %swap3A_1844] {strides = array<i32>} : memref<2x64xi32, #tpu.memory_space<vmem>>, vector<16xi32>,
        tpu.vector_store %arg9[%swap3A_1843, %swap3A_1844], %add3A_1841 {strides = array<i32>} : memref<2x64xi32, #tpu.memory_space<vmem>>, vector<16xi32>,
        %mul3A_1846 = arith.mulf %select_n3A_1767, %select_n3A_1783 : vector<16xf32>
        %swap3A_1847 = arith.constant 0 : i32
        %swap3A_1848 = arith.index_cast %swap3A_1847 : i32 to index
        %swap3A_1849 = arith.constant 0 : index
        %swap3A_1850 = tpu.vector_load %arg10[%swap3A_1848, %swap3A_1849] {strides = array<i32>} : memref<2x64xf32, #tpu.memory_space<vmem>>, vector<16xf32>,
        tpu.vector_store %arg10[%swap3A_1848, %swap3A_1849], %mul3A_1846 {strides = array<i32>} : memref<2x64xf32, #tpu.memory_space<vmem>>, vector<16xf32>,
        %mul3A_1851 = arith.mulf %select_n3A_1767, %select_n3A_1791 : vector<16xf32>
        %swap3A_1852 = arith.constant 0 : i32
        %swap3A_1853 = arith.index_cast %swap3A_1852 : i32 to index
        %swap3A_1854 = arith.constant 0 : index
        %swap3A_1855 = tpu.vector_load %arg11[%swap3A_1853, %swap3A_1854] {strides = array<i32>} : memref<2x64xf32, #tpu.memory_space<vmem>>, vector<16xf32>,
        tpu.vector_store %arg11[%swap3A_1853, %swap3A_1854], %mul3A_1851 {strides = array<i32>} : memref<2x64xf32, #tpu.memory_space<vmem>>, vector<16xf32>,
        %mul3A_1856 = arith.mulf %select_n3A_1775, %select_n3A_1783 : vector<16xf32>
        %swap3A_1857 = arith.constant 0 : i32
        %swap3A_1858 = arith.index_cast %swap3A_1857 : i32 to index
        %swap3A_1859 = arith.constant 0 : index
        %swap3A_1860 = tpu.vector_load %arg12[%swap3A_1858, %swap3A_1859] {strides = array<i32>} : memref<2x64xf32, #tpu.memory_space<vmem>>, vector<16xf32>,
        tpu.vector_store %arg12[%swap3A_1858, %swap3A_1859], %mul3A_1856 {strides = array<i32>} : memref<2x64xf32, #tpu.memory_space<vmem>>, vector<16xf32>,
        %mul3A_1861 = arith.mulf %select_n3A_1775, %select_n3A_1791 : vector<16xf32>
        %swap3A_1862 = arith.constant 0 : i32
        %swap3A_1863 = arith.index_cast %swap3A_1862 : i32 to index
        %swap3A_1864 = arith.constant 0 : index
        %swap3A_1865 = tpu.vector_load %arg13[%swap3A_1863, %swap3A_1864] {strides = array<i32>} : memref<2x64xf32, #tpu.memory_space<vmem>>, vector<16xf32>,
        tpu.vector_store %arg13[%swap3A_1863, %swap3A_1864], %mul3A_1861 {strides = array<i32>} : memref<2x64xf32, #tpu.memory_space<vmem>>, vector<16xf32>,
        %add3A_1866 = vector.broadcast %add3A_1694 : i32 to vector<16xi32>
        %add3A_1867 = arith.addi %broadcast_in_dim3A_45, %add3A_1866 : vector<16xi32>
        %mul3A_1868 = arith.constant 2 : i32
        %mul3A_1869 = vector.broadcast %mul3A_1868 : i32 to vector<16xi32>
        %mul3A_1870 = arith.muli %iota3A, %mul3A_1869 : vector<16xi32>
        %add3A_1871 = arith.constant 32 : i32
        %add3A_1872 = vector.broadcast %add3A_1871 : i32 to vector<16xi32>
        %add3A_1873 = arith.addi %mul3A_1870, %add3A_1872 : vector<16xi32>
        %gather3A_1874 = tpu.vector_load_idx %arg5[%add3A_1867, %add3A_1873] : memref<144x128xf32, #tpu.memory_space<vmem>>[vector<16xi32>, vector<16xi32>], vector<16xf32>,
        %add3A_1875 = arith.constant 1 : i32
        %add3A_1876 = vector.broadcast %add3A_1875 : i32 to vector<16xi32>
        %add3A_1877 = arith.addi %add3A_1873, %add3A_1876 : vector<16xi32>
        %gather3A_1878 = tpu.vector_load_idx %arg5[%add3A_1867, %add3A_1877] : memref<144x128xf32, #tpu.memory_space<vmem>>[vector<16xi32>, vector<16xi32>], vector<16xf32>,
        %add3A_1879 = arith.constant 1.000000e+00 : f32
        %add3A_1880 = vector.broadcast %add3A_1879 : f32 to vector<16xf32>
        %add3A_1881 = arith.addf %gather3A_1878, %add3A_1880 : vector<16xf32>
        %mul3A_1882 = arith.constant 1.920000e+02 : f32
        %mul3A_1883 = vector.broadcast %mul3A_1882 : f32 to vector<16xf32>
        %mul3A_1884 = arith.mulf %add3A_1881, %mul3A_1883 : vector<16xf32>
        %sub3A_1885 = arith.constant 5.000000e-01 : f32
        %sub3A_1886 = vector.broadcast %sub3A_1885 : f32 to vector<16xf32>
        %sub3A_1887 = arith.subf %mul3A_1884, %sub3A_1886 : vector<16xf32>
        %add3A_1888 = arith.constant 1.000000e+00 : f32
        %add3A_1889 = vector.broadcast %add3A_1888 : f32 to vector<16xf32>
        %add3A_1890 = arith.addf %gather3A_1874, %add3A_1889 : vector<16xf32>
        %mul3A_1891 = arith.constant 1.920000e+02 : f32
        %mul3A_1892 = vector.broadcast %mul3A_1891 : f32 to vector<16xf32>
        %mul3A_1893 = arith.mulf %add3A_1890, %mul3A_1892 : vector<16xf32>
        %sub3A_1894 = arith.constant 5.000000e-01 : f32
        %sub3A_1895 = vector.broadcast %sub3A_1894 : f32 to vector<16xf32>
        %sub3A_1896 = arith.subf %mul3A_1893, %sub3A_1895 : vector<16xf32>
        %convert_element_type3A_1897 = arith.fptosi %sub3A_1887 : vector<16xf32> to vector<16xi32>
        %convert_element_type3A_1898 = arith.sitofp %convert_element_type3A_1897 : vector<16xi32> to vector<16xf32>
        %lt3A_1899 = arith.cmpf olt, %sub3A_1887, %convert_element_type3A_1898 : vector<16xf32>
        %sub3A_1900 = arith.constant 1 : i32
        %sub3A_1901 = vector.broadcast %sub3A_1900 : i32 to vector<16xi32>
        %sub3A_1902 = arith.subi %convert_element_type3A_1897, %sub3A_1901 : vector<16xi32>
        %select_n3A_1903 = arith.select %lt3A_1899, %sub3A_1902, %convert_element_type3A_1897 : vector<16xi1>, vector<16xi32>
        %convert_element_type3A_1904 = arith.sitofp %select_n3A_1903 : vector<16xi32> to vector<16xf32>
        %convert_element_type3A_1905 = arith.fptosi %sub3A_1896 : vector<16xf32> to vector<16xi32>
        %convert_element_type3A_1906 = arith.sitofp %convert_element_type3A_1905 : vector<16xi32> to vector<16xf32>
        %lt3A_1907 = arith.cmpf olt, %sub3A_1896, %convert_element_type3A_1906 : vector<16xf32>
        %sub3A_1908 = arith.constant 1 : i32
        %sub3A_1909 = vector.broadcast %sub3A_1908 : i32 to vector<16xi32>
        %sub3A_1910 = arith.subi %convert_element_type3A_1905, %sub3A_1909 : vector<16xi32>
        %select_n3A_1911 = arith.select %lt3A_1907, %sub3A_1910, %convert_element_type3A_1905 : vector<16xi1>, vector<16xi32>
        %convert_element_type3A_1912 = arith.sitofp %select_n3A_1911 : vector<16xi32> to vector<16xf32>
        %sub3A_1913 = arith.subf %sub3A_1887, %convert_element_type3A_1904 : vector<16xf32>
        %add3A_1914 = arith.constant 1.000000e+00 : f32
        %add3A_1915 = vector.broadcast %add3A_1914 : f32 to vector<16xf32>
        %add3A_1916 = arith.addf %convert_element_type3A_1904, %add3A_1915 : vector<16xf32>
        %sub3A_1917 = arith.subf %add3A_1916, %sub3A_1887 : vector<16xf32>
        %sub3A_1918 = arith.subf %sub3A_1896, %convert_element_type3A_1912 : vector<16xf32>
        %add3A_1919 = arith.constant 1.000000e+00 : f32
        %add3A_1920 = vector.broadcast %add3A_1919 : f32 to vector<16xf32>
        %add3A_1921 = arith.addf %convert_element_type3A_1912, %add3A_1920 : vector<16xf32>
        %sub3A_1922 = arith.subf %add3A_1921, %sub3A_1896 : vector<16xf32>
        %add3A_1923 = arith.constant 1 : i32
        %add3A_1924 = vector.broadcast %add3A_1923 : i32 to vector<16xi32>
        %add3A_1925 = arith.addi %select_n3A_1903, %add3A_1924 : vector<16xi32>
        %add3A_1926 = arith.constant 1 : i32
        %add3A_1927 = vector.broadcast %add3A_1926 : i32 to vector<16xi32>
        %add3A_1928 = arith.addi %select_n3A_1911, %add3A_1927 : vector<16xi32>
        %broadcast_in_dim3A_1929 = arith.constant 0.000000e+00 : f32
        %broadcast_in_dim3A_1930 = vector.broadcast %broadcast_in_dim3A_1929 : f32 to vector<16xf32>
        %ge3A_1931 = arith.constant 0 : i32
        %ge3A_1932 = vector.broadcast %ge3A_1931 : i32 to vector<16xi32>
        %ge3A_1933 = arith.cmpi sge, %select_n3A_1903, %ge3A_1932 : vector<16xi32>
        %lt3A_1934 = arith.constant 384 : i32
        %lt3A_1935 = vector.broadcast %lt3A_1934 : i32 to vector<16xi32>
        %lt3A_1936 = arith.cmpi slt, %select_n3A_1903, %lt3A_1935 : vector<16xi32>
        %and3A_1937 = arith.andi %ge3A_1933, %lt3A_1936 : vector<16xi1>
        %select_n3A_1938 = arith.select %and3A_1937, %sub3A_1917, %broadcast_in_dim3A_1930 : vector<16xi1>, vector<16xf32>
        %ge3A_1939 = arith.constant 0 : i32
        %ge3A_1940 = vector.broadcast %ge3A_1939 : i32 to vector<16xi32>
        %ge3A_1941 = arith.cmpi sge, %add3A_1925, %ge3A_1940 : vector<16xi32>
        %lt3A_1942 = arith.constant 384 : i32
        %lt3A_1943 = vector.broadcast %lt3A_1942 : i32 to vector<16xi32>
        %lt3A_1944 = arith.cmpi slt, %add3A_1925, %lt3A_1943 : vector<16xi32>
        %and3A_1945 = arith.andi %ge3A_1941, %lt3A_1944 : vector<16xi1>
        %select_n3A_1946 = arith.select %and3A_1945, %sub3A_1913, %broadcast_in_dim3A_1930 : vector<16xi1>, vector<16xf32>
        %ge3A_1947 = arith.constant 0 : i32
        %ge3A_1948 = vector.broadcast %ge3A_1947 : i32 to vector<16xi32>
        %ge3A_1949 = arith.cmpi sge, %select_n3A_1911, %ge3A_1948 : vector<16xi32>
        %lt3A_1950 = arith.constant 384 : i32
        %lt3A_1951 = vector.broadcast %lt3A_1950 : i32 to vector<16xi32>
        %lt3A_1952 = arith.cmpi slt, %select_n3A_1911, %lt3A_1951 : vector<16xi32>
        %and3A_1953 = arith.andi %ge3A_1949, %lt3A_1952 : vector<16xi1>
        %select_n3A_1954 = arith.select %and3A_1953, %sub3A_1922, %broadcast_in_dim3A_1930 : vector<16xi1>, vector<16xf32>
        %ge3A_1955 = arith.constant 0 : i32
        %ge3A_1956 = vector.broadcast %ge3A_1955 : i32 to vector<16xi32>
        %ge3A_1957 = arith.cmpi sge, %add3A_1928, %ge3A_1956 : vector<16xi32>
        %lt3A_1958 = arith.constant 384 : i32
        %lt3A_1959 = vector.broadcast %lt3A_1958 : i32 to vector<16xi32>
        %lt3A_1960 = arith.cmpi slt, %add3A_1928, %lt3A_1959 : vector<16xi32>
        %and3A_1961 = arith.andi %ge3A_1957, %lt3A_1960 : vector<16xi1>
        %select_n3A_1962 = arith.select %and3A_1961, %sub3A_1918, %broadcast_in_dim3A_1930 : vector<16xi1>, vector<16xf32>
        %jit3A_1963 = arith.constant 0 : i32
        %jit3A_1964 = arith.constant 383 : i32
        %max3A_1965 = vector.broadcast %jit3A_1963 : i32 to vector<16xi32>
        %max3A_1966 = arith.maxsi %max3A_1965, %select_n3A_1903 : vector<16xi32>
        %min3A_1967 = vector.broadcast %jit3A_1964 : i32 to vector<16xi32>
        %min3A_1968 = arith.minsi %min3A_1967, %max3A_1966 : vector<16xi32>
        %jit3A_1969 = arith.constant 0 : i32
        %jit3A_1970 = arith.constant 383 : i32
        %max3A_1971 = vector.broadcast %jit3A_1969 : i32 to vector<16xi32>
        %max3A_1972 = arith.maxsi %max3A_1971, %add3A_1925 : vector<16xi32>
        %min3A_1973 = vector.broadcast %jit3A_1970 : i32 to vector<16xi32>
        %min3A_1974 = arith.minsi %min3A_1973, %max3A_1972 : vector<16xi32>
        %jit3A_1975 = arith.constant 0 : i32
        %jit3A_1976 = arith.constant 383 : i32
        %max3A_1977 = vector.broadcast %jit3A_1975 : i32 to vector<16xi32>
        %max3A_1978 = arith.maxsi %max3A_1977, %select_n3A_1911 : vector<16xi32>
        %min3A_1979 = vector.broadcast %jit3A_1976 : i32 to vector<16xi32>
        %min3A_1980 = arith.minsi %min3A_1979, %max3A_1978 : vector<16xi32>
        %jit3A_1981 = arith.constant 0 : i32
        %jit3A_1982 = arith.constant 383 : i32
        %max3A_1983 = vector.broadcast %jit3A_1981 : i32 to vector<16xi32>
        %max3A_1984 = arith.maxsi %max3A_1983, %add3A_1928 : vector<16xi32>
        %min3A_1985 = vector.broadcast %jit3A_1982 : i32 to vector<16xi32>
        %min3A_1986 = arith.minsi %min3A_1985, %max3A_1984 : vector<16xi32>
        %mul3A_1987 = arith.constant 384 : i32
        %mul3A_1988 = vector.broadcast %mul3A_1987 : i32 to vector<16xi32>
        %mul3A_1989 = arith.muli %min3A_1968, %mul3A_1988 : vector<16xi32>
        %add3A_1990 = vector.broadcast %mul3A_20 : i32 to vector<16xi32>
        %add3A_1991 = arith.addi %add3A_1990, %mul3A_1989 : vector<16xi32>
        %mul3A_1992 = arith.constant 384 : i32
        %mul3A_1993 = vector.broadcast %mul3A_1992 : i32 to vector<16xi32>
        %mul3A_1994 = arith.muli %min3A_1974, %mul3A_1993 : vector<16xi32>
        %add3A_1995 = vector.broadcast %mul3A_20 : i32 to vector<16xi32>
        %add3A_1996 = arith.addi %add3A_1995, %mul3A_1994 : vector<16xi32>
        %add3A_1997 = arith.addi %add3A_1991, %min3A_1980 : vector<16xi32>
        %swap3A_1998 = arith.constant 0 : i32
        %swap3A_1999 = arith.index_cast %swap3A_1998 : i32 to index
        %swap3A_2000 = arith.constant 16 : index
        %swap3A_2001 = tpu.vector_load %arg6[%swap3A_1999, %swap3A_2000] {strides = array<i32>} : memref<2x64xi32, #tpu.memory_space<vmem>>, vector<16xi32>,
        tpu.vector_store %arg6[%swap3A_1999, %swap3A_2000], %add3A_1997 {strides = array<i32>} : memref<2x64xi32, #tpu.memory_space<vmem>>, vector<16xi32>,
        %add3A_2002 = arith.addi %add3A_1991, %min3A_1986 : vector<16xi32>
        %swap3A_2003 = arith.constant 0 : i32
        %swap3A_2004 = arith.index_cast %swap3A_2003 : i32 to index
        %swap3A_2005 = arith.constant 16 : index
        %swap3A_2006 = tpu.vector_load %arg7[%swap3A_2004, %swap3A_2005] {strides = array<i32>} : memref<2x64xi32, #tpu.memory_space<vmem>>, vector<16xi32>,
        tpu.vector_store %arg7[%swap3A_2004, %swap3A_2005], %add3A_2002 {strides = array<i32>} : memref<2x64xi32, #tpu.memory_space<vmem>>, vector<16xi32>,
        %add3A_2007 = arith.addi %add3A_1996, %min3A_1980 : vector<16xi32>
        %swap3A_2008 = arith.constant 0 : i32
        %swap3A_2009 = arith.index_cast %swap3A_2008 : i32 to index
        %swap3A_2010 = arith.constant 16 : index
        %swap3A_2011 = tpu.vector_load %arg8[%swap3A_2009, %swap3A_2010] {strides = array<i32>} : memref<2x64xi32, #tpu.memory_space<vmem>>, vector<16xi32>,
        tpu.vector_store %arg8[%swap3A_2009, %swap3A_2010], %add3A_2007 {strides = array<i32>} : memref<2x64xi32, #tpu.memory_space<vmem>>, vector<16xi32>,
        %add3A_2012 = arith.addi %add3A_1996, %min3A_1986 : vector<16xi32>
        %swap3A_2013 = arith.constant 0 : i32
        %swap3A_2014 = arith.index_cast %swap3A_2013 : i32 to index
        %swap3A_2015 = arith.constant 16 : index
        %swap3A_2016 = tpu.vector_load %arg9[%swap3A_2014, %swap3A_2015] {strides = array<i32>} : memref<2x64xi32, #tpu.memory_space<vmem>>, vector<16xi32>,
        tpu.vector_store %arg9[%swap3A_2014, %swap3A_2015], %add3A_2012 {strides = array<i32>} : memref<2x64xi32, #tpu.memory_space<vmem>>, vector<16xi32>,
        %mul3A_2017 = arith.mulf %select_n3A_1938, %select_n3A_1954 : vector<16xf32>
        %swap3A_2018 = arith.constant 0 : i32
        %swap3A_2019 = arith.index_cast %swap3A_2018 : i32 to index
        %swap3A_2020 = arith.constant 16 : index
        %swap3A_2021 = tpu.vector_load %arg10[%swap3A_2019, %swap3A_2020] {strides = array<i32>} : memref<2x64xf32, #tpu.memory_space<vmem>>, vector<16xf32>,
        tpu.vector_store %arg10[%swap3A_2019, %swap3A_2020], %mul3A_2017 {strides = array<i32>} : memref<2x64xf32, #tpu.memory_space<vmem>>, vector<16xf32>,
        %mul3A_2022 = arith.mulf %select_n3A_1938, %select_n3A_1962 : vector<16xf32>
        %swap3A_2023 = arith.constant 0 : i32
        %swap3A_2024 = arith.index_cast %swap3A_2023 : i32 to index
        %swap3A_2025 = arith.constant 16 : index
        %swap3A_2026 = tpu.vector_load %arg11[%swap3A_2024, %swap3A_2025] {strides = array<i32>} : memref<2x64xf32, #tpu.memory_space<vmem>>, vector<16xf32>,
        tpu.vector_store %arg11[%swap3A_2024, %swap3A_2025], %mul3A_2022 {strides = array<i32>} : memref<2x64xf32, #tpu.memory_space<vmem>>, vector<16xf32>,
        %mul3A_2027 = arith.mulf %select_n3A_1946, %select_n3A_1954 : vector<16xf32>
        %swap3A_2028 = arith.constant 0 : i32
        %swap3A_2029 = arith.index_cast %swap3A_2028 : i32 to index
        %swap3A_2030 = arith.constant 16 : index
        %swap3A_2031 = tpu.vector_load %arg12[%swap3A_2029, %swap3A_2030] {strides = array<i32>} : memref<2x64xf32, #tpu.memory_space<vmem>>, vector<16xf32>,
        tpu.vector_store %arg12[%swap3A_2029, %swap3A_2030], %mul3A_2027 {strides = array<i32>} : memref<2x64xf32, #tpu.memory_space<vmem>>, vector<16xf32>,
        %mul3A_2032 = arith.mulf %select_n3A_1946, %select_n3A_1962 : vector<16xf32>
        %swap3A_2033 = arith.constant 0 : i32
        %swap3A_2034 = arith.index_cast %swap3A_2033 : i32 to index
        %swap3A_2035 = arith.constant 16 : index
        %swap3A_2036 = tpu.vector_load %arg13[%swap3A_2034, %swap3A_2035] {strides = array<i32>} : memref<2x64xf32, #tpu.memory_space<vmem>>, vector<16xf32>,
        tpu.vector_store %arg13[%swap3A_2034, %swap3A_2035], %mul3A_2032 {strides = array<i32>} : memref<2x64xf32, #tpu.memory_space<vmem>>, vector<16xf32>,
        %add3A_2037 = vector.broadcast %add3A_1694 : i32 to vector<16xi32>
        %add3A_2038 = arith.addi %broadcast_in_dim3A_45, %add3A_2037 : vector<16xi32>
        %mul3A_2039 = arith.constant 2 : i32
        %mul3A_2040 = vector.broadcast %mul3A_2039 : i32 to vector<16xi32>
        %mul3A_2041 = arith.muli %iota3A, %mul3A_2040 : vector<16xi32>
        %add3A_2042 = arith.constant 64 : i32
        %add3A_2043 = vector.broadcast %add3A_2042 : i32 to vector<16xi32>
        %add3A_2044 = arith.addi %mul3A_2041, %add3A_2043 : vector<16xi32>
        %gather3A_2045 = tpu.vector_load_idx %arg5[%add3A_2038, %add3A_2044] : memref<144x128xf32, #tpu.memory_space<vmem>>[vector<16xi32>, vector<16xi32>], vector<16xf32>,
        %add3A_2046 = arith.constant 1 : i32
        %add3A_2047 = vector.broadcast %add3A_2046 : i32 to vector<16xi32>
        %add3A_2048 = arith.addi %add3A_2044, %add3A_2047 : vector<16xi32>
        %gather3A_2049 = tpu.vector_load_idx %arg5[%add3A_2038, %add3A_2048] : memref<144x128xf32, #tpu.memory_space<vmem>>[vector<16xi32>, vector<16xi32>], vector<16xf32>,
        %add3A_2050 = arith.constant 1.000000e+00 : f32
        %add3A_2051 = vector.broadcast %add3A_2050 : f32 to vector<16xf32>
        %add3A_2052 = arith.addf %gather3A_2049, %add3A_2051 : vector<16xf32>
        %mul3A_2053 = arith.constant 1.920000e+02 : f32
        %mul3A_2054 = vector.broadcast %mul3A_2053 : f32 to vector<16xf32>
        %mul3A_2055 = arith.mulf %add3A_2052, %mul3A_2054 : vector<16xf32>
        %sub3A_2056 = arith.constant 5.000000e-01 : f32
        %sub3A_2057 = vector.broadcast %sub3A_2056 : f32 to vector<16xf32>
        %sub3A_2058 = arith.subf %mul3A_2055, %sub3A_2057 : vector<16xf32>
        %add3A_2059 = arith.constant 1.000000e+00 : f32
        %add3A_2060 = vector.broadcast %add3A_2059 : f32 to vector<16xf32>
        %add3A_2061 = arith.addf %gather3A_2045, %add3A_2060 : vector<16xf32>
        %mul3A_2062 = arith.constant 1.920000e+02 : f32
        %mul3A_2063 = vector.broadcast %mul3A_2062 : f32 to vector<16xf32>
        %mul3A_2064 = arith.mulf %add3A_2061, %mul3A_2063 : vector<16xf32>
        %sub3A_2065 = arith.constant 5.000000e-01 : f32
        %sub3A_2066 = vector.broadcast %sub3A_2065 : f32 to vector<16xf32>
        %sub3A_2067 = arith.subf %mul3A_2064, %sub3A_2066 : vector<16xf32>
        %convert_element_type3A_2068 = arith.fptosi %sub3A_2058 : vector<16xf32> to vector<16xi32>
        %convert_element_type3A_2069 = arith.sitofp %convert_element_type3A_2068 : vector<16xi32> to vector<16xf32>
        %lt3A_2070 = arith.cmpf olt, %sub3A_2058, %convert_element_type3A_2069 : vector<16xf32>
        %sub3A_2071 = arith.constant 1 : i32
        %sub3A_2072 = vector.broadcast %sub3A_2071 : i32 to vector<16xi32>
        %sub3A_2073 = arith.subi %convert_element_type3A_2068, %sub3A_2072 : vector<16xi32>
        %select_n3A_2074 = arith.select %lt3A_2070, %sub3A_2073, %convert_element_type3A_2068 : vector<16xi1>, vector<16xi32>
        %convert_element_type3A_2075 = arith.sitofp %select_n3A_2074 : vector<16xi32> to vector<16xf32>
        %convert_element_type3A_2076 = arith.fptosi %sub3A_2067 : vector<16xf32> to vector<16xi32>
        %convert_element_type3A_2077 = arith.sitofp %convert_element_type3A_2076 : vector<16xi32> to vector<16xf32>
        %lt3A_2078 = arith.cmpf olt, %sub3A_2067, %convert_element_type3A_2077 : vector<16xf32>
        %sub3A_2079 = arith.constant 1 : i32
        %sub3A_2080 = vector.broadcast %sub3A_2079 : i32 to vector<16xi32>
        %sub3A_2081 = arith.subi %convert_element_type3A_2076, %sub3A_2080 : vector<16xi32>
        %select_n3A_2082 = arith.select %lt3A_2078, %sub3A_2081, %convert_element_type3A_2076 : vector<16xi1>, vector<16xi32>
        %convert_element_type3A_2083 = arith.sitofp %select_n3A_2082 : vector<16xi32> to vector<16xf32>
        %sub3A_2084 = arith.subf %sub3A_2058, %convert_element_type3A_2075 : vector<16xf32>
        %add3A_2085 = arith.constant 1.000000e+00 : f32
        %add3A_2086 = vector.broadcast %add3A_2085 : f32 to vector<16xf32>
        %add3A_2087 = arith.addf %convert_element_type3A_2075, %add3A_2086 : vector<16xf32>
        %sub3A_2088 = arith.subf %add3A_2087, %sub3A_2058 : vector<16xf32>
        %sub3A_2089 = arith.subf %sub3A_2067, %convert_element_type3A_2083 : vector<16xf32>
        %add3A_2090 = arith.constant 1.000000e+00 : f32
        %add3A_2091 = vector.broadcast %add3A_2090 : f32 to vector<16xf32>
        %add3A_2092 = arith.addf %convert_element_type3A_2083, %add3A_2091 : vector<16xf32>
        %sub3A_2093 = arith.subf %add3A_2092, %sub3A_2067 : vector<16xf32>
        %add3A_2094 = arith.constant 1 : i32
        %add3A_2095 = vector.broadcast %add3A_2094 : i32 to vector<16xi32>
        %add3A_2096 = arith.addi %select_n3A_2074, %add3A_2095 : vector<16xi32>
        %add3A_2097 = arith.constant 1 : i32
        %add3A_2098 = vector.broadcast %add3A_2097 : i32 to vector<16xi32>
        %add3A_2099 = arith.addi %select_n3A_2082, %add3A_2098 : vector<16xi32>
        %broadcast_in_dim3A_2100 = arith.constant 0.000000e+00 : f32
        %broadcast_in_dim3A_2101 = vector.broadcast %broadcast_in_dim3A_2100 : f32 to vector<16xf32>
        %ge3A_2102 = arith.constant 0 : i32
        %ge3A_2103 = vector.broadcast %ge3A_2102 : i32 to vector<16xi32>
        %ge3A_2104 = arith.cmpi sge, %select_n3A_2074, %ge3A_2103 : vector<16xi32>
        %lt3A_2105 = arith.constant 384 : i32
        %lt3A_2106 = vector.broadcast %lt3A_2105 : i32 to vector<16xi32>
        %lt3A_2107 = arith.cmpi slt, %select_n3A_2074, %lt3A_2106 : vector<16xi32>
        %and3A_2108 = arith.andi %ge3A_2104, %lt3A_2107 : vector<16xi1>
        %select_n3A_2109 = arith.select %and3A_2108, %sub3A_2088, %broadcast_in_dim3A_2101 : vector<16xi1>, vector<16xf32>
        %ge3A_2110 = arith.constant 0 : i32
        %ge3A_2111 = vector.broadcast %ge3A_2110 : i32 to vector<16xi32>
        %ge3A_2112 = arith.cmpi sge, %add3A_2096, %ge3A_2111 : vector<16xi32>
        %lt3A_2113 = arith.constant 384 : i32
        %lt3A_2114 = vector.broadcast %lt3A_2113 : i32 to vector<16xi32>
        %lt3A_2115 = arith.cmpi slt, %add3A_2096, %lt3A_2114 : vector<16xi32>
        %and3A_2116 = arith.andi %ge3A_2112, %lt3A_2115 : vector<16xi1>
        %select_n3A_2117 = arith.select %and3A_2116, %sub3A_2084, %broadcast_in_dim3A_2101 : vector<16xi1>, vector<16xf32>
        %ge3A_2118 = arith.constant 0 : i32
        %ge3A_2119 = vector.broadcast %ge3A_2118 : i32 to vector<16xi32>
        %ge3A_2120 = arith.cmpi sge, %select_n3A_2082, %ge3A_2119 : vector<16xi32>
        %lt3A_2121 = arith.constant 384 : i32
        %lt3A_2122 = vector.broadcast %lt3A_2121 : i32 to vector<16xi32>
        %lt3A_2123 = arith.cmpi slt, %select_n3A_2082, %lt3A_2122 : vector<16xi32>
        %and3A_2124 = arith.andi %ge3A_2120, %lt3A_2123 : vector<16xi1>
        %select_n3A_2125 = arith.select %and3A_2124, %sub3A_2093, %broadcast_in_dim3A_2101 : vector<16xi1>, vector<16xf32>
        %ge3A_2126 = arith.constant 0 : i32
        %ge3A_2127 = vector.broadcast %ge3A_2126 : i32 to vector<16xi32>
        %ge3A_2128 = arith.cmpi sge, %add3A_2099, %ge3A_2127 : vector<16xi32>
        %lt3A_2129 = arith.constant 384 : i32
        %lt3A_2130 = vector.broadcast %lt3A_2129 : i32 to vector<16xi32>
        %lt3A_2131 = arith.cmpi slt, %add3A_2099, %lt3A_2130 : vector<16xi32>
        %and3A_2132 = arith.andi %ge3A_2128, %lt3A_2131 : vector<16xi1>
        %select_n3A_2133 = arith.select %and3A_2132, %sub3A_2089, %broadcast_in_dim3A_2101 : vector<16xi1>, vector<16xf32>
        %jit3A_2134 = arith.constant 0 : i32
        %jit3A_2135 = arith.constant 383 : i32
        %max3A_2136 = vector.broadcast %jit3A_2134 : i32 to vector<16xi32>
        %max3A_2137 = arith.maxsi %max3A_2136, %select_n3A_2074 : vector<16xi32>
        %min3A_2138 = vector.broadcast %jit3A_2135 : i32 to vector<16xi32>
        %min3A_2139 = arith.minsi %min3A_2138, %max3A_2137 : vector<16xi32>
        %jit3A_2140 = arith.constant 0 : i32
        %jit3A_2141 = arith.constant 383 : i32
        %max3A_2142 = vector.broadcast %jit3A_2140 : i32 to vector<16xi32>
        %max3A_2143 = arith.maxsi %max3A_2142, %add3A_2096 : vector<16xi32>
        %min3A_2144 = vector.broadcast %jit3A_2141 : i32 to vector<16xi32>
        %min3A_2145 = arith.minsi %min3A_2144, %max3A_2143 : vector<16xi32>
        %jit3A_2146 = arith.constant 0 : i32
        %jit3A_2147 = arith.constant 383 : i32
        %max3A_2148 = vector.broadcast %jit3A_2146 : i32 to vector<16xi32>
        %max3A_2149 = arith.maxsi %max3A_2148, %select_n3A_2082 : vector<16xi32>
        %min3A_2150 = vector.broadcast %jit3A_2147 : i32 to vector<16xi32>
        %min3A_2151 = arith.minsi %min3A_2150, %max3A_2149 : vector<16xi32>
        %jit3A_2152 = arith.constant 0 : i32
        %jit3A_2153 = arith.constant 383 : i32
        %max3A_2154 = vector.broadcast %jit3A_2152 : i32 to vector<16xi32>
        %max3A_2155 = arith.maxsi %max3A_2154, %add3A_2099 : vector<16xi32>
        %min3A_2156 = vector.broadcast %jit3A_2153 : i32 to vector<16xi32>
        %min3A_2157 = arith.minsi %min3A_2156, %max3A_2155 : vector<16xi32>
        %mul3A_2158 = arith.constant 384 : i32
        %mul3A_2159 = vector.broadcast %mul3A_2158 : i32 to vector<16xi32>
        %mul3A_2160 = arith.muli %min3A_2139, %mul3A_2159 : vector<16xi32>
        %add3A_2161 = vector.broadcast %mul3A_20 : i32 to vector<16xi32>
        %add3A_2162 = arith.addi %add3A_2161, %mul3A_2160 : vector<16xi32>
        %mul3A_2163 = arith.constant 384 : i32
        %mul3A_2164 = vector.broadcast %mul3A_2163 : i32 to vector<16xi32>
        %mul3A_2165 = arith.muli %min3A_2145, %mul3A_2164 : vector<16xi32>
        %add3A_2166 = vector.broadcast %mul3A_20 : i32 to vector<16xi32>
        %add3A_2167 = arith.addi %add3A_2166, %mul3A_2165 : vector<16xi32>
        %add3A_2168 = arith.addi %add3A_2162, %min3A_2151 : vector<16xi32>
        %swap3A_2169 = arith.constant 0 : i32
        %swap3A_2170 = arith.index_cast %swap3A_2169 : i32 to index
        %swap3A_2171 = arith.constant 32 : index
        %swap3A_2172 = tpu.vector_load %arg6[%swap3A_2170, %swap3A_2171] {strides = array<i32>} : memref<2x64xi32, #tpu.memory_space<vmem>>, vector<16xi32>,
        tpu.vector_store %arg6[%swap3A_2170, %swap3A_2171], %add3A_2168 {strides = array<i32>} : memref<2x64xi32, #tpu.memory_space<vmem>>, vector<16xi32>,
        %add3A_2173 = arith.addi %add3A_2162, %min3A_2157 : vector<16xi32>
        %swap3A_2174 = arith.constant 0 : i32
        %swap3A_2175 = arith.index_cast %swap3A_2174 : i32 to index
        %swap3A_2176 = arith.constant 32 : index
        %swap3A_2177 = tpu.vector_load %arg7[%swap3A_2175, %swap3A_2176] {strides = array<i32>} : memref<2x64xi32, #tpu.memory_space<vmem>>, vector<16xi32>,
        tpu.vector_store %arg7[%swap3A_2175, %swap3A_2176], %add3A_2173 {strides = array<i32>} : memref<2x64xi32, #tpu.memory_space<vmem>>, vector<16xi32>,
        %add3A_2178 = arith.addi %add3A_2167, %min3A_2151 : vector<16xi32>
        %swap3A_2179 = arith.constant 0 : i32
        %swap3A_2180 = arith.index_cast %swap3A_2179 : i32 to index
        %swap3A_2181 = arith.constant 32 : index
        %swap3A_2182 = tpu.vector_load %arg8[%swap3A_2180, %swap3A_2181] {strides = array<i32>} : memref<2x64xi32, #tpu.memory_space<vmem>>, vector<16xi32>,
        tpu.vector_store %arg8[%swap3A_2180, %swap3A_2181], %add3A_2178 {strides = array<i32>} : memref<2x64xi32, #tpu.memory_space<vmem>>, vector<16xi32>,
        %add3A_2183 = arith.addi %add3A_2167, %min3A_2157 : vector<16xi32>
        %swap3A_2184 = arith.constant 0 : i32
        %swap3A_2185 = arith.index_cast %swap3A_2184 : i32 to index
        %swap3A_2186 = arith.constant 32 : index
        %swap3A_2187 = tpu.vector_load %arg9[%swap3A_2185, %swap3A_2186] {strides = array<i32>} : memref<2x64xi32, #tpu.memory_space<vmem>>, vector<16xi32>,
        tpu.vector_store %arg9[%swap3A_2185, %swap3A_2186], %add3A_2183 {strides = array<i32>} : memref<2x64xi32, #tpu.memory_space<vmem>>, vector<16xi32>,
        %mul3A_2188 = arith.mulf %select_n3A_2109, %select_n3A_2125 : vector<16xf32>
        %swap3A_2189 = arith.constant 0 : i32
        %swap3A_2190 = arith.index_cast %swap3A_2189 : i32 to index
        %swap3A_2191 = arith.constant 32 : index
        %swap3A_2192 = tpu.vector_load %arg10[%swap3A_2190, %swap3A_2191] {strides = array<i32>} : memref<2x64xf32, #tpu.memory_space<vmem>>, vector<16xf32>,
        tpu.vector_store %arg10[%swap3A_2190, %swap3A_2191], %mul3A_2188 {strides = array<i32>} : memref<2x64xf32, #tpu.memory_space<vmem>>, vector<16xf32>,
        %mul3A_2193 = arith.mulf %select_n3A_2109, %select_n3A_2133 : vector<16xf32>
        %swap3A_2194 = arith.constant 0 : i32
        %swap3A_2195 = arith.index_cast %swap3A_2194 : i32 to index
        %swap3A_2196 = arith.constant 32 : index
        %swap3A_2197 = tpu.vector_load %arg11[%swap3A_2195, %swap3A_2196] {strides = array<i32>} : memref<2x64xf32, #tpu.memory_space<vmem>>, vector<16xf32>,
        tpu.vector_store %arg11[%swap3A_2195, %swap3A_2196], %mul3A_2193 {strides = array<i32>} : memref<2x64xf32, #tpu.memory_space<vmem>>, vector<16xf32>,
        %mul3A_2198 = arith.mulf %select_n3A_2117, %select_n3A_2125 : vector<16xf32>
        %swap3A_2199 = arith.constant 0 : i32
        %swap3A_2200 = arith.index_cast %swap3A_2199 : i32 to index
        %swap3A_2201 = arith.constant 32 : index
        %swap3A_2202 = tpu.vector_load %arg12[%swap3A_2200, %swap3A_2201] {strides = array<i32>} : memref<2x64xf32, #tpu.memory_space<vmem>>, vector<16xf32>,
        tpu.vector_store %arg12[%swap3A_2200, %swap3A_2201], %mul3A_2198 {strides = array<i32>} : memref<2x64xf32, #tpu.memory_space<vmem>>, vector<16xf32>,
        %mul3A_2203 = arith.mulf %select_n3A_2117, %select_n3A_2133 : vector<16xf32>
        %swap3A_2204 = arith.constant 0 : i32
        %swap3A_2205 = arith.index_cast %swap3A_2204 : i32 to index
        %swap3A_2206 = arith.constant 32 : index
        %swap3A_2207 = tpu.vector_load %arg13[%swap3A_2205, %swap3A_2206] {strides = array<i32>} : memref<2x64xf32, #tpu.memory_space<vmem>>, vector<16xf32>,
        tpu.vector_store %arg13[%swap3A_2205, %swap3A_2206], %mul3A_2203 {strides = array<i32>} : memref<2x64xf32, #tpu.memory_space<vmem>>, vector<16xf32>,
        %add3A_2208 = vector.broadcast %add3A_1694 : i32 to vector<16xi32>
        %add3A_2209 = arith.addi %broadcast_in_dim3A_45, %add3A_2208 : vector<16xi32>
        %mul3A_2210 = arith.constant 2 : i32
        %mul3A_2211 = vector.broadcast %mul3A_2210 : i32 to vector<16xi32>
        %mul3A_2212 = arith.muli %iota3A, %mul3A_2211 : vector<16xi32>
        %add3A_2213 = arith.constant 96 : i32
        %add3A_2214 = vector.broadcast %add3A_2213 : i32 to vector<16xi32>
        %add3A_2215 = arith.addi %mul3A_2212, %add3A_2214 : vector<16xi32>
        %gather3A_2216 = tpu.vector_load_idx %arg5[%add3A_2209, %add3A_2215] : memref<144x128xf32, #tpu.memory_space<vmem>>[vector<16xi32>, vector<16xi32>], vector<16xf32>,
        %add3A_2217 = arith.constant 1 : i32
        %add3A_2218 = vector.broadcast %add3A_2217 : i32 to vector<16xi32>
        %add3A_2219 = arith.addi %add3A_2215, %add3A_2218 : vector<16xi32>
        %gather3A_2220 = tpu.vector_load_idx %arg5[%add3A_2209, %add3A_2219] : memref<144x128xf32, #tpu.memory_space<vmem>>[vector<16xi32>, vector<16xi32>], vector<16xf32>,
        %add3A_2221 = arith.constant 1.000000e+00 : f32
        %add3A_2222 = vector.broadcast %add3A_2221 : f32 to vector<16xf32>
        %add3A_2223 = arith.addf %gather3A_2220, %add3A_2222 : vector<16xf32>
        %mul3A_2224 = arith.constant 1.920000e+02 : f32
        %mul3A_2225 = vector.broadcast %mul3A_2224 : f32 to vector<16xf32>
        %mul3A_2226 = arith.mulf %add3A_2223, %mul3A_2225 : vector<16xf32>
        %sub3A_2227 = arith.constant 5.000000e-01 : f32
        %sub3A_2228 = vector.broadcast %sub3A_2227 : f32 to vector<16xf32>
        %sub3A_2229 = arith.subf %mul3A_2226, %sub3A_2228 : vector<16xf32>
        %add3A_2230 = arith.constant 1.000000e+00 : f32
        %add3A_2231 = vector.broadcast %add3A_2230 : f32 to vector<16xf32>
        %add3A_2232 = arith.addf %gather3A_2216, %add3A_2231 : vector<16xf32>
        %mul3A_2233 = arith.constant 1.920000e+02 : f32
        %mul3A_2234 = vector.broadcast %mul3A_2233 : f32 to vector<16xf32>
        %mul3A_2235 = arith.mulf %add3A_2232, %mul3A_2234 : vector<16xf32>
        %sub3A_2236 = arith.constant 5.000000e-01 : f32
        %sub3A_2237 = vector.broadcast %sub3A_2236 : f32 to vector<16xf32>
        %sub3A_2238 = arith.subf %mul3A_2235, %sub3A_2237 : vector<16xf32>
        %convert_element_type3A_2239 = arith.fptosi %sub3A_2229 : vector<16xf32> to vector<16xi32>
        %convert_element_type3A_2240 = arith.sitofp %convert_element_type3A_2239 : vector<16xi32> to vector<16xf32>
        %lt3A_2241 = arith.cmpf olt, %sub3A_2229, %convert_element_type3A_2240 : vector<16xf32>
        %sub3A_2242 = arith.constant 1 : i32
        %sub3A_2243 = vector.broadcast %sub3A_2242 : i32 to vector<16xi32>
        %sub3A_2244 = arith.subi %convert_element_type3A_2239, %sub3A_2243 : vector<16xi32>
        %select_n3A_2245 = arith.select %lt3A_2241, %sub3A_2244, %convert_element_type3A_2239 : vector<16xi1>, vector<16xi32>
        %convert_element_type3A_2246 = arith.sitofp %select_n3A_2245 : vector<16xi32> to vector<16xf32>
        %convert_element_type3A_2247 = arith.fptosi %sub3A_2238 : vector<16xf32> to vector<16xi32>
        %convert_element_type3A_2248 = arith.sitofp %convert_element_type3A_2247 : vector<16xi32> to vector<16xf32>
        %lt3A_2249 = arith.cmpf olt, %sub3A_2238, %convert_element_type3A_2248 : vector<16xf32>
        %sub3A_2250 = arith.constant 1 : i32
        %sub3A_2251 = vector.broadcast %sub3A_2250 : i32 to vector<16xi32>
        %sub3A_2252 = arith.subi %convert_element_type3A_2247, %sub3A_2251 : vector<16xi32>
        %select_n3A_2253 = arith.select %lt3A_2249, %sub3A_2252, %convert_element_type3A_2247 : vector<16xi1>, vector<16xi32>
        %convert_element_type3A_2254 = arith.sitofp %select_n3A_2253 : vector<16xi32> to vector<16xf32>
        %sub3A_2255 = arith.subf %sub3A_2229, %convert_element_type3A_2246 : vector<16xf32>
        %add3A_2256 = arith.constant 1.000000e+00 : f32
        %add3A_2257 = vector.broadcast %add3A_2256 : f32 to vector<16xf32>
        %add3A_2258 = arith.addf %convert_element_type3A_2246, %add3A_2257 : vector<16xf32>
        %sub3A_2259 = arith.subf %add3A_2258, %sub3A_2229 : vector<16xf32>
        %sub3A_2260 = arith.subf %sub3A_2238, %convert_element_type3A_2254 : vector<16xf32>
        %add3A_2261 = arith.constant 1.000000e+00 : f32
        %add3A_2262 = vector.broadcast %add3A_2261 : f32 to vector<16xf32>
        %add3A_2263 = arith.addf %convert_element_type3A_2254, %add3A_2262 : vector<16xf32>
        %sub3A_2264 = arith.subf %add3A_2263, %sub3A_2238 : vector<16xf32>
        %add3A_2265 = arith.constant 1 : i32
        %add3A_2266 = vector.broadcast %add3A_2265 : i32 to vector<16xi32>
        %add3A_2267 = arith.addi %select_n3A_2245, %add3A_2266 : vector<16xi32>
        %add3A_2268 = arith.constant 1 : i32
        %add3A_2269 = vector.broadcast %add3A_2268 : i32 to vector<16xi32>
        %add3A_2270 = arith.addi %select_n3A_2253, %add3A_2269 : vector<16xi32>
        %broadcast_in_dim3A_2271 = arith.constant 0.000000e+00 : f32
        %broadcast_in_dim3A_2272 = vector.broadcast %broadcast_in_dim3A_2271 : f32 to vector<16xf32>
        %ge3A_2273 = arith.constant 0 : i32
        %ge3A_2274 = vector.broadcast %ge3A_2273 : i32 to vector<16xi32>
        %ge3A_2275 = arith.cmpi sge, %select_n3A_2245, %ge3A_2274 : vector<16xi32>
        %lt3A_2276 = arith.constant 384 : i32
        %lt3A_2277 = vector.broadcast %lt3A_2276 : i32 to vector<16xi32>
        %lt3A_2278 = arith.cmpi slt, %select_n3A_2245, %lt3A_2277 : vector<16xi32>
        %and3A_2279 = arith.andi %ge3A_2275, %lt3A_2278 : vector<16xi1>
        %select_n3A_2280 = arith.select %and3A_2279, %sub3A_2259, %broadcast_in_dim3A_2272 : vector<16xi1>, vector<16xf32>
        %ge3A_2281 = arith.constant 0 : i32
        %ge3A_2282 = vector.broadcast %ge3A_2281 : i32 to vector<16xi32>
        %ge3A_2283 = arith.cmpi sge, %add3A_2267, %ge3A_2282 : vector<16xi32>
        %lt3A_2284 = arith.constant 384 : i32
        %lt3A_2285 = vector.broadcast %lt3A_2284 : i32 to vector<16xi32>
        %lt3A_2286 = arith.cmpi slt, %add3A_2267, %lt3A_2285 : vector<16xi32>
        %and3A_2287 = arith.andi %ge3A_2283, %lt3A_2286 : vector<16xi1>
        %select_n3A_2288 = arith.select %and3A_2287, %sub3A_2255, %broadcast_in_dim3A_2272 : vector<16xi1>, vector<16xf32>
        %ge3A_2289 = arith.constant 0 : i32
        %ge3A_2290 = vector.broadcast %ge3A_2289 : i32 to vector<16xi32>
        %ge3A_2291 = arith.cmpi sge, %select_n3A_2253, %ge3A_2290 : vector<16xi32>
        %lt3A_2292 = arith.constant 384 : i32
        %lt3A_2293 = vector.broadcast %lt3A_2292 : i32 to vector<16xi32>
        %lt3A_2294 = arith.cmpi slt, %select_n3A_2253, %lt3A_2293 : vector<16xi32>
        %and3A_2295 = arith.andi %ge3A_2291, %lt3A_2294 : vector<16xi1>
        %select_n3A_2296 = arith.select %and3A_2295, %sub3A_2264, %broadcast_in_dim3A_2272 : vector<16xi1>, vector<16xf32>
        %ge3A_2297 = arith.constant 0 : i32
        %ge3A_2298 = vector.broadcast %ge3A_2297 : i32 to vector<16xi32>
        %ge3A_2299 = arith.cmpi sge, %add3A_2270, %ge3A_2298 : vector<16xi32>
        %lt3A_2300 = arith.constant 384 : i32
        %lt3A_2301 = vector.broadcast %lt3A_2300 : i32 to vector<16xi32>
        %lt3A_2302 = arith.cmpi slt, %add3A_2270, %lt3A_2301 : vector<16xi32>
        %and3A_2303 = arith.andi %ge3A_2299, %lt3A_2302 : vector<16xi1>
        %select_n3A_2304 = arith.select %and3A_2303, %sub3A_2260, %broadcast_in_dim3A_2272 : vector<16xi1>, vector<16xf32>
        %jit3A_2305 = arith.constant 0 : i32
        %jit3A_2306 = arith.constant 383 : i32
        %max3A_2307 = vector.broadcast %jit3A_2305 : i32 to vector<16xi32>
        %max3A_2308 = arith.maxsi %max3A_2307, %select_n3A_2245 : vector<16xi32>
        %min3A_2309 = vector.broadcast %jit3A_2306 : i32 to vector<16xi32>
        %min3A_2310 = arith.minsi %min3A_2309, %max3A_2308 : vector<16xi32>
        %jit3A_2311 = arith.constant 0 : i32
        %jit3A_2312 = arith.constant 383 : i32
        %max3A_2313 = vector.broadcast %jit3A_2311 : i32 to vector<16xi32>
        %max3A_2314 = arith.maxsi %max3A_2313, %add3A_2267 : vector<16xi32>
        %min3A_2315 = vector.broadcast %jit3A_2312 : i32 to vector<16xi32>
        %min3A_2316 = arith.minsi %min3A_2315, %max3A_2314 : vector<16xi32>
        %jit3A_2317 = arith.constant 0 : i32
        %jit3A_2318 = arith.constant 383 : i32
        %max3A_2319 = vector.broadcast %jit3A_2317 : i32 to vector<16xi32>
        %max3A_2320 = arith.maxsi %max3A_2319, %select_n3A_2253 : vector<16xi32>
        %min3A_2321 = vector.broadcast %jit3A_2318 : i32 to vector<16xi32>
        %min3A_2322 = arith.minsi %min3A_2321, %max3A_2320 : vector<16xi32>
        %jit3A_2323 = arith.constant 0 : i32
        %jit3A_2324 = arith.constant 383 : i32
        %max3A_2325 = vector.broadcast %jit3A_2323 : i32 to vector<16xi32>
        %max3A_2326 = arith.maxsi %max3A_2325, %add3A_2270 : vector<16xi32>
        %min3A_2327 = vector.broadcast %jit3A_2324 : i32 to vector<16xi32>
        %min3A_2328 = arith.minsi %min3A_2327, %max3A_2326 : vector<16xi32>
        %mul3A_2329 = arith.constant 384 : i32
        %mul3A_2330 = vector.broadcast %mul3A_2329 : i32 to vector<16xi32>
        %mul3A_2331 = arith.muli %min3A_2310, %mul3A_2330 : vector<16xi32>
        %add3A_2332 = vector.broadcast %mul3A_20 : i32 to vector<16xi32>
        %add3A_2333 = arith.addi %add3A_2332, %mul3A_2331 : vector<16xi32>
        %mul3A_2334 = arith.constant 384 : i32
        %mul3A_2335 = vector.broadcast %mul3A_2334 : i32 to vector<16xi32>
        %mul3A_2336 = arith.muli %min3A_2316, %mul3A_2335 : vector<16xi32>
        %add3A_2337 = vector.broadcast %mul3A_20 : i32 to vector<16xi32>
        %add3A_2338 = arith.addi %add3A_2337, %mul3A_2336 : vector<16xi32>
        %add3A_2339 = arith.addi %add3A_2333, %min3A_2322 : vector<16xi32>
        %swap3A_2340 = arith.constant 0 : i32
        %swap3A_2341 = arith.index_cast %swap3A_2340 : i32 to index
        %swap3A_2342 = arith.constant 48 : index
        %swap3A_2343 = tpu.vector_load %arg6[%swap3A_2341, %swap3A_2342] {strides = array<i32>} : memref<2x64xi32, #tpu.memory_space<vmem>>, vector<16xi32>,
        tpu.vector_store %arg6[%swap3A_2341, %swap3A_2342], %add3A_2339 {strides = array<i32>} : memref<2x64xi32, #tpu.memory_space<vmem>>, vector<16xi32>,
        %add3A_2344 = arith.addi %add3A_2333, %min3A_2328 : vector<16xi32>
        %swap3A_2345 = arith.constant 0 : i32
        %swap3A_2346 = arith.index_cast %swap3A_2345 : i32 to index
        %swap3A_2347 = arith.constant 48 : index
        %swap3A_2348 = tpu.vector_load %arg7[%swap3A_2346, %swap3A_2347] {strides = array<i32>} : memref<2x64xi32, #tpu.memory_space<vmem>>, vector<16xi32>,
        tpu.vector_store %arg7[%swap3A_2346, %swap3A_2347], %add3A_2344 {strides = array<i32>} : memref<2x64xi32, #tpu.memory_space<vmem>>, vector<16xi32>,
        %add3A_2349 = arith.addi %add3A_2338, %min3A_2322 : vector<16xi32>
        %swap3A_2350 = arith.constant 0 : i32
        %swap3A_2351 = arith.index_cast %swap3A_2350 : i32 to index
        %swap3A_2352 = arith.constant 48 : index
        %swap3A_2353 = tpu.vector_load %arg8[%swap3A_2351, %swap3A_2352] {strides = array<i32>} : memref<2x64xi32, #tpu.memory_space<vmem>>, vector<16xi32>,
        tpu.vector_store %arg8[%swap3A_2351, %swap3A_2352], %add3A_2349 {strides = array<i32>} : memref<2x64xi32, #tpu.memory_space<vmem>>, vector<16xi32>,
        %add3A_2354 = arith.addi %add3A_2338, %min3A_2328 : vector<16xi32>
        %swap3A_2355 = arith.constant 0 : i32
        %swap3A_2356 = arith.index_cast %swap3A_2355 : i32 to index
        %swap3A_2357 = arith.constant 48 : index
        %swap3A_2358 = tpu.vector_load %arg9[%swap3A_2356, %swap3A_2357] {strides = array<i32>} : memref<2x64xi32, #tpu.memory_space<vmem>>, vector<16xi32>,
        tpu.vector_store %arg9[%swap3A_2356, %swap3A_2357], %add3A_2354 {strides = array<i32>} : memref<2x64xi32, #tpu.memory_space<vmem>>, vector<16xi32>,
        %mul3A_2359 = arith.mulf %select_n3A_2280, %select_n3A_2296 : vector<16xf32>
        %swap3A_2360 = arith.constant 0 : i32
        %swap3A_2361 = arith.index_cast %swap3A_2360 : i32 to index
        %swap3A_2362 = arith.constant 48 : index
        %swap3A_2363 = tpu.vector_load %arg10[%swap3A_2361, %swap3A_2362] {strides = array<i32>} : memref<2x64xf32, #tpu.memory_space<vmem>>, vector<16xf32>,
        tpu.vector_store %arg10[%swap3A_2361, %swap3A_2362], %mul3A_2359 {strides = array<i32>} : memref<2x64xf32, #tpu.memory_space<vmem>>, vector<16xf32>,
        %mul3A_2364 = arith.mulf %select_n3A_2280, %select_n3A_2304 : vector<16xf32>
        %swap3A_2365 = arith.constant 0 : i32
        %swap3A_2366 = arith.index_cast %swap3A_2365 : i32 to index
        %swap3A_2367 = arith.constant 48 : index
        %swap3A_2368 = tpu.vector_load %arg11[%swap3A_2366, %swap3A_2367] {strides = array<i32>} : memref<2x64xf32, #tpu.memory_space<vmem>>, vector<16xf32>,
        tpu.vector_store %arg11[%swap3A_2366, %swap3A_2367], %mul3A_2364 {strides = array<i32>} : memref<2x64xf32, #tpu.memory_space<vmem>>, vector<16xf32>,
        %mul3A_2369 = arith.mulf %select_n3A_2288, %select_n3A_2296 : vector<16xf32>
        %swap3A_2370 = arith.constant 0 : i32
        %swap3A_2371 = arith.index_cast %swap3A_2370 : i32 to index
        %swap3A_2372 = arith.constant 48 : index
        %swap3A_2373 = tpu.vector_load %arg12[%swap3A_2371, %swap3A_2372] {strides = array<i32>} : memref<2x64xf32, #tpu.memory_space<vmem>>, vector<16xf32>,
        tpu.vector_store %arg12[%swap3A_2371, %swap3A_2372], %mul3A_2369 {strides = array<i32>} : memref<2x64xf32, #tpu.memory_space<vmem>>, vector<16xf32>,
        %mul3A_2374 = arith.mulf %select_n3A_2288, %select_n3A_2304 : vector<16xf32>
        %swap3A_2375 = arith.constant 0 : i32
        %swap3A_2376 = arith.index_cast %swap3A_2375 : i32 to index
        %swap3A_2377 = arith.constant 48 : index
        %swap3A_2378 = tpu.vector_load %arg13[%swap3A_2376, %swap3A_2377] {strides = array<i32>} : memref<2x64xf32, #tpu.memory_space<vmem>>, vector<16xf32>,
        tpu.vector_store %arg13[%swap3A_2376, %swap3A_2377], %mul3A_2374 {strides = array<i32>} : memref<2x64xf32, #tpu.memory_space<vmem>>, vector<16xf32>,
        %dma_start3A_2379 = arith.constant 0 : i32
        %dma_start3A_2380 = arith.constant 0 : i32
        %dma_start3A_2381 = arith.constant 0 : i32
        %dma_start3A_2382 = arith.constant 0 : i32
        %dma_start3A_2383 = tpu.memref_slice %arg14[%dma_start3A_2380, %dma_start3A_2381, %dma_start3A_2382] : memref<2x64x128xf32, #tpu.memory_space<vmem>> -> memref<1x64x128xf32, #tpu.memory_space<vmem>>
        %dma_start3A_2384 = tpu.memref_squeeze %dma_start3A_2383 : memref<1x64x128xf32, #tpu.memory_space<vmem>> -> memref<64x128xf32, #tpu.memory_space<vmem>>
        %dma_start3A_2385 = arith.constant 0 : i32
        %dma_start3A_2386 = tpu.memref_slice %arg6[%dma_start3A_2379, %dma_start3A_2385] : memref<2x64xi32, #tpu.memory_space<vmem>> -> memref<1x64xi32, #tpu.memory_space<vmem>>
        %dma_start3A_2387 = tpu.memref_squeeze %dma_start3A_2386 : memref<1x64xi32, #tpu.memory_space<vmem>> -> memref<64xi32, #tpu.memory_space<vmem>>
        %dma_start3A_2388 = arith.constant 0 : i32
        %dma_start3A_2389 = arith.constant 0 : i32
        %dma_start3A_2390 = tpu.memref_slice %arg2[%dma_start3A_2388, %dma_start3A_2389] : memref<294912x128xf32, #tpu.memory_space<hbm>> -> memref<294912x128xf32, #tpu.memory_space<hbm>>
        tpu.enqueue_indirect_dma source(%dma_start3A_2390 : memref<294912x128xf32, #tpu.memory_space<hbm>>) target(%dma_start3A_2384 : memref<64x128xf32, #tpu.memory_space<vmem>>) offsets(%dma_start3A_2387 : memref<64xi32, #tpu.memory_space<vmem>>) semaphore(%arg19 : memref<!tpu.dma_semaphore, #tpu.memory_space<semaphore_mem>>)
        %dma_start3A_2391 = arith.constant 0 : i32
        %dma_start3A_2392 = arith.constant 0 : i32
        %dma_start3A_2393 = arith.constant 0 : i32
        %dma_start3A_2394 = arith.constant 0 : i32
        %dma_start3A_2395 = tpu.memref_slice %arg15[%dma_start3A_2392, %dma_start3A_2393, %dma_start3A_2394] : memref<2x64x128xf32, #tpu.memory_space<vmem>> -> memref<1x64x128xf32, #tpu.memory_space<vmem>>
        %dma_start3A_2396 = tpu.memref_squeeze %dma_start3A_2395 : memref<1x64x128xf32, #tpu.memory_space<vmem>> -> memref<64x128xf32, #tpu.memory_space<vmem>>
        %dma_start3A_2397 = arith.constant 0 : i32
        %dma_start3A_2398 = tpu.memref_slice %arg7[%dma_start3A_2391, %dma_start3A_2397] : memref<2x64xi32, #tpu.memory_space<vmem>> -> memref<1x64xi32, #tpu.memory_space<vmem>>
        %dma_start3A_2399 = tpu.memref_squeeze %dma_start3A_2398 : memref<1x64xi32, #tpu.memory_space<vmem>> -> memref<64xi32, #tpu.memory_space<vmem>>
        %dma_start3A_2400 = arith.constant 0 : i32
        %dma_start3A_2401 = arith.constant 0 : i32
        %dma_start3A_2402 = tpu.memref_slice %arg2[%dma_start3A_2400, %dma_start3A_2401] : memref<294912x128xf32, #tpu.memory_space<hbm>> -> memref<294912x128xf32, #tpu.memory_space<hbm>>
        tpu.enqueue_indirect_dma source(%dma_start3A_2402 : memref<294912x128xf32, #tpu.memory_space<hbm>>) target(%dma_start3A_2396 : memref<64x128xf32, #tpu.memory_space<vmem>>) offsets(%dma_start3A_2399 : memref<64xi32, #tpu.memory_space<vmem>>) semaphore(%arg19 : memref<!tpu.dma_semaphore, #tpu.memory_space<semaphore_mem>>)
        %dma_start3A_2403 = arith.constant 0 : i32
        %dma_start3A_2404 = arith.constant 0 : i32
        %dma_start3A_2405 = arith.constant 0 : i32
        %dma_start3A_2406 = arith.constant 0 : i32
        %dma_start3A_2407 = tpu.memref_slice %arg16[%dma_start3A_2404, %dma_start3A_2405, %dma_start3A_2406] : memref<2x64x128xf32, #tpu.memory_space<vmem>> -> memref<1x64x128xf32, #tpu.memory_space<vmem>>
        %dma_start3A_2408 = tpu.memref_squeeze %dma_start3A_2407 : memref<1x64x128xf32, #tpu.memory_space<vmem>> -> memref<64x128xf32, #tpu.memory_space<vmem>>
        %dma_start3A_2409 = arith.constant 0 : i32
        %dma_start3A_2410 = tpu.memref_slice %arg8[%dma_start3A_2403, %dma_start3A_2409] : memref<2x64xi32, #tpu.memory_space<vmem>> -> memref<1x64xi32, #tpu.memory_space<vmem>>
        %dma_start3A_2411 = tpu.memref_squeeze %dma_start3A_2410 : memref<1x64xi32, #tpu.memory_space<vmem>> -> memref<64xi32, #tpu.memory_space<vmem>>
        %dma_start3A_2412 = arith.constant 0 : i32
        %dma_start3A_2413 = arith.constant 0 : i32
        %dma_start3A_2414 = tpu.memref_slice %arg2[%dma_start3A_2412, %dma_start3A_2413] : memref<294912x128xf32, #tpu.memory_space<hbm>> -> memref<294912x128xf32, #tpu.memory_space<hbm>>
        tpu.enqueue_indirect_dma source(%dma_start3A_2414 : memref<294912x128xf32, #tpu.memory_space<hbm>>) target(%dma_start3A_2408 : memref<64x128xf32, #tpu.memory_space<vmem>>) offsets(%dma_start3A_2411 : memref<64xi32, #tpu.memory_space<vmem>>) semaphore(%arg19 : memref<!tpu.dma_semaphore, #tpu.memory_space<semaphore_mem>>)
        %dma_start3A_2415 = arith.constant 0 : i32
        %dma_start3A_2416 = arith.constant 0 : i32
        %dma_start3A_2417 = arith.constant 0 : i32
        %dma_start3A_2418 = arith.constant 0 : i32
        %dma_start3A_2419 = tpu.memref_slice %arg17[%dma_start3A_2416, %dma_start3A_2417, %dma_start3A_2418] : memref<2x64x128xf32, #tpu.memory_space<vmem>> -> memref<1x64x128xf32, #tpu.memory_space<vmem>>
        %dma_start3A_2420 = tpu.memref_squeeze %dma_start3A_2419 : memref<1x64x128xf32, #tpu.memory_space<vmem>> -> memref<64x128xf32, #tpu.memory_space<vmem>>
        %dma_start3A_2421 = arith.constant 0 : i32
        %dma_start3A_2422 = tpu.memref_slice %arg9[%dma_start3A_2415, %dma_start3A_2421] : memref<2x64xi32, #tpu.memory_space<vmem>> -> memref<1x64xi32, #tpu.memory_space<vmem>>
        %dma_start3A_2423 = tpu.memref_squeeze %dma_start3A_2422 : memref<1x64xi32, #tpu.memory_space<vmem>> -> memref<64xi32, #tpu.memory_space<vmem>>
        %dma_start3A_2424 = arith.constant 0 : i32
        %dma_start3A_2425 = arith.constant 0 : i32
        %dma_start3A_2426 = tpu.memref_slice %arg2[%dma_start3A_2424, %dma_start3A_2425] : memref<294912x128xf32, #tpu.memory_space<hbm>> -> memref<294912x128xf32, #tpu.memory_space<hbm>>
        tpu.enqueue_indirect_dma source(%dma_start3A_2426 : memref<294912x128xf32, #tpu.memory_space<hbm>>) target(%dma_start3A_2420 : memref<64x128xf32, #tpu.memory_space<vmem>>) offsets(%dma_start3A_2423 : memref<64xi32, #tpu.memory_space<vmem>>) semaphore(%arg19 : memref<!tpu.dma_semaphore, #tpu.memory_space<semaphore_mem>>)
      } else {
      }
      %dma_wait3A_1621 = arith.constant 1 : i32
      %dma_wait3A_1622 = arith.constant 1 : i32
      %dma_wait3A_1623 = arith.constant 0 : i32
      %dma_wait3A_1624 = arith.constant 0 : i32
      %dma_wait3A_1625 = tpu.memref_slice %arg14[%dma_wait3A_1622, %dma_wait3A_1623, %dma_wait3A_1624] : memref<2x64x128xf32, #tpu.memory_space<vmem>> -> memref<1x64x128xf32, #tpu.memory_space<vmem>>
      %dma_wait3A_1626 = tpu.memref_squeeze %dma_wait3A_1625 : memref<1x64x128xf32, #tpu.memory_space<vmem>> -> memref<64x128xf32, #tpu.memory_space<vmem>>
      %dma_wait3A_1627 = arith.constant 0 : i32
      %dma_wait3A_1628 = tpu.memref_slice %arg6[%dma_wait3A_1621, %dma_wait3A_1627] : memref<2x64xi32, #tpu.memory_space<vmem>> -> memref<1x64xi32, #tpu.memory_space<vmem>>
      %dma_wait3A_1629 = tpu.memref_squeeze %dma_wait3A_1628 : memref<1x64xi32, #tpu.memory_space<vmem>> -> memref<64xi32, #tpu.memory_space<vmem>>
      %dma_wait3A_1630 = arith.constant 0 : i32
      %dma_wait3A_1631 = arith.constant 0 : i32
      %dma_wait3A_1632 = tpu.memref_slice %arg2[%dma_wait3A_1630, %dma_wait3A_1631] : memref<294912x128xf32, #tpu.memory_space<hbm>> -> memref<294912x128xf32, #tpu.memory_space<hbm>>
      tpu.wait_indirect_dma semaphore(%arg20 : memref<!tpu.dma_semaphore, #tpu.memory_space<semaphore_mem>>) src(%dma_wait3A_1632 : memref<294912x128xf32, #tpu.memory_space<hbm>>) dst(%dma_wait3A_1626 : memref<64x128xf32, #tpu.memory_space<vmem>>)
      %dma_wait3A_1633 = arith.constant 1 : i32
      %dma_wait3A_1634 = arith.constant 1 : i32
      %dma_wait3A_1635 = arith.constant 0 : i32
      %dma_wait3A_1636 = arith.constant 0 : i32
      %dma_wait3A_1637 = tpu.memref_slice %arg15[%dma_wait3A_1634, %dma_wait3A_1635, %dma_wait3A_1636] : memref<2x64x128xf32, #tpu.memory_space<vmem>> -> memref<1x64x128xf32, #tpu.memory_space<vmem>>
      %dma_wait3A_1638 = tpu.memref_squeeze %dma_wait3A_1637 : memref<1x64x128xf32, #tpu.memory_space<vmem>> -> memref<64x128xf32, #tpu.memory_space<vmem>>
      %dma_wait3A_1639 = arith.constant 0 : i32
      %dma_wait3A_1640 = tpu.memref_slice %arg7[%dma_wait3A_1633, %dma_wait3A_1639] : memref<2x64xi32, #tpu.memory_space<vmem>> -> memref<1x64xi32, #tpu.memory_space<vmem>>
      %dma_wait3A_1641 = tpu.memref_squeeze %dma_wait3A_1640 : memref<1x64xi32, #tpu.memory_space<vmem>> -> memref<64xi32, #tpu.memory_space<vmem>>
      %dma_wait3A_1642 = arith.constant 0 : i32
      %dma_wait3A_1643 = arith.constant 0 : i32
      %dma_wait3A_1644 = tpu.memref_slice %arg2[%dma_wait3A_1642, %dma_wait3A_1643] : memref<294912x128xf32, #tpu.memory_space<hbm>> -> memref<294912x128xf32, #tpu.memory_space<hbm>>
      tpu.wait_indirect_dma semaphore(%arg20 : memref<!tpu.dma_semaphore, #tpu.memory_space<semaphore_mem>>) src(%dma_wait3A_1644 : memref<294912x128xf32, #tpu.memory_space<hbm>>) dst(%dma_wait3A_1638 : memref<64x128xf32, #tpu.memory_space<vmem>>)
      %dma_wait3A_1645 = arith.constant 1 : i32
      %dma_wait3A_1646 = arith.constant 1 : i32
      %dma_wait3A_1647 = arith.constant 0 : i32
      %dma_wait3A_1648 = arith.constant 0 : i32
      %dma_wait3A_1649 = tpu.memref_slice %arg16[%dma_wait3A_1646, %dma_wait3A_1647, %dma_wait3A_1648] : memref<2x64x128xf32, #tpu.memory_space<vmem>> -> memref<1x64x128xf32, #tpu.memory_space<vmem>>
      %dma_wait3A_1650 = tpu.memref_squeeze %dma_wait3A_1649 : memref<1x64x128xf32, #tpu.memory_space<vmem>> -> memref<64x128xf32, #tpu.memory_space<vmem>>
      %dma_wait3A_1651 = arith.constant 0 : i32
      %dma_wait3A_1652 = tpu.memref_slice %arg8[%dma_wait3A_1645, %dma_wait3A_1651] : memref<2x64xi32, #tpu.memory_space<vmem>> -> memref<1x64xi32, #tpu.memory_space<vmem>>
      %dma_wait3A_1653 = tpu.memref_squeeze %dma_wait3A_1652 : memref<1x64xi32, #tpu.memory_space<vmem>> -> memref<64xi32, #tpu.memory_space<vmem>>
      %dma_wait3A_1654 = arith.constant 0 : i32
      %dma_wait3A_1655 = arith.constant 0 : i32
      %dma_wait3A_1656 = tpu.memref_slice %arg2[%dma_wait3A_1654, %dma_wait3A_1655] : memref<294912x128xf32, #tpu.memory_space<hbm>> -> memref<294912x128xf32, #tpu.memory_space<hbm>>
      tpu.wait_indirect_dma semaphore(%arg20 : memref<!tpu.dma_semaphore, #tpu.memory_space<semaphore_mem>>) src(%dma_wait3A_1656 : memref<294912x128xf32, #tpu.memory_space<hbm>>) dst(%dma_wait3A_1650 : memref<64x128xf32, #tpu.memory_space<vmem>>)
      %dma_wait3A_1657 = arith.constant 1 : i32
      %dma_wait3A_1658 = arith.constant 1 : i32
      %dma_wait3A_1659 = arith.constant 0 : i32
      %dma_wait3A_1660 = arith.constant 0 : i32
      %dma_wait3A_1661 = tpu.memref_slice %arg17[%dma_wait3A_1658, %dma_wait3A_1659, %dma_wait3A_1660] : memref<2x64x128xf32, #tpu.memory_space<vmem>> -> memref<1x64x128xf32, #tpu.memory_space<vmem>>
      %dma_wait3A_1662 = tpu.memref_squeeze %dma_wait3A_1661 : memref<1x64x128xf32, #tpu.memory_space<vmem>> -> memref<64x128xf32, #tpu.memory_space<vmem>>
      %dma_wait3A_1663 = arith.constant 0 : i32
      %dma_wait3A_1664 = tpu.memref_slice %arg9[%dma_wait3A_1657, %dma_wait3A_1663] : memref<2x64xi32, #tpu.memory_space<vmem>> -> memref<1x64xi32, #tpu.memory_space<vmem>>
      %dma_wait3A_1665 = tpu.memref_squeeze %dma_wait3A_1664 : memref<1x64xi32, #tpu.memory_space<vmem>> -> memref<64xi32, #tpu.memory_space<vmem>>
      %dma_wait3A_1666 = arith.constant 0 : i32
      %dma_wait3A_1667 = arith.constant 0 : i32
      %dma_wait3A_1668 = tpu.memref_slice %arg2[%dma_wait3A_1666, %dma_wait3A_1667] : memref<294912x128xf32, #tpu.memory_space<hbm>> -> memref<294912x128xf32, #tpu.memory_space<hbm>>
      tpu.wait_indirect_dma semaphore(%arg20 : memref<!tpu.dma_semaphore, #tpu.memory_space<semaphore_mem>>) src(%dma_wait3A_1668 : memref<294912x128xf32, #tpu.memory_space<hbm>>) dst(%dma_wait3A_1662 : memref<64x128xf32, #tpu.memory_space<vmem>>)
      %gt3A_1669 = arith.constant 0 : i32
      %gt3A_1670 = arith.cmpi sgt, %scan3A_808, %gt3A_1669 : i32
      %convert_element_type3A_1671 = arith.extui %gt3A_1670 : i1 to i32
      %cond3A_1672 = arith.constant 0 : i32
      %cond3A_1673 = arith.cmpi ne, %convert_element_type3A_1671, %cond3A_1672 : i32
      scf.if %cond3A_1673 {
        %sub3A_1693 = arith.constant 2 : i32
        %sub3A_1694 = arith.subi %add3A_812, %sub3A_1693 : i32
        %mul3A_1695 = arith.constant 64 : i32
        %mul3A_1696 = arith.muli %sub3A_1694, %mul3A_1695 : i32
        %add3A_1697 = arith.addi %mul3A_2, %mul3A_1696 : i32
        %dma_wait3A_1698 = arith.constant 1 : i32
        %dma_wait3A_1699 = arith.constant 0 : i32
        %dma_wait3A_1700 = arith.constant 0 : i32
        %dma_wait3A_1701 = tpu.memref_slice %arg18[%dma_wait3A_1698, %dma_wait3A_1699, %dma_wait3A_1700] : memref<2x64x128xf32, #tpu.memory_space<vmem>> -> memref<1x64x128xf32, #tpu.memory_space<vmem>>
        %dma_wait3A_1702 = tpu.memref_squeeze %dma_wait3A_1701 : memref<1x64x128xf32, #tpu.memory_space<vmem>> -> memref<64x128xf32, #tpu.memory_space<vmem>>
        %dma_wait3A_1703 = arith.constant 0 : i32
        %dma_wait3A_1704 = tpu.memref_slice %arg4[%add3A_1697, %dma_wait3A_1703] : memref<294912x128xf32, #tpu.memory_space<hbm>> -> memref<64x128xf32, #tpu.memory_space<hbm>>
        %dma_wait3A_1705 = arith.constant 0 : i32
        %dma_wait3A_1706 = tpu.memref_slice %arg4[%add3A_1697, %dma_wait3A_1705] : memref<294912x128xf32, #tpu.memory_space<hbm>> -> memref<64x128xf32, #tpu.memory_space<hbm>>
        %dma_wait3A_1707 = arith.constant 0 : i32
        %dma_wait3A_1708 = arith.constant 0 : i32
        %dma_wait3A_1709 = tpu.memref_slice %arg18[%dma_wait3A_1698, %dma_wait3A_1707, %dma_wait3A_1708] : memref<2x64x128xf32, #tpu.memory_space<vmem>> -> memref<1x64x128xf32, #tpu.memory_space<vmem>>
        %dma_wait3A_1710 = tpu.memref_squeeze %dma_wait3A_1709 : memref<1x64x128xf32, #tpu.memory_space<vmem>> -> memref<64x128xf32, #tpu.memory_space<vmem>>
        tpu.wait_dma2 semaphore(%arg22 : memref<!tpu.dma_semaphore, #tpu.memory_space<semaphore_mem>>) src(%dma_wait3A_1710 : memref<64x128xf32, #tpu.memory_space<vmem>>) dst(%dma_wait3A_1706 : memref<64x128xf32, #tpu.memory_space<hbm>>)
      } else {
      }
      %parallel_loop3A_1674 = arith.constant 0 : i32
      %parallel_loop3A_1675 = arith.constant 64 : i32
      %parallel_loop3A_1676 = arith.constant 1 : i32
      scf.for %parallel_loop3A_1693 = %parallel_loop3A_1674 to %parallel_loop3A_1675 step %parallel_loop3A_1676  : i32 {
        %parallel_loop3A_1694 = vector.broadcast %parallel_loop3A_1693 : i32 to vector<16xi32>
        %parallel_loop3A_1695 = arith.constant 0 : i32
        %parallel_loop3A_1696 = vector.broadcast %parallel_loop3A_1695 : i32 to vector<16xi32>
        %parallel_loop3A_1697 = arith.constant 1 : i32
        %parallel_loop3A_1698 = vector.broadcast %parallel_loop3A_1697 : i32 to vector<16xi32>
        %parallel_loop3A_1699 = arith.addi %parallel_loop3A_1696, %parallel_loop3A_1698 : vector<16xi32>
        %parallel_loop3A_1700 = tpu.vector_load_idx %arg10[%parallel_loop3A_1699, %parallel_loop3A_1694] : memref<2x64xf32, #tpu.memory_space<vmem>>[vector<16xi32>, vector<16xi32>], vector<16xf32>,
        %parallel_loop3A_1701 = arith.constant 1 : i32
        %parallel_loop3A_1702 = vector.broadcast %parallel_loop3A_1701 : i32 to vector<16xi32>
        %parallel_loop3A_1703 = arith.addi %parallel_loop3A_1696, %parallel_loop3A_1702 : vector<16xi32>
        %parallel_loop3A_1704 = tpu.vector_load_idx %arg11[%parallel_loop3A_1703, %parallel_loop3A_1694] : memref<2x64xf32, #tpu.memory_space<vmem>>[vector<16xi32>, vector<16xi32>], vector<16xf32>,
        %parallel_loop3A_1705 = arith.constant 1 : i32
        %parallel_loop3A_1706 = vector.broadcast %parallel_loop3A_1705 : i32 to vector<16xi32>
        %parallel_loop3A_1707 = arith.addi %parallel_loop3A_1696, %parallel_loop3A_1706 : vector<16xi32>
        %parallel_loop3A_1708 = tpu.vector_load_idx %arg12[%parallel_loop3A_1707, %parallel_loop3A_1694] : memref<2x64xf32, #tpu.memory_space<vmem>>[vector<16xi32>, vector<16xi32>], vector<16xf32>,
        %parallel_loop3A_1709 = arith.constant 1 : i32
        %parallel_loop3A_1710 = vector.broadcast %parallel_loop3A_1709 : i32 to vector<16xi32>
        %parallel_loop3A_1711 = arith.addi %parallel_loop3A_1696, %parallel_loop3A_1710 : vector<16xi32>
        %parallel_loop3A_1712 = tpu.vector_load_idx %arg13[%parallel_loop3A_1711, %parallel_loop3A_1694] : memref<2x64xf32, #tpu.memory_space<vmem>>[vector<16xi32>, vector<16xi32>], vector<16xf32>,
        %parallel_loop3A_1713 = arith.constant 1 : i32
        %parallel_loop3A_1714 = arith.index_cast %parallel_loop3A_1713 : i32 to index
        %parallel_loop3A_1715 = arith.index_cast %parallel_loop3A_1693 : i32 to index
        %parallel_loop3A_1716 = arith.constant 0 : index
        %parallel_loop3A_1717 = tpu.vector_load %arg14[%parallel_loop3A_1714, %parallel_loop3A_1715, %parallel_loop3A_1716] {strides = array<i32>} : memref<2x64x128xf32, #tpu.memory_space<vmem>>, vector<16xf32>,
        %parallel_loop3A_1718 = arith.mulf %parallel_loop3A_1700, %parallel_loop3A_1717 : vector<16xf32>
        %parallel_loop3A_1719 = arith.constant 1 : i32
        %parallel_loop3A_1720 = arith.index_cast %parallel_loop3A_1719 : i32 to index
        %parallel_loop3A_1721 = arith.index_cast %parallel_loop3A_1693 : i32 to index
        %parallel_loop3A_1722 = arith.constant 0 : index
        %parallel_loop3A_1723 = tpu.vector_load %arg15[%parallel_loop3A_1720, %parallel_loop3A_1721, %parallel_loop3A_1722] {strides = array<i32>} : memref<2x64x128xf32, #tpu.memory_space<vmem>>, vector<16xf32>,
        %parallel_loop3A_1724 = arith.mulf %parallel_loop3A_1704, %parallel_loop3A_1723 : vector<16xf32>
        %parallel_loop3A_1725 = arith.addf %parallel_loop3A_1718, %parallel_loop3A_1724 : vector<16xf32>
        %parallel_loop3A_1726 = arith.constant 1 : i32
        %parallel_loop3A_1727 = arith.index_cast %parallel_loop3A_1726 : i32 to index
        %parallel_loop3A_1728 = arith.index_cast %parallel_loop3A_1693 : i32 to index
        %parallel_loop3A_1729 = arith.constant 0 : index
        %parallel_loop3A_1730 = tpu.vector_load %arg16[%parallel_loop3A_1727, %parallel_loop3A_1728, %parallel_loop3A_1729] {strides = array<i32>} : memref<2x64x128xf32, #tpu.memory_space<vmem>>, vector<16xf32>,
        %parallel_loop3A_1731 = arith.mulf %parallel_loop3A_1708, %parallel_loop3A_1730 : vector<16xf32>
        %parallel_loop3A_1732 = arith.addf %parallel_loop3A_1725, %parallel_loop3A_1731 : vector<16xf32>
        %parallel_loop3A_1733 = arith.constant 1 : i32
        %parallel_loop3A_1734 = arith.index_cast %parallel_loop3A_1733 : i32 to index
        %parallel_loop3A_1735 = arith.index_cast %parallel_loop3A_1693 : i32 to index
        %parallel_loop3A_1736 = arith.constant 0 : index
        %parallel_loop3A_1737 = tpu.vector_load %arg17[%parallel_loop3A_1734, %parallel_loop3A_1735, %parallel_loop3A_1736] {strides = array<i32>} : memref<2x64x128xf32, #tpu.memory_space<vmem>>, vector<16xf32>,
        %parallel_loop3A_1738 = arith.mulf %parallel_loop3A_1712, %parallel_loop3A_1737 : vector<16xf32>
        %parallel_loop3A_1739 = arith.addf %parallel_loop3A_1732, %parallel_loop3A_1738 : vector<16xf32>
        %parallel_loop3A_1740 = arith.constant 1 : i32
        %parallel_loop3A_1741 = arith.index_cast %parallel_loop3A_1740 : i32 to index
        %parallel_loop3A_1742 = arith.index_cast %parallel_loop3A_1693 : i32 to index
        %parallel_loop3A_1743 = arith.constant 0 : index
        %parallel_loop3A_1744 = tpu.vector_load %arg18[%parallel_loop3A_1741, %parallel_loop3A_1742, %parallel_loop3A_1743] {strides = array<i32>} : memref<2x64x128xf32, #tpu.memory_space<vmem>>, vector<16xf32>,
        tpu.vector_store %arg18[%parallel_loop3A_1741, %parallel_loop3A_1742, %parallel_loop3A_1743], %parallel_loop3A_1739 {strides = array<i32>} : memref<2x64x128xf32, #tpu.memory_space<vmem>>, vector<16xf32>,
        %parallel_loop3A_1745 = arith.constant 1 : i32
        %parallel_loop3A_1746 = arith.index_cast %parallel_loop3A_1745 : i32 to index
        %parallel_loop3A_1747 = arith.index_cast %parallel_loop3A_1693 : i32 to index
        %parallel_loop3A_1748 = arith.constant 16 : index
        %parallel_loop3A_1749 = tpu.vector_load %arg14[%parallel_loop3A_1746, %parallel_loop3A_1747, %parallel_loop3A_1748] {strides = array<i32>} : memref<2x64x128xf32, #tpu.memory_space<vmem>>, vector<16xf32>,
        %parallel_loop3A_1750 = arith.mulf %parallel_loop3A_1700, %parallel_loop3A_1749 : vector<16xf32>
        %parallel_loop3A_1751 = arith.constant 1 : i32
        %parallel_loop3A_1752 = arith.index_cast %parallel_loop3A_1751 : i32 to index
        %parallel_loop3A_1753 = arith.index_cast %parallel_loop3A_1693 : i32 to index
        %parallel_loop3A_1754 = arith.constant 16 : index
        %parallel_loop3A_1755 = tpu.vector_load %arg15[%parallel_loop3A_1752, %parallel_loop3A_1753, %parallel_loop3A_1754] {strides = array<i32>} : memref<2x64x128xf32, #tpu.memory_space<vmem>>, vector<16xf32>,
        %parallel_loop3A_1756 = arith.mulf %parallel_loop3A_1704, %parallel_loop3A_1755 : vector<16xf32>
        %parallel_loop3A_1757 = arith.addf %parallel_loop3A_1750, %parallel_loop3A_1756 : vector<16xf32>
        %parallel_loop3A_1758 = arith.constant 1 : i32
        %parallel_loop3A_1759 = arith.index_cast %parallel_loop3A_1758 : i32 to index
        %parallel_loop3A_1760 = arith.index_cast %parallel_loop3A_1693 : i32 to index
        %parallel_loop3A_1761 = arith.constant 16 : index
        %parallel_loop3A_1762 = tpu.vector_load %arg16[%parallel_loop3A_1759, %parallel_loop3A_1760, %parallel_loop3A_1761] {strides = array<i32>} : memref<2x64x128xf32, #tpu.memory_space<vmem>>, vector<16xf32>,
        %parallel_loop3A_1763 = arith.mulf %parallel_loop3A_1708, %parallel_loop3A_1762 : vector<16xf32>
        %parallel_loop3A_1764 = arith.addf %parallel_loop3A_1757, %parallel_loop3A_1763 : vector<16xf32>
        %parallel_loop3A_1765 = arith.constant 1 : i32
        %parallel_loop3A_1766 = arith.index_cast %parallel_loop3A_1765 : i32 to index
        %parallel_loop3A_1767 = arith.index_cast %parallel_loop3A_1693 : i32 to index
        %parallel_loop3A_1768 = arith.constant 16 : index
        %parallel_loop3A_1769 = tpu.vector_load %arg17[%parallel_loop3A_1766, %parallel_loop3A_1767, %parallel_loop3A_1768] {strides = array<i32>} : memref<2x64x128xf32, #tpu.memory_space<vmem>>, vector<16xf32>,
        %parallel_loop3A_1770 = arith.mulf %parallel_loop3A_1712, %parallel_loop3A_1769 : vector<16xf32>
        %parallel_loop3A_1771 = arith.addf %parallel_loop3A_1764, %parallel_loop3A_1770 : vector<16xf32>
        %parallel_loop3A_1772 = arith.constant 1 : i32
        %parallel_loop3A_1773 = arith.index_cast %parallel_loop3A_1772 : i32 to index
        %parallel_loop3A_1774 = arith.index_cast %parallel_loop3A_1693 : i32 to index
        %parallel_loop3A_1775 = arith.constant 16 : index
        %parallel_loop3A_1776 = tpu.vector_load %arg18[%parallel_loop3A_1773, %parallel_loop3A_1774, %parallel_loop3A_1775] {strides = array<i32>} : memref<2x64x128xf32, #tpu.memory_space<vmem>>, vector<16xf32>,
        tpu.vector_store %arg18[%parallel_loop3A_1773, %parallel_loop3A_1774, %parallel_loop3A_1775], %parallel_loop3A_1771 {strides = array<i32>} : memref<2x64x128xf32, #tpu.memory_space<vmem>>, vector<16xf32>,
        %parallel_loop3A_1777 = arith.constant 1 : i32
        %parallel_loop3A_1778 = arith.index_cast %parallel_loop3A_1777 : i32 to index
        %parallel_loop3A_1779 = arith.index_cast %parallel_loop3A_1693 : i32 to index
        %parallel_loop3A_1780 = arith.constant 32 : index
        %parallel_loop3A_1781 = tpu.vector_load %arg14[%parallel_loop3A_1778, %parallel_loop3A_1779, %parallel_loop3A_1780] {strides = array<i32>} : memref<2x64x128xf32, #tpu.memory_space<vmem>>, vector<16xf32>,
        %parallel_loop3A_1782 = arith.mulf %parallel_loop3A_1700, %parallel_loop3A_1781 : vector<16xf32>
        %parallel_loop3A_1783 = arith.constant 1 : i32
        %parallel_loop3A_1784 = arith.index_cast %parallel_loop3A_1783 : i32 to index
        %parallel_loop3A_1785 = arith.index_cast %parallel_loop3A_1693 : i32 to index
        %parallel_loop3A_1786 = arith.constant 32 : index
        %parallel_loop3A_1787 = tpu.vector_load %arg15[%parallel_loop3A_1784, %parallel_loop3A_1785, %parallel_loop3A_1786] {strides = array<i32>} : memref<2x64x128xf32, #tpu.memory_space<vmem>>, vector<16xf32>,
        %parallel_loop3A_1788 = arith.mulf %parallel_loop3A_1704, %parallel_loop3A_1787 : vector<16xf32>
        %parallel_loop3A_1789 = arith.addf %parallel_loop3A_1782, %parallel_loop3A_1788 : vector<16xf32>
        %parallel_loop3A_1790 = arith.constant 1 : i32
        %parallel_loop3A_1791 = arith.index_cast %parallel_loop3A_1790 : i32 to index
        %parallel_loop3A_1792 = arith.index_cast %parallel_loop3A_1693 : i32 to index
        %parallel_loop3A_1793 = arith.constant 32 : index
        %parallel_loop3A_1794 = tpu.vector_load %arg16[%parallel_loop3A_1791, %parallel_loop3A_1792, %parallel_loop3A_1793] {strides = array<i32>} : memref<2x64x128xf32, #tpu.memory_space<vmem>>, vector<16xf32>,
        %parallel_loop3A_1795 = arith.mulf %parallel_loop3A_1708, %parallel_loop3A_1794 : vector<16xf32>
        %parallel_loop3A_1796 = arith.addf %parallel_loop3A_1789, %parallel_loop3A_1795 : vector<16xf32>
        %parallel_loop3A_1797 = arith.constant 1 : i32
        %parallel_loop3A_1798 = arith.index_cast %parallel_loop3A_1797 : i32 to index
        %parallel_loop3A_1799 = arith.index_cast %parallel_loop3A_1693 : i32 to index
        %parallel_loop3A_1800 = arith.constant 32 : index
        %parallel_loop3A_1801 = tpu.vector_load %arg17[%parallel_loop3A_1798, %parallel_loop3A_1799, %parallel_loop3A_1800] {strides = array<i32>} : memref<2x64x128xf32, #tpu.memory_space<vmem>>, vector<16xf32>,
        %parallel_loop3A_1802 = arith.mulf %parallel_loop3A_1712, %parallel_loop3A_1801 : vector<16xf32>
        %parallel_loop3A_1803 = arith.addf %parallel_loop3A_1796, %parallel_loop3A_1802 : vector<16xf32>
        %parallel_loop3A_1804 = arith.constant 1 : i32
        %parallel_loop3A_1805 = arith.index_cast %parallel_loop3A_1804 : i32 to index
        %parallel_loop3A_1806 = arith.index_cast %parallel_loop3A_1693 : i32 to index
        %parallel_loop3A_1807 = arith.constant 32 : index
        %parallel_loop3A_1808 = tpu.vector_load %arg18[%parallel_loop3A_1805, %parallel_loop3A_1806, %parallel_loop3A_1807] {strides = array<i32>} : memref<2x64x128xf32, #tpu.memory_space<vmem>>, vector<16xf32>,
        tpu.vector_store %arg18[%parallel_loop3A_1805, %parallel_loop3A_1806, %parallel_loop3A_1807], %parallel_loop3A_1803 {strides = array<i32>} : memref<2x64x128xf32, #tpu.memory_space<vmem>>, vector<16xf32>,
        %parallel_loop3A_1809 = arith.constant 1 : i32
        %parallel_loop3A_1810 = arith.index_cast %parallel_loop3A_1809 : i32 to index
        %parallel_loop3A_1811 = arith.index_cast %parallel_loop3A_1693 : i32 to index
        %parallel_loop3A_1812 = arith.constant 48 : index
        %parallel_loop3A_1813 = tpu.vector_load %arg14[%parallel_loop3A_1810, %parallel_loop3A_1811, %parallel_loop3A_1812] {strides = array<i32>} : memref<2x64x128xf32, #tpu.memory_space<vmem>>, vector<16xf32>,
        %parallel_loop3A_1814 = arith.mulf %parallel_loop3A_1700, %parallel_loop3A_1813 : vector<16xf32>
        %parallel_loop3A_1815 = arith.constant 1 : i32
        %parallel_loop3A_1816 = arith.index_cast %parallel_loop3A_1815 : i32 to index
        %parallel_loop3A_1817 = arith.index_cast %parallel_loop3A_1693 : i32 to index
        %parallel_loop3A_1818 = arith.constant 48 : index
        %parallel_loop3A_1819 = tpu.vector_load %arg15[%parallel_loop3A_1816, %parallel_loop3A_1817, %parallel_loop3A_1818] {strides = array<i32>} : memref<2x64x128xf32, #tpu.memory_space<vmem>>, vector<16xf32>,
        %parallel_loop3A_1820 = arith.mulf %parallel_loop3A_1704, %parallel_loop3A_1819 : vector<16xf32>
        %parallel_loop3A_1821 = arith.addf %parallel_loop3A_1814, %parallel_loop3A_1820 : vector<16xf32>
        %parallel_loop3A_1822 = arith.constant 1 : i32
        %parallel_loop3A_1823 = arith.index_cast %parallel_loop3A_1822 : i32 to index
        %parallel_loop3A_1824 = arith.index_cast %parallel_loop3A_1693 : i32 to index
        %parallel_loop3A_1825 = arith.constant 48 : index
        %parallel_loop3A_1826 = tpu.vector_load %arg16[%parallel_loop3A_1823, %parallel_loop3A_1824, %parallel_loop3A_1825] {strides = array<i32>} : memref<2x64x128xf32, #tpu.memory_space<vmem>>, vector<16xf32>,
        %parallel_loop3A_1827 = arith.mulf %parallel_loop3A_1708, %parallel_loop3A_1826 : vector<16xf32>
        %parallel_loop3A_1828 = arith.addf %parallel_loop3A_1821, %parallel_loop3A_1827 : vector<16xf32>
        %parallel_loop3A_1829 = arith.constant 1 : i32
        %parallel_loop3A_1830 = arith.index_cast %parallel_loop3A_1829 : i32 to index
        %parallel_loop3A_1831 = arith.index_cast %parallel_loop3A_1693 : i32 to index
        %parallel_loop3A_1832 = arith.constant 48 : index
        %parallel_loop3A_1833 = tpu.vector_load %arg17[%parallel_loop3A_1830, %parallel_loop3A_1831, %parallel_loop3A_1832] {strides = array<i32>} : memref<2x64x128xf32, #tpu.memory_space<vmem>>, vector<16xf32>,
        %parallel_loop3A_1834 = arith.mulf %parallel_loop3A_1712, %parallel_loop3A_1833 : vector<16xf32>
        %parallel_loop3A_1835 = arith.addf %parallel_loop3A_1828, %parallel_loop3A_1834 : vector<16xf32>
        %parallel_loop3A_1836 = arith.constant 1 : i32
        %parallel_loop3A_1837 = arith.index_cast %parallel_loop3A_1836 : i32 to index
        %parallel_loop3A_1838 = arith.index_cast %parallel_loop3A_1693 : i32 to index
        %parallel_loop3A_1839 = arith.constant 48 : index
        %parallel_loop3A_1840 = tpu.vector_load %arg18[%parallel_loop3A_1837, %parallel_loop3A_1838, %parallel_loop3A_1839] {strides = array<i32>} : memref<2x64x128xf32, #tpu.memory_space<vmem>>, vector<16xf32>,
        tpu.vector_store %arg18[%parallel_loop3A_1837, %parallel_loop3A_1838, %parallel_loop3A_1839], %parallel_loop3A_1835 {strides = array<i32>} : memref<2x64x128xf32, #tpu.memory_space<vmem>>, vector<16xf32>,
        %parallel_loop3A_1841 = arith.constant 1 : i32
        %parallel_loop3A_1842 = arith.index_cast %parallel_loop3A_1841 : i32 to index
        %parallel_loop3A_1843 = arith.index_cast %parallel_loop3A_1693 : i32 to index
        %parallel_loop3A_1844 = arith.constant 64 : index
        %parallel_loop3A_1845 = tpu.vector_load %arg14[%parallel_loop3A_1842, %parallel_loop3A_1843, %parallel_loop3A_1844] {strides = array<i32>} : memref<2x64x128xf32, #tpu.memory_space<vmem>>, vector<16xf32>,
        %parallel_loop3A_1846 = arith.mulf %parallel_loop3A_1700, %parallel_loop3A_1845 : vector<16xf32>
        %parallel_loop3A_1847 = arith.constant 1 : i32
        %parallel_loop3A_1848 = arith.index_cast %parallel_loop3A_1847 : i32 to index
        %parallel_loop3A_1849 = arith.index_cast %parallel_loop3A_1693 : i32 to index
        %parallel_loop3A_1850 = arith.constant 64 : index
        %parallel_loop3A_1851 = tpu.vector_load %arg15[%parallel_loop3A_1848, %parallel_loop3A_1849, %parallel_loop3A_1850] {strides = array<i32>} : memref<2x64x128xf32, #tpu.memory_space<vmem>>, vector<16xf32>,
        %parallel_loop3A_1852 = arith.mulf %parallel_loop3A_1704, %parallel_loop3A_1851 : vector<16xf32>
        %parallel_loop3A_1853 = arith.addf %parallel_loop3A_1846, %parallel_loop3A_1852 : vector<16xf32>
        %parallel_loop3A_1854 = arith.constant 1 : i32
        %parallel_loop3A_1855 = arith.index_cast %parallel_loop3A_1854 : i32 to index
        %parallel_loop3A_1856 = arith.index_cast %parallel_loop3A_1693 : i32 to index
        %parallel_loop3A_1857 = arith.constant 64 : index
        %parallel_loop3A_1858 = tpu.vector_load %arg16[%parallel_loop3A_1855, %parallel_loop3A_1856, %parallel_loop3A_1857] {strides = array<i32>} : memref<2x64x128xf32, #tpu.memory_space<vmem>>, vector<16xf32>,
        %parallel_loop3A_1859 = arith.mulf %parallel_loop3A_1708, %parallel_loop3A_1858 : vector<16xf32>
        %parallel_loop3A_1860 = arith.addf %parallel_loop3A_1853, %parallel_loop3A_1859 : vector<16xf32>
        %parallel_loop3A_1861 = arith.constant 1 : i32
        %parallel_loop3A_1862 = arith.index_cast %parallel_loop3A_1861 : i32 to index
        %parallel_loop3A_1863 = arith.index_cast %parallel_loop3A_1693 : i32 to index
        %parallel_loop3A_1864 = arith.constant 64 : index
        %parallel_loop3A_1865 = tpu.vector_load %arg17[%parallel_loop3A_1862, %parallel_loop3A_1863, %parallel_loop3A_1864] {strides = array<i32>} : memref<2x64x128xf32, #tpu.memory_space<vmem>>, vector<16xf32>,
        %parallel_loop3A_1866 = arith.mulf %parallel_loop3A_1712, %parallel_loop3A_1865 : vector<16xf32>
        %parallel_loop3A_1867 = arith.addf %parallel_loop3A_1860, %parallel_loop3A_1866 : vector<16xf32>
        %parallel_loop3A_1868 = arith.constant 1 : i32
        %parallel_loop3A_1869 = arith.index_cast %parallel_loop3A_1868 : i32 to index
        %parallel_loop3A_1870 = arith.index_cast %parallel_loop3A_1693 : i32 to index
        %parallel_loop3A_1871 = arith.constant 64 : index
        %parallel_loop3A_1872 = tpu.vector_load %arg18[%parallel_loop3A_1869, %parallel_loop3A_1870, %parallel_loop3A_1871] {strides = array<i32>} : memref<2x64x128xf32, #tpu.memory_space<vmem>>, vector<16xf32>,
        tpu.vector_store %arg18[%parallel_loop3A_1869, %parallel_loop3A_1870, %parallel_loop3A_1871], %parallel_loop3A_1867 {strides = array<i32>} : memref<2x64x128xf32, #tpu.memory_space<vmem>>, vector<16xf32>,
        %parallel_loop3A_1873 = arith.constant 1 : i32
        %parallel_loop3A_1874 = arith.index_cast %parallel_loop3A_1873 : i32 to index
        %parallel_loop3A_1875 = arith.index_cast %parallel_loop3A_1693 : i32 to index
        %parallel_loop3A_1876 = arith.constant 80 : index
        %parallel_loop3A_1877 = tpu.vector_load %arg14[%parallel_loop3A_1874, %parallel_loop3A_1875, %parallel_loop3A_1876] {strides = array<i32>} : memref<2x64x128xf32, #tpu.memory_space<vmem>>, vector<16xf32>,
        %parallel_loop3A_1878 = arith.mulf %parallel_loop3A_1700, %parallel_loop3A_1877 : vector<16xf32>
        %parallel_loop3A_1879 = arith.constant 1 : i32
        %parallel_loop3A_1880 = arith.index_cast %parallel_loop3A_1879 : i32 to index
        %parallel_loop3A_1881 = arith.index_cast %parallel_loop3A_1693 : i32 to index
        %parallel_loop3A_1882 = arith.constant 80 : index
        %parallel_loop3A_1883 = tpu.vector_load %arg15[%parallel_loop3A_1880, %parallel_loop3A_1881, %parallel_loop3A_1882] {strides = array<i32>} : memref<2x64x128xf32, #tpu.memory_space<vmem>>, vector<16xf32>,
        %parallel_loop3A_1884 = arith.mulf %parallel_loop3A_1704, %parallel_loop3A_1883 : vector<16xf32>
        %parallel_loop3A_1885 = arith.addf %parallel_loop3A_1878, %parallel_loop3A_1884 : vector<16xf32>
        %parallel_loop3A_1886 = arith.constant 1 : i32
        %parallel_loop3A_1887 = arith.index_cast %parallel_loop3A_1886 : i32 to index
        %parallel_loop3A_1888 = arith.index_cast %parallel_loop3A_1693 : i32 to index
        %parallel_loop3A_1889 = arith.constant 80 : index
        %parallel_loop3A_1890 = tpu.vector_load %arg16[%parallel_loop3A_1887, %parallel_loop3A_1888, %parallel_loop3A_1889] {strides = array<i32>} : memref<2x64x128xf32, #tpu.memory_space<vmem>>, vector<16xf32>,
        %parallel_loop3A_1891 = arith.mulf %parallel_loop3A_1708, %parallel_loop3A_1890 : vector<16xf32>
        %parallel_loop3A_1892 = arith.addf %parallel_loop3A_1885, %parallel_loop3A_1891 : vector<16xf32>
        %parallel_loop3A_1893 = arith.constant 1 : i32
        %parallel_loop3A_1894 = arith.index_cast %parallel_loop3A_1893 : i32 to index
        %parallel_loop3A_1895 = arith.index_cast %parallel_loop3A_1693 : i32 to index
        %parallel_loop3A_1896 = arith.constant 80 : index
        %parallel_loop3A_1897 = tpu.vector_load %arg17[%parallel_loop3A_1894, %parallel_loop3A_1895, %parallel_loop3A_1896] {strides = array<i32>} : memref<2x64x128xf32, #tpu.memory_space<vmem>>, vector<16xf32>,
        %parallel_loop3A_1898 = arith.mulf %parallel_loop3A_1712, %parallel_loop3A_1897 : vector<16xf32>
        %parallel_loop3A_1899 = arith.addf %parallel_loop3A_1892, %parallel_loop3A_1898 : vector<16xf32>
        %parallel_loop3A_1900 = arith.constant 1 : i32
        %parallel_loop3A_1901 = arith.index_cast %parallel_loop3A_1900 : i32 to index
        %parallel_loop3A_1902 = arith.index_cast %parallel_loop3A_1693 : i32 to index
        %parallel_loop3A_1903 = arith.constant 80 : index
        %parallel_loop3A_1904 = tpu.vector_load %arg18[%parallel_loop3A_1901, %parallel_loop3A_1902, %parallel_loop3A_1903] {strides = array<i32>} : memref<2x64x128xf32, #tpu.memory_space<vmem>>, vector<16xf32>,
        tpu.vector_store %arg18[%parallel_loop3A_1901, %parallel_loop3A_1902, %parallel_loop3A_1903], %parallel_loop3A_1899 {strides = array<i32>} : memref<2x64x128xf32, #tpu.memory_space<vmem>>, vector<16xf32>,
      } {sc.loop_unroll_factor = 2 : i64, sc.parallel_access}
      %mul3A_1677 = arith.constant 64 : i32
      %mul3A_1678 = arith.muli %add3A_812, %mul3A_1677 : i32
      %add3A_1679 = arith.addi %mul3A_2, %mul3A_1678 : i32
      %dma_start3A_1680 = arith.constant 1 : i32
      %dma_start3A_1681 = arith.constant 0 : i32
      %dma_start3A_1682 = arith.constant 0 : i32
      %dma_start3A_1683 = tpu.memref_slice %arg18[%dma_start3A_1680, %dma_start3A_1681, %dma_start3A_1682] : memref<2x64x128xf32, #tpu.memory_space<vmem>> -> memref<1x64x128xf32, #tpu.memory_space<vmem>>
      %dma_start3A_1684 = tpu.memref_squeeze %dma_start3A_1683 : memref<1x64x128xf32, #tpu.memory_space<vmem>> -> memref<64x128xf32, #tpu.memory_space<vmem>>
      %dma_start3A_1685 = arith.constant 0 : i32
      %dma_start3A_1686 = tpu.memref_slice %arg4[%add3A_1679, %dma_start3A_1685] : memref<294912x128xf32, #tpu.memory_space<hbm>> -> memref<64x128xf32, #tpu.memory_space<hbm>>
      %dma_start3A_1687 = arith.constant 0 : i32
      %dma_start3A_1688 = tpu.memref_slice %arg4[%add3A_1679, %dma_start3A_1687] : memref<294912x128xf32, #tpu.memory_space<hbm>> -> memref<64x128xf32, #tpu.memory_space<hbm>>
      %dma_start3A_1689 = arith.constant 0 : i32
      %dma_start3A_1690 = arith.constant 0 : i32
      %dma_start3A_1691 = tpu.memref_slice %arg18[%dma_start3A_1680, %dma_start3A_1689, %dma_start3A_1690] : memref<2x64x128xf32, #tpu.memory_space<vmem>> -> memref<1x64x128xf32, #tpu.memory_space<vmem>>
      %dma_start3A_1692 = tpu.memref_squeeze %dma_start3A_1691 : memref<1x64x128xf32, #tpu.memory_space<vmem>> -> memref<64x128xf32, #tpu.memory_space<vmem>>
      tpu.enqueue_dma source(%dma_start3A_1692 : memref<64x128xf32, #tpu.memory_space<vmem>>) target(%dma_start3A_1688 : memref<64x128xf32, #tpu.memory_space<hbm>>) target_semaphore(%arg22 : memref<!tpu.dma_semaphore, #tpu.memory_space<semaphore_mem>>)
    }
    %scan3A_778 = arith.constant 72 : i32
    %add3A_779 = arith.constant 9088 : i32
    %add3A_780 = arith.addi %mul3A_2, %add3A_779 : i32
    %dma_wait3A = arith.constant 0 : i32
    %dma_wait3A_781 = arith.constant 0 : i32
    %dma_wait3A_782 = arith.constant 0 : i32
    %dma_wait3A_783 = tpu.memref_slice %arg18[%dma_wait3A, %dma_wait3A_781, %dma_wait3A_782] : memref<2x64x128xf32, #tpu.memory_space<vmem>> -> memref<1x64x128xf32, #tpu.memory_space<vmem>>
    %dma_wait3A_784 = tpu.memref_squeeze %dma_wait3A_783 : memref<1x64x128xf32, #tpu.memory_space<vmem>> -> memref<64x128xf32, #tpu.memory_space<vmem>>
    %dma_wait3A_785 = arith.constant 0 : i32
    %dma_wait3A_786 = tpu.memref_slice %arg4[%add3A_780, %dma_wait3A_785] : memref<294912x128xf32, #tpu.memory_space<hbm>> -> memref<64x128xf32, #tpu.memory_space<hbm>>
    %dma_wait3A_787 = arith.constant 0 : i32
    %dma_wait3A_788 = tpu.memref_slice %arg4[%add3A_780, %dma_wait3A_787] : memref<294912x128xf32, #tpu.memory_space<hbm>> -> memref<64x128xf32, #tpu.memory_space<hbm>>
    %dma_wait3A_789 = arith.constant 0 : i32
    %dma_wait3A_790 = arith.constant 0 : i32
    %dma_wait3A_791 = tpu.memref_slice %arg18[%dma_wait3A, %dma_wait3A_789, %dma_wait3A_790] : memref<2x64x128xf32, #tpu.memory_space<vmem>> -> memref<1x64x128xf32, #tpu.memory_space<vmem>>
    %dma_wait3A_792 = tpu.memref_squeeze %dma_wait3A_791 : memref<1x64x128xf32, #tpu.memory_space<vmem>> -> memref<64x128xf32, #tpu.memory_space<vmem>>
    tpu.wait_dma2 semaphore(%arg21 : memref<!tpu.dma_semaphore, #tpu.memory_space<semaphore_mem>>) src(%dma_wait3A_792 : memref<64x128xf32, #tpu.memory_space<vmem>>) dst(%dma_wait3A_788 : memref<64x128xf32, #tpu.memory_space<hbm>>)
    %add3A_793 = arith.constant 9152 : i32
    %add3A_794 = arith.addi %mul3A_2, %add3A_793 : i32
    %dma_wait3A_795 = arith.constant 1 : i32
    %dma_wait3A_796 = arith.constant 0 : i32
    %dma_wait3A_797 = arith.constant 0 : i32
    %dma_wait3A_798 = tpu.memref_slice %arg18[%dma_wait3A_795, %dma_wait3A_796, %dma_wait3A_797] : memref<2x64x128xf32, #tpu.memory_space<vmem>> -> memref<1x64x128xf32, #tpu.memory_space<vmem>>
    %dma_wait3A_799 = tpu.memref_squeeze %dma_wait3A_798 : memref<1x64x128xf32, #tpu.memory_space<vmem>> -> memref<64x128xf32, #tpu.memory_space<vmem>>
    %dma_wait3A_800 = arith.constant 0 : i32
    %dma_wait3A_801 = tpu.memref_slice %arg4[%add3A_794, %dma_wait3A_800] : memref<294912x128xf32, #tpu.memory_space<hbm>> -> memref<64x128xf32, #tpu.memory_space<hbm>>
    %dma_wait3A_802 = arith.constant 0 : i32
    %dma_wait3A_803 = tpu.memref_slice %arg4[%add3A_794, %dma_wait3A_802] : memref<294912x128xf32, #tpu.memory_space<hbm>> -> memref<64x128xf32, #tpu.memory_space<hbm>>
    %dma_wait3A_804 = arith.constant 0 : i32
    %dma_wait3A_805 = arith.constant 0 : i32
    %dma_wait3A_806 = tpu.memref_slice %arg18[%dma_wait3A_795, %dma_wait3A_804, %dma_wait3A_805] : memref<2x64x128xf32, #tpu.memory_space<vmem>> -> memref<1x64x128xf32, #tpu.memory_space<vmem>>
    %dma_wait3A_807 = tpu.memref_squeeze %dma_wait3A_806 : memref<1x64x128xf32, #tpu.memory_space<vmem>> -> memref<64x128xf32, #tpu.memory_space<vmem>>
    tpu.wait_dma2 semaphore(%arg22 : memref<!tpu.dma_semaphore, #tpu.memory_space<semaphore_mem>>) src(%dma_wait3A_807 : memref<64x128xf32, #tpu.memory_space<vmem>>) dst(%dma_wait3A_803 : memref<64x128xf32, #tpu.memory_space<hbm>>)
    return
  }
}

</mosaic_0001>

<sc_bundles>
// kernel: kernel.3.cloned.1.call-start
scs
__scs_entry_jumppad:
0x0: {  	(pc) =	sbr.rel $0x88, $3  }
0x1: {  	(tag) =	ssettag $0x0;
	lr =	simm.s32 $0x1  }
0x2: {  	[smem:$0x3F9F] =	sst lr;
	_ =	strace $0xD0000000  }
0x3: {  	_ = 	snop  }
0x4: {  	_ = 	snop  }
0x5: {  	_ = 	snop  }
0x6: {  	_ = 	snop  }
0x7: {  	_ = 	snop  }
__scs_overlays_trampoline_lowered:
0x8: {  	[smem:$0x3FAE] =	sst s0  }
0x9: {  	[smem:$0x3FAF] =	sst s1  }
0xa: {  	[smem:$0x3FB0] =	sst s2  }
0xb: {  	[smem:$0x3FB1] =	sst s3  }
0xc: {  	[smem:$0x3FB2] =	sst s4  }
0xd: {  	[smem:$0x3FB3] =	sst s5  }
0xe: {  	[smem:$0x3FB4] =	sst s6  }
0xf: {  	[smem:$0x3FB5] =	sst s7  }
0x10: {  	[smem:$0x3FB6] =	sst s8  }
0x11: {  	[smem:$0x3FB7] =	sst s9;
	s0 =	simm.s32 @!p0 $0x0  }
0x12: {  	s1 =	sld [smem:$0x3F9D];
	s0 =	simm.s32 @p0 $0x1  }
0x13: {  	[smem:$0x3FB8] =	sst s0;
	s0 =	simm.s32 @!p1 $0x0  }
0x14: {  	s2 =	sld [smem:$0x3F9C];
	s0 =	simm.s32 @p1 $0x1  }
0x15: {  	[smem:$0x3FB9] =	sst s0;
	s0 =	simm.s32 @!p2 $0x0  }
0x16: {  	s3 =	sld [smem:$0x3FDB];
	s0 =	simm.s32 @p2 $0x1  }
0x17: {  	s4 =	simm.s32 $0x1BF5;
	[smem:$0x3FBB] =	sst s0  }
0x18: {  	s0 =	sld [smem:$0x3F9E];
	_ =	swait.ge [sflag:s4], $0x0  }
0x19: {  	s7 =	sld [smem:$0x3F9F]  }
0x1a: {  	s8 =	sadd.s32 $0xFFFFE003, lr  }
0x1b: {  	s9 =	sadd.s32 $0xFFFFFEF7, lr;
	s5 =	simm.s32 $0xFFFFFFFF;
	p2 =	slt.u32 s8, $0xFFFFF086  }
0x1c: {  	p1 =	slt.u32 s9, $0xF7A;
	s5 =	simm.s32 @!p2 $0x0  }
0x1d: {  	s5 =	simm.s32 @p1 $0x1;
	p0 =	seq.s32 s7, s2  }
0x1e: {  	s7 =	smul.u32 @!p0 $0xF7A, s2;
	p2 =	seq.s32 @!p0 s5, $0x0  }
0x1f: {  	s9 =	smul.u32 $0xF7A, s1;
	s8 =	simm.s32 @!p0 $0x1BF5;
	p2 =	por !p2, p0  }
0x20: {  	[sflag:s8] =	ssyncset.s32 @!p0 $0xFFFFF086;
	s6 =	sadd.s32 @!p0 s3, s7;
	s7 =	simm.s32 @!p0 $0x108  }
0x21: {  	s3 =	sadd.s32 s3, s9;
	s6 =	sadd.s32 @!p0 $0x88, s6;
	s7 =	simm.s32 @p2 $0x1082  }
0x22: {  	[simem:s7], [sflag:s8] =	dma.local @!p0 [hbm:s6], $0xF7A  }
0x23: {  	s9 =	sor.u32 $0xD0000000, s2;
	s6 =	simm.s32 $0x108;
	_ =	swait.ge @!p0 [sflag:s8], $0x0  }
0x24: {  	s3 =	sadd.s32 $0x88, s3;
	s6 =	simm.s32 @!p1 $0x1082;
	[sflag:s4] =	ssyncset.s32 $0xFFFFF086  }
0x25: {  	[simem:s6], [sflag:s4] =	dma.local [hbm:s3], $0xF7A  }
0x26: {  	[smem:$0x3F9F] =	sst s1;
	(tag) =	ssettag s2;
	_ =	strace s9  }
0x27: {  	s1 =	sld [smem:$0x3FAF]  }
0x28: {  	s2 =	sld [smem:$0x3FB0]  }
0x29: {  	s4 =	sld [smem:$0x3FB2]  }
0x2a: {  	p0 =	seq.s32 s5, $0x0;
	s5 =	sld [smem:$0x3FB3]  }
0x2b: {  	s6 =	sld [smem:$0x3FB4]  }
0x2c: {  	s7 =	sld [smem:$0x3FB5]  }
0x2d: {  	s3 =	simm.s32 $0x108;
	s8 =	sld [smem:$0x3FB6]  }
0x2e: {  	s3 =	simm.s32 @!p0 $0x1082;
	s9 =	sld [smem:$0x3FB7]  }
0x2f: {  	lr =	sadd.s32 s0, s3;
	s0 =	sld [smem:$0x3FAE]  }
0x30: {  	s3 =	sld [smem:$0x3FB1]  }
0x31: {  	[smem:$0x3FBA] =	sst s10  }
0x32: {  	s10 =	sld [smem:$0x3FB8];
	_ =	sdelay $0x3  }
0x33: {  	p0 =	seq.s32 s10, $0x1;
	s10 =	sld [smem:$0x3FBA];
	_ =	sdelay $0x3  }
0x34: {  	[smem:$0x3FBA] =	sst s10  }
0x35: {  	s10 =	sld [smem:$0x3FB9];
	_ =	sdelay $0x3  }
0x36: {  	p1 =	seq.s32 s10, $0x1;
	s10 =	sld [smem:$0x3FBA];
	_ =	sdelay $0x3  }
0x37: {  	[smem:$0x3FBA] =	sst s10  }
0x38: {  	s10 =	sld [smem:$0x3FBB]  }
0x39: {  	_ = 	snop;
	(pc) =	sbr.ind lr, $3  }
0x3a: {  	_ = 	snop  }
0x3b: {  	_ = 	snop  }
0x3c: {  	p2 =	seq.s32 s10, $0x1;
	s10 =	sld [smem:$0x3FBA]  }
0x3d: {  	_ =	shalt  }
0x3e: {  	_ =	shalt  }
0x3f: {  	_ =	shalt  }
0x40: {  	_ =	shalt  }
0x41: {  	_ =	shalt  }
0x42: {  	_ =	shalt  }
0x43: {  	_ =	shalt  }
0x44: {  	_ =	shalt  }
0x45: {  	_ =	shalt  }
0x46: {  	_ =	shalt  }
0x47: {  	_ =	shalt  }
0x48: {  	_ =	shalt  }
0x49: {  	_ =	shalt  }
0x4a: {  	_ =	shalt  }
0x4b: {  	_ =	shalt  }
0x4c: {  	_ =	shalt  }
0x4d: {  	_ =	shalt  }
0x4e: {  	_ =	shalt  }
0x4f: {  	_ =	shalt  }
0x50: {  	_ =	shalt  }
0x51: {  	_ =	shalt  }
0x52: {  	_ =	shalt  }
0x53: {  	_ =	shalt  }
0x54: {  	_ =	shalt  }
0x55: {  	_ =	shalt  }
0x56: {  	_ =	shalt  }
0x57: {  	_ =	shalt  }
0x58: {  	_ =	shalt  }
0x59: {  	_ =	shalt  }
0x5a: {  	_ =	shalt  }
0x5b: {  	_ =	shalt  }
0x5c: {  	_ =	shalt  }
0x5d: {  	_ =	shalt  }
0x5e: {  	_ =	shalt  }
0x5f: {  	_ =	shalt  }
0x60: {  	_ =	shalt  }
0x61: {  	_ =	shalt  }
0x62: {  	_ =	shalt  }
0x63: {  	_ =	shalt  }
0x64: {  	_ =	shalt  }
0x65: {  	_ =	shalt  }
0x66: {  	_ =	shalt  }
0x67: {  	_ =	shalt  }
0x68: {  	_ =	shalt  }
0x69: {  	_ =	shalt  }
0x6a: {  	_ =	shalt  }
0x6b: {  	_ =	shalt  }
0x6c: {  	_ =	shalt  }
0x6d: {  	_ =	shalt  }
0x6e: {  	_ =	shalt  }
0x6f: {  	_ =	shalt  }
0x70: {  	_ =	shalt  }
0x71: {  	_ =	shalt  }
0x72: {  	_ =	shalt  }
0x73: {  	_ =	shalt  }
0x74: {  	_ =	shalt  }
0x75: {  	_ =	shalt  }
0x76: {  	_ =	shalt  }
0x77: {  	_ =	shalt  }
0x78: {  	_ =	shalt  }
0x79: {  	_ =	shalt  }
0x7a: {  	_ =	shalt  }
0x7b: {  	_ =	shalt  }
0x7c: {  	_ =	shalt  }
0x7d: {  	_ =	shalt  }
0x7e: {  	_ =	shalt  }
0x7f: {  	_ =	shalt  }
0x80: {  	_ =	shalt  }
0x81: {  	_ =	shalt  }
0x82: {  	_ =	shalt  }
0x83: {  	_ =	shalt  }
0x84: {  	_ =	shalt  }
0x85: {  	_ =	shalt  }
0x86: {  	_ =	shalt  }
0x87: {  	_ =	shalt  }
.Lfunc_end0:
.L_simem_size_0:
called_computation.1_lowered:
.L_overlay_start_0:
0x88: {  	s2 =	sld [smem:$0x3FD9]  }
0x89: {  	s3 =	sld [smem:$0x3FFE];
	_ =	sdelay $0x1  }
0x8a: {  	s1 =	srdreg.scid  }
0x8b: {  	s0 =	sand.u32 $0x1, s1  }
0x8c: {  	s17 =	sshll.u32 s0, $0xA;
	s2 =	sadd.s32 s3, s2  }
0x8d: {  	s2 =	sadd.s32 s2, s17  }
0x8e: {  	[smem:$0x3FC6] =	sst s2  }
0x8f: {  	_ = 	snop  }
0x90: {  	s2 =	sld [smem:$0x3FD0];
	(tm) =	ssettm $0x1  }
0x91: {  	s18 =	sld [smem:$0x3FFB];
	_ =	sdelay $0x3  }
0x92: {  	_ =	strace s18  }
0x93: {  	s3 =	sld [smem:$0x3FFC];
	_ =	sdelay $0x3  }
0x94: {  	_ =	strace s3  }
0x95: {  	s3 =	sld [smem:$0x3FFD];
	_ =	sdelay $0x3  }
0x96: {  	_ =	strace s3  }
0x97: {  	_ =	strace $0x8FFFFFFF  }
0x98: {  	s19 =	sld [smem:$0x3FDB];
	_ =	sdelay $0x1  }
0x99: {  	s4 =	simm.s32 $_scs_section_size  }
0x9a: {  	s5 =	simm.s32 $_size__tile_overlayer_lowered;
	s6 =	simm.s32 $_tile_overlayer_lowered  }
0x9b: {  	s22 =	simm.s32 $0x1BFF;
	s21 =	sshll.u32 s6, $0x1;
	s3 =	sadd.s32 s4, s19  }
0x9c: {  	s7 =	simm.s32 $0x0;
	s20 =	sshll.u32 s5, $0x1;
	s5 =	sadd.s32 s21, s3  }
0x9d: {  	[timem:s7], [sflag:s22] =	dma.local [hbm:s5], s20  }
0x9e: {  	_ =	swait.ge [sflag:s22], s20  }
0x9f: {  	s4 =	ssub.s32 $0x0, s20;
	[sflag:s22] =	ssyncset.done $0x0  }
0xa0: {  	[sflag:s22] =	ssyncadd.s32 s4;
	_ =	sdelay $0x1  }
0xa1: {  	s23 =	simm.s32 $0x1B8B  }
0xa2: {  	_ =	swait.ge [sflag:s23], $0x1  }
0xa3: {  	[sflag:s23] =	ssyncset.done $0x0  }
0xa4: {  	s25 =	simm.s32 $0x1B8E;
	s24 =	sld [smem:$0x3FFE];
	[sflag:s23] =	ssyncadd.s32 $0xFFFFFFFF  }
0xa5: {  	s26 =	simm.s32 $execute0_lowered;
	[smem:$0x3FD2] =	sst s25  }
0xa6: {  	s5 =	sshll.u32 s26, $0x1;
	_ =	strace $0x80000046;
	[dreg:$0x1] =	wrdreg $0xFFFFFFFF  }
0xa7: {  	s28 =	simm.s32 $_size_execute0_lowered;
	s3 =	sadd.s32 s3, s5;
	[dreg:$0x0] =	wrdreg $0x0  }
0xa8: {  	s5 =	sshll.u32 s28, $0x1;
	[dreg:$0x2] =	wrdreg s3  }
0xa9: {  	[dreg:$0x3] =	wrdreg s5  }
0xaa: {  	[dreg:$0x4] =	wrdreg $0xC0  }
0xab: {  	_ =	task [dreg:s7], $0x5FFFF  }
0xac: {  	[dreg:$0x1] =	wrdreg $0xFFFFFFFF  }
0xad: {  	[dreg:$0x0] =	wrdreg $0x60  }
0xae: {  	[dreg:$0x2] =	wrdreg s24  }
0xaf: {  	[dreg:$0x3] =	wrdreg s2  }
0xb0: {  	[dreg:$0x4] =	wrdreg $0x9  }
0xb1: {  	_ =	task.clear_ibuf [dreg:s7], $0x5FFFF;
	_ =	strace $0x90000046  }
0xb2: {  	s29 =	simm.s32 $0x9;
	_ =	strace $0x80000048  }
0xb3: {  	_ =	swait.ge [sflag:s29], $0x1  }
0xb4: {  	[sflag:s29] =	ssyncadd.s32 $0xFFFFFFFF  }
0xb5: {  	_ =	strace $0x90000048  }
0xb6: {  	_ =	sfence  }
0xb7: {  	s30 =	sld [smem:$0x0];
	_ =	sdelay $0x2  }
0xb8: {  	s31 =	sshll.u32 s1, $0xD;
	s1 =	sshrl.u32 s1, $0x2  }
0xb9: {  	s3 =	sand.u32 $0x4000, s31;
	s1 =	sadd.s32 s1, s30  }
0xba: {  	s0 =	sor.u32 s3, s0;
	s1 =	sshll.u32 s1, $0x11  }
0xbb: {  	s0 =	sor.u32 s1, s0  }
0xbc: {  	s0 =	sadd.s32 $0x8F2B, s0  }
0xbd: {  	[sflag:s0] =	ssyncadd.remote.s32 $0x1  }
0xbe: {  	_ =	sfence.sel $0xFFFF  }
0xbf: {  	[dreg:$0x0] =	wrdreg $0xFFFFFFFF;
	(pc) =	sbr.abs _section_cstart, $3  }
0xc0: {  	[dreg:$0x1] =	wrdreg $0xFFFFFFFF  }
0xc1: {  	_ =	task.clear_ibuf [dreg:s7], $0x2FFFF;
	_ =	strace $0x9FFFFFFF  }
0xc2: {  	(tm) =	ssettm $0x7FFFFFFF  }
0xc3: {  	_ =	shalt  }
tec
execute0_lowered:
.L_overlay_start_1:
0x0: {  	(tag) =	ssettag $0x1  }
0x1: {  	s0 =	rddreg [dreg:$0x0]  }
0x2: {  	s1 =	rddreg [dreg:$0x1];
	s2 =	simm.s32 $0x0  }
0x3: {  	s3 =	srdreg.scid;
	s7 =	stileid.u32;
	s9 =	simm.s32 $0x40  }
0x4: {  	s28 =	simm.s32 $0x4C00;
	s29 =	simm.s32 $0x4D00;
	s30 =	simm.s32 $0x4E00  }
0x5: {  	s31 =	simm.s32 $0x4F00;
	s10 =	simm.s32 $0x0;
	[smem:$0x7FF] =	sst s2  }
0x6: {  	s4 =	sand.u32 $0x1, s3;
	s5 =	sshll.u32 s7, $0x1;
	s3 =	sadd.s32 $0x480A00, s0  }
0x7: {  	v0 =	vlaneseq.u32;
	s7 =	sshrl.u32 s7, $0x3;
	s5 =	sor.u32 s4, s5;
	s6 =	ssub.s32 $0x2, s4  }
0x8: {  	v0 =	vmul.u32 $0x2, v0;
	_ =	strace $0x80000047;
	s8 =	smul.u32 $0x900, s5;
	s26 =	sshrl.u32 s6, $0x1  }
0x9: {  	s4 =	sadd.s32 $0xA00, s0;
	s7 =	smul.u32 $0x24000, s7;
	s0 =	ssub.s32 s6, s26  }
0xa: {  	v3 =	vimm.s32 $0x0;
	v2 =	vor.u32 $0x1, v0;
	v4 =	vor.u32 $0x20, v0;
	s6 =	smul.u32 $0x120000, s5;
	s26 =	simm.s32 $0x1;
	s1 =	sadd.s32 s1, s8  }
0xb: {  	v5 =	vor.u32 $0x21, v0;
	v6 =	vor.u32 $0x40, v0;
	v7 =	vor.u32 $0x41, v0;
	s5 =	simm.s32 $0x17000;
	s0 =	smax.u32 s0, $0x1;
	[dreg:$0x3] =	wrdreg s1  }
0xc: {  	v8 =	vor.u32 $0x60, v0;
	v9 =	vor.u32 $0x61, v0;
	v1 =	vmov s7;
	[dreg:$0x4] =	wrdreg s0;
	s0 =	simm.s32 $0x15000;
	s1 =	simm.s32 $0x2  }
.LBB2_1:
0xd: {  	[dreg:$0x5] =	wrdreg s10  }
0xe: {  	s7 =	rddreg [dreg:$0x3];
	s18 =	simm.s32 $0x5  }
0xf: {  	[tilespmem:s2], [sflag:$0x5] =	stream.linear.gather [hbm4b:s7+s2], $0x4800, $0x38;
	[tilespmem:$0x19000] =	vst v63  }
0x10: {  	_ =	swait.ge [sflag:s18], $0x4800  }
0x11: {  	[sflag:s18] =	ssyncset.done $0x0  }
0x12: {  	[sflag:s18] =	ssyncadd.s32 $0xFFFFB800  }
0x13: {  	v10 =	vld.idx.msk [tilespmem:v2+s2+$0x0], $0xffff  }
0x14: {  	v11 =	vld.idx.msk [tilespmem:v0+s2+$0x0], $0xffff;
	_ =	sdelay $0x3  }
0x15: {  	v10 =	vadd.f32 $1.000000000e+00, v10  }
0x16: {  	v11 =	vadd.f32 $1.000000000e+00, v11  }
0x17: {  	v10 =	vmul.f32 $1.920000000e+02, v10  }
0x18: {  	v11 =	vmul.f32 $1.920000000e+02, v11  }
0x19: {  	v10 =	vadd.f32 $-5.000000000e-01, v10  }
0x1a: {  	v11 =	vadd.f32 $-5.000000000e-01, v11  }
0x1b: {  	v12 =	vtrunc.f32 v10  }
0x1c: {  	v29 =	vtrunc.f32 v11;
	v13 =	vcvt.f32.s32 v12  }
0x1d: {  	vm0 =	vlt.f32 v10, v12;
	v15 =	vcvt.f32.s32 v29;
	vm13 =	vlt.f32 v11, v29  }
0x1e: {  	v14 =	vsel vm0, $0xFFFFFFFF, v3;
	v31 =	vsel vm13, $0xFFFFFFFF, v3  }
0x1f: {  	v30 =	vadd.s32 v13, v14;
	v13 =	vadd.s32 v15, v31  }
0x20: {  	v14 =	vcvt.s32.f32 v30;
	v15 =	vcvt.s32.f32 v13  }
0x21: {  	vm14 =	vlt.u32 v30, $0x180;
	v32 =	vadd.s32 $0x1, v30;
	vm15 =	vgt.s32 v30, $0x0  }
0x22: {  	v18 =	vadd.s32 $0x1, v13;
	vm5 =	vgt.s32 v13, $0x0;
	vm7 =	vlt.u32 v13, $0x180  }
0x23: {  	v12 =	vnsel vm15, $0x0, v30;
	vm4 =	vgt.s32 v32, $0x0;
	v20 =	vnsel vm5, $0x0, v13  }
0x24: {  	vm6 =	vgt.s32 v18, $0x0;
	vm8 =	vlt.u32 v18, $0x180;
	vm9 =	vlt.u32 v32, $0x180  }
0x25: {  	v16 =	vadd.f32 $1.000000000e+00, v14;
	v17 =	vadd.f32 $1.000000000e+00, v15;
	v12 =	vmin.u32 v12, $0x17F  }
0x26: {  	v15 =	vsub.f32 v11, v15;
	v19 =	vnsel vm4, $0x0, v32;
	v12 =	vmul.u32 $0x180, v12  }
0x27: {  	v21 =	vnsel vm6, $0x0, v18;
	v34 =	vmin.u32 v20, $0x17F;
	v33 =	vmin.u32 v19, $0x17F  }
0x28: {  	v35 =	vmin.u32 v21, $0x17F;
	v13 =	vmul.u32 $0x180, v33;
	v12 =	vadd.s32 v1, v12  }
0x29: {  	v16 =	vsub.f32 v16, v10;
	v11 =	vsub.f32 v17, v11;
	v36 =	vadd.s32 v34, v12  }
0x2a: {  	v10 =	vsub.f32 v10, v14;
	v13 =	vadd.s32 v1, v13;
	v12 =	vadd.s32 v35, v12;
	[tilespmem:$0x4800] =	vst v36  }
0x2b: {  	v16 =	vnsel vm14, $0x0, v16;
	v11 =	vnsel vm7, $0x0, v11;
	[tilespmem:$0x4900] =	vst v12;
	v38 =	vadd.s32 v34, v13  }
0x2c: {  	v37 =	vnsel vm8, $0x0, v15;
	v39 =	vadd.s32 v35, v13;
	v40 =	vmul.f32 v16, v11;
	[tilespmem:$0x4A00] =	vst v38  }
0x2d: {  	v10 =	vnsel vm9, $0x0, v10;
	v41 =	vmul.f32 v16, v37;
	[tilespmem:$0x4B00] =	vst v39  }
0x2e: {  	v11 =	vmul.f32 v11, v10;
	[tilespmem:$0x4C00] =	vst v40  }
0x2f: {  	v10 =	vmul.f32 v10, v37;
	[tilespmem:$0x4D00] =	vst v41  }
0x30: {  	[tilespmem:$0x4E00] =	vst v11  }
0x31: {  	[tilespmem:$0x4F00] =	vst v10  }
0x32: {  	v10 =	vld.idx.msk [tilespmem:v5+s2+$0x0], $0xffff  }
0x33: {  	v11 =	vld.idx.msk [tilespmem:v4+s2+$0x0], $0xffff;
	_ =	sdelay $0x3  }
0x34: {  	v10 =	vadd.f32 $1.000000000e+00, v10  }
0x35: {  	v11 =	vadd.f32 $1.000000000e+00, v11  }
0x36: {  	v10 =	vmul.f32 $1.920000000e+02, v10  }
0x37: {  	v11 =	vmul.f32 $1.920000000e+02, v11  }
0x38: {  	v10 =	vadd.f32 $-5.000000000e-01, v10  }
0x39: {  	v11 =	vadd.f32 $-5.000000000e-01, v11  }
0x3a: {  	v42 =	vtrunc.f32 v10  }
0x3b: {  	v44 =	vtrunc.f32 v11;
	v43 =	vcvt.f32.s32 v42  }
0x3c: {  	vm10 =	vlt.f32 v10, v42;
	v46 =	vcvt.f32.s32 v44;
	vm11 =	vlt.f32 v11, v44  }
0x3d: {  	v45 =	vsel vm10, $0xFFFFFFFF, v3;
	v48 =	vsel vm11, $0xFFFFFFFF, v3  }
0x3e: {  	v47 =	vadd.s32 v43, v45;
	v13 =	vadd.s32 v46, v48  }
0x3f: {  	v14 =	vcvt.s32.f32 v47;
	v15 =	vcvt.s32.f32 v13  }
0x40: {  	vm12 =	vlt.u32 v47, $0x180;
	v51 =	vadd.s32 $0x1, v47;
	vm13 =	vgt.s32 v47, $0x0  }
0x41: {  	v52 =	vadd.s32 $0x1, v13;
	vm15 =	vgt.s32 v13, $0x0;
	vm5 =	vlt.u32 v13, $0x180  }
0x42: {  	v12 =	vnsel vm13, $0x0, v47;
	vm14 =	vgt.s32 v51, $0x0;
	v54 =	vnsel vm15, $0x0, v13  }
0x43: {  	vm4 =	vgt.s32 v52, $0x0;
	vm6 =	vlt.u32 v52, $0x180;
	vm7 =	vlt.u32 v51, $0x180  }
0x44: {  	v49 =	vadd.f32 $1.000000000e+00, v14;
	v50 =	vadd.f32 $1.000000000e+00, v15;
	v12 =	vmin.u32 v12, $0x17F  }
0x45: {  	v15 =	vsub.f32 v11, v15;
	v53 =	vnsel vm14, $0x0, v51;
	v12 =	vmul.u32 $0x180, v12  }
0x46: {  	v55 =	vnsel vm4, $0x0, v52;
	v57 =	vmin.u32 v54, $0x17F;
	v56 =	vmin.u32 v53, $0x17F  }
0x47: {  	v58 =	vmin.u32 v55, $0x17F;
	v13 =	vmul.u32 $0x180, v56;
	v12 =	vadd.s32 v1, v12  }
0x48: {  	v16 =	vsub.f32 v49, v10;
	v11 =	vsub.f32 v50, v11;
	v59 =	vadd.s32 v57, v12  }
0x49: {  	v10 =	vsub.f32 v10, v14;
	v13 =	vadd.s32 v1, v13;
	v12 =	vadd.s32 v58, v12;
	[tilespmem:$0x4810] =	vst v59  }
0x4a: {  	v16 =	vnsel vm12, $0x0, v16;
	v11 =	vnsel vm5, $0x0, v11;
	[tilespmem:$0x4910] =	vst v12;
	v61 =	vadd.s32 v57, v13  }
0x4b: {  	v60 =	vnsel vm6, $0x0, v15;
	v62 =	vadd.s32 v58, v13;
	v63 =	vmul.f32 v16, v11;
	[tilespmem:$0x4A10] =	vst v61  }
0x4c: {  	v10 =	vnsel vm7, $0x0, v10;
	v17 =	vmul.f32 v16, v60;
	[tilespmem:$0x4B10] =	vst v62  }
0x4d: {  	v11 =	vmul.f32 v11, v10;
	[tilespmem:$0x4C10] =	vst v63  }
0x4e: {  	v10 =	vmul.f32 v10, v60;
	[tilespmem:$0x4D10] =	vst v17  }
0x4f: {  	[tilespmem:$0x4E10] =	vst v11  }
0x50: {  	[tilespmem:$0x4F10] =	vst v10  }
0x51: {  	v10 =	vld.idx.msk [tilespmem:v7+s2+$0x0], $0xffff  }
0x52: {  	v11 =	vld.idx.msk [tilespmem:v6+s2+$0x0], $0xffff;
	_ =	sdelay $0x3  }
0x53: {  	v10 =	vadd.f32 $1.000000000e+00, v10  }
0x54: {  	v11 =	vadd.f32 $1.000000000e+00, v11  }
0x55: {  	v10 =	vmul.f32 $1.920000000e+02, v10  }
0x56: {  	v11 =	vmul.f32 $1.920000000e+02, v11  }
0x57: {  	v10 =	vadd.f32 $-5.000000000e-01, v10  }
0x58: {  	v11 =	vadd.f32 $-5.000000000e-01, v11  }
0x59: {  	v18 =	vtrunc.f32 v10  }
0x5a: {  	v20 =	vtrunc.f32 v11;
	v19 =	vcvt.f32.s32 v18  }
0x5b: {  	vm8 =	vlt.f32 v10, v18;
	v22 =	vcvt.f32.s32 v20;
	vm9 =	vlt.f32 v11, v20  }
0x5c: {  	v21 =	vsel vm8, $0xFFFFFFFF, v3;
	v24 =	vsel vm9, $0xFFFFFFFF, v3  }
0x5d: {  	v23 =	vadd.s32 v19, v21;
	v13 =	vadd.s32 v22, v24  }
0x5e: {  	v14 =	vcvt.s32.f32 v23;
	v15 =	vcvt.s32.f32 v13  }
0x5f: {  	vm10 =	vlt.u32 v23, $0x180;
	v27 =	vadd.s32 $0x1, v23;
	vm11 =	vgt.s32 v23, $0x0  }
0x60: {  	v28 =	vadd.s32 $0x1, v13;
	vm13 =	vgt.s32 v13, $0x0;
	vm15 =	vlt.u32 v13, $0x180  }
0x61: {  	v12 =	vnsel vm11, $0x0, v23;
	vm12 =	vgt.s32 v27, $0x0;
	v30 =	vnsel vm13, $0x0, v13  }
0x62: {  	vm14 =	vgt.s32 v28, $0x0;
	vm4 =	vlt.u32 v28, $0x180;
	vm5 =	vlt.u32 v27, $0x180  }
0x63: {  	v25 =	vadd.f32 $1.000000000e+00, v14;
	v26 =	vadd.f32 $1.000000000e+00, v15;
	v12 =	vmin.u32 v12, $0x17F  }
0x64: {  	v15 =	vsub.f32 v11, v15;
	v29 =	vnsel vm12, $0x0, v27;
	v12 =	vmul.u32 $0x180, v12  }
0x65: {  	v31 =	vnsel vm14, $0x0, v28;
	v33 =	vmin.u32 v30, $0x17F;
	v32 =	vmin.u32 v29, $0x17F  }
0x66: {  	v34 =	vmin.u32 v31, $0x17F;
	v13 =	vmul.u32 $0x180, v32;
	v12 =	vadd.s32 v1, v12  }
0x67: {  	v16 =	vsub.f32 v25, v10;
	v11 =	vsub.f32 v26, v11;
	v35 =	vadd.s32 v33, v12  }
0x68: {  	v10 =	vsub.f32 v10, v14;
	v13 =	vadd.s32 v1, v13;
	v12 =	vadd.s32 v34, v12;
	[tilespmem:$0x4820] =	vst v35  }
0x69: {  	v16 =	vnsel vm10, $0x0, v16;
	v11 =	vnsel vm15, $0x0, v11;
	[tilespmem:$0x4920] =	vst v12;
	v37 =	vadd.s32 v33, v13  }
0x6a: {  	v36 =	vnsel vm4, $0x0, v15;
	v38 =	vadd.s32 v34, v13;
	v39 =	vmul.f32 v16, v11;
	[tilespmem:$0x4A20] =	vst v37  }
0x6b: {  	v10 =	vnsel vm5, $0x0, v10;
	v40 =	vmul.f32 v16, v36;
	[tilespmem:$0x4B20] =	vst v38  }
0x6c: {  	v11 =	vmul.f32 v11, v10;
	[tilespmem:$0x4C20] =	vst v39  }
0x6d: {  	v10 =	vmul.f32 v10, v36;
	[tilespmem:$0x4D20] =	vst v40  }
0x6e: {  	[tilespmem:$0x4E20] =	vst v11  }
0x6f: {  	[tilespmem:$0x4F20] =	vst v10  }
0x70: {  	v10 =	vld.idx.msk [tilespmem:v9+s2+$0x0], $0xffff  }
0x71: {  	v11 =	vld.idx.msk [tilespmem:v8+s2+$0x0], $0xffff;
	_ =	sdelay $0x3  }
0x72: {  	v10 =	vadd.f32 $1.000000000e+00, v10  }
0x73: {  	v11 =	vadd.f32 $1.000000000e+00, v11  }
0x74: {  	v10 =	vmul.f32 $1.920000000e+02, v10  }
0x75: {  	v11 =	vmul.f32 $1.920000000e+02, v11  }
0x76: {  	v10 =	vadd.f32 $-5.000000000e-01, v10  }
0x77: {  	v11 =	vadd.f32 $-5.000000000e-01, v11  }
0x78: {  	v41 =	vtrunc.f32 v10  }
0x79: {  	v43 =	vtrunc.f32 v11;
	v42 =	vcvt.f32.s32 v41  }
0x7a: {  	vm6 =	vlt.f32 v10, v41;
	v45 =	vcvt.f32.s32 v43;
	vm7 =	vlt.f32 v11, v43  }
0x7b: {  	v44 =	vsel vm6, $0xFFFFFFFF, v3;
	v47 =	vsel vm7, $0xFFFFFFFF, v3  }
0x7c: {  	v46 =	vadd.s32 v42, v44;
	v13 =	vadd.s32 v45, v47  }
0x7d: {  	v14 =	vcvt.s32.f32 v46;
	v15 =	vcvt.s32.f32 v13  }
0x7e: {  	vm8 =	vlt.u32 v46, $0x180;
	v50 =	vadd.s32 $0x1, v46;
	vm9 =	vgt.s32 v46, $0x0  }
0x7f: {  	v51 =	vadd.s32 $0x1, v13;
	vm11 =	vgt.s32 v13, $0x0;
	vm13 =	vlt.u32 v13, $0x180  }
0x80: {  	v12 =	vnsel vm9, $0x0, v46;
	vm10 =	vgt.s32 v50, $0x0;
	v53 =	vnsel vm11, $0x0, v13  }
0x81: {  	vm12 =	vgt.s32 v51, $0x0;
	vm14 =	vlt.u32 v51, $0x180;
	vm15 =	vlt.u32 v50, $0x180  }
0x82: {  	v48 =	vadd.f32 $1.000000000e+00, v14;
	v49 =	vadd.f32 $1.000000000e+00, v15;
	v12 =	vmin.u32 v12, $0x17F  }
0x83: {  	v15 =	vsub.f32 v11, v15;
	v52 =	vnsel vm10, $0x0, v50;
	v12 =	vmul.u32 $0x180, v12  }
0x84: {  	v54 =	vnsel vm12, $0x0, v51;
	v56 =	vmin.u32 v53, $0x17F;
	v55 =	vmin.u32 v52, $0x17F  }
0x85: {  	v57 =	vmin.u32 v54, $0x17F;
	v13 =	vmul.u32 $0x180, v55;
	v12 =	vadd.s32 v1, v12  }
0x86: {  	v16 =	vsub.f32 v48, v10;
	v11 =	vsub.f32 v49, v11;
	v58 =	vadd.s32 v56, v12  }
0x87: {  	v10 =	vsub.f32 v10, v14;
	v13 =	vadd.s32 v1, v13;
	v12 =	vadd.s32 v57, v12;
	[tilespmem:$0x4830] =	vst v58  }
0x88: {  	v16 =	vnsel vm8, $0x0, v16;
	v11 =	vnsel vm13, $0x0, v11;
	[tilespmem:$0x4930] =	vst v12;
	v60 =	vadd.s32 v56, v13  }
0x89: {  	v59 =	vnsel vm14, $0x0, v15;
	v61 =	vadd.s32 v57, v13;
	v62 =	vmul.f32 v16, v11;
	[tilespmem:$0x4A30] =	vst v60  }
0x8a: {  	v10 =	vnsel vm15, $0x0, v10;
	v63 =	vmul.f32 v16, v59;
	[tilespmem:$0x4B30] =	vst v61  }
0x8b: {  	v11 =	vmul.f32 v11, v10;
	[tilespmem:$0x4C30] =	vst v62  }
0x8c: {  	v10 =	vmul.f32 v10, v59;
	[tilespmem:$0x4D30] =	vst v63  }
0x8d: {  	[tilespmem:$0x4E30] =	vst v11  }
0x8e: {  	s19 =	simm.s32 $0x4800;
	s8 =	simm.s32 $0x5000;
	[tilespmem:$0x4F30] =	vst v10  }
0x8f: {  	[tilespmem:s8], [sflag:$0x1] =	stream.indirect.gather [hbm4b:s3+s9], $0x80, s19, s9, $0xb8;
	[tilespmem:$0x19000] =	vst v63  }
0x90: {  	s20 =	simm.s32 $0x4900;
	s21 =	simm.s32 $0x9000  }
0x91: {  	[tilespmem:s21], [sflag:$0x1] =	stream.indirect.gather [hbm4b:s3+s9], $0x80, s20, s9, $0xb8;
	[tilespmem:$0x19000] =	vst v63  }
0x92: {  	s22 =	simm.s32 $0x4A00;
	s23 =	simm.s32 $0xD000  }
0x93: {  	[tilespmem:s23], [sflag:$0x1] =	stream.indirect.gather [hbm4b:s3+s9], $0x80, s22, s9, $0xb8;
	[tilespmem:$0x19000] =	vst v63  }
0x94: {  	s24 =	simm.s32 $0x4B00;
	s25 =	simm.s32 $0x11000;
	s8 =	simm.s32 $0x0  }
0x95: {  	[tilespmem:s25], [sflag:$0x1] =	stream.indirect.gather [hbm4b:s3+s9], $0x80, s24, s9, $0xb8;
	[tilespmem:$0x19000] =	vst v63  }
.LBB2_2:
0x96: {  	s7 =	sshllo.u32 s8, $0x1  }
0x97: {  	s10 =	sshll.u32 s7, $0x7  }
0x98: {  	v10 =	vor.u32 s10, v2  }
0x99: {  	v11 =	vor.u32 s10, v0;
	_ =	sdelay $0x3  }
0x9a: {  	v10 =	vld.idx.msk [tilespmem:v10+s2+$0x0], $0xffff  }
0x9b: {  	v11 =	vld.idx.msk [tilespmem:v11+s2+$0x0], $0xffff;
	_ =	sdelay $0x3  }
0x9c: {  	v10 =	vadd.f32 $1.000000000e+00, v10  }
0x9d: {  	v11 =	vadd.f32 $1.000000000e+00, v11  }
0x9e: {  	v10 =	vmul.f32 $1.920000000e+02, v10  }
0x9f: {  	v11 =	vmul.f32 $1.920000000e+02, v11  }
0xa0: {  	v10 =	vadd.f32 $-5.000000000e-01, v10  }
0xa1: {  	v11 =	vadd.f32 $-5.000000000e-01, v11  }
0xa2: {  	v12 =	vtrunc.f32 v10  }
0xa3: {  	v13 =	vcvt.f32.s32 v12;
	vm0 =	vlt.f32 v10, v12;
	v12 =	vtrunc.f32 v11  }
0xa4: {  	v14 =	vsel vm0, $0xFFFFFFFF, v3;
	v15 =	vcvt.f32.s32 v12;
	vm13 =	vlt.f32 v11, v12  }
0xa5: {  	v12 =	vadd.s32 v13, v14;
	v13 =	vsel vm13, $0xFFFFFFFF, v3  }
0xa6: {  	v13 =	vadd.s32 v15, v13  }
0xa7: {  	v14 =	vcvt.s32.f32 v12;
	v15 =	vcvt.s32.f32 v13  }
0xa8: {  	vm14 =	vlt.u32 v12, $0x180;
	vm15 =	vgt.s32 v12, $0x0;
	v18 =	vadd.s32 $0x1, v13  }
0xa9: {  	vm5 =	vgt.s32 v13, $0x0;
	vm7 =	vlt.u32 v13, $0x180;
	v17 =	vadd.f32 $1.000000000e+00, v15  }
0xaa: {  	v16 =	vadd.f32 $1.000000000e+00, v14;
	v20 =	vnsel vm5, $0x0, v13;
	v15 =	vsub.f32 v11, v15  }
0xab: {  	v11 =	vsub.f32 v17, v11;
	v17 =	vadd.s32 $0x1, v12;
	v12 =	vnsel vm15, $0x0, v12  }
0xac: {  	vm6 =	vgt.s32 v18, $0x0;
	vm4 =	vgt.s32 v17, $0x0;
	v12 =	vmin.u32 v12, $0x17F  }
0xad: {  	vm8 =	vlt.u32 v18, $0x180;
	v19 =	vnsel vm4, $0x0, v17;
	v12 =	vmul.u32 $0x180, v12  }
0xae: {  	v21 =	vnsel vm6, $0x0, v18;
	v16 =	vsub.f32 v16, v10;
	v13 =	vmin.u32 v19, $0x17F  }
0xaf: {  	v19 =	vmin.u32 v20, $0x17F;
	v12 =	vadd.s32 v1, v12;
	v13 =	vmul.u32 $0x180, v13  }
0xb0: {  	v10 =	vsub.f32 v10, v14;
	v20 =	vmin.u32 v21, $0x17F;
	v21 =	vadd.s32 v19, v12  }
0xb1: {  	v16 =	vnsel vm14, $0x0, v16;
	v12 =	vadd.s32 v20, v12;
	v13 =	vadd.s32 v1, v13;
	[tilespmem:$0x4880] =	vst v21  }
0xb2: {  	vm9 =	vlt.u32 v17, $0x180;
	v11 =	vnsel vm7, $0x0, v11;
	[tilespmem:$0x4980] =	vst v12;
	v12 =	vadd.s32 v19, v13  }
0xb3: {  	v10 =	vnsel vm9, $0x0, v10;
	[tilespmem:$0x4A80] =	vst v12;
	v12 =	vadd.s32 v20, v13;
	v13 =	vmul.f32 v16, v11  }
0xb4: {  	v14 =	vnsel vm8, $0x0, v15;
	v15 =	vor.u32 s10, v5;
	v11 =	vmul.f32 v11, v10;
	[tilespmem:$0x4B80] =	vst v12  }
0xb5: {  	v10 =	vmul.f32 v10, v14;
	[tilespmem:$0x4C80] =	vst v13;
	v13 =	vor.u32 s10, v4  }
0xb6: {  	v12 =	vmul.f32 v16, v14;
	[tilespmem:$0x4E80] =	vst v11  }
0xb7: {  	[tilespmem:$0x4F80] =	vst v10  }
0xb8: {  	[tilespmem:$0x4D80] =	vst v12  }
0xb9: {  	v10 =	vld.idx.msk [tilespmem:v15+s2+$0x0], $0xffff  }
0xba: {  	v11 =	vld.idx.msk [tilespmem:v13+s2+$0x0], $0xffff;
	_ =	sdelay $0x3  }
0xbb: {  	v10 =	vadd.f32 $1.000000000e+00, v10  }
0xbc: {  	v11 =	vadd.f32 $1.000000000e+00, v11  }
0xbd: {  	v10 =	vmul.f32 $1.920000000e+02, v10  }
0xbe: {  	v11 =	vmul.f32 $1.920000000e+02, v11  }
0xbf: {  	v10 =	vadd.f32 $-5.000000000e-01, v10  }
0xc0: {  	v11 =	vadd.f32 $-5.000000000e-01, v11  }
0xc1: {  	v12 =	vtrunc.f32 v10  }
0xc2: {  	v13 =	vcvt.f32.s32 v12;
	vm10 =	vlt.f32 v10, v12;
	v12 =	vtrunc.f32 v11  }
0xc3: {  	v14 =	vsel vm10, $0xFFFFFFFF, v3;
	v15 =	vcvt.f32.s32 v12;
	vm11 =	vlt.f32 v11, v12  }
0xc4: {  	v12 =	vadd.s32 v13, v14;
	v13 =	vsel vm11, $0xFFFFFFFF, v3  }
0xc5: {  	v14 =	vcvt.s32.f32 v12;
	v13 =	vadd.s32 v15, v13  }
0xc6: {  	v15 =	vcvt.s32.f32 v13  }
0xc7: {  	vm12 =	vlt.u32 v12, $0x180;
	vm13 =	vgt.s32 v12, $0x0;
	v16 =	vadd.f32 $1.000000000e+00, v14  }
0xc8: {  	v18 =	vadd.s32 $0x1, v13;
	vm15 =	vgt.s32 v13, $0x0;
	v17 =	vadd.f32 $1.000000000e+00, v15  }
0xc9: {  	vm5 =	vlt.u32 v13, $0x180;
	v20 =	vnsel vm15, $0x0, v13;
	v15 =	vsub.f32 v11, v15  }
0xca: {  	v11 =	vsub.f32 v17, v11;
	v17 =	vadd.s32 $0x1, v12;
	v12 =	vnsel vm13, $0x0, v12  }
0xcb: {  	vm4 =	vgt.s32 v18, $0x0;
	vm14 =	vgt.s32 v17, $0x0;
	v12 =	vmin.u32 v12, $0x17F  }
0xcc: {  	vm6 =	vlt.u32 v18, $0x180;
	v19 =	vnsel vm14, $0x0, v17;
	v12 =	vmul.u32 $0x180, v12  }
0xcd: {  	v16 =	vsub.f32 v16, v10;
	v21 =	vnsel vm4, $0x0, v18;
	v13 =	vmin.u32 v19, $0x17F  }
0xce: {  	v19 =	vmin.u32 v20, $0x17F;
	v12 =	vadd.s32 v1, v12;
	v13 =	vmul.u32 $0x180, v13  }
0xcf: {  	v10 =	vsub.f32 v10, v14;
	v20 =	vmin.u32 v21, $0x17F;
	v21 =	vadd.s32 v19, v12  }
0xd0: {  	v16 =	vnsel vm12, $0x0, v16;
	v12 =	vadd.s32 v20, v12;
	v13 =	vadd.s32 v1, v13;
	[tilespmem:$0x4890] =	vst v21  }
0xd1: {  	vm7 =	vlt.u32 v17, $0x180;
	v11 =	vnsel vm5, $0x0, v11;
	[tilespmem:$0x4990] =	vst v12;
	v12 =	vadd.s32 v19, v13  }
0xd2: {  	v10 =	vnsel vm7, $0x0, v10;
	[tilespmem:$0x4A90] =	vst v12;
	v12 =	vadd.s32 v20, v13;
	v13 =	vmul.f32 v16, v11  }
0xd3: {  	v14 =	vnsel vm6, $0x0, v15;
	v15 =	vor.u32 s10, v7;
	v11 =	vmul.f32 v11, v10;
	[tilespmem:$0x4B90] =	vst v12  }
0xd4: {  	v10 =	vmul.f32 v10, v14;
	[tilespmem:$0x4C90] =	vst v13;
	v13 =	vor.u32 s10, v6  }
0xd5: {  	v12 =	vmul.f32 v16, v14;
	[tilespmem:$0x4E90] =	vst v11  }
0xd6: {  	[tilespmem:$0x4F90] =	vst v10  }
0xd7: {  	[tilespmem:$0x4D90] =	vst v12  }
0xd8: {  	v10 =	vld.idx.msk [tilespmem:v15+s2+$0x0], $0xffff  }
0xd9: {  	v11 =	vld.idx.msk [tilespmem:v13+s2+$0x0], $0xffff;
	_ =	sdelay $0x3  }
0xda: {  	v10 =	vadd.f32 $1.000000000e+00, v10  }
0xdb: {  	v11 =	vadd.f32 $1.000000000e+00, v11  }
0xdc: {  	v10 =	vmul.f32 $1.920000000e+02, v10  }
0xdd: {  	v11 =	vmul.f32 $1.920000000e+02, v11  }
0xde: {  	v10 =	vadd.f32 $-5.000000000e-01, v10  }
0xdf: {  	v11 =	vadd.f32 $-5.000000000e-01, v11  }
0xe0: {  	v12 =	vtrunc.f32 v10  }
0xe1: {  	v13 =	vcvt.f32.s32 v12;
	vm8 =	vlt.f32 v10, v12;
	v12 =	vtrunc.f32 v11  }
0xe2: {  	v14 =	vsel vm8, $0xFFFFFFFF, v3;
	v15 =	vcvt.f32.s32 v12;
	vm9 =	vlt.f32 v11, v12  }
0xe3: {  	v12 =	vadd.s32 v13, v14;
	v13 =	vsel vm9, $0xFFFFFFFF, v3  }
0xe4: {  	v14 =	vcvt.s32.f32 v12;
	v13 =	vadd.s32 v15, v13  }
0xe5: {  	v15 =	vcvt.s32.f32 v13  }
0xe6: {  	vm10 =	vlt.u32 v12, $0x180;
	vm11 =	vgt.s32 v12, $0x0;
	v16 =	vadd.f32 $1.000000000e+00, v14  }
0xe7: {  	v18 =	vadd.s32 $0x1, v13;
	vm13 =	vgt.s32 v13, $0x0;
	v17 =	vadd.f32 $1.000000000e+00, v15  }
0xe8: {  	vm15 =	vlt.u32 v13, $0x180;
	v20 =	vnsel vm13, $0x0, v13;
	v15 =	vsub.f32 v11, v15  }
0xe9: {  	v11 =	vsub.f32 v17, v11;
	v17 =	vadd.s32 $0x1, v12;
	v12 =	vnsel vm11, $0x0, v12  }
0xea: {  	vm14 =	vgt.s32 v18, $0x0;
	vm12 =	vgt.s32 v17, $0x0;
	v12 =	vmin.u32 v12, $0x17F  }
0xeb: {  	vm4 =	vlt.u32 v18, $0x180;
	v19 =	vnsel vm12, $0x0, v17;
	v12 =	vmul.u32 $0x180, v12  }
0xec: {  	v16 =	vsub.f32 v16, v10;
	v21 =	vnsel vm14, $0x0, v18;
	v13 =	vmin.u32 v19, $0x17F  }
0xed: {  	v19 =	vmin.u32 v20, $0x17F;
	v12 =	vadd.s32 v1, v12;
	v13 =	vmul.u32 $0x180, v13  }
0xee: {  	v10 =	vsub.f32 v10, v14;
	v20 =	vmin.u32 v21, $0x17F;
	v21 =	vadd.s32 v19, v12  }
0xef: {  	v16 =	vnsel vm10, $0x0, v16;
	v12 =	vadd.s32 v20, v12;
	v13 =	vadd.s32 v1, v13;
	[tilespmem:$0x48A0] =	vst v21  }
0xf0: {  	vm5 =	vlt.u32 v17, $0x180;
	v11 =	vnsel vm15, $0x0, v11;
	[tilespmem:$0x49A0] =	vst v12;
	v12 =	vadd.s32 v19, v13  }
0xf1: {  	v10 =	vnsel vm5, $0x0, v10;
	[tilespmem:$0x4AA0] =	vst v12;
	v12 =	vadd.s32 v20, v13;
	v13 =	vmul.f32 v16, v11  }
0xf2: {  	v14 =	vnsel vm4, $0x0, v15;
	v15 =	vor.u32 s10, v9;
	v11 =	vmul.f32 v11, v10;
	[tilespmem:$0x4BA0] =	vst v12  }
0xf3: {  	v10 =	vmul.f32 v10, v14;
	[tilespmem:$0x4CA0] =	vst v13;
	v13 =	vor.u32 s10, v8  }
0xf4: {  	v12 =	vmul.f32 v16, v14;
	[tilespmem:$0x4EA0] =	vst v11  }
0xf5: {  	[tilespmem:$0x4FA0] =	vst v10  }
0xf6: {  	[tilespmem:$0x4DA0] =	vst v12  }
0xf7: {  	v10 =	vld.idx.msk [tilespmem:v15+s2+$0x0], $0xffff  }
0xf8: {  	v11 =	vld.idx.msk [tilespmem:v13+s2+$0x0], $0xffff;
	_ =	sdelay $0x3  }
0xf9: {  	v10 =	vadd.f32 $1.000000000e+00, v10  }
0xfa: {  	v11 =	vadd.f32 $1.000000000e+00, v11  }
0xfb: {  	v10 =	vmul.f32 $1.920000000e+02, v10  }
0xfc: {  	v11 =	vmul.f32 $1.920000000e+02, v11  }
0xfd: {  	v10 =	vadd.f32 $-5.000000000e-01, v10  }
0xfe: {  	v11 =	vadd.f32 $-5.000000000e-01, v11  }
0xff: {  	v12 =	vtrunc.f32 v10  }
0x100: {  	v13 =	vcvt.f32.s32 v12;
	vm6 =	vlt.f32 v10, v12;
	v12 =	vtrunc.f32 v11  }
0x101: {  	v14 =	vsel vm6, $0xFFFFFFFF, v3;
	v15 =	vcvt.f32.s32 v12;
	vm7 =	vlt.f32 v11, v12  }
0x102: {  	v12 =	vadd.s32 v13, v14;
	v13 =	vsel vm7, $0xFFFFFFFF, v3  }
0x103: {  	v14 =	vcvt.s32.f32 v12;
	v13 =	vadd.s32 v15, v13  }
0x104: {  	v15 =	vcvt.s32.f32 v13  }
0x105: {  	vm8 =	vlt.u32 v12, $0x180;
	vm9 =	vgt.s32 v12, $0x0;
	v16 =	vadd.f32 $1.000000000e+00, v14  }
0x106: {  	v18 =	vadd.s32 $0x1, v13;
	vm11 =	vgt.s32 v13, $0x0;
	v17 =	vadd.f32 $1.000000000e+00, v15  }
0x107: {  	vm13 =	vlt.u32 v13, $0x180;
	v20 =	vnsel vm11, $0x0, v13;
	v15 =	vsub.f32 v11, v15  }
0x108: {  	v11 =	vsub.f32 v17, v11;
	v17 =	vadd.s32 $0x1, v12;
	v12 =	vnsel vm9, $0x0, v12  }
0x109: {  	vm12 =	vgt.s32 v18, $0x0;
	vm10 =	vgt.s32 v17, $0x0;
	v12 =	vmin.u32 v12, $0x17F  }
0x10a: {  	vm14 =	vlt.u32 v18, $0x180;
	v19 =	vnsel vm10, $0x0, v17;
	v12 =	vmul.u32 $0x180, v12  }
0x10b: {  	v16 =	vsub.f32 v16, v10;
	v21 =	vnsel vm12, $0x0, v18;
	v13 =	vmin.u32 v19, $0x17F  }
0x10c: {  	v19 =	vmin.u32 v20, $0x17F;
	v12 =	vadd.s32 v1, v12;
	v13 =	vmul.u32 $0x180, v13  }
0x10d: {  	v10 =	vsub.f32 v10, v14;
	v20 =	vmin.u32 v21, $0x17F;
	v21 =	vadd.s32 v19, v12  }
0x10e: {  	v16 =	vnsel vm8, $0x0, v16;
	v12 =	vadd.s32 v20, v12;
	v13 =	vadd.s32 v1, v13;
	[tilespmem:$0x48B0] =	vst v21  }
0x10f: {  	vm15 =	vlt.u32 v17, $0x180;
	v11 =	vnsel vm13, $0x0, v11;
	[tilespmem:$0x49B0] =	vst v12;
	v12 =	vadd.s32 v19, v13  }
0x110: {  	v10 =	vnsel vm15, $0x0, v10;
	[tilespmem:$0x4AB0] =	vst v12;
	v12 =	vadd.s32 v20, v13;
	v13 =	vmul.f32 v16, v11  }
0x111: {  	v14 =	vnsel vm14, $0x0, v15;
	v11 =	vmul.f32 v11, v10;
	[tilespmem:$0x4BB0] =	vst v12  }
0x112: {  	v10 =	vmul.f32 v10, v14;
	[tilespmem:$0x4CB0] =	vst v13  }
0x113: {  	v12 =	vmul.f32 v16, v14;
	[tilespmem:$0x4EB0] =	vst v11  }
0x114: {  	[tilespmem:$0x4FB0] =	vst v10  }
0x115: {  	s15 =	simm.s32 $0x4880;
	s11 =	simm.s32 $0x7000;
	[tilespmem:$0x4DB0] =	vst v12  }
0x116: {  	[tilespmem:s11], [sflag:$0x2] =	stream.indirect.gather [hbm4b:s3+s9], $0x80, s15, s9, $0xb8;
	[tilespmem:$0x19000] =	vst v63  }
0x117: {  	s16 =	simm.s32 $0x4980;
	s17 =	simm.s32 $0xB000  }
0x118: {  	[tilespmem:s17], [sflag:$0x2] =	stream.indirect.gather [hbm4b:s3+s9], $0x80, s16, s9, $0xb8;
	[tilespmem:$0x19000] =	vst v63  }
0x119: {  	s18 =	simm.s32 $0x4A80;
	s19 =	simm.s32 $0xF000  }
0x11a: {  	[tilespmem:s19], [sflag:$0x2] =	stream.indirect.gather [hbm4b:s3+s9], $0x80, s18, s9, $0xb8;
	[tilespmem:$0x19000] =	vst v63  }
0x11b: {  	s20 =	simm.s32 $0x4B80;
	s21 =	simm.s32 $0x13000  }
0x11c: {  	[tilespmem:s21], [sflag:$0x2] =	stream.indirect.gather [hbm4b:s3+s9], $0x80, s20, s9, $0xb8;
	[tilespmem:$0x19000] =	vst v63  }
0x11d: {  	_ =	swait.ge [sflag:s26], $0x2000  }
0x11e: {  	[sflag:s26] =	ssyncset.done $0x0  }
0x11f: {  	[sflag:s26] =	ssyncadd.s32 $0xFFFFE000  }
0x120: {  	_ =	swait.ge [sflag:s26], $0x2000  }
0x121: {  	[sflag:s26] =	ssyncset.done $0x0  }
0x122: {  	[sflag:s26] =	ssyncadd.s32 $0xFFFFE000  }
0x123: {  	_ =	swait.ge [sflag:s26], $0x2000  }
0x124: {  	s22 =	simm.s32 $0x0;
	[sflag:s26] =	ssyncset.done $0x0  }
0x125: {  	v10 =	vmov s22;
	[sflag:s26] =	ssyncadd.s32 $0xFFFFE000  }
0x126: {  	v10 =	vand.u32 $0xFFFFFFFE, v10;
	_ =	swait.ge [sflag:s26], $0x2000  }
0x127: {  	p0 =	seq.s32 s8, $0x0;
	v10 =	vbroadcast v10, $0x0;
	[sflag:s26] =	ssyncset.done $0x0  }
0x128: {  	s10 =	simm.s32 @!p0 $0x3;
	[sflag:s26] =	ssyncadd.s32 $0xFFFFE000  }
0x129: {  	_ =	swait.ge @!p0 [sflag:s10], $0x2000  }
0x12a: {  	[sflag:s10] =	ssyncset.done @!p0 $0x0  }
0x12b: {  	s17 =	simm.s32 $0x5080;
	[sflag:s10] =	ssyncadd.s32 @!p0 $0xFFFFE000  }
0x12c: {  	v11 =	vld [tilespmem:s17+$0xFFFFFF80]  }
0x12d: {  	v23 =	vld.idx.msk [tilespmem:v10+s28+$0x0], $0xffff  }
0x12e: {  	s16 =	simm.s32 $0x9080;
	v24 =	vld.idx.msk [tilespmem:v10+s29+$0x0], $0xffff  }
0x12f: {  	s23 =	simm.s32 $0x1;
	s11 =	simm.s32 $0xD080;
	v12 =	vld [tilespmem:s16+$0xFFFFFF80]  }
0x130: {  	v13 =	vmov s23;
	v14 =	vld [tilespmem:s11+$0xFFFFFF80]  }
0x131: {  	s12 =	simm.s32 $0x11080;
	v25 =	vld.idx.msk [tilespmem:v10+s30+$0x0], $0xffff  }
0x132: {  	v15 =	vld [tilespmem:s12+$0xFFFFFF80]  }
0x133: {  	v26 =	vld.idx.msk [tilespmem:v10+s31+$0x0], $0xffff  }
0x134: {  	v16 =	vmul.f32 v11, v23;
	v12 =	vmul.f32 v12, v24  }
0x135: {  	v10 =	vld.idx.msk [tilespmem:v13+s31+$0x0], $0xffff  }
0x136: {  	v17 =	vld [tilespmem:s16+$0x0];
	v14 =	vmul.f32 v14, v25;
	v16 =	vadd.f32 v12, v16  }
0x137: {  	v11 =	vld.idx.msk [tilespmem:v13+s30+$0x0], $0xffff  }
0x138: {  	v15 =	vmul.f32 v15, v26;
	v12 =	vld.idx.msk [tilespmem:v13+s28+$0x0], $0xffff;
	v14 =	vadd.f32 v14, v16  }
0x139: {  	v13 =	vld.idx.msk [tilespmem:v13+s29+$0x0], $0xffff  }
0x13a: {  	v16 =	vld [tilespmem:s17+$0x0];
	v14 =	vadd.f32 v15, v14  }
0x13b: {  	s10 =	simm.s32 $0x15080;
	v18 =	vld [tilespmem:s12+$0x0]  }
0x13c: {  	v15 =	vld [tilespmem:s11+$0x0];
	[tilespmem:s10+$0xFFFFFF80] =	vst v14  }
0x13d: {  	v14 =	vld [tilespmem:s17+$0xFFFFFF90]  }
0x13e: {  	v19 =	vld [tilespmem:s16+$0xFFFFFF90]  }
0x13f: {  	v17 =	vmul.f32 v17, v13;
	v16 =	vmul.f32 v16, v12  }
0x140: {  	v20 =	vld [tilespmem:s11+$0xFFFFFF90]  }
0x141: {  	v16 =	vadd.f32 v17, v16;
	v15 =	vmul.f32 v15, v11  }
0x142: {  	v17 =	vmul.f32 v18, v10;
	v18 =	vld [tilespmem:s12+$0xFFFFFF90]  }
0x143: {  	v15 =	vadd.f32 v15, v16;
	v14 =	vmul.f32 v14, v23;
	v16 =	vmul.f32 v19, v24;
	_ =	sdelay $0x1  }
0x144: {  	v15 =	vadd.f32 v17, v15;
	v14 =	vadd.f32 v16, v14;
	v16 =	vmul.f32 v20, v25;
	_ =	sdelay $0x1  }
0x145: {  	[tilespmem:s10+$0x0] =	vst v15;
	v15 =	vmul.f32 v18, v26;
	v14 =	vadd.f32 v16, v14  }
0x146: {  	v16 =	vld [tilespmem:s17+$0x10]  }
0x147: {  	v17 =	vld [tilespmem:s16+$0x10];
	v14 =	vadd.f32 v15, v14  }
0x148: {  	v18 =	vld [tilespmem:s12+$0x10]  }
0x149: {  	v15 =	vld [tilespmem:s11+$0x10];
	[tilespmem:s10+$0xFFFFFF90] =	vst v14  }
0x14a: {  	v14 =	vld [tilespmem:s17+$0xFFFFFFA0]  }
0x14b: {  	v19 =	vld [tilespmem:s16+$0xFFFFFFA0]  }
0x14c: {  	v16 =	vmul.f32 v16, v12;
	v17 =	vmul.f32 v17, v13  }
0x14d: {  	v20 =	vld [tilespmem:s11+$0xFFFFFFA0]  }
0x14e: {  	v15 =	vmul.f32 v15, v11;
	v16 =	vadd.f32 v17, v16  }
0x14f: {  	v21 =	vld [tilespmem:s12+$0xFFFFFFA0];
	v17 =	vmul.f32 v18, v10  }
0x150: {  	s13 =	simm.s32 $0x3;
	v15 =	vadd.f32 v15, v16;
	v14 =	vmul.f32 v14, v23;
	v16 =	vmul.f32 v19, v24  }
0x151: {  	v18 =	vmov s13  }
0x152: {  	v15 =	vadd.f32 v17, v15;
	v17 =	vmul.f32 v20, v25;
	v16 =	vadd.f32 v16, v14  }
0x153: {  	s15 =	simm.s32 $0x5180  }
0x154: {  	s14 =	simm.s32 $0xD180;
	v32 =	vld [tilespmem:s15+$0xFFFFFF80];
	[tilespmem:s10+$0x10] =	vst v15;
	v15 =	vadd.f32 v17, v16;
	v16 =	vmul.f32 v21, v26  }
0x155: {  	v33 =	vld [tilespmem:s14+$0xFFFFFF80];
	s13 =	simm.s32 $0x11180  }
0x156: {  	v34 =	vld [tilespmem:s13+$0xFFFFFF80];
	v15 =	vadd.f32 v16, v15  }
0x157: {  	v14 =	vld.idx.msk [tilespmem:v18+s31+$0x0], $0xffff  }
0x158: {  	s24 =	simm.s32 $0x2;
	v19 =	vld [tilespmem:s17+$0x20];
	[tilespmem:s10+$0xFFFFFFA0] =	vst v15  }
0x159: {  	v15 =	vmov s24;
	v20 =	vld [tilespmem:s17+$0xFFFFFFB0]  }
0x15a: {  	v21 =	vld [tilespmem:s16+$0xFFFFFFB0];
	v16 =	vand.u32 $0xFFFFFFFE, v15  }
0x15b: {  	v17 =	vld.idx.msk [tilespmem:v18+s29+$0x0], $0xffff;
	v29 =	vbroadcast v16, $0x0  }
0x15c: {  	v30 =	vld [tilespmem:s11+$0xFFFFFFB0]  }
0x15d: {  	v15 =	vld.idx.msk [tilespmem:v18+s30+$0x0], $0xffff  }
0x15e: {  	v31 =	vld [tilespmem:s12+$0xFFFFFFB0]  }
0x15f: {  	v16 =	vld.idx.msk [tilespmem:v18+s28+$0x0], $0xffff;
	v18 =	vmul.f32 v20, v23;
	v20 =	vmul.f32 v21, v24  }
0x160: {  	v22 =	vld [tilespmem:s16+$0x20]  }
0x161: {  	v30 =	vmul.f32 v30, v25;
	v21 =	vadd.f32 v20, v18;
	v18 =	vld.idx.msk [tilespmem:v29+s28+$0x0], $0xffff  }
0x162: {  	s22 =	simm.s32 $0x9180;
	v20 =	vld.idx.msk [tilespmem:v29+s29+$0x0], $0xffff  }
0x163: {  	v21 =	vadd.f32 v30, v21;
	v30 =	vmul.f32 v31, v26;
	v31 =	vld [tilespmem:s22+$0xFFFFFF80]  }
0x164: {  	v27 =	vld [tilespmem:s11+$0x20]  }
0x165: {  	v30 =	vadd.f32 v30, v21;
	v21 =	vld.idx.msk [tilespmem:v29+s30+$0x0], $0xffff  }
0x166: {  	v28 =	vld [tilespmem:s12+$0x20]  }
0x167: {  	v35 =	vmul.f32 v19, v12;
	v22 =	vmul.f32 v22, v13;
	v19 =	vld.idx.msk [tilespmem:v29+s31+$0x0], $0xffff;
	[tilespmem:s10+$0xFFFFFFB0] =	vst v30  }
0x168: {  	v30 =	vmul.f32 v32, v18;
	v29 =	vld [tilespmem:s17+$0xFFFFFFC0];
	v31 =	vmul.f32 v31, v20  }
0x169: {  	v27 =	vmul.f32 v27, v11;
	v22 =	vadd.f32 v22, v35;
	v42 =	vld [tilespmem:s16+$0xFFFFFFC0]  }
0x16a: {  	v43 =	vld [tilespmem:s15+$0x0];
	v30 =	vadd.f32 v31, v30;
	v31 =	vmul.f32 v33, v21  }
0x16b: {  	v28 =	vmul.f32 v28, v10;
	v22 =	vadd.f32 v27, v22;
	v27 =	vld [tilespmem:s11+$0xFFFFFFC0]  }
0x16c: {  	v44 =	vld [tilespmem:s22+$0x0];
	v34 =	vmul.f32 v34, v19;
	v30 =	vadd.f32 v31, v30  }
0x16d: {  	v22 =	vadd.f32 v28, v22;
	v28 =	vld [tilespmem:s12+$0xFFFFFFC0]  }
0x16e: {  	v31 =	vld [tilespmem:s14+$0x0];
	v29 =	vmul.f32 v29, v23;
	v32 =	vmul.f32 v42, v24;
	v30 =	vadd.f32 v34, v30  }
0x16f: {  	s21 =	simm.s32 $0x15180;
	[tilespmem:s10+$0x20] =	vst v22  }
0x170: {  	v22 =	vld [tilespmem:s13+$0x0];
	v27 =	vmul.f32 v27, v25;
	v29 =	vadd.f32 v32, v29;
	[tilespmem:s21+$0xFFFFFF80] =	vst v30  }
0x171: {  	v33 =	vmul.f32 v44, v17;
	v30 =	vmul.f32 v43, v16;
	v46 =	vld [tilespmem:s15+$0xFFFFFF90]  }
0x172: {  	v28 =	vmul.f32 v28, v26;
	v27 =	vadd.f32 v27, v29;
	v29 =	vld [tilespmem:s22+$0xFFFFFF90]  }
0x173: {  	v45 =	vld [tilespmem:s17+$0x30];
	v31 =	vmul.f32 v31, v15;
	v30 =	vadd.f32 v33, v30  }
0x174: {  	v27 =	vadd.f32 v28, v27;
	v28 =	vld [tilespmem:s14+$0xFFFFFF90]  }
0x175: {  	v47 =	vld [tilespmem:s16+$0x30];
	v22 =	vmul.f32 v22, v14;
	v30 =	vadd.f32 v31, v30  }
0x176: {  	v48 =	vld [tilespmem:s11+$0x30]  }
0x177: {  	v31 =	vld [tilespmem:s13+$0xFFFFFF90];
	v22 =	vadd.f32 v22, v30;
	v30 =	vmul.f32 v46, v18;
	v29 =	vmul.f32 v29, v20;
	_ =	sdelay $0x1  }
0x178: {  	v49 =	vld [tilespmem:s12+$0x30];
	[tilespmem:s21+$0x0] =	vst v22;
	v22 =	vadd.f32 v29, v30;
	v28 =	vmul.f32 v28, v21  }
0x179: {  	v35 =	vmul.f32 v47, v13;
	v32 =	vmul.f32 v45, v12;
	v30 =	vld [tilespmem:s15+$0x10]  }
0x17a: {  	[tilespmem:s10+$0xFFFFFFC0] =	vst v27;
	v22 =	vadd.f32 v28, v22;
	v28 =	vld [tilespmem:s22+$0x10]  }
0x17b: {  	v32 =	vadd.f32 v35, v32;
	v27 =	vld [tilespmem:s17+$0xFFFFFFD0];
	v29 =	vmul.f32 v48, v11;
	v31 =	vmul.f32 v31, v19  }
0x17c: {  	v51 =	vld [tilespmem:s14+$0x10]  }
0x17d: {  	v34 =	vmul.f32 v49, v10;
	v36 =	vld [tilespmem:s16+$0xFFFFFFD0];
	v29 =	vadd.f32 v29, v32;
	v22 =	vadd.f32 v31, v22  }
0x17e: {  	v52 =	vld [tilespmem:s13+$0x10]  }
0x17f: {  	v50 =	vld [tilespmem:s11+$0xFFFFFFD0];
	v29 =	vadd.f32 v34, v29;
	[tilespmem:s21+$0xFFFFFF90] =	vst v22;
	v22 =	vmul.f32 v30, v16;
	v28 =	vmul.f32 v28, v17  }
0x180: {  	v30 =	vld [tilespmem:s15+$0xFFFFFFA0]  }
0x181: {  	[tilespmem:s10+$0x30] =	vst v29;
	v32 =	vmul.f32 v51, v15;
	v29 =	vld [tilespmem:s22+$0xFFFFFFA0];
	v22 =	vadd.f32 v28, v22  }
0x182: {  	v37 =	vld [tilespmem:s14+$0xFFFFFFA0]  }
0x183: {  	v35 =	vmul.f32 v52, v14;
	v54 =	vld [tilespmem:s16+$0x40];
	v22 =	vadd.f32 v32, v22  }
0x184: {  	s18 =	simm.s32 $0x5;
	v38 =	vld [tilespmem:s13+$0xFFFFFFA0]  }
0x185: {  	v53 =	vmov s18;
	v28 =	vld [tilespmem:s17+$0x40];
	v35 =	vadd.f32 v35, v22  }
0x186: {  	v39 =	vld [tilespmem:s11+$0x40];
	v30 =	vmul.f32 v30, v18;
	v29 =	vmul.f32 v29, v20  }
0x187: {  	v40 =	vld [tilespmem:s12+$0x40];
	[tilespmem:s21+$0x10] =	vst v35  }
0x188: {  	v29 =	vadd.f32 v29, v30;
	v30 =	vmul.f32 v37, v21;
	v35 =	vld [tilespmem:s15+$0x20]  }
0x189: {  	v27 =	vmul.f32 v27, v23;
	v32 =	vmul.f32 v54, v13;
	v55 =	vld [tilespmem:s22+$0x20]  }
0x18a: {  	v23 =	vld.idx.msk [tilespmem:v53+s30+$0x0], $0xffff;
	v28 =	vmul.f32 v28, v12;
	v29 =	vadd.f32 v30, v29;
	v30 =	vmul.f32 v38, v19  }
0x18b: {  	v56 =	vld [tilespmem:s14+$0x20]  }
0x18c: {  	v31 =	vld [tilespmem:s12+$0xFFFFFFD0];
	v57 =	vmul.f32 v39, v11;
	v28 =	vadd.f32 v32, v28;
	v29 =	vadd.f32 v30, v29  }
0x18d: {  	v36 =	vmul.f32 v36, v24;
	v58 =	vmul.f32 v40, v10;
	v30 =	vld [tilespmem:s13+$0x20]  }
0x18e: {  	v28 =	vadd.f32 v57, v28;
	[tilespmem:s21+$0xFFFFFFA0] =	vst v29;
	v29 =	vmul.f32 v35, v16;
	v60 =	vmul.f32 v55, v17  }
0x18f: {  	v24 =	vld.idx.msk [tilespmem:v53+s28+$0x0], $0xffff;
	v33 =	vmul.f32 v50, v25;
	v27 =	vadd.f32 v36, v27  }
0x190: {  	v25 =	vld.idx.msk [tilespmem:v53+s29+$0x0], $0xffff;
	v28 =	vadd.f32 v58, v28;
	v62 =	vmul.f32 v56, v15;
	v29 =	vadd.f32 v60, v29  }
0x191: {  	v27 =	vadd.f32 v33, v27;
	v31 =	vmul.f32 v31, v26;
	v59 =	vld [tilespmem:s15+$0xFFFFFFB0]  }
0x192: {  	s25 =	simm.s32 $0x4;
	s19 =	simm.s32 $0xD280;
	v61 =	vld [tilespmem:s22+$0xFFFFFFB0];
	[tilespmem:s10+$0x40] =	vst v28;
	v28 =	vmul.f32 v30, v14;
	v29 =	vadd.f32 v62, v29  }
0x193: {  	v34 =	vld [tilespmem:s19+$0xFFFFFF80];
	v30 =	vadd.f32 v31, v27;
	v31 =	vmov s25  }
0x194: {  	v63 =	vld [tilespmem:s14+$0xFFFFFFB0];
	v29 =	vadd.f32 v28, v29;
	v28 =	vand.u32 $0xFFFFFFFE, v31  }
0x195: {  	v26 =	vld [tilespmem:s17+$0x50];
	v28 =	vbroadcast v28, $0x0  }
0x196: {  	v32 =	vld [tilespmem:s13+$0xFFFFFFB0]  }
0x197: {  	s18 =	simm.s32 $0x11280;
	v27 =	vld [tilespmem:s16+$0x50];
	v35 =	vmul.f32 v59, v18;
	v36 =	vmul.f32 v61, v20  }
0x198: {  	s23 =	simm.s32 $0x9180;
	s20 =	simm.s32 $0x5280;
	v33 =	vld [tilespmem:s18+$0xFFFFFF80];
	[tilespmem:s10+$0xFFFFFFD0] =	vst v30  }
0x199: {  	s24 =	simm.s32 $0x6;
	v22 =	vld.idx.msk [tilespmem:v53+s31+$0x0], $0xffff;
	s16 =	sshll.u32 s8, $0x1;
	s17 =	simm.s32 $0x15180;
	v35 =	vadd.f32 v36, v35;
	v36 =	vmul.f32 v63, v21;
	[tilespmem:s21+$0x20] =	vst v29  }
.LBB2_3:
0x19a: {  	p1 =	slt.u32 s24, $0x3E;
	v29 =	vld [tilespmem:s20+$0xFFFFFF80];
	v26 =	vmul.f32 v26, v12;
	v12 =	vmov v16;
	v16 =	vmov v24  }
0x19b: {  	v30 =	vld.idx.msk [tilespmem:v28+s28+$0x0], $0xffff;
	v24 =	vadd.f32 v36, v35;
	v31 =	vmul.f32 v32, v19  }
0x19c: {  	s22 =	sadd.s32 $0x100, s22;
	v32 =	vld.idx.msk [tilespmem:v28+s29+$0x0], $0xffff;
	v27 =	vmul.f32 v27, v13;
	v13 =	vmov v17;
	v17 =	vmov v25  }
0x19d: {  	v25 =	vld [tilespmem:s22+$0xFFFFFF80];
	v31 =	vadd.f32 v31, v24  }
0x19e: {  	v35 =	vld.idx.msk [tilespmem:v28+s30+$0x0], $0xffff;
	v24 =	vadd.f32 v27, v26  }
0x19f: {  	v26 =	vld.idx.msk [tilespmem:v28+s31+$0x0], $0xffff;
	[tilespmem:s21+$0xFFFFFFB0] =	vst v31  }
0x1a0: {  	v27 =	vld [tilespmem:s15+$0xFFFFFFC0]  }
0x1a1: {  	v28 =	vld [tilespmem:s23+$0xFFFFFFC0]  }
0x1a2: {  	v29 =	vmul.f32 v29, v30;
	v25 =	vmul.f32 v25, v32;
	v31 =	vld [tilespmem:s20+$0x0]  }
0x1a3: {  	v36 =	vld [tilespmem:s14+$0xFFFFFFC0]  }
0x1a4: {  	v25 =	vadd.f32 v25, v29;
	v29 =	vmul.f32 v34, v35;
	v34 =	vld [tilespmem:s22+$0x0]  }
0x1a5: {  	v33 =	vmul.f32 v33, v26;
	v37 =	vld [tilespmem:s13+$0xFFFFFFC0]  }
0x1a6: {  	v27 =	vmul.f32 v27, v18;
	v25 =	vadd.f32 v29, v25;
	v29 =	vld [tilespmem:s19+$0x0];
	v28 =	vmul.f32 v28, v20  }
0x1a7: {  	v31 =	vmul.f32 v31, v16;
	v38 =	vld [tilespmem:s18+$0x0]  }
0x1a8: {  	v25 =	vadd.f32 v33, v25;
	v27 =	vadd.f32 v28, v27;
	v28 =	vmul.f32 v36, v21;
	v33 =	vld [tilespmem:s15+$0x30]  }
0x1a9: {  	s21 =	sadd.s32 $0x100, s21;
	v34 =	vmul.f32 v34, v17;
	v36 =	vld [tilespmem:s23+$0x30]  }
0x1aa: {  	[tilespmem:s21+$0xFFFFFF80] =	vst v25;
	v25 =	vadd.f32 v28, v27;
	v27 =	vmul.f32 v37, v19;
	v28 =	vld [tilespmem:s14+$0x30]  }
0x1ab: {  	v37 =	vld [tilespmem:s20+$0xFFFFFF90];
	v31 =	vadd.f32 v34, v31;
	v29 =	vmul.f32 v29, v23  }
0x1ac: {  	v34 =	vld [tilespmem:s22+$0xFFFFFF90];
	v38 =	vmul.f32 v38, v22;
	v25 =	vadd.f32 v27, v25  }
0x1ad: {  	v27 =	vld [tilespmem:s18+$0xFFFFFF90];
	v29 =	vadd.f32 v29, v31;
	v31 =	vmul.f32 v33, v12  }
0x1ae: {  	v33 =	vld [tilespmem:s19+$0xFFFFFF90];
	[tilespmem:s17+$0xFFFFFFC0] =	vst v25;
	v25 =	vmul.f32 v36, v13  }
0x1af: {  	v29 =	vadd.f32 v38, v29;
	v36 =	vld [tilespmem:s15+$0xFFFFFFD0];
	v28 =	vmul.f32 v28, v15  }
0x1b0: {  	v38 =	vld [tilespmem:s23+$0xFFFFFFD0];
	v25 =	vadd.f32 v25, v31  }
0x1b1: {  	v31 =	vmul.f32 v37, v30;
	v34 =	vmul.f32 v34, v32;
	[tilespmem:s21+$0x0] =	vst v29;
	v29 =	vld [tilespmem:s13+$0x30]  }
0x1b2: {  	v37 =	vld [tilespmem:s14+$0xFFFFFFD0];
	v25 =	vadd.f32 v28, v25  }
0x1b3: {  	v28 =	vadd.f32 v34, v31;
	v31 =	vmul.f32 v33, v35;
	v33 =	vld [tilespmem:s20+$0x10]  }
0x1b4: {  	v27 =	vmul.f32 v27, v26;
	v34 =	vld [tilespmem:s13+$0xFFFFFFD0]  }
0x1b5: {  	v36 =	vmul.f32 v36, v18;
	v18 =	vmovc v30;
	v28 =	vadd.f32 v31, v28;
	v31 =	vld [tilespmem:s22+$0x10];
	v38 =	vmul.f32 v38, v20  }
0x1b6: {  	v20 =	vmov v32;
	v30 =	vld [tilespmem:s19+$0x10];
	v29 =	vmul.f32 v29, v14  }
0x1b7: {  	v27 =	vadd.f32 v27, v28;
	v28 =	vld [tilespmem:s18+$0x10];
	v32 =	vadd.f32 v38, v36;
	v36 =	vmul.f32 v37, v21;
	v21 =	vmovc v35  }
0x1b8: {  	v33 =	vmul.f32 v33, v16;
	v25 =	vadd.f32 v29, v25;
	v29 =	vld [tilespmem:s11+$0x50];
	s11 =	smov.u32 s14;
	s14 =	smov.u32 s19  }
0x1b9: {  	[tilespmem:s21+$0xFFFFFF90] =	vst v27;
	v27 =	vadd.f32 v36, v32;
	v32 =	vmul.f32 v34, v19;
	v34 =	vld [tilespmem:s12+$0x50];
	v19 =	vmov v26;
	s12 =	smov.u32 s13;
	s13 =	smov.u32 s18  }
0x1ba: {  	v26 =	vld [tilespmem:s20+$0xFFFFFFA0];
	v31 =	vmul.f32 v31, v17;
	[tilespmem:s17+$0x30] =	vst v25  }
0x1bb: {  	v25 =	vld [tilespmem:s22+$0xFFFFFFA0];
	v30 =	vmul.f32 v30, v23;
	v27 =	vadd.f32 v32, v27  }
0x1bc: {  	s25 =	sadd.s32 $0x1, s24;
	v31 =	vadd.f32 v31, v33;
	v28 =	vmul.f32 v28, v22;
	v32 =	vld [tilespmem:s15+$0x40]  }
0x1bd: {  	v33 =	vmov s25;
	v35 =	vld [tilespmem:s19+$0xFFFFFFA0];
	[tilespmem:s17+$0xFFFFFFD0] =	vst v27;
	v27 =	vmul.f32 v29, v11;
	v11 =	vmovc v15;
	v15 =	vmov v23  }
0x1be: {  	v23 =	vadd.f32 v30, v31;
	v29 =	vld [tilespmem:s23+$0x40];
	v30 =	vmul.f32 v34, v10;
	v10 =	vmovc v14;
	v14 =	vmov v22  }
0x1bf: {  	v31 =	vld [tilespmem:s18+$0xFFFFFFA0];
	v22 =	vadd.f32 v27, v24  }
0x1c0: {  	v24 =	vmul.f32 v26, v18;
	v25 =	vmul.f32 v25, v20;
	v23 =	vadd.f32 v28, v23;
	v26 =	vld [tilespmem:s11+$0x40]  }
0x1c1: {  	v27 =	vmul.f32 v32, v12;
	v28 =	vld [tilespmem:s12+$0x40];
	v30 =	vadd.f32 v30, v22  }
0x1c2: {  	v22 =	vld.idx.msk [tilespmem:v33+s31+$0x0], $0xffff;
	v24 =	vadd.f32 v25, v24;
	v25 =	vmul.f32 v35, v21;
	[tilespmem:s21+$0x10] =	vst v23  }
0x1c3: {  	v32 =	vld [tilespmem:s20+$0x20];
	v23 =	vmul.f32 v29, v13;
	[tilespmem:s10+$0x50] =	vst v30;
	s10 =	smov.u32 s17;
	s17 =	smov.u32 s21  }
0x1c4: {  	v24 =	vadd.f32 v25, v24;
	v25 =	vmul.f32 v31, v19;
	v29 =	vld [tilespmem:s22+$0x20]  }
0x1c5: {  	v30 =	vld [tilespmem:s19+$0x20];
	v27 =	vadd.f32 v23, v27;
	v26 =	vmul.f32 v26, v11  }
0x1c6: {  	v25 =	vadd.f32 v25, v24;
	v31 =	vld [tilespmem:s18+$0x20];
	v28 =	vmul.f32 v28, v10  }
0x1c7: {  	v23 =	vld.idx.msk [tilespmem:v33+s30+$0x0], $0xffff;
	v26 =	vadd.f32 v26, v27  }
0x1c8: {  	v24 =	vld.idx.msk [tilespmem:v33+s28+$0x0], $0xffff;
	[tilespmem:s21+$0xFFFFFFA0] =	vst v25;
	v27 =	vmul.f32 v32, v16  }
0x1c9: {  	v34 =	vld [tilespmem:s20+$0xFFFFFFB0];
	v29 =	vmul.f32 v29, v17;
	v26 =	vadd.f32 v28, v26  }
0x1ca: {  	v35 =	vld [tilespmem:s22+$0xFFFFFFB0];
	v30 =	vmul.f32 v30, v15  }
0x1cb: {  	v28 =	vmov s24;
	v25 =	vld.idx.msk [tilespmem:v33+s29+$0x0], $0xffff;
	v27 =	vadd.f32 v29, v27;
	v29 =	vmul.f32 v31, v14;
	[tilespmem:s10+$0x40] =	vst v26  }
0x1cc: {  	v26 =	vand.u32 $0xFFFFFFFE, v28;
	v31 =	vld [tilespmem:s19+$0xFFFFFFB0]  }
.Ltmp0:
0x1cd: {  	v28 =	vbroadcast v26, $0x0;
	v27 =	vadd.f32 v30, v27;
	v26 =	vld [tilespmem:s15+$0x50];
	s15 =	smov.u32 s20;
	(pc) =	sbr.rel @p1 .LBB2_3-.Ltmp0, $4  }
0x1ce: {  	v32 =	vld [tilespmem:s18+$0xFFFFFFB0]  }
0x1cf: {  	v30 =	vmul.f32 v34, v18;
	s18 =	sadd.s32 $0x100, s18;
	v35 =	vmul.f32 v35, v20;
	v29 =	vadd.f32 v29, v27;
	v27 =	vld [tilespmem:s23+$0x50];
	s23 =	smov.u32 s22  }
0x1d0: {  	s19 =	sadd.s32 $0x100, s19;
	v33 =	vld [tilespmem:s18+$0xFFFFFF80]  }
0x1d1: {  	s24 =	sadd.s32 $0x2, s24;
	s20 =	sadd.s32 $0x100, s20;
	v34 =	vld [tilespmem:s19+$0xFFFFFF80];
	v35 =	vadd.f32 v35, v30;
	v36 =	vmul.f32 v31, v21;
	[tilespmem:s21+$0x20] =	vst v29  }
0x1d2: {  	_ =	sdelay $0x2  }
0x1d3: {  	v37 =	vld [tilespmem:s20+$0xFFFFFF80]  }
0x1d4: {  	v30 =	vld.idx.msk [tilespmem:v28+s28+$0x0], $0xffff  }
0x1d5: {  	v31 =	vld.idx.msk [tilespmem:v28+s29+$0x0], $0xffff;
	s24 =	sadd.s32 $0x100, s22  }
0x1d6: {  	v38 =	vld [tilespmem:s24+$0xFFFFFF80]  }
0x1d7: {  	v29 =	vld.idx.msk [tilespmem:v28+s30+$0x0], $0xffff  }
0x1d8: {  	v39 =	vld [tilespmem:s20+$0x0]  }
0x1d9: {  	v40 =	vld [tilespmem:s24+$0x0]  }
0x1da: {  	v28 =	vld.idx.msk [tilespmem:v28+s31+$0x0], $0xffff  }
0x1db: {  	v41 =	vld [tilespmem:s19+$0x0];
	v37 =	vmul.f32 v37, v30;
	v38 =	vmul.f32 v38, v31;
	_ =	sdelay $0x1  }
0x1dc: {  	v57 =	vld [tilespmem:s18+$0x0];
	v34 =	vmul.f32 v34, v29;
	v37 =	vadd.f32 v38, v37  }
0x1dd: {  	v58 =	vmul.f32 v39, v24;
	v59 =	vmul.f32 v40, v25  }
0x1de: {  	v33 =	vmul.f32 v33, v28;
	v34 =	vadd.f32 v34, v37  }
0x1df: {  	v61 =	vmul.f32 v41, v23;
	v60 =	vadd.f32 v59, v58  }
0x1e0: {  	v33 =	vadd.f32 v33, v34  }
0x1e1: {  	s22 =	sadd.s32 $0x100, s21;
	v62 =	vmul.f32 v57, v22;
	v34 =	vadd.f32 v61, v60  }
0x1e2: {  	[tilespmem:s22+$0xFFFFFF80] =	vst v33  }
0x1e3: {  	v33 =	vadd.f32 v62, v34;
	v63 =	vld [tilespmem:s20+$0xFFFFFF90]  }
0x1e4: {  	v44 =	vld [tilespmem:s24+$0xFFFFFF90]  }
0x1e5: {  	v46 =	vld [tilespmem:s19+$0xFFFFFF90];
	[tilespmem:s22+$0x0] =	vst v33  }
0x1e6: {  	v33 =	vld [tilespmem:s20+$0x10]  }
0x1e7: {  	v47 =	vld [tilespmem:s24+$0x10]  }
0x1e8: {  	v45 =	vld [tilespmem:s18+$0xFFFFFF90]  }
0x1e9: {  	v48 =	vld [tilespmem:s19+$0x10];
	v37 =	vmul.f32 v63, v30;
	v38 =	vmul.f32 v44, v31;
	_ =	sdelay $0x1  }
0x1ea: {  	v50 =	vld [tilespmem:s18+$0x10];
	v49 =	vmul.f32 v46, v29;
	v37 =	vadd.f32 v38, v37  }
0x1eb: {  	v33 =	vmul.f32 v33, v24;
	v51 =	vmul.f32 v47, v25  }
0x1ec: {  	v34 =	vmul.f32 v45, v28;
	v37 =	vadd.f32 v49, v37  }
0x1ed: {  	v52 =	vmul.f32 v48, v23;
	v33 =	vadd.f32 v51, v33  }
0x1ee: {  	v34 =	vadd.f32 v34, v37  }
0x1ef: {  	v53 =	vmul.f32 v50, v22;
	v33 =	vadd.f32 v52, v33  }
0x1f0: {  	v43 =	vld [tilespmem:s23+$0x30];
	[tilespmem:s22+$0xFFFFFF90] =	vst v34  }
0x1f1: {  	v33 =	vadd.f32 v53, v33;
	v54 =	vld [tilespmem:s20+$0xFFFFFFA0]  }
0x1f2: {  	v55 =	vld [tilespmem:s24+$0xFFFFFFA0]  }
0x1f3: {  	v35 =	vadd.f32 v36, v35;
	v32 =	vmul.f32 v32, v19;
	v56 =	vld [tilespmem:s19+$0xFFFFFFA0];
	[tilespmem:s22+$0x10] =	vst v33  }
0x1f4: {  	v33 =	vld [tilespmem:s20+$0x20]  }
0x1f5: {  	v32 =	vadd.f32 v32, v35;
	v58 =	vld [tilespmem:s24+$0x20]  }
0x1f6: {  	v57 =	vld [tilespmem:s18+$0xFFFFFFA0]  }
0x1f7: {  	[tilespmem:s21+$0xFFFFFFB0] =	vst v32;
	v60 =	vld [tilespmem:s19+$0x20];
	v35 =	vmul.f32 v54, v30;
	v36 =	vmul.f32 v55, v31  }
0x1f8: {  	v32 =	vld [tilespmem:s15+$0xFFFFFFC0]  }
0x1f9: {  	v63 =	vld [tilespmem:s18+$0x20];
	v34 =	vmul.f32 v56, v29;
	v35 =	vadd.f32 v36, v35  }
0x1fa: {  	v42 =	vld [tilespmem:s13+$0xFFFFFFC0];
	v33 =	vmul.f32 v33, v24;
	v45 =	vmul.f32 v58, v25  }
0x1fb: {  	v59 =	vld [tilespmem:s23+$0xFFFFFFC0];
	v62 =	vmul.f32 v57, v28;
	v34 =	vadd.f32 v34, v35  }
0x1fc: {  	v46 =	vld [tilespmem:s15+$0x30];
	v47 =	vmul.f32 v60, v23;
	v33 =	vadd.f32 v45, v33  }
0x1fd: {  	v61 =	vld [tilespmem:s14+$0xFFFFFFC0];
	v34 =	vadd.f32 v62, v34  }
0x1fe: {  	v48 =	vld [tilespmem:s14+$0x30];
	v50 =	vmul.f32 v63, v22;
	v33 =	vadd.f32 v47, v33  }
0x1ff: {  	v49 =	vld [tilespmem:s13+$0x30];
	[tilespmem:s22+$0xFFFFFFA0] =	vst v34  }
0x200: {  	v32 =	vmul.f32 v32, v18;
	v52 =	vmul.f32 v59, v20;
	v33 =	vadd.f32 v50, v33;
	v51 =	vld [tilespmem:s20+$0xFFFFFFB0]  }
0x201: {  	v54 =	vmul.f32 v46, v16;
	v55 =	vmul.f32 v43, v17;
	v53 =	vld [tilespmem:s24+$0xFFFFFFB0]  }
0x202: {  	v32 =	vadd.f32 v52, v32;
	v57 =	vmul.f32 v61, v21;
	v56 =	vld [tilespmem:s19+$0xFFFFFFB0];
	[tilespmem:s22+$0x20] =	vst v33  }
0x203: {  	v59 =	vmul.f32 v48, v15;
	v34 =	vadd.f32 v55, v54;
	v60 =	vld [tilespmem:s20+$0x30]  }
0x204: {  	v61 =	vmul.f32 v42, v19;
	v32 =	vadd.f32 v57, v32;
	v63 =	vld [tilespmem:s24+$0x30]  }
0x205: {  	v62 =	vmul.f32 v49, v14;
	v58 =	vld [tilespmem:s18+$0xFFFFFFB0];
	v33 =	vadd.f32 v59, v34  }
0x206: {  	v32 =	vadd.f32 v61, v32;
	v46 =	vld [tilespmem:s19+$0x30];
	v44 =	vmul.f32 v51, v30;
	v45 =	vmul.f32 v53, v31  }
0x207: {  	v33 =	vadd.f32 v62, v33  }
0x208: {  	[tilespmem:s17+$0xFFFFFFC0] =	vst v32;
	v49 =	vld [tilespmem:s18+$0x30];
	v47 =	vmul.f32 v56, v29;
	v34 =	vadd.f32 v45, v44  }
0x209: {  	v39 =	vld [tilespmem:s15+$0xFFFFFFD0];
	[tilespmem:s17+$0x30] =	vst v33;
	v51 =	vmul.f32 v60, v24;
	v52 =	vmul.f32 v63, v25  }
0x20a: {  	v48 =	vmul.f32 v58, v28;
	v53 =	vld [tilespmem:s15+$0x40];
	v50 =	vadd.f32 v47, v34  }
0x20b: {  	v54 =	vld [tilespmem:s23+$0x40];
	v55 =	vmul.f32 v46, v23;
	v34 =	vadd.f32 v52, v51  }
0x20c: {  	v56 =	vld [tilespmem:s14+$0x40];
	v32 =	vadd.f32 v48, v50  }
0x20d: {  	v57 =	vld [tilespmem:s13+$0x40];
	v59 =	vmul.f32 v49, v22;
	v58 =	vadd.f32 v55, v34  }
0x20e: {  	v46 =	vld [tilespmem:s23+$0xFFFFFFD0];
	[tilespmem:s22+$0xFFFFFFB0] =	vst v32  }
0x20f: {  	v32 =	vadd.f32 v59, v58;
	v60 =	vld [tilespmem:s20+$0xFFFFFFC0]  }
0x210: {  	v61 =	vld [tilespmem:s24+$0xFFFFFFC0]  }
0x211: {  	v36 =	vmul.f32 v53, v16;
	v40 =	vmul.f32 v54, v17;
	v62 =	vld [tilespmem:s19+$0xFFFFFFC0];
	[tilespmem:s22+$0x30] =	vst v32  }
0x212: {  	v32 =	vld [tilespmem:s20+$0x40]  }
0x213: {  	v35 =	vmul.f32 v56, v15;
	v36 =	vadd.f32 v40, v36;
	v45 =	vld [tilespmem:s24+$0x40]  }
0x214: {  	v63 =	vld [tilespmem:s18+$0xFFFFFFC0]  }
0x215: {  	v37 =	vmul.f32 v57, v14;
	v35 =	vadd.f32 v35, v36;
	v47 =	vld [tilespmem:s19+$0x40]  }
0x216: {  	v51 =	vld [tilespmem:s13+$0xFFFFFFD0];
	v34 =	vmul.f32 v60, v30;
	v38 =	vmul.f32 v61, v31  }
0x217: {  	v50 =	vld [tilespmem:s18+$0x40];
	v35 =	vadd.f32 v37, v35;
	v33 =	vmul.f32 v62, v29  }
0x218: {  	v48 =	vld [tilespmem:s14+$0xFFFFFFD0];
	v34 =	vadd.f32 v38, v34;
	v32 =	vmul.f32 v32, v24;
	v52 =	vmul.f32 v45, v25  }
0x219: {  	v53 =	vld [tilespmem:s11+$0x50];
	v49 =	vmul.f32 v63, v28  }
0x21a: {  	v54 =	vld [tilespmem:s12+$0x50];
	[tilespmem:s17+$0x40] =	vst v35;
	v55 =	vmul.f32 v47, v23;
	v33 =	vadd.f32 v33, v34;
	v32 =	vadd.f32 v52, v32  }
0x21b: {  	v56 =	vld [tilespmem:s15+$0x50]  }
0x21c: {  	v57 =	vld [tilespmem:s23+$0x50];
	v58 =	vmul.f32 v50, v22;
	v33 =	vadd.f32 v49, v33;
	v32 =	vadd.f32 v55, v32  }
0x21d: {  	v44 =	vmul.f32 v48, v21;
	v48 =	vld [tilespmem:s14+$0x50]  }
0x21e: {  	v11 =	vmul.f32 v53, v11;
	v53 =	vld [tilespmem:s13+$0x50];
	[tilespmem:s22+$0xFFFFFFC0] =	vst v33;
	v32 =	vadd.f32 v58, v32  }
0x21f: {  	v12 =	vmul.f32 v26, v12;
	v13 =	vmul.f32 v27, v13;
	v59 =	vld [tilespmem:s20+$0xFFFFFFD0]  }
0x220: {  	v60 =	vld [tilespmem:s24+$0xFFFFFFD0];
	[tilespmem:s22+$0x40] =	vst v32  }
0x221: {  	v12 =	vadd.f32 v13, v12;
	v45 =	vld [tilespmem:s20+$0x50]  }
0x222: {  	v61 =	vmul.f32 v39, v18;
	v62 =	vmul.f32 v46, v20;
	v46 =	vld [tilespmem:s24+$0x50]  }
0x223: {  	v10 =	vmul.f32 v54, v10;
	v11 =	vadd.f32 v11, v12;
	v63 =	vld [tilespmem:s19+$0xFFFFFFD0]  }
0x224: {  	v18 =	vadd.f32 v62, v61;
	v47 =	vmul.f32 v51, v19;
	v52 =	vmul.f32 v56, v16;
	v51 =	vld [tilespmem:s19+$0x50]  }
0x225: {  	v10 =	vadd.f32 v10, v11;
	v54 =	vmul.f32 v57, v17;
	v42 =	vld [tilespmem:s18+$0xFFFFFFD0];
	v49 =	vmul.f32 v59, v30  }
0x226: {  	v18 =	vadd.f32 v44, v18;
	v56 =	vld [tilespmem:s18+$0x50];
	v50 =	vmul.f32 v60, v31;
	v59 =	vmul.f32 v48, v15  }
0x227: {  	v16 =	vadd.f32 v54, v52;
	v57 =	vmul.f32 v45, v24;
	v58 =	vmul.f32 v46, v25  }
0x228: {  	v11 =	vmul.f32 v53, v14;
	v55 =	vmul.f32 v63, v29;
	v13 =	vadd.f32 v50, v49  }
0x229: {  	v61 =	vmul.f32 v51, v23;
	v62 =	vadd.f32 v59, v16;
	v12 =	vadd.f32 v58, v57  }
0x22a: {  	v18 =	vadd.f32 v47, v18;
	v60 =	vmul.f32 v42, v28;
	v13 =	vadd.f32 v55, v13  }
0x22b: {  	p1 =	seq.s32 s8, $0x47;
	[tilespmem:s10+$0x50] =	vst v10;
	v63 =	vmul.f32 v56, v22;
	v10 =	vadd.f32 v11, v62;
	v12 =	vadd.f32 v61, v12  }
.Ltmp1:
0x22c: {  	s25 =	sshll.u32 s8, $0xE;
	[tilespmem:s17+$0xFFFFFFD0] =	vst v18;
	v13 =	vadd.f32 v60, v13;
	(pc) =	sbr.rel @p1 .LBB2_6-.Ltmp1, $4  }
0x22d: {  	s10 =	sadd.s32 s6, s25;
	[tilespmem:s17+$0x50] =	vst v10;
	v11 =	vadd.f32 v63, v12  }
0x22e: {  	s10 =	sshrl.u32 s10, $0x3;
	[tilespmem:s22+$0xFFFFFFD0] =	vst v13  }
0x22f: {  	s10 =	sadd.s32 s4, s10;
	[tilespmem:s22+$0x50] =	vst v11  }
0x230: {  	[hbm4b:s10+s2] =	stream.linear.scatter [tilespmem:s0], [sflag:$0x3], $0x2000, $0x38;
	[tilespmem:$0x19000] =	vst v63  }
0x231: {  	s10 =	sshll.u32 s16, $0x7  }
0x232: {  	s10 =	sadd.s32 $0x100, s10  }
0x233: {  	v10 =	vor.u32 s10, v2  }
0x234: {  	v11 =	vor.u32 s10, v0;
	_ =	sdelay $0x3  }
0x235: {  	v10 =	vld.idx.msk [tilespmem:v10+s2+$0x0], $0xffff  }
0x236: {  	v11 =	vld.idx.msk [tilespmem:v11+s2+$0x0], $0xffff;
	_ =	sdelay $0x3  }
0x237: {  	v10 =	vadd.f32 $1.000000000e+00, v10  }
0x238: {  	v11 =	vadd.f32 $1.000000000e+00, v11  }
0x239: {  	v10 =	vmul.f32 $1.920000000e+02, v10  }
0x23a: {  	v11 =	vmul.f32 $1.920000000e+02, v11  }
0x23b: {  	v10 =	vadd.f32 $-5.000000000e-01, v10  }
0x23c: {  	v11 =	vadd.f32 $-5.000000000e-01, v11  }
0x23d: {  	v12 =	vtrunc.f32 v10  }
0x23e: {  	v22 =	vtrunc.f32 v11;
	v13 =	vcvt.f32.s32 v12  }
0x23f: {  	vm0 =	vlt.f32 v10, v12;
	v15 =	vcvt.f32.s32 v22;
	vm13 =	vlt.f32 v11, v22  }
0x240: {  	v14 =	vsel vm0, $0xFFFFFFFF, v3;
	v24 =	vsel vm13, $0xFFFFFFFF, v3  }
0x241: {  	v23 =	vadd.s32 v13, v14;
	v13 =	vadd.s32 v15, v24  }
0x242: {  	v14 =	vcvt.s32.f32 v23;
	v15 =	vcvt.s32.f32 v13  }
0x243: {  	vm14 =	vlt.u32 v23, $0x180;
	v25 =	vadd.s32 $0x1, v23;
	vm15 =	vgt.s32 v23, $0x0  }
0x244: {  	v18 =	vadd.s32 $0x1, v13;
	vm5 =	vgt.s32 v13, $0x0;
	vm7 =	vlt.u32 v13, $0x180  }
0x245: {  	v12 =	vnsel vm15, $0x0, v23;
	vm4 =	vgt.s32 v25, $0x0;
	v20 =	vnsel vm5, $0x0, v13  }
0x246: {  	vm6 =	vgt.s32 v18, $0x0;
	vm8 =	vlt.u32 v18, $0x180;
	vm9 =	vlt.u32 v25, $0x180  }
0x247: {  	v16 =	vadd.f32 $1.000000000e+00, v14;
	v17 =	vadd.f32 $1.000000000e+00, v15;
	v12 =	vmin.u32 v12, $0x17F  }
0x248: {  	v15 =	vsub.f32 v11, v15;
	v19 =	vnsel vm4, $0x0, v25;
	v12 =	vmul.u32 $0x180, v12  }
0x249: {  	v21 =	vnsel vm6, $0x0, v18;
	v27 =	vmin.u32 v20, $0x17F;
	v26 =	vmin.u32 v19, $0x17F  }
0x24a: {  	v28 =	vmin.u32 v21, $0x17F;
	v13 =	vmul.u32 $0x180, v26;
	v12 =	vadd.s32 v1, v12  }
0x24b: {  	v16 =	vsub.f32 v16, v10;
	v11 =	vsub.f32 v17, v11;
	v29 =	vadd.s32 v27, v12  }
0x24c: {  	v10 =	vsub.f32 v10, v14;
	v13 =	vadd.s32 v1, v13;
	v12 =	vadd.s32 v28, v12;
	[tilespmem:$0x4800] =	vst v29  }
0x24d: {  	v16 =	vnsel vm14, $0x0, v16;
	v11 =	vnsel vm7, $0x0, v11;
	[tilespmem:$0x4900] =	vst v12;
	v31 =	vadd.s32 v27, v13  }
0x24e: {  	v30 =	vnsel vm8, $0x0, v15;
	v32 =	vadd.s32 v28, v13;
	v33 =	vmul.f32 v16, v11;
	[tilespmem:$0x4A00] =	vst v31  }
0x24f: {  	v35 =	vor.u32 s10, v5;
	v10 =	vnsel vm9, $0x0, v10;
	v34 =	vmul.f32 v16, v30;
	[tilespmem:$0x4B00] =	vst v32  }
0x250: {  	v36 =	vor.u32 s10, v4;
	v11 =	vmul.f32 v11, v10;
	[tilespmem:$0x4C00] =	vst v33  }
0x251: {  	v10 =	vmul.f32 v10, v30;
	[tilespmem:$0x4D00] =	vst v34  }
0x252: {  	[tilespmem:$0x4E00] =	vst v11  }
0x253: {  	[tilespmem:$0x4F00] =	vst v10  }
0x254: {  	v10 =	vld.idx.msk [tilespmem:v35+s2+$0x0], $0xffff  }
0x255: {  	v11 =	vld.idx.msk [tilespmem:v36+s2+$0x0], $0xffff;
	_ =	sdelay $0x3  }
0x256: {  	v10 =	vadd.f32 $1.000000000e+00, v10  }
0x257: {  	v11 =	vadd.f32 $1.000000000e+00, v11  }
0x258: {  	v10 =	vmul.f32 $1.920000000e+02, v10  }
0x259: {  	v11 =	vmul.f32 $1.920000000e+02, v11  }
0x25a: {  	v10 =	vadd.f32 $-5.000000000e-01, v10  }
0x25b: {  	v11 =	vadd.f32 $-5.000000000e-01, v11  }
0x25c: {  	v37 =	vtrunc.f32 v10  }
0x25d: {  	v39 =	vtrunc.f32 v11;
	v38 =	vcvt.f32.s32 v37  }
0x25e: {  	vm10 =	vlt.f32 v10, v37;
	v41 =	vcvt.f32.s32 v39;
	vm11 =	vlt.f32 v11, v39  }
0x25f: {  	v40 =	vsel vm10, $0xFFFFFFFF, v3;
	v43 =	vsel vm11, $0xFFFFFFFF, v3  }
0x260: {  	v42 =	vadd.s32 v38, v40;
	v13 =	vadd.s32 v41, v43  }
0x261: {  	v14 =	vcvt.s32.f32 v42;
	v15 =	vcvt.s32.f32 v13  }
0x262: {  	vm12 =	vlt.u32 v42, $0x180;
	v46 =	vadd.s32 $0x1, v42;
	vm13 =	vgt.s32 v42, $0x0  }
0x263: {  	v47 =	vadd.s32 $0x1, v13;
	vm15 =	vgt.s32 v13, $0x0;
	vm5 =	vlt.u32 v13, $0x180  }
0x264: {  	v12 =	vnsel vm13, $0x0, v42;
	vm14 =	vgt.s32 v46, $0x0;
	v49 =	vnsel vm15, $0x0, v13  }
0x265: {  	vm4 =	vgt.s32 v47, $0x0;
	vm6 =	vlt.u32 v47, $0x180;
	vm7 =	vlt.u32 v46, $0x180  }
0x266: {  	v44 =	vadd.f32 $1.000000000e+00, v14;
	v45 =	vadd.f32 $1.000000000e+00, v15;
	v12 =	vmin.u32 v12, $0x17F  }
0x267: {  	v15 =	vsub.f32 v11, v15;
	v48 =	vnsel vm14, $0x0, v46;
	v12 =	vmul.u32 $0x180, v12  }
0x268: {  	v50 =	vnsel vm4, $0x0, v47;
	v52 =	vmin.u32 v49, $0x17F;
	v51 =	vmin.u32 v48, $0x17F  }
0x269: {  	v53 =	vmin.u32 v50, $0x17F;
	v13 =	vmul.u32 $0x180, v51;
	v12 =	vadd.s32 v1, v12  }
0x26a: {  	v16 =	vsub.f32 v44, v10;
	v11 =	vsub.f32 v45, v11;
	v54 =	vadd.s32 v52, v12  }
0x26b: {  	v10 =	vsub.f32 v10, v14;
	v13 =	vadd.s32 v1, v13;
	v12 =	vadd.s32 v53, v12;
	[tilespmem:$0x4810] =	vst v54  }
0x26c: {  	v16 =	vnsel vm12, $0x0, v16;
	v11 =	vnsel vm5, $0x0, v11;
	[tilespmem:$0x4910] =	vst v12;
	v56 =	vadd.s32 v52, v13  }
0x26d: {  	v55 =	vnsel vm6, $0x0, v15;
	v57 =	vadd.s32 v53, v13;
	v58 =	vmul.f32 v16, v11;
	[tilespmem:$0x4A10] =	vst v56  }
0x26e: {  	v60 =	vor.u32 s10, v7;
	v10 =	vnsel vm7, $0x0, v10;
	v59 =	vmul.f32 v16, v55;
	[tilespmem:$0x4B10] =	vst v57  }
0x26f: {  	v61 =	vor.u32 s10, v6;
	v11 =	vmul.f32 v11, v10;
	[tilespmem:$0x4C10] =	vst v58  }
0x270: {  	v10 =	vmul.f32 v10, v55;
	[tilespmem:$0x4D10] =	vst v59  }
0x271: {  	[tilespmem:$0x4E10] =	vst v11  }
0x272: {  	[tilespmem:$0x4F10] =	vst v10  }
0x273: {  	v10 =	vld.idx.msk [tilespmem:v60+s2+$0x0], $0xffff  }
0x274: {  	v11 =	vld.idx.msk [tilespmem:v61+s2+$0x0], $0xffff;
	_ =	sdelay $0x3  }
0x275: {  	v10 =	vadd.f32 $1.000000000e+00, v10  }
0x276: {  	v11 =	vadd.f32 $1.000000000e+00, v11  }
0x277: {  	v10 =	vmul.f32 $1.920000000e+02, v10  }
0x278: {  	v11 =	vmul.f32 $1.920000000e+02, v11  }
0x279: {  	v10 =	vadd.f32 $-5.000000000e-01, v10  }
0x27a: {  	v11 =	vadd.f32 $-5.000000000e-01, v11  }
0x27b: {  	v62 =	vtrunc.f32 v10  }
0x27c: {  	v18 =	vtrunc.f32 v11;
	v63 =	vcvt.f32.s32 v62  }
0x27d: {  	vm8 =	vlt.f32 v10, v62;
	v20 =	vcvt.f32.s32 v18;
	vm9 =	vlt.f32 v11, v18  }
0x27e: {  	v19 =	vsel vm8, $0xFFFFFFFF, v3;
	v22 =	vsel vm9, $0xFFFFFFFF, v3  }
0x27f: {  	v21 =	vadd.s32 v63, v19;
	v13 =	vadd.s32 v20, v22  }
0x280: {  	v14 =	vcvt.s32.f32 v21;
	v15 =	vcvt.s32.f32 v13  }
0x281: {  	vm10 =	vlt.u32 v21, $0x180;
	v25 =	vadd.s32 $0x1, v21;
	vm11 =	vgt.s32 v21, $0x0  }
0x282: {  	v26 =	vadd.s32 $0x1, v13;
	vm13 =	vgt.s32 v13, $0x0;
	vm15 =	vlt.u32 v13, $0x180  }
0x283: {  	v12 =	vnsel vm11, $0x0, v21;
	vm12 =	vgt.s32 v25, $0x0;
	v28 =	vnsel vm13, $0x0, v13  }
0x284: {  	vm14 =	vgt.s32 v26, $0x0;
	vm4 =	vlt.u32 v26, $0x180;
	vm5 =	vlt.u32 v25, $0x180  }
0x285: {  	v23 =	vadd.f32 $1.000000000e+00, v14;
	v24 =	vadd.f32 $1.000000000e+00, v15;
	v12 =	vmin.u32 v12, $0x17F  }
0x286: {  	v15 =	vsub.f32 v11, v15;
	v27 =	vnsel vm12, $0x0, v25;
	v12 =	vmul.u32 $0x180, v12  }
0x287: {  	v29 =	vnsel vm14, $0x0, v26;
	v31 =	vmin.u32 v28, $0x17F;
	v30 =	vmin.u32 v27, $0x17F  }
0x288: {  	v32 =	vmin.u32 v29, $0x17F;
	v13 =	vmul.u32 $0x180, v30;
	v12 =	vadd.s32 v1, v12  }
0x289: {  	v16 =	vsub.f32 v23, v10;
	v11 =	vsub.f32 v24, v11;
	v33 =	vadd.s32 v31, v12  }
0x28a: {  	v10 =	vsub.f32 v10, v14;
	v13 =	vadd.s32 v1, v13;
	v12 =	vadd.s32 v32, v12;
	[tilespmem:$0x4820] =	vst v33  }
0x28b: {  	v16 =	vnsel vm10, $0x0, v16;
	v11 =	vnsel vm15, $0x0, v11;
	[tilespmem:$0x4920] =	vst v12;
	v35 =	vadd.s32 v31, v13  }
0x28c: {  	v34 =	vnsel vm4, $0x0, v15;
	v36 =	vadd.s32 v32, v13;
	v37 =	vmul.f32 v16, v11;
	[tilespmem:$0x4A20] =	vst v35  }
0x28d: {  	v39 =	vor.u32 s10, v9;
	v10 =	vnsel vm5, $0x0, v10;
	v38 =	vmul.f32 v16, v34;
	[tilespmem:$0x4B20] =	vst v36  }
0x28e: {  	v40 =	vor.u32 s10, v8;
	v11 =	vmul.f32 v11, v10;
	[tilespmem:$0x4C20] =	vst v37  }
0x28f: {  	v10 =	vmul.f32 v10, v34;
	[tilespmem:$0x4D20] =	vst v38  }
0x290: {  	[tilespmem:$0x4E20] =	vst v11  }
0x291: {  	[tilespmem:$0x4F20] =	vst v10  }
0x292: {  	v10 =	vld.idx.msk [tilespmem:v39+s2+$0x0], $0xffff  }
0x293: {  	v11 =	vld.idx.msk [tilespmem:v40+s2+$0x0], $0xffff;
	_ =	sdelay $0x3  }
0x294: {  	v10 =	vadd.f32 $1.000000000e+00, v10  }
0x295: {  	v11 =	vadd.f32 $1.000000000e+00, v11  }
0x296: {  	v10 =	vmul.f32 $1.920000000e+02, v10  }
0x297: {  	v11 =	vmul.f32 $1.920000000e+02, v11  }
0x298: {  	v10 =	vadd.f32 $-5.000000000e-01, v10  }
0x299: {  	v11 =	vadd.f32 $-5.000000000e-01, v11  }
0x29a: {  	v41 =	vtrunc.f32 v10  }
0x29b: {  	v43 =	vtrunc.f32 v11;
	v42 =	vcvt.f32.s32 v41  }
0x29c: {  	vm6 =	vlt.f32 v10, v41;
	v45 =	vcvt.f32.s32 v43;
	vm7 =	vlt.f32 v11, v43  }
0x29d: {  	v44 =	vsel vm6, $0xFFFFFFFF, v3;
	v47 =	vsel vm7, $0xFFFFFFFF, v3  }
0x29e: {  	v46 =	vadd.s32 v42, v44;
	v13 =	vadd.s32 v45, v47  }
0x29f: {  	v14 =	vcvt.s32.f32 v46;
	v15 =	vcvt.s32.f32 v13  }
0x2a0: {  	vm8 =	vlt.u32 v46, $0x180;
	v50 =	vadd.s32 $0x1, v46;
	vm9 =	vgt.s32 v46, $0x0  }
0x2a1: {  	v51 =	vadd.s32 $0x1, v13;
	vm11 =	vgt.s32 v13, $0x0;
	vm13 =	vlt.u32 v13, $0x180  }
0x2a2: {  	v12 =	vnsel vm9, $0x0, v46;
	vm10 =	vgt.s32 v50, $0x0;
	v53 =	vnsel vm11, $0x0, v13  }
0x2a3: {  	vm12 =	vgt.s32 v51, $0x0;
	vm14 =	vlt.u32 v51, $0x180;
	vm15 =	vlt.u32 v50, $0x180  }
0x2a4: {  	v48 =	vadd.f32 $1.000000000e+00, v14;
	v49 =	vadd.f32 $1.000000000e+00, v15;
	v12 =	vmin.u32 v12, $0x17F  }
0x2a5: {  	v15 =	vsub.f32 v11, v15;
	v52 =	vnsel vm10, $0x0, v50;
	v12 =	vmul.u32 $0x180, v12  }
0x2a6: {  	v54 =	vnsel vm12, $0x0, v51;
	v56 =	vmin.u32 v53, $0x17F;
	v55 =	vmin.u32 v52, $0x17F  }
0x2a7: {  	v57 =	vmin.u32 v54, $0x17F;
	v13 =	vmul.u32 $0x180, v55;
	v12 =	vadd.s32 v1, v12  }
0x2a8: {  	v16 =	vsub.f32 v48, v10;
	v11 =	vsub.f32 v49, v11;
	v58 =	vadd.s32 v56, v12  }
0x2a9: {  	v10 =	vsub.f32 v10, v14;
	v13 =	vadd.s32 v1, v13;
	v12 =	vadd.s32 v57, v12;
	[tilespmem:$0x4830] =	vst v58  }
0x2aa: {  	v16 =	vnsel vm8, $0x0, v16;
	v11 =	vnsel vm13, $0x0, v11;
	[tilespmem:$0x4930] =	vst v12;
	v60 =	vadd.s32 v56, v13  }
0x2ab: {  	v59 =	vnsel vm14, $0x0, v15;
	v61 =	vadd.s32 v57, v13;
	v62 =	vmul.f32 v16, v11;
	[tilespmem:$0x4A30] =	vst v60  }
0x2ac: {  	v10 =	vnsel vm15, $0x0, v10;
	v63 =	vmul.f32 v16, v59;
	[tilespmem:$0x4B30] =	vst v61  }
0x2ad: {  	v11 =	vmul.f32 v11, v10;
	[tilespmem:$0x4C30] =	vst v62  }
0x2ae: {  	v10 =	vmul.f32 v10, v59;
	[tilespmem:$0x4D30] =	vst v63  }
0x2af: {  	[tilespmem:$0x4E30] =	vst v11  }
0x2b0: {  	s19 =	simm.s32 $0x4800;
	s11 =	simm.s32 $0x5000;
	[tilespmem:$0x4F30] =	vst v10  }
0x2b1: {  	[tilespmem:s11], [sflag:$0x1] =	stream.indirect.gather [hbm4b:s3+s9], $0x80, s19, s9, $0xb8;
	[tilespmem:$0x19000] =	vst v63  }
0x2b2: {  	s20 =	simm.s32 $0x4900;
	s21 =	simm.s32 $0x9000  }
0x2b3: {  	[tilespmem:s21], [sflag:$0x1] =	stream.indirect.gather [hbm4b:s3+s9], $0x80, s20, s9, $0xb8;
	[tilespmem:$0x19000] =	vst v63  }
0x2b4: {  	s22 =	simm.s32 $0x4A00;
	s23 =	simm.s32 $0xD000  }
0x2b5: {  	[tilespmem:s23], [sflag:$0x1] =	stream.indirect.gather [hbm4b:s3+s9], $0x80, s22, s9, $0xb8;
	[tilespmem:$0x19000] =	vst v63  }
0x2b6: {  	s24 =	simm.s32 $0x4B00;
	s25 =	simm.s32 $0x11000  }
0x2b7: {  	[tilespmem:s25], [sflag:$0x1] =	stream.indirect.gather [hbm4b:s3+s9], $0x80, s24, s9, $0xb8;
	[tilespmem:$0x19000] =	vst v63  }
.LBB2_6:
0x2b8: {  	_ =	swait.ge [sflag:s1], $0x2000  }
0x2b9: {  	[sflag:s1] =	ssyncset.done $0x0  }
0x2ba: {  	[sflag:s1] =	ssyncadd.s32 $0xFFFFE000  }
0x2bb: {  	_ =	swait.ge [sflag:s1], $0x2000  }
0x2bc: {  	[sflag:s1] =	ssyncset.done $0x0  }
0x2bd: {  	[sflag:s1] =	ssyncadd.s32 $0xFFFFE000  }
0x2be: {  	s10 =	simm.s32 $0x1;
	_ =	swait.ge [sflag:s1], $0x2000  }
0x2bf: {  	v10 =	vmov s10;
	[sflag:s1] =	ssyncset.done $0x0  }
0x2c0: {  	v10 =	vand.u32 $0x7F, v10;
	[sflag:s1] =	ssyncadd.s32 $0xFFFFE000  }
0x2c1: {  	v10 =	vor.u32 $0x80, v10;
	_ =	swait.ge [sflag:s1], $0x2000  }
0x2c2: {  	v10 =	vbroadcast v10, $0x0;
	[sflag:s1] =	ssyncset.done $0x0  }
0x2c3: {  	s10 =	simm.s32 @!p0 $0x4;
	[sflag:s1] =	ssyncadd.s32 $0xFFFFE000  }
0x2c4: {  	_ =	swait.ge @!p0 [sflag:s10], $0x2000  }
0x2c5: {  	[sflag:s10] =	ssyncset.done @!p0 $0x0  }
0x2c6: {  	s23 =	simm.s32 $0x0;
	s15 =	simm.s32 $0x70D0;
	[sflag:s10] =	ssyncadd.s32 @!p0 $0xFFFFE000  }
0x2c7: {  	v11 =	vmov s23;
	v12 =	vld [tilespmem:s15+$0xFFFFFFB0]  }
0x2c8: {  	v11 =	vand.u32 $0x7E, v11;
	v23 =	vld.idx.msk [tilespmem:v10+s28+$0x0], $0xffff  }
0x2c9: {  	s14 =	simm.s32 $0xB0D0;
	v11 =	vor.u32 $0x80, v11;
	v26 =	vld.idx.msk [tilespmem:v10+s29+$0x0], $0xffff  }
0x2ca: {  	s11 =	simm.s32 $0xF0D0;
	v13 =	vbroadcast v11, $0x0;
	v11 =	vld [tilespmem:s14+$0xFFFFFFB0]  }
0x2cb: {  	v14 =	vld [tilespmem:s11+$0xFFFFFFB0]  }
0x2cc: {  	s12 =	simm.s32 $0x130D0;
	v24 =	vld.idx.msk [tilespmem:v10+s30+$0x0], $0xffff  }
0x2cd: {  	v15 =	vld [tilespmem:s12+$0xFFFFFFB0]  }
0x2ce: {  	v25 =	vld.idx.msk [tilespmem:v10+s31+$0x0], $0xffff  }
0x2cf: {  	v12 =	vmul.f32 v12, v23;
	v16 =	vmul.f32 v11, v26  }
0x2d0: {  	v10 =	vld.idx.msk [tilespmem:v13+s31+$0x0], $0xffff  }
0x2d1: {  	v17 =	vld [tilespmem:s14+$0xFFFFFF30];
	v14 =	vmul.f32 v14, v24;
	v16 =	vadd.f32 v16, v12  }
0x2d2: {  	v11 =	vld.idx.msk [tilespmem:v13+s30+$0x0], $0xffff  }
0x2d3: {  	v15 =	vmul.f32 v15, v25;
	v12 =	vld.idx.msk [tilespmem:v13+s28+$0x0], $0xffff;
	v14 =	vadd.f32 v14, v16  }
0x2d4: {  	v13 =	vld.idx.msk [tilespmem:v13+s29+$0x0], $0xffff  }
0x2d5: {  	v16 =	vld [tilespmem:s15+$0xFFFFFF30];
	v14 =	vadd.f32 v15, v14  }
0x2d6: {  	s10 =	simm.s32 $0x170D0;
	v18 =	vld [tilespmem:s12+$0xFFFFFF30]  }
0x2d7: {  	v15 =	vld [tilespmem:s11+$0xFFFFFF30];
	[tilespmem:s10+$0xFFFFFFB0] =	vst v14  }
0x2d8: {  	v14 =	vld [tilespmem:s15+$0xFFFFFFC0]  }
0x2d9: {  	v19 =	vld [tilespmem:s14+$0xFFFFFFC0]  }
0x2da: {  	v17 =	vmul.f32 v17, v13;
	v16 =	vmul.f32 v16, v12  }
0x2db: {  	v20 =	vld [tilespmem:s11+$0xFFFFFFC0]  }
0x2dc: {  	v16 =	vadd.f32 v17, v16;
	v15 =	vmul.f32 v15, v11  }
0x2dd: {  	v17 =	vmul.f32 v18, v10;
	v18 =	vld [tilespmem:s12+$0xFFFFFFC0]  }
0x2de: {  	v15 =	vadd.f32 v15, v16;
	v14 =	vmul.f32 v14, v23;
	v16 =	vmul.f32 v19, v26;
	_ =	sdelay $0x1  }
0x2df: {  	v15 =	vadd.f32 v17, v15;
	v14 =	vadd.f32 v16, v14;
	v16 =	vmul.f32 v20, v24;
	_ =	sdelay $0x1  }
0x2e0: {  	[tilespmem:s10+$0xFFFFFF30] =	vst v15;
	v15 =	vmul.f32 v18, v25;
	v14 =	vadd.f32 v16, v14  }
0x2e1: {  	v16 =	vld [tilespmem:s15+$0xFFFFFF40]  }
0x2e2: {  	v17 =	vld [tilespmem:s14+$0xFFFFFF40];
	v14 =	vadd.f32 v15, v14  }
0x2e3: {  	v18 =	vld [tilespmem:s12+$0xFFFFFF40]  }
0x2e4: {  	v15 =	vld [tilespmem:s11+$0xFFFFFF40];
	[tilespmem:s10+$0xFFFFFFC0] =	vst v14  }
0x2e5: {  	v14 =	vld [tilespmem:s15+$0xFFFFFFD0]  }
0x2e6: {  	v20 =	vld [tilespmem:s14+$0xFFFFFFD0]  }
0x2e7: {  	s13 =	simm.s32 $0x2;
	v16 =	vmul.f32 v16, v12;
	v17 =	vmul.f32 v17, v13  }
0x2e8: {  	v19 =	vmov s13;
	v21 =	vld [tilespmem:s11+$0xFFFFFFD0]  }
0x2e9: {  	v19 =	vand.u32 $0x7E, v19;
	v15 =	vmul.f32 v15, v11;
	v16 =	vadd.f32 v17, v16  }
0x2ea: {  	v19 =	vor.u32 $0x80, v19;
	v17 =	vmul.f32 v18, v10;
	v18 =	vld [tilespmem:s12+$0xFFFFFFD0]  }
0x2eb: {  	v15 =	vadd.f32 v15, v16;
	v14 =	vmul.f32 v14, v23;
	v16 =	vmul.f32 v20, v26  }
0x2ec: {  	v19 =	vbroadcast v19, $0x0  }
0x2ed: {  	v15 =	vadd.f32 v17, v15;
	v17 =	vmul.f32 v21, v24;
	v16 =	vadd.f32 v16, v14  }
0x2ee: {  	s20 =	simm.s32 $0x71D0  }
0x2ef: {  	s22 =	simm.s32 $0xF1D0;
	v32 =	vld [tilespmem:s20+$0xFFFFFFB0];
	[tilespmem:s10+$0xFFFFFF40] =	vst v15;
	v15 =	vadd.f32 v17, v16;
	v16 =	vmul.f32 v18, v25  }
0x2f0: {  	v33 =	vld [tilespmem:s22+$0xFFFFFFB0];
	s13 =	simm.s32 $0x131D0  }
0x2f1: {  	v35 =	vld [tilespmem:s13+$0xFFFFFFB0];
	v15 =	vadd.f32 v16, v15  }
0x2f2: {  	s24 =	simm.s32 $0x3;
	v14 =	vld.idx.msk [tilespmem:v19+s31+$0x0], $0xffff  }
0x2f3: {  	v22 =	vld [tilespmem:s15+$0xFFFFFF50];
	[tilespmem:s10+$0xFFFFFFD0] =	vst v15;
	v15 =	vmov s24  }
0x2f4: {  	v18 =	vld [tilespmem:s15+$0xFFFFFFE0];
	v15 =	vand.u32 $0x7F, v15  }
0x2f5: {  	v20 =	vld [tilespmem:s14+$0xFFFFFFE0];
	v16 =	vor.u32 $0x80, v15  }
0x2f6: {  	v17 =	vld.idx.msk [tilespmem:v19+s29+$0x0], $0xffff;
	v30 =	vbroadcast v16, $0x0  }
0x2f7: {  	v21 =	vld [tilespmem:s11+$0xFFFFFFE0]  }
0x2f8: {  	v31 =	vld [tilespmem:s12+$0xFFFFFFE0]  }
0x2f9: {  	v15 =	vld.idx.msk [tilespmem:v19+s30+$0x0], $0xffff  }
0x2fa: {  	v16 =	vld.idx.msk [tilespmem:v19+s28+$0x0], $0xffff;
	v18 =	vmul.f32 v18, v23;
	v19 =	vmul.f32 v20, v26  }
0x2fb: {  	v27 =	vld [tilespmem:s14+$0xFFFFFF50]  }
0x2fc: {  	v20 =	vmul.f32 v21, v24;
	v19 =	vadd.f32 v19, v18;
	v18 =	vld.idx.msk [tilespmem:v30+s28+$0x0], $0xffff  }
0x2fd: {  	s21 =	simm.s32 $0xB1D0;
	v21 =	vld.idx.msk [tilespmem:v30+s29+$0x0], $0xffff  }
0x2fe: {  	v19 =	vadd.f32 v20, v19;
	v20 =	vmul.f32 v31, v25;
	v31 =	vld [tilespmem:s21+$0xFFFFFFB0]  }
0x2ff: {  	v28 =	vld [tilespmem:s11+$0xFFFFFF50]  }
0x300: {  	v34 =	vadd.f32 v20, v19;
	v20 =	vld.idx.msk [tilespmem:v30+s30+$0x0], $0xffff  }
0x301: {  	v29 =	vld [tilespmem:s12+$0xFFFFFF50]  }
0x302: {  	v22 =	vmul.f32 v22, v12;
	v27 =	vmul.f32 v27, v13;
	v19 =	vld.idx.msk [tilespmem:v30+s31+$0x0], $0xffff;
	[tilespmem:s10+$0xFFFFFFE0] =	vst v34  }
0x303: {  	v32 =	vmul.f32 v32, v18;
	v30 =	vld [tilespmem:s15+$0xFFFFFFF0];
	v31 =	vmul.f32 v31, v21  }
0x304: {  	v28 =	vmul.f32 v28, v11;
	v22 =	vadd.f32 v27, v22;
	v27 =	vld [tilespmem:s14+$0xFFFFFFF0]  }
0x305: {  	v62 =	vld [tilespmem:s20+$0xFFFFFF30];
	v31 =	vadd.f32 v31, v32;
	v63 =	vmul.f32 v33, v20  }
0x306: {  	v29 =	vmul.f32 v29, v10;
	v22 =	vadd.f32 v28, v22;
	v28 =	vld [tilespmem:s11+$0xFFFFFFF0]  }
0x307: {  	v36 =	vld [tilespmem:s21+$0xFFFFFF30];
	v35 =	vmul.f32 v35, v19;
	v31 =	vadd.f32 v63, v31  }
0x308: {  	v22 =	vadd.f32 v29, v22;
	v29 =	vld [tilespmem:s12+$0xFFFFFFF0]  }
0x309: {  	v37 =	vld [tilespmem:s22+$0xFFFFFF30];
	v30 =	vmul.f32 v30, v23;
	v27 =	vmul.f32 v27, v26;
	v31 =	vadd.f32 v35, v31  }
0x30a: {  	s16 =	simm.s32 $0x171D0;
	[tilespmem:s10+$0xFFFFFF50] =	vst v22;
	v22 =	vld [tilespmem:s13+$0xFFFFFF30]  }
0x30b: {  	v38 =	vld [tilespmem:s15+$0xFFFFFF60];
	v28 =	vmul.f32 v28, v24;
	v27 =	vadd.f32 v27, v30;
	[tilespmem:s16+$0xFFFFFFB0] =	vst v31  }
0x30c: {  	v30 =	vmul.f32 v62, v16;
	v31 =	vmul.f32 v36, v17;
	v39 =	vld [tilespmem:s20+$0xFFFFFFC0]  }
0x30d: {  	v27 =	vadd.f32 v28, v27;
	v28 =	vmul.f32 v29, v25;
	v29 =	vld [tilespmem:s21+$0xFFFFFFC0]  }
0x30e: {  	v40 =	vld [tilespmem:s14+$0xFFFFFF60];
	v30 =	vadd.f32 v31, v30;
	v31 =	vmul.f32 v37, v15  }
0x30f: {  	v27 =	vadd.f32 v28, v27;
	v28 =	vld [tilespmem:s22+$0xFFFFFFC0]  }
0x310: {  	v41 =	vld [tilespmem:s11+$0xFFFFFF60];
	v22 =	vmul.f32 v22, v14;
	v30 =	vadd.f32 v31, v30  }
0x311: {  	v31 =	vld [tilespmem:s13+$0xFFFFFFC0]  }
0x312: {  	v43 =	vld [tilespmem:s12+$0xFFFFFF60];
	[tilespmem:s10+$0xFFFFFFF0] =	vst v27;
	v22 =	vadd.f32 v22, v30;
	v30 =	vmul.f32 v39, v18;
	v29 =	vmul.f32 v29, v21  }
0x313: {  	v42 =	vmul.f32 v38, v12;
	v34 =	vmul.f32 v40, v13;
	v27 =	vld [tilespmem:s15+$0x0]  }
0x314: {  	v36 =	vld [tilespmem:s14+$0x0];
	[tilespmem:s16+$0xFFFFFF30] =	vst v22;
	v22 =	vadd.f32 v29, v30;
	v28 =	vmul.f32 v28, v20  }
0x315: {  	v44 =	vadd.f32 v34, v42;
	v30 =	vld [tilespmem:s20+$0xFFFFFF40]  }
0x316: {  	v29 =	vmul.f32 v41, v11;
	v31 =	vmul.f32 v31, v19;
	v45 =	vld [tilespmem:s21+$0xFFFFFF40];
	v22 =	vadd.f32 v28, v22  }
0x317: {  	v46 =	vld [tilespmem:s22+$0xFFFFFF40]  }
0x318: {  	v47 =	vmul.f32 v43, v10;
	v48 =	vld [tilespmem:s13+$0xFFFFFF40];
	v29 =	vadd.f32 v29, v44;
	v22 =	vadd.f32 v31, v22  }
0x319: {  	s17 =	simm.s32 $0x4;
	v28 =	vld [tilespmem:s11+$0x0]  }
0x31a: {  	v49 =	vmov s17;
	v31 =	vld [tilespmem:s12+$0x0];
	v29 =	vadd.f32 v47, v29;
	[tilespmem:s16+$0xFFFFFFC0] =	vst v22  }
0x31b: {  	v22 =	vmul.f32 v30, v16;
	v30 =	vand.u32 $0x7E, v49;
	v33 =	vmul.f32 v45, v17;
	v50 =	vld [tilespmem:s20+$0xFFFFFFD0]  }
0x31c: {  	[tilespmem:s10+$0xFFFFFF60] =	vst v29;
	v29 =	vor.u32 $0x80, v30;
	v30 =	vld [tilespmem:s21+$0xFFFFFFD0]  }
0x31d: {  	v32 =	vmul.f32 v46, v15;
	v51 =	vld [tilespmem:s15+$0xFFFFFF70];
	v29 =	vbroadcast v29, $0x0;
	v22 =	vadd.f32 v33, v22  }
0x31e: {  	v37 =	vld [tilespmem:s22+$0xFFFFFFD0]  }
0x31f: {  	v35 =	vmul.f32 v48, v14;
	v52 =	vld [tilespmem:s14+$0xFFFFFF70];
	v22 =	vadd.f32 v32, v22  }
0x320: {  	v38 =	vld [tilespmem:s13+$0xFFFFFFD0]  }
0x321: {  	v53 =	vld [tilespmem:s11+$0xFFFFFF70];
	v22 =	vadd.f32 v35, v22;
	v34 =	vmul.f32 v50, v18;
	v30 =	vmul.f32 v30, v21  }
0x322: {  	v23 =	vmul.f32 v27, v23;
	v39 =	vld [tilespmem:s12+$0xFFFFFF70]  }
0x323: {  	v54 =	vmul.f32 v37, v20;
	[tilespmem:s16+$0xFFFFFF40] =	vst v22;
	v22 =	vld.idx.msk [tilespmem:v29+s31+$0x0], $0xffff;
	v30 =	vadd.f32 v30, v34  }
0x324: {  	v26 =	vmul.f32 v36, v26;
	v33 =	vmul.f32 v51, v12;
	v55 =	vld [tilespmem:s20+$0xFFFFFF50]  }
0x325: {  	v32 =	vmul.f32 v52, v13;
	v38 =	vmul.f32 v38, v19;
	v56 =	vld [tilespmem:s21+$0xFFFFFF50];
	v30 =	vadd.f32 v54, v30  }
0x326: {  	v26 =	vadd.f32 v26, v23;
	v28 =	vmul.f32 v28, v24;
	v27 =	vld [tilespmem:s22+$0xFFFFFF50]  }
0x327: {  	v57 =	vmul.f32 v53, v11;
	v32 =	vadd.f32 v32, v33;
	v23 =	vld.idx.msk [tilespmem:v29+s30+$0x0], $0xffff;
	v30 =	vadd.f32 v38, v30  }
0x328: {  	v26 =	vadd.f32 v28, v26;
	v24 =	vld.idx.msk [tilespmem:v29+s28+$0x0], $0xffff  }
0x329: {  	v28 =	vmul.f32 v31, v25;
	v59 =	vmul.f32 v39, v10;
	v58 =	vld [tilespmem:s13+$0xFFFFFF50];
	v32 =	vadd.f32 v57, v32;
	[tilespmem:s16+$0xFFFFFFD0] =	vst v30  }
0x32a: {  	s25 =	simm.s32 $0x5;
	v30 =	vmul.f32 v55, v16;
	v60 =	vmul.f32 v56, v17;
	v61 =	vld [tilespmem:s20+$0xFFFFFFE0]  }
0x32b: {  	v63 =	vmov s25;
	v31 =	vadd.f32 v59, v32;
	v27 =	vmul.f32 v27, v15;
	v62 =	vld [tilespmem:s21+$0xFFFFFFE0]  }
0x32c: {  	v25 =	vld.idx.msk [tilespmem:v29+s29+$0x0], $0xffff;
	v29 =	vadd.f32 v60, v30;
	v30 =	vadd.f32 v28, v26;
	v26 =	vand.u32 $0x7F, v63  }
0x32d: {  	[tilespmem:s10+$0xFFFFFF70] =	vst v31;
	v34 =	vld [tilespmem:s22+$0xFFFFFFE0];
	v28 =	vor.u32 $0x80, v26  }
0x32e: {  	v31 =	vmul.f32 v58, v14;
	v26 =	vld [tilespmem:s15+$0xFFFFFF80];
	v27 =	vadd.f32 v27, v29;
	v28 =	vbroadcast v28, $0x0  }
0x32f: {  	s18 =	simm.s32 $0x71D0;
	s19 =	simm.s32 $0xB1D0;
	s23 =	simm.s32 $0x6;
	v33 =	vld [tilespmem:s13+$0xFFFFFFE0]  }
0x330: {  	s17 =	simm.s32 $0xF1D0;
	s15 =	simm.s32 $0x132D0;
	[tilespmem:s10+$0x0] =	vst v30;
	v32 =	vadd.f32 v31, v27;
	v35 =	vmul.f32 v61, v18;
	v36 =	vmul.f32 v62, v21;
	v27 =	vld [tilespmem:s14+$0xFFFFFF80];
	s14 =	simm.s32 $0x171D0  }
.LBB2_7:
0x331: {  	p0 =	slt.u32 s23, $0x3E;
	v29 =	vld [tilespmem:s15+$0xFFFFFFB0];
	s22 =	sadd.s32 $0x100, s22  }
0x332: {  	s20 =	sadd.s32 $0x100, s20;
	v30 =	vld [tilespmem:s22+$0xFFFFFFB0];
	[tilespmem:s16+$0xFFFFFF50] =	vst v32;
	v31 =	vadd.f32 v36, v35;
	v32 =	vmul.f32 v34, v20  }
0x333: {  	v34 =	vld [tilespmem:s20+$0xFFFFFFB0];
	v26 =	vmul.f32 v26, v12;
	v12 =	vmov v16;
	v16 =	vmov v24  }
0x334: {  	v35 =	vld.idx.msk [tilespmem:v28+s28+$0x0], $0xffff;
	v24 =	vadd.f32 v32, v31;
	v31 =	vmul.f32 v33, v19  }
0x335: {  	s21 =	sadd.s32 $0x100, s21;
	v32 =	vld.idx.msk [tilespmem:v28+s29+$0x0], $0xffff;
	v27 =	vmul.f32 v27, v13;
	v13 =	vmov v17;
	v17 =	vmov v25  }
0x336: {  	v25 =	vld [tilespmem:s21+$0xFFFFFFB0];
	v31 =	vadd.f32 v31, v24  }
0x337: {  	v33 =	vld.idx.msk [tilespmem:v28+s30+$0x0], $0xffff;
	v24 =	vadd.f32 v27, v26  }
0x338: {  	v26 =	vld.idx.msk [tilespmem:v28+s31+$0x0], $0xffff;
	[tilespmem:s16+$0xFFFFFFE0] =	vst v31  }
0x339: {  	v27 =	vld [tilespmem:s18+$0xFFFFFFF0]  }
0x33a: {  	v28 =	vld [tilespmem:s19+$0xFFFFFFF0]  }
0x33b: {  	v34 =	vmul.f32 v34, v35;
	v31 =	vld [tilespmem:s20+$0xFFFFFF30];
	v25 =	vmul.f32 v25, v32  }
0x33c: {  	v36 =	vld [tilespmem:s17+$0xFFFFFFF0]  }
0x33d: {  	v30 =	vmul.f32 v30, v33;
	v37 =	vld [tilespmem:s21+$0xFFFFFF30];
	v25 =	vadd.f32 v25, v34  }
0x33e: {  	v29 =	vmul.f32 v29, v26;
	v34 =	vld [tilespmem:s13+$0xFFFFFFF0]  }
0x33f: {  	v27 =	vmul.f32 v27, v18;
	v38 =	vld [tilespmem:s22+$0xFFFFFF30];
	v25 =	vadd.f32 v30, v25;
	v28 =	vmul.f32 v28, v21  }
0x340: {  	v30 =	vmul.f32 v31, v16;
	v31 =	vld [tilespmem:s15+$0xFFFFFF30]  }
0x341: {  	v25 =	vadd.f32 v29, v25;
	v29 =	vld [tilespmem:s18+$0xFFFFFF60];
	v27 =	vadd.f32 v28, v27;
	v28 =	vmul.f32 v36, v20  }
0x342: {  	s16 =	sadd.s32 $0x100, s16;
	v36 =	vmul.f32 v37, v17;
	v37 =	vld [tilespmem:s19+$0xFFFFFF60]  }
0x343: {  	[tilespmem:s16+$0xFFFFFFB0] =	vst v25;
	v25 =	vld [tilespmem:s17+$0xFFFFFF60];
	v27 =	vadd.f32 v28, v27;
	v28 =	vmul.f32 v34, v19  }
0x344: {  	v30 =	vadd.f32 v36, v30;
	v34 =	vmul.f32 v38, v23;
	v36 =	vld [tilespmem:s20+$0xFFFFFFC0]  }
0x345: {  	v31 =	vmul.f32 v31, v22;
	v38 =	vld [tilespmem:s21+$0xFFFFFFC0];
	v27 =	vadd.f32 v28, v27  }
0x346: {  	v28 =	vadd.f32 v34, v30;
	v30 =	vld [tilespmem:s15+$0xFFFFFFC0];
	v29 =	vmul.f32 v29, v12  }
0x347: {  	v34 =	vld [tilespmem:s22+$0xFFFFFFC0];
	v37 =	vmul.f32 v37, v13;
	[tilespmem:s14+$0xFFFFFFF0] =	vst v27  }
0x348: {  	v27 =	vadd.f32 v31, v28;
	v25 =	vmul.f32 v25, v15;
	v28 =	vld [tilespmem:s18+$0x0]  }
0x349: {  	v29 =	vadd.f32 v37, v29;
	v31 =	vld [tilespmem:s19+$0x0]  }
0x34a: {  	[tilespmem:s16+$0xFFFFFF30] =	vst v27;
	v27 =	vmul.f32 v36, v35;
	v36 =	vmul.f32 v38, v32;
	v37 =	vld [tilespmem:s13+$0xFFFFFF60]  }
0x34b: {  	v25 =	vadd.f32 v25, v29;
	v29 =	vld [tilespmem:s17+$0x0]  }
0x34c: {  	v38 =	vld [tilespmem:s20+$0xFFFFFF40];
	v27 =	vadd.f32 v36, v27;
	v34 =	vmul.f32 v34, v33  }
0x34d: {  	v30 =	vmul.f32 v30, v26;
	v36 =	vld [tilespmem:s13+$0x0]  }
0x34e: {  	v28 =	vmul.f32 v28, v18;
	v18 =	vmovc v35;
	v39 =	vld [tilespmem:s21+$0xFFFFFF40];
	v27 =	vadd.f32 v34, v27;
	v31 =	vmul.f32 v31, v21  }
0x34f: {  	v21 =	vmov v32;
	v34 =	vld [tilespmem:s22+$0xFFFFFF40];
	v35 =	vmul.f32 v37, v14  }
0x350: {  	v32 =	vld [tilespmem:s15+$0xFFFFFF40];
	v27 =	vadd.f32 v30, v27;
	v28 =	vadd.f32 v31, v28;
	v29 =	vmul.f32 v29, v20;
	v20 =	vmovc v33  }
0x351: {  	v30 =	vmul.f32 v38, v16;
	v25 =	vadd.f32 v35, v25;
	v31 =	vld [tilespmem:s11+$0xFFFFFF80];
	s11 =	smov.u32 s17;
	s17 =	smov.u32 s22  }
0x352: {  	v33 =	vmov s23;
	[tilespmem:s16+$0xFFFFFFC0] =	vst v27;
	v27 =	vadd.f32 v29, v28;
	v28 =	vmul.f32 v36, v19;
	v29 =	vld [tilespmem:s12+$0xFFFFFF80];
	v19 =	vmovc v26;
	s12 =	smov.u32 s13;
	s13 =	smov.u32 s15  }
0x353: {  	v26 =	vand.u32 $0x7E, v33;
	v33 =	vmul.f32 v39, v17;
	v35 =	vld [tilespmem:s20+$0xFFFFFFD0];
	[tilespmem:s14+$0xFFFFFF60] =	vst v25  }
0x354: {  	v25 =	vor.u32 $0x80, v26;
	v26 =	vmul.f32 v34, v23;
	v34 =	vld [tilespmem:s21+$0xFFFFFFD0];
	v27 =	vadd.f32 v28, v27  }
0x355: {  	v25 =	vbroadcast v25, $0x0;
	v28 =	vadd.f32 v33, v30;
	v30 =	vmul.f32 v32, v22;
	v32 =	vld [tilespmem:s18+$0xFFFFFF70]  }
0x356: {  	v33 =	vld [tilespmem:s22+$0xFFFFFFD0];
	[tilespmem:s14+$0x0] =	vst v27;
	v27 =	vmul.f32 v31, v11;
	v11 =	vmov v15;
	v15 =	vmov v23  }
0x357: {  	v23 =	vadd.f32 v26, v28;
	v26 =	vld [tilespmem:s19+$0xFFFFFF70];
	v28 =	vmul.f32 v29, v10;
	v10 =	vmovc v14;
	v14 =	vmov v22  }
0x358: {  	v29 =	vld [tilespmem:s15+$0xFFFFFFD0];
	v22 =	vadd.f32 v27, v24  }
0x359: {  	v24 =	vmul.f32 v35, v18;
	v23 =	vadd.f32 v30, v23;
	v27 =	vmul.f32 v34, v21;
	v30 =	vld [tilespmem:s11+$0xFFFFFF70]  }
0x35a: {  	v31 =	vmul.f32 v32, v12;
	v32 =	vld [tilespmem:s12+$0xFFFFFF70];
	v28 =	vadd.f32 v28, v22  }
0x35b: {  	v22 =	vld.idx.msk [tilespmem:v25+s31+$0x0], $0xffff;
	[tilespmem:s16+$0xFFFFFF40] =	vst v23;
	v23 =	vadd.f32 v27, v24;
	v24 =	vmul.f32 v33, v20  }
0x35c: {  	v27 =	vld [tilespmem:s20+$0xFFFFFF50];
	v26 =	vmul.f32 v26, v13;
	[tilespmem:s10+$0xFFFFFF80] =	vst v28;
	s10 =	smov.u32 s14;
	s14 =	smov.u32 s16  }
0x35d: {  	v28 =	vld [tilespmem:s21+$0xFFFFFF50];
	v23 =	vadd.f32 v24, v23;
	v24 =	vmul.f32 v29, v19  }
0x35e: {  	v29 =	vld [tilespmem:s22+$0xFFFFFF50];
	v26 =	vadd.f32 v26, v31;
	v30 =	vmul.f32 v30, v11  }
0x35f: {  	v31 =	vld [tilespmem:s15+$0xFFFFFF50];
	v33 =	vadd.f32 v24, v23;
	v32 =	vmul.f32 v32, v10  }
0x360: {  	v23 =	vld.idx.msk [tilespmem:v25+s30+$0x0], $0xffff;
	v26 =	vadd.f32 v30, v26  }
0x361: {  	v24 =	vld.idx.msk [tilespmem:v25+s28+$0x0], $0xffff;
	v27 =	vmul.f32 v27, v16;
	[tilespmem:s16+$0xFFFFFFD0] =	vst v33  }
0x362: {  	s24 =	sadd.s32 $0x1, s23;
	v28 =	vmul.f32 v28, v17;
	v30 =	vld [tilespmem:s20+$0xFFFFFFE0];
	v26 =	vadd.f32 v32, v26  }
0x363: {  	v32 =	vmov s24;
	v29 =	vmul.f32 v29, v15;
	v36 =	vld [tilespmem:s21+$0xFFFFFFE0]  }
.Ltmp2:
0x364: {  	v32 =	vand.u32 $0x7F, v32;
	v25 =	vld.idx.msk [tilespmem:v25+s29+$0x0], $0xffff;
	v27 =	vadd.f32 v28, v27;
	v31 =	vmul.f32 v31, v14;
	[tilespmem:s10+$0xFFFFFF70] =	vst v26;
	(pc) =	sbr.rel @p0 .LBB2_7-.Ltmp2, $4  }
0x365: {  	v26 =	vor.u32 $0x80, v32;
	v34 =	vld [tilespmem:s22+$0xFFFFFFE0]  }
0x366: {  	v28 =	vbroadcast v26, $0x0;
	v27 =	vadd.f32 v29, v27;
	v26 =	vld [tilespmem:s18+$0xFFFFFF80];
	s18 =	smov.u32 s20  }
0x367: {  	v33 =	vld [tilespmem:s15+$0xFFFFFFE0]  }
0x368: {  	s23 =	sadd.s32 $0x2, s23;
	v35 =	vmul.f32 v30, v18;
	s15 =	sadd.s32 $0x100, s15;
	v32 =	vadd.f32 v31, v27;
	v36 =	vmul.f32 v36, v21;
	v27 =	vld [tilespmem:s19+$0xFFFFFF80];
	s19 =	smov.u32 s21  }
0x369: {  	_ =	sdelay $0x2  }
0x36a: {  	v37 =	vld [tilespmem:s15+$0xFFFFFFB0]  }
0x36b: {  	v30 =	vld.idx.msk [tilespmem:v28+s28+$0x0], $0xffff  }
0x36c: {  	v31 =	vld.idx.msk [tilespmem:v28+s29+$0x0], $0xffff  }
0x36d: {  	s23 =	sadd.s32 $0x100, s20;
	v29 =	vld.idx.msk [tilespmem:v28+s30+$0x0], $0xffff  }
0x36e: {  	s21 =	sadd.s32 $0x100, s21;
	v39 =	vld [tilespmem:s23+$0xFFFFFFB0]  }
0x36f: {  	s22 =	sadd.s32 $0x100, s22;
	v40 =	vld [tilespmem:s21+$0xFFFFFFB0]  }
0x370: {  	v38 =	vld [tilespmem:s22+$0xFFFFFFB0]  }
0x371: {  	v41 =	vld [tilespmem:s23+$0xFFFFFF30]  }
0x372: {  	v42 =	vld [tilespmem:s21+$0xFFFFFF30]  }
0x373: {  	v28 =	vld.idx.msk [tilespmem:v28+s31+$0x0], $0xffff  }
0x374: {  	v43 =	vld [tilespmem:s22+$0xFFFFFF30];
	v39 =	vmul.f32 v39, v30;
	v40 =	vmul.f32 v40, v31;
	_ =	sdelay $0x1  }
0x375: {  	v53 =	vld [tilespmem:s15+$0xFFFFFF30];
	v38 =	vmul.f32 v38, v29;
	v39 =	vadd.f32 v40, v39  }
0x376: {  	v54 =	vmul.f32 v41, v24;
	v55 =	vmul.f32 v42, v25  }
0x377: {  	v37 =	vmul.f32 v37, v28;
	v38 =	vadd.f32 v38, v39  }
0x378: {  	v57 =	vmul.f32 v43, v23;
	v56 =	vadd.f32 v55, v54  }
0x379: {  	v37 =	vadd.f32 v37, v38  }
0x37a: {  	s25 =	sadd.s32 $0x100, s16;
	v58 =	vmul.f32 v53, v22;
	v38 =	vadd.f32 v57, v56  }
0x37b: {  	[tilespmem:s25+$0xFFFFFFB0] =	vst v37  }
0x37c: {  	v37 =	vadd.f32 v58, v38;
	v59 =	vld [tilespmem:s23+$0xFFFFFFC0]  }
0x37d: {  	v60 =	vld [tilespmem:s21+$0xFFFFFFC0]  }
0x37e: {  	v62 =	vld [tilespmem:s22+$0xFFFFFFC0];
	[tilespmem:s25+$0xFFFFFF30] =	vst v37  }
0x37f: {  	v37 =	vld [tilespmem:s23+$0xFFFFFF40]  }
0x380: {  	v63 =	vld [tilespmem:s21+$0xFFFFFF40]  }
0x381: {  	v61 =	vld [tilespmem:s15+$0xFFFFFFC0]  }
0x382: {  	v45 =	vld [tilespmem:s22+$0xFFFFFF40];
	v39 =	vmul.f32 v59, v30;
	v40 =	vmul.f32 v60, v31  }
0x383: {  	v35 =	vadd.f32 v36, v35;
	v34 =	vmul.f32 v34, v20  }
0x384: {  	v33 =	vmul.f32 v33, v19;
	v48 =	vld [tilespmem:s15+$0xFFFFFF40];
	v46 =	vmul.f32 v62, v29;
	v39 =	vadd.f32 v40, v39  }
0x385: {  	v34 =	vadd.f32 v34, v35;
	v37 =	vmul.f32 v37, v24;
	v49 =	vmul.f32 v63, v25  }
0x386: {  	v47 =	vmul.f32 v61, v28;
	v39 =	vadd.f32 v46, v39  }
0x387: {  	v33 =	vadd.f32 v33, v34;
	v51 =	vmul.f32 v45, v23;
	v52 =	vadd.f32 v49, v37  }
0x388: {  	v50 =	vadd.f32 v47, v39  }
0x389: {  	[tilespmem:s16+$0xFFFFFFE0] =	vst v33;
	v53 =	vmul.f32 v48, v22;
	v35 =	vadd.f32 v51, v52  }
0x38a: {  	v33 =	vld [tilespmem:s18+$0xFFFFFFF0];
	[tilespmem:s25+$0xFFFFFFC0] =	vst v50  }
0x38b: {  	v34 =	vadd.f32 v53, v35;
	v54 =	vld [tilespmem:s23+$0xFFFFFFD0]  }
0x38c: {  	v55 =	vld [tilespmem:s21+$0xFFFFFFD0]  }
0x38d: {  	v56 =	vld [tilespmem:s22+$0xFFFFFFD0];
	[tilespmem:s25+$0xFFFFFF40] =	vst v34  }
0x38e: {  	v34 =	vld [tilespmem:s23+$0xFFFFFF50]  }
0x38f: {  	v58 =	vld [tilespmem:s21+$0xFFFFFF50]  }
0x390: {  	v57 =	vld [tilespmem:s15+$0xFFFFFFD0]  }
0x391: {  	v60 =	vld [tilespmem:s22+$0xFFFFFF50];
	v36 =	vmul.f32 v54, v30;
	v37 =	vmul.f32 v55, v31  }
0x392: {  	v59 =	vld [tilespmem:s19+$0xFFFFFFF0]  }
0x393: {  	v63 =	vld [tilespmem:s15+$0xFFFFFF50];
	v35 =	vmul.f32 v56, v29;
	v36 =	vadd.f32 v37, v36  }
0x394: {  	[tilespmem:s16+$0xFFFFFF50] =	vst v32;
	v61 =	vld [tilespmem:s17+$0xFFFFFFF0];
	v34 =	vmul.f32 v34, v24;
	v46 =	vmul.f32 v58, v25  }
0x395: {  	v48 =	vld [tilespmem:s19+$0xFFFFFF60];
	v62 =	vmul.f32 v57, v28;
	v35 =	vadd.f32 v35, v36  }
0x396: {  	v47 =	vld [tilespmem:s18+$0xFFFFFF60];
	v49 =	vmul.f32 v60, v23;
	v34 =	vadd.f32 v46, v34  }
0x397: {  	v45 =	vld [tilespmem:s13+$0xFFFFFFF0];
	v35 =	vadd.f32 v62, v35  }
0x398: {  	v50 =	vld [tilespmem:s17+$0xFFFFFF60];
	v52 =	vmul.f32 v63, v22;
	v34 =	vadd.f32 v49, v34  }
0x399: {  	v51 =	vld [tilespmem:s13+$0xFFFFFF60];
	[tilespmem:s25+$0xFFFFFFD0] =	vst v35  }
0x39a: {  	v33 =	vmul.f32 v33, v18;
	v54 =	vmul.f32 v59, v21;
	v34 =	vadd.f32 v52, v34;
	v53 =	vld [tilespmem:s23+$0xFFFFFFE0]  }
0x39b: {  	v56 =	vmul.f32 v47, v16;
	v57 =	vmul.f32 v48, v17;
	v55 =	vld [tilespmem:s21+$0xFFFFFFE0]  }
0x39c: {  	v59 =	vmul.f32 v61, v20;
	v33 =	vadd.f32 v54, v33;
	v58 =	vld [tilespmem:s22+$0xFFFFFFE0];
	[tilespmem:s25+$0xFFFFFF50] =	vst v34  }
0x39d: {  	v61 =	vmul.f32 v50, v15;
	v35 =	vadd.f32 v57, v56;
	v62 =	vld [tilespmem:s23+$0xFFFFFF60]  }
0x39e: {  	v32 =	vmul.f32 v45, v19;
	v33 =	vadd.f32 v59, v33;
	v44 =	vld [tilespmem:s21+$0xFFFFFF60]  }
0x39f: {  	v63 =	vmul.f32 v51, v14;
	v60 =	vld [tilespmem:s15+$0xFFFFFFE0];
	v34 =	vadd.f32 v61, v35  }
0x3a0: {  	v32 =	vadd.f32 v32, v33;
	v47 =	vld [tilespmem:s22+$0xFFFFFF60];
	v45 =	vmul.f32 v53, v30;
	v46 =	vmul.f32 v55, v31  }
0x3a1: {  	v34 =	vadd.f32 v63, v34  }
0x3a2: {  	[tilespmem:s14+$0xFFFFFFF0] =	vst v32;
	v50 =	vld [tilespmem:s15+$0xFFFFFF60];
	v48 =	vmul.f32 v58, v29;
	v35 =	vadd.f32 v46, v45  }
0x3a3: {  	v40 =	vld [tilespmem:s18+$0x0];
	[tilespmem:s14+$0xFFFFFF60] =	vst v34;
	v52 =	vmul.f32 v62, v24;
	v53 =	vmul.f32 v44, v25  }
0x3a4: {  	v49 =	vmul.f32 v60, v28;
	v54 =	vld [tilespmem:s18+$0xFFFFFF70];
	v51 =	vadd.f32 v48, v35  }
0x3a5: {  	v55 =	vld [tilespmem:s19+$0xFFFFFF70];
	v33 =	vmul.f32 v47, v23;
	v56 =	vadd.f32 v53, v52  }
0x3a6: {  	v57 =	vld [tilespmem:s17+$0xFFFFFF70];
	v32 =	vadd.f32 v49, v51  }
0x3a7: {  	v58 =	vld [tilespmem:s13+$0xFFFFFF70];
	v60 =	vmul.f32 v50, v22;
	v59 =	vadd.f32 v33, v56  }
0x3a8: {  	v47 =	vld [tilespmem:s19+$0x0];
	[tilespmem:s25+$0xFFFFFFE0] =	vst v32  }
0x3a9: {  	v32 =	vadd.f32 v60, v59;
	v61 =	vld [tilespmem:s23+$0xFFFFFFF0]  }
0x3aa: {  	v62 =	vld [tilespmem:s21+$0xFFFFFFF0]  }
0x3ab: {  	v37 =	vmul.f32 v54, v16;
	v39 =	vmul.f32 v55, v17;
	v63 =	vld [tilespmem:s22+$0xFFFFFFF0];
	[tilespmem:s25+$0xFFFFFF60] =	vst v32  }
0x3ac: {  	v32 =	vld [tilespmem:s23+$0xFFFFFF70]  }
0x3ad: {  	v35 =	vmul.f32 v57, v15;
	v37 =	vadd.f32 v39, v37;
	v46 =	vld [tilespmem:s21+$0xFFFFFF70]  }
0x3ae: {  	v45 =	vld [tilespmem:s15+$0xFFFFFFF0]  }
0x3af: {  	v36 =	vmul.f32 v58, v14;
	v35 =	vadd.f32 v35, v37;
	v48 =	vld [tilespmem:s22+$0xFFFFFF70]  }
0x3b0: {  	v52 =	vld [tilespmem:s13+$0x0];
	v34 =	vmul.f32 v61, v30;
	v38 =	vmul.f32 v62, v31  }
0x3b1: {  	v51 =	vld [tilespmem:s15+$0xFFFFFF70];
	v35 =	vadd.f32 v36, v35;
	v33 =	vmul.f32 v63, v29  }
0x3b2: {  	v49 =	vld [tilespmem:s17+$0x0];
	v34 =	vadd.f32 v38, v34;
	v32 =	vmul.f32 v32, v24;
	v53 =	vmul.f32 v46, v25  }
0x3b3: {  	v54 =	vld [tilespmem:s11+$0xFFFFFF80];
	v50 =	vmul.f32 v45, v28  }
0x3b4: {  	v55 =	vld [tilespmem:s12+$0xFFFFFF80];
	[tilespmem:s14+$0xFFFFFF70] =	vst v35;
	v56 =	vmul.f32 v48, v23;
	v33 =	vadd.f32 v33, v34;
	v32 =	vadd.f32 v53, v32  }
0x3b5: {  	v57 =	vld [tilespmem:s18+$0xFFFFFF80]  }
0x3b6: {  	v58 =	vld [tilespmem:s19+$0xFFFFFF80];
	v59 =	vmul.f32 v51, v22;
	v33 =	vadd.f32 v50, v33;
	v32 =	vadd.f32 v56, v32  }
0x3b7: {  	v48 =	vld [tilespmem:s17+$0xFFFFFF80]  }
0x3b8: {  	v53 =	vld [tilespmem:s13+$0xFFFFFF80];
	[tilespmem:s25+$0xFFFFFFF0] =	vst v33;
	v32 =	vadd.f32 v59, v32  }
0x3b9: {  	v12 =	vmul.f32 v26, v12;
	v13 =	vmul.f32 v27, v13;
	v60 =	vld [tilespmem:s23+$0x0]  }
0x3ba: {  	v61 =	vld [tilespmem:s21+$0x0];
	[tilespmem:s25+$0xFFFFFF70] =	vst v32  }
0x3bb: {  	v12 =	vadd.f32 v13, v12;
	v11 =	vmul.f32 v54, v11;
	v45 =	vld [tilespmem:s23+$0xFFFFFF80]  }
0x3bc: {  	v62 =	vmul.f32 v40, v18;
	v63 =	vmul.f32 v47, v21;
	v46 =	vld [tilespmem:s21+$0xFFFFFF80]  }
0x3bd: {  	v44 =	vmul.f32 v49, v20;
	v10 =	vmul.f32 v55, v10;
	v11 =	vadd.f32 v11, v12;
	v40 =	vld [tilespmem:s22+$0x0]  }
0x3be: {  	v47 =	vmul.f32 v52, v19;
	v18 =	vadd.f32 v63, v62;
	v52 =	vmul.f32 v57, v16;
	v51 =	vld [tilespmem:s22+$0xFFFFFF80]  }
0x3bf: {  	v10 =	vadd.f32 v10, v11;
	v54 =	vmul.f32 v58, v17;
	v59 =	vmul.f32 v48, v15;
	v42 =	vld [tilespmem:s15+$0x0]  }
0x3c0: {  	v18 =	vadd.f32 v44, v18;
	v56 =	vld [tilespmem:s15+$0xFFFFFF80];
	v49 =	vmul.f32 v60, v30;
	v50 =	vmul.f32 v61, v31  }
0x3c1: {  	v16 =	vadd.f32 v54, v52;
	v57 =	vmul.f32 v45, v24;
	v58 =	vmul.f32 v46, v25  }
0x3c2: {  	v11 =	vmul.f32 v53, v14;
	v55 =	vmul.f32 v40, v29;
	v13 =	vadd.f32 v50, v49  }
0x3c3: {  	v62 =	vadd.f32 v59, v16;
	v61 =	vmul.f32 v51, v23;
	v12 =	vadd.f32 v58, v57  }
0x3c4: {  	s8 =	sadd.s32 $0x1, s8;
	v18 =	vadd.f32 v47, v18;
	v60 =	vmul.f32 v42, v28;
	v13 =	vadd.f32 v55, v13  }
0x3c5: {  	p0 =	sne.s32 s8, $0x48;
	[tilespmem:s10+$0xFFFFFF80] =	vst v10;
	v10 =	vadd.f32 v11, v62;
	v63 =	vmul.f32 v56, v22;
	v12 =	vadd.f32 v61, v12  }
.Ltmp3:
0x3c6: {  	s7 =	sshll.u32 s7, $0xD;
	[tilespmem:s14+$0x0] =	vst v18;
	v13 =	vadd.f32 v60, v13;
	(pc) =	sbr.rel @p0 .LBB2_2-.Ltmp3, $4  }
0x3c7: {  	s7 =	sadd.s32 s6, s7;
	[tilespmem:s14+$0xFFFFFF80] =	vst v10;
	v11 =	vadd.f32 v63, v12  }
0x3c8: {  	s7 =	sshrl.u32 s7, $0x3;
	[tilespmem:s25+$0x0] =	vst v13  }
0x3c9: {  	s7 =	sadd.s32 s4, s7;
	[tilespmem:s25+$0xFFFFFF80] =	vst v11  }
0x3ca: {  	[hbm4b:s7+s2] =	stream.linear.scatter [tilespmem:s5], [sflag:$0x4], $0x2000, $0x38;
	[tilespmem:$0x19000] =	vst v63  }
0x3cb: {  	s7 =	simm.s32 $0x3  }
0x3cc: {  	_ =	swait.ge [sflag:s7], $0x2000  }
0x3cd: {  	[sflag:s7] =	ssyncset.done $0x0  }
0x3ce: {  	s8 =	simm.s32 $0x4;
	[sflag:s7] =	ssyncadd.s32 $0xFFFFE000  }
0x3cf: {  	_ =	swait.ge [sflag:s8], $0x2000  }
0x3d0: {  	s10 =	rddreg [dreg:$0x5]  }
0x3d1: {  	s25 =	rddreg [dreg:$0x4];
	s10 =	sadd.s32 $0x1, s10  }
0x3d2: {  	p0 =	sne.s32 s10, s25  }
.Ltmp4:
0x3d3: {  	_ = 	snop;
	(pc) =	sbr.rel @p0 .LBB2_1-.Ltmp4, $3  }
0x3d4: {  	_ =	sdelay $0x1  }
0x3d5: {  	[sflag:s8] =	ssyncset.done $0x0  }
0x3d6: {  	[sflag:s8] =	ssyncadd.s32 $0xFFFFE000  }
0x3d7: {  	_ =	sfence.sel $0x180000  }
0x3d8: {  	[bflag:$0x0] =	sbarrier.arrive $0xFFFF  }
0x3d9: {  	_ =	strace $0x90000047  }
0x3da: {  	s0 =	stileid.u32;
	[bflag:$0x2] =	sbarrier.arrive $0xFFFF  }
0x3db: {  	p0 =	sne.s32 s0, $0x0;
	s0 =	rddreg [dreg:$0x2]  }
0x3dc: {  	s0 =	sadd.s32 @!p0 $0x100000, s0  }
0x3dd: {  	[sflag:s0] =	ssyncadd.tile.s32 @!p0 $0x1;
	_ =	shalt  }
.Lfunc_end2:
_tile_overlayer_lowered:
.L_overlay_start_2:
0x3de: {  	(tag) =	ssettag $0x2  }
0x3df: {  	s0 =	rddreg [dreg:$0x0];
	s2 =	stileid.u32  }
0x3e0: {  	s1 =	rddreg [dreg:$0x1];
	p0 =	sne.s32 s2, $0x0  }
0x3e1: {  	s3 =	rddreg [dreg:$0x2];
	[bflag:$0x3] =	sbarrier.arrive $0xFFFF;
	s2 =	simm.s32 @!p0 $0x1C05  }
0x3e2: {  	[timem:s3], [sflag:s2] =	dma.local @!p0 [hbm:s0], s1  }
0x3e3: {  	s0 =	simm.s32 @!p0 $0x5  }
0x3e4: {  	_ =	swait.ge @!p0 [sflag:s0], s1  }
0x3e5: {  	s1 =	ssub.s32 @!p0 $0x0, s1;
	[sflag:s0] =	ssyncset.done @!p0 $0x0  }
0x3e6: {  	[sflag:s0] =	ssyncadd.s32 @!p0 s1  }
0x3e7: {  	[bflag:$0x3] =	sbarrier.arrive $0xFFFF  }
0x3e8: {  	_ =	shalt  }

// kernel: sparse-core-data-format-call.cloned.1.call-start
scs
called_computation_lowered:
.L_overlay_start_0:
0x0: {  	s2 =	sld [smem:$0x3FD9]  }
0x1: {  	s3 =	sld [smem:$0x3FFE];
	_ =	sdelay $0x1  }
0x2: {  	s1 =	srdreg.scid  }
0x3: {  	s0 =	sand.u32 $0x1, s1  }
0x4: {  	s18 =	sshll.u32 s0, $0xA;
	s2 =	sadd.s32 s3, s2  }
0x5: {  	s2 =	sadd.s32 s2, s18  }
0x6: {  	[smem:$0x3FC6] =	sst s2  }
0x7: {  	_ = 	snop  }
0x8: {  	s2 =	sld [smem:$0x3FD0];
	(tm) =	ssettm $0x1  }
0x9: {  	s19 =	sld [smem:$0x3FFB];
	_ =	sdelay $0x3  }
0xa: {  	_ =	strace s19  }
0xb: {  	s3 =	sld [smem:$0x3FFC];
	_ =	sdelay $0x3  }
0xc: {  	_ =	strace s3  }
0xd: {  	s3 =	sld [smem:$0x3FFD];
	_ =	sdelay $0x3  }
0xe: {  	_ =	strace s3  }
0xf: {  	_ =	strace $0x8FFFFFFF  }
0x10: {  	s20 =	sld [smem:$0x3FDB];
	_ =	sdelay $0x1  }
0x11: {  	s4 =	simm.s32 $_scs_section_size  }
0x12: {  	s5 =	simm.s32 $_size__tile_overlayer_lowered;
	s6 =	simm.s32 $_tile_overlayer_lowered  }
0x13: {  	s23 =	simm.s32 $0x1BFF;
	s22 =	sshll.u32 s6, $0x1;
	s3 =	sadd.s32 s4, s20  }
0x14: {  	s7 =	simm.s32 $0x0;
	s21 =	sshll.u32 s5, $0x1;
	s5 =	sadd.s32 s22, s3  }
0x15: {  	[timem:s7], [sflag:s23] =	dma.local [hbm:s5], s21  }
0x16: {  	_ =	swait.ge [sflag:s23], s21  }
0x17: {  	s4 =	ssub.s32 $0x0, s21;
	[sflag:s23] =	ssyncset.done $0x0  }
0x18: {  	[sflag:s23] =	ssyncadd.s32 s4;
	_ =	sdelay $0x1  }
0x19: {  	s24 =	simm.s32 $0x1B8B  }
0x1a: {  	_ =	swait.ge [sflag:s24], $0x1  }
0x1b: {  	[sflag:s24] =	ssyncset.done $0x0  }
0x1c: {  	s26 =	simm.s32 $0x1B8E;
	s25 =	sld [smem:$0x3FFE];
	[sflag:s24] =	ssyncadd.s32 $0xFFFFFFFF  }
0x1d: {  	s27 =	simm.s32 $execute0_lowered;
	[smem:$0x3FD2] =	sst s26  }
0x1e: {  	s5 =	sshll.u32 s27, $0x1;
	_ =	strace $0x80000049;
	[dreg:$0x1] =	wrdreg $0xFFFFFFFF  }
0x1f: {  	s28 =	simm.s32 $_size_execute0_lowered;
	s3 =	sadd.s32 s3, s5;
	[dreg:$0x0] =	wrdreg $0x0  }
0x20: {  	s5 =	sshll.u32 s28, $0x1;
	[dreg:$0x2] =	wrdreg s3  }
0x21: {  	[dreg:$0x3] =	wrdreg s5  }
0x22: {  	[dreg:$0x4] =	wrdreg $0xC0  }
0x23: {  	_ =	task [dreg:s7], $0x5FFFF  }
0x24: {  	[dreg:$0x1] =	wrdreg $0xFFFFFFFF  }
0x25: {  	[dreg:$0x0] =	wrdreg $0x60  }
0x26: {  	[dreg:$0x2] =	wrdreg s25  }
0x27: {  	[dreg:$0x3] =	wrdreg s2  }
0x28: {  	[dreg:$0x4] =	wrdreg $0x9  }
0x29: {  	_ =	task.clear_ibuf [dreg:s7], $0x5FFFF;
	_ =	strace $0x90000049  }
0x2a: {  	s29 =	simm.s32 $0x9;
	_ =	strace $0x8000004B  }
0x2b: {  	_ =	swait.ge [sflag:s29], $0x1  }
0x2c: {  	[sflag:s29] =	ssyncadd.s32 $0xFFFFFFFF  }
0x2d: {  	_ =	strace $0x9000004B  }
0x2e: {  	_ =	sfence  }
0x2f: {  	s30 =	sld [smem:$0x0];
	_ =	sdelay $0x2  }
0x30: {  	s31 =	sshll.u32 s1, $0xD;
	s1 =	sshrl.u32 s1, $0x2  }
0x31: {  	s3 =	sand.u32 $0x4000, s31;
	s1 =	sadd.s32 s1, s30  }
0x32: {  	s0 =	sor.u32 s3, s0;
	s1 =	sshll.u32 s1, $0x11  }
0x33: {  	s0 =	sor.u32 s1, s0  }
0x34: {  	s0 =	sadd.s32 $0x8F2B, s0  }
0x35: {  	[sflag:s0] =	ssyncadd.remote.s32 $0x1  }
0x36: {  	_ =	sfence.sel $0xFFFF  }
0x37: {  	[dreg:$0x0] =	wrdreg $0xFFFFFFFF;
	(pc) =	sbr.abs _section_cstart, $3  }
0x38: {  	[dreg:$0x1] =	wrdreg $0xFFFFFFFF  }
0x39: {  	_ =	task.clear_ibuf [dreg:s7], $0x2FFFF;
	_ =	strace $0x9FFFFFFF  }
0x3a: {  	(tm) =	ssettm $0x7FFFFFFF  }
0x3b: {  	_ =	shalt  }
tec
execute0_lowered:
.L_overlay_start_1:
0x0: {  	(tag) =	ssettag $0x1  }
0x1: {  	s4 =	rddreg [dreg:$0x0]  }
0x2: {  	s2 =	rddreg [dreg:$0x1]  }
0x3: {  	s1 =	stileid.u32;
	s0 =	rddreg [dreg:$0x2];
	_ =	strace $0x8000004A  }
0x4: {  	s5 =	srdreg.scid;
	s8 =	simm.s32 $0x2;
	s17 =	simm.s32 $0x0  }
0x5: {  	p0 =	por $0x0, $0x0;
	s9 =	simm.s32 $0xC00;
	s18 =	simm.s32 $0x0  }
0x6: {  	s19 =	simm.s32 $0x0;
	s10 =	simm.s32 $0x0;
	s11 =	simm.s32 $0x0  }
0x7: {  	s12 =	simm.s32 $0x0;
	s13 =	simm.s32 $0x0;
	s3 =	sand.u32 $0x1, s1  }
0x8: {  	s16 =	simm.s32 $0x0;
	s5 =	sshll.u32 s5, $0x4;
	s6 =	ssub.s32 $0x2, s3  }
.Ltmp0:
0x9: {  	s7 =	sshrl.u32 s6, $0x1;
	s6 =	sand.u32 $0x1, s6;
	(pc) =	sbr.rel .LBB1_1-.Ltmp0, $4  }
0xa: {  	s4 =	sadd.s32 $0xA00, s4;
	s5 =	sand.u32 $0x10, s5;
	s6 =	sadd.s32 s6, s7  }
0xb: {  	s31 =	sor.u32 s1, s5;
	s5 =	simm.s32 $0x1;
	s6 =	smul.u32 $0x48, s6  }
0xc: {  	s15 =	smov.u32 s3;
	s7 =	sshrl.u32 s31, $0x1;
	[sflag:s5] =	ssyncpa.u1 $0x0  }
0xd: {  	[sflag:s8] =	ssyncpa.u1 $0x0;
	s14 =	smov.u32 s7;
	s8 =	sor.u32 $0x1, s6  }
.LBB1_4:
0xe: {  	s25 =	sshll.u32 s10, $0x3  }
0xf: {  	s26 =	sand.u32 $0x7F, s10;
	[tilespmem:s22+$0x2040 ss:$0x81] =	vst.msk $0xffff, v4;
	s25 =	sand.u32 $0xFFFFFC00, s25  }
0x10: {  	s24 =	sshra.s32 s24, $0x2;
	[tilespmem:s22+$0x2850 ss:$0x81] =	vst.msk $0xffff, v3;
	s26 =	sor.u32 s26, s25;
	s25 =	smulhi.u32 $0xAAAAAAAB, s25  }
0x11: {  	p1 =	sgt.s32 s12, $0x1;
	s29 =	sshra.s32 s12, $0x1F;
	[tilespmem:s22+$0x3060 ss:$0x81] =	vst.msk $0xffff, v2;
	s27 =	smulhi.u32 $0xAAAAAAAB, s26  }
0x12: {  	s31 =	sshra.s32 s11, $0x1F;
	[tilespmem:s22+$0x0 ss:$0x81] =	vst.msk $0xffff, v1;
	s22 =	smov.u32 s10;
	s25 =	sshrl.u32 s25, $0x8  }
0x13: {  	s23 =	sadd.s32 s24, s23;
	s30 =	sshrl.u32 s27, $0x8;
	s28 =	smulhi.u32 $0x2AAAAAB, s25  }
0x14: {  	s29 =	sand.u32 s29, s12;
	s27 =	smov.u32 s12;
	s24 =	smul.u32 $0x180, s30  }
0x15: {  	s27 =	simm.s32 @!p1 $0x1;
	p1 =	sgt.s32 s11, $0x17F;
	s30 =	smov.u32 s11  }
0x16: {  	s31 =	sand.u32 s31, s11;
	s29 =	sxor.u32 $0xFFFFFFFF, s29;
	s30 =	simm.s32 @!p1 $0x17F  }
0x17: {  	v5 =	vld [tilespmem:s21+$0xFFFFFFD0];
	s27 =	sadd.s32 s29, s27;
	s28 =	smul.u32 $0x60, s28;
	s31 =	ssub.s32 s30, s31  }
0x18: {  	v58 =	vld [tilespmem:s21+$0xFFFFFFE0];
	p1 =	sgt.s32 s27, $0x0;
	s27 =	ssub.s32 $0x1, s27;
	s30 =	sadd.s32 $0xFFFFFE81, s31  }
0x19: {  	v59 =	vld [tilespmem:s21+$0xFFFFFFF0];
	s29 =	ssub.s32 $0x180, s31;
	s27 =	smul.u32 $0x60, s27;
	p2 =	sgt.s32 s30, $0x0  }
0x1a: {  	v60 =	vld [tilespmem:s21+$0x0];
	s31 =	sshra.s32 s10, $0x1F;
	s29 =	simm.s32 @p2 $0x0;
	p2 =	sgt.s32 s10, $0x100  }
0x1b: {  	v61 =	vld [tilespmem:s21+$0x10];
	[tilespmem:s23+$0x3870 ss:$0x81] =	vst.msk $0xffff, v0;
	s24 =	ssub.s32 s26, s24;
	s30 =	sand.u32 s31, s10;
	s22 =	simm.s32 @!p2 $0x100  }
0x1c: {  	v62 =	vld [tilespmem:s21+$0x20];
	[tilespmem:s23+$0x810 ss:$0x81] =	vst.msk $0xffff, v5;
	s31 =	smul.u32 $0x1B0000, s12;
	s27 =	simm.s32 @p1 $0x0;
	s22 =	ssub.s32 s22, s30  }
0x1d: {  	v63 =	vld [tilespmem:s21+$0xFFFFFFC0];
	[tilespmem:s23+$0x1020 ss:$0x81] =	vst.msk $0xffff, v58;
	s26 =	smul.u32 s29, s27;
	s29 =	ssub.s32 s25, s28;
	s30 =	sadd.s32 $0xFFFFFF00, s22  }
0x1e: {  	[tilespmem:s23+$0x1830 ss:$0x81] =	vst.msk $0xffff, v59;
	s28 =	smul.u32 $0x1200, s11;
	s22 =	ssub.s32 $0x180, s22;
	p1 =	sgt.s32 s30, $0x7F  }
0x1f: {  	[tilespmem:s23+$0x2040 ss:$0x81] =	vst.msk $0xffff, v60;
	s27 =	sadd.s32 s2, s31;
	s21 =	smul.u32 $0x30, s29;
	s22 =	simm.s32 @p1 $0x0  }
0x20: {  	[tilespmem:s23+$0x2850 ss:$0x81] =	vst.msk $0xffff, v61;
	s29 =	sand.u32 $0x7, s24;
	s25 =	sadd.s32 s28, s27;
	s22 =	smul.u32 s22, s26  }
0x21: {  	[tilespmem:s23+$0x3060 ss:$0x81] =	vst.msk $0xffff, v62;
	s24 =	sshrl.u32 s24, $0x3;
	s21 =	sadd.s32 s21, s25;
	s30 =	sshll.u32 s29, $0x12  }
0x22: {  	[tilespmem:s23+$0x0 ss:$0x81] =	vst.msk $0xffff, v63;
	s21 =	sadd.s32 s24, s21;
	s31 =	sor.u32 $0x400, s30;
	s22 =	sand.u32 $0x3FFFFFE0, s22  }
0x23: {  	[hbm4b:s21+s31] =	stream.strided.scatter [tilespmem:s20], [sflag:$0x2], s22, s9, s31, $0x20;
	[tilespmem:$0x10100] =	vst v63  }
.LBB1_5:
0x24: {  	p1 =	slt.u32 s16, $0x2;
	s21 =	smov.u32 s19  }
0x25: {  	p2 =	sgt.s32 @!p1 s19, $0x1;
	s20 =	sshra.s32 @!p1 s19, $0x1F;
	s22 =	sshra.s32 @!p1 s17, $0x1F  }
0x26: {  	p2 =	por !p2, p1;
	s19 =	sand.u32 @!p1 s20, s19;
	s20 =	smov.u32 s18  }
0x27: {  	s21 =	simm.s32 @p2 $0x1;
	s19 =	sxor.u32 @!p1 $0xFFFFFFFF, s19;
	p2 =	sgt.s32 @!p1 s18, $0x17F  }
0x28: {  	s19 =	sadd.s32 @!p1 s19, s21;
	p3 =	por !p2, p1;
	s21 =	sshra.s32 @!p1 s18, $0x1F  }
0x29: {  	p2 =	sgt.s32 @!p1 s19, $0x0;
	s20 =	simm.s32 @p3 $0x17F;
	s18 =	sand.u32 @!p1 s21, s18  }
0x2a: {  	s19 =	ssub.s32 @!p1 $0x1, s19;
	p3 =	sgt.s32 @!p1 s17, $0x100;
	s21 =	smov.u32 s17  }
0x2b: {  	s17 =	sand.u32 @!p1 s22, s17;
	s18 =	ssub.s32 @!p1 s20, s18;
	p3 =	por !p3, p1  }
0x2c: {  	s19 =	smul.u32 @!p1 $0x60, s19;
	s20 =	sadd.s32 @!p1 $0xFFFFFE81, s18;
	s21 =	simm.s32 @p3 $0x100  }
0x2d: {  	p2 =	por !p2, p1;
	p3 =	sgt.s32 @!p1 s20, $0x0;
	s17 =	ssub.s32 @!p1 s21, s17  }
0x2e: {  	s18 =	ssub.s32 @!p1 $0x180, s18;
	p3 =	por !p3, p1;
	s20 =	sadd.s32 @!p1 $0xFFFFFF00, s17  }
0x2f: {  	s19 =	simm.s32 @!p2 $0x0;
	s18 =	simm.s32 @!p3 $0x0;
	p3 =	sgt.s32 @!p1 s20, $0x7F  }
0x30: {  	s17 =	ssub.s32 @!p1 $0x180, s17;
	p2 =	por !p3, p1;
	s18 =	smul.u32 @!p1 s18, s19  }
0x31: {  	s21 =	smov.u32 s14;
	s20 =	sadd.s32 $0x80, s13;
	s17 =	simm.s32 @!p2 $0x0  }
0x32: {  	p2 =	sgt.s32 s20, $0x17F;
	s17 =	smul.u32 @!p1 s17, s18;
	s18 =	sadd.s32 $0x10, s14  }
0x33: {  	s21 =	smov.u32 @p2 s18  }
0x34: {  	s23 =	smov.u32 s15;
	s18 =	sadd.s32 $0x2, s15;
	p3 =	sgt.s32 s21, $0x17F  }
0x35: {  	p0 =	por !p0, !p0;
	s22 =	simm.s32 @!p1 $0x2;
	s23 =	smov.u32 @p3 s18  }
0x36: {  	s19 =	smov.u32 s12;
	s20 =	simm.s32 @p2 $0x0;
	p2 =	sgt.s32 s23, $0x1  }
0x37: {  	s17 =	sand.u32 @!p1 $0x3FFFFFE0, s17;
	s23 =	smov.u32 @p2 s3;
	p2 =	sne.s32 s16, s8  }
.Ltmp1:
0x38: {  	s12 =	smov.u32 s15;
	_ =	swait.ge @!p1 [sflag:s22], s17;
	(pc) =	sbr.rel @!p2 .LBB1_6-.Ltmp1, $4  }
0x39: {  	s24 =	ssub.s32 @!p1 $0x0, s17;
	s21 =	smov.u32 @p3 s7;
	s17 =	smov.u32 s10  }
0x3a: {  	s18 =	smov.u32 s11;
	s10 =	smov.u32 s13;
	s11 =	smov.u32 s14  }
0x3b: {  	s13 =	smov.u32 s20;
	[sflag:s22] =	ssyncset.done @!p1 $0x0;
	s14 =	smov.u32 s21  }
0x3c: {  	s16 =	sadd.s32 $0x1, s16;
	[sflag:s22] =	ssyncadd.s32 @!p1 s24;
	s15 =	smov.u32 s23  }
.LBB1_1:
0x3d: {  	p1 =	sge.u32 s16, s6  }
0x3e: {  	s20 =	sand.u32 @!p1 $0x1FFFFFF, s13  }
0x3f: {  	s21 =	smulhi.u32 @!p1 $0xAAAAAB, s20  }
0x40: {  	s22 =	smul.u32 @!p1 $0x240000, s15  }
0x41: {  	s21 =	smul.u32 @!p1 $0x180, s21  }
0x42: {  	s31 =	sadd.s32 $0xFFFFFFFF, s16;
	s23 =	smul.u32 @!p1 $0x1800, s14  }
0x43: {  	s22 =	sadd.s32 @!p1 s4, s22;
	s20 =	ssub.s32 @!p1 s20, s21;
	s21 =	sxor.u32 @!p1 $0xFFFFFFFF, s16  }
0x44: {  	s22 =	sadd.s32 @!p1 s23, s22;
	s21 =	sshll.u32 @!p1 s21, $0xE;
	s20 =	sshll.u32 @!p1 s20, $0x4  }
0x45: {  	s21 =	sand.u32 @!p1 $0x4000, s21;
	s20 =	sadd.s32 @!p1 s20, s22;
	s22 =	simm.s32 @!p1 $0x0  }
0x46: {  	[tilespmem:s21], [sflag:$0x1] =	stream.linear.gather @!p1 [hbm4b:s20+s22], $0x4000, $0x38;
	[tilespmem:$0x10100] =	vst v63  }
0x47: {  	p1 =	sge.u32 s31, s6  }
.Ltmp2:
0x48: {  	_ = 	snop;
	(pc) =	sbr.rel @p1 .LBB1_5-.Ltmp2, $1  }
0x49: {  	_ =	sdelay $0x3  }
0x4a: {  	s20 =	simm.s32 $0x1  }
0x4b: {  	_ =	swait.ge [sflag:s5], $0x4000;
	s20 =	simm.s32 @!p0 $0x0  }
0x4c: {  	[sflag:s5] =	ssyncset.done $0x0;
	s21 =	sshll.u32 s20, $0xE  }
0x4d: {  	[sflag:s5] =	ssyncadd.s32 $0xFFFFC000;
	s21 =	sor.u32 $0x40, s21  }
0x4e: {  	s20 =	smul.u32 $0x10200, s20;
	v0 =	vld [tilespmem:s21+$0x30]  }
0x4f: {  	v1 =	vld [tilespmem:s21+$0xFFFFFFD0]  }
0x50: {  	s20 =	sshrl.u32 s20, $0x2;
	v5 =	vld [tilespmem:s21+$0xFFFFFFE0]  }
0x51: {  	v6 =	vld [tilespmem:s21+$0xFFFFFFF0];
	s23 =	sor.u32 $0x8000, s20  }
0x52: {  	s31 =	sand.u32 $0x1, s16;
	v4 =	vld [tilespmem:s21+$0x0];
	s22 =	sadd.s32 $0x0, s23  }
0x53: {  	v3 =	vld [tilespmem:s21+$0x10];
	s20 =	smul.u32 $0x10200, s31;
	[tilespmem:s22+$0x3870 ss:$0x81] =	vst.msk $0xffff, v0  }
0x54: {  	v2 =	vld [tilespmem:s21+$0x20];
	[tilespmem:s22+$0x810 ss:$0x81] =	vst.msk $0xffff, v1  }
0x55: {  	s20 =	sshrl.u32 s20, $0x2;
	v1 =	vld [tilespmem:s21+$0xFFFFFFC0];
	[tilespmem:s22+$0x1020 ss:$0x81] =	vst.msk $0xffff, v5;
	s21 =	sadd.s32 $0x80, s21  }
0x56: {  	s24 =	simm.s32 $0x4;
	s25 =	simm.s32 $0x8;
	s20 =	sor.u32 $0x8000, s20;
	[tilespmem:s22+$0x1830 ss:$0x81] =	vst.msk $0xffff, v6;
	v0 =	vld [tilespmem:s21+$0x30]  }
.LBB1_3:
0x57: {  	p1 =	sne.s32 s25, $0x1FC;
	v5 =	vld [tilespmem:s21+$0xFFFFFFD0];
	[tilespmem:s22+$0x2040 ss:$0x81] =	vst.msk $0xffff, v4  }
0x58: {  	v6 =	vld [tilespmem:s21+$0xFFFFFFE0];
	[tilespmem:s22+$0x2850 ss:$0x81] =	vst.msk $0xffff, v3  }
0x59: {  	s26 =	sshra.s32 s24, $0x2;
	s24 =	smov.u32 s25;
	v7 =	vld [tilespmem:s21+$0xFFFFFFF0];
	[tilespmem:s22+$0x3060 ss:$0x81] =	vst.msk $0xffff, v2  }
.Ltmp3:
0x5a: {  	v4 =	vld [tilespmem:s21+$0x0];
	[tilespmem:s22+$0x0 ss:$0x81] =	vst.msk $0xffff, v1;
	s22 =	sadd.s32 s26, s23;
	(pc) =	sbr.rel @p1 .LBB1_3-.Ltmp3, $4  }
0x5b: {  	v3 =	vld [tilespmem:s21+$0x10];
	[tilespmem:s22+$0x3870 ss:$0x81] =	vst.msk $0xffff, v0  }
0x5c: {  	[tilespmem:s22+$0x810 ss:$0x81] =	vst.msk $0xffff, v5;
	v2 =	vld [tilespmem:s21+$0x20]  }
0x5d: {  	v1 =	vld [tilespmem:s21+$0xFFFFFFC0];
	[tilespmem:s22+$0x1020 ss:$0x81] =	vst.msk $0xffff, v6;
	s21 =	sadd.s32 $0x80, s21  }
0x5e: {  	s25 =	sadd.s32 $0x4, s25;
	v0 =	vld [tilespmem:s21+$0x30];
	[tilespmem:s22+$0x1830 ss:$0x81] =	vst.msk $0xffff, v7  }
.Ltmp4:
0x5f: {  	_ = 	snop;
	(pc) =	sbr.rel .LBB1_4-.Ltmp4, $1  }
0x60: {  	_ =	sdelay $0x3  }
.LBB1_6:
0x61: {  	_ =	sfence.sel $0x180000  }
0x62: {  	s2 =	simm.s32 $0x1;
	[bflag:$0x0] =	sbarrier.arrive $0xFFFF  }
0x63: {  	s31 =	simm.s32 $0x2;
	[sflag:s2] =	ssyncpa.u1 $0x1  }
0x64: {  	[sflag:s31] =	ssyncpa.u1 $0x1  }
0x65: {  	p0 =	sne.s32 s1, $0x0;
	_ =	strace $0x9000004A  }
0x66: {  	s0 =	sadd.s32 @!p0 $0x100000, s0;
	[bflag:$0x2] =	sbarrier.arrive $0xFFFF  }
0x67: {  	[sflag:s0] =	ssyncadd.tile.s32 @!p0 $0x1;
	_ =	shalt  }
.Lfunc_end1:
_tile_overlayer_lowered:
.L_overlay_start_2:
0x68: {  	(tag) =	ssettag $0x2  }
0x69: {  	s0 =	rddreg [dreg:$0x0];
	s2 =	stileid.u32  }
0x6a: {  	s1 =	rddreg [dreg:$0x1];
	p0 =	sne.s32 s2, $0x0  }
0x6b: {  	s3 =	rddreg [dreg:$0x2];
	[bflag:$0x3] =	sbarrier.arrive $0xFFFF;
	s2 =	simm.s32 @!p0 $0x1C01  }
0x6c: {  	[timem:s3], [sflag:s2] =	dma.local @!p0 [hbm:s0], s1  }
0x6d: {  	s0 =	simm.s32 @!p0 $0x1  }
0x6e: {  	_ =	swait.ge @!p0 [sflag:s0], s1  }
0x6f: {  	s1 =	ssub.s32 @!p0 $0x0, s1;
	[sflag:s0] =	ssyncset.done @!p0 $0x0  }
0x70: {  	[sflag:s0] =	ssyncadd.s32 @!p0 s1  }
0x71: {  	[bflag:$0x3] =	sbarrier.arrive $0xFFFF  }
0x72: {  	_ =	shalt  }

</sc_bundles>
